<compile_context>
chip_gen: v7x
topology: tpu7x:2x2x1
jax: 0.10.2.dev20260603
libtpu: 0.0.44.dev20260713+nightly
codegen_flags: <defaults>
</compile_context>

<pallas_src>
import functools
import jax
import jax.numpy as jnp
from jax import lax
from jax.experimental import pallas as pl
from jax.experimental.pallas import tpu as pltpu
from jax.experimental.pallas import tpu_sc as plsc

IN_CH = 256
IN_LEN = 131072
OUT_LEN = 120423
CHUNK = 3072
NFULL = OUT_LEN // CHUNK
LANES = 16
NC, NS = 2, 16
NW = NC * NS
CPW = IN_CH // NW
SPAN = 3584


def _g0_of(j0):
    return (j0 + (j0 * 10649) // 120422) // 128 * 128


BULK = NFULL * CHUNK
TAIL_G0 = _g0_of(BULK)
TAIL_SPAN = IN_LEN - TAIL_G0
TAIL_OUT = 640
TAIL_NVEC = TAIL_OUT // LANES
PAD_IDX = BULK + TAIL_OUT


@functools.partial(
    pl.kernel,
    out_type=jax.ShapeDtypeStruct((IN_CH, PAD_IDX), jnp.float32),
    mesh=plsc.VectorSubcoreMesh(core_axis_name="c", subcore_axis_name="s"),
    scratch_types=[
        pltpu.VMEM((2 * CPW, SPAN), jnp.float32),
        pltpu.VMEM((2 * CHUNK,), jnp.int32),
        pltpu.VMEM((2 * CHUNK,), jnp.float32),
        pltpu.VMEM((2 * CPW, CHUNK), jnp.float32),
        pltpu.SemaphoreType.DMA,
        pltpu.SemaphoreType.DMA,
        pltpu.SemaphoreType.DMA,
        pltpu.SemaphoreType.DMA,
    ],
    compiler_params=pltpu.CompilerParams(use_tc_tiling_on_sc=True,
                                         needs_layout_passes=False),
)
def _resample(x_hbm, y0_hbm, frac_hbm, bulk_hbm, xbuf, y0buf,
              fracbuf, outbuf, in_a, in_b, out_a, out_b):
    wid = lax.axis_index("s") * NC + lax.axis_index("c")
    cbase = wid * CPW
    rows0 = [jnp.full((LANES,), ci, jnp.int32) for ci in range(CPW)]
    in_sems = (in_a, in_b)
    out_sems = (out_a, out_b)

    def fire_in(k, p, sem):
        j0 = k * CHUNK
        g0 = _g0_of(j0)
        pltpu.async_copy(y0_hbm.at[pl.ds(j0, CHUNK)],
                         y0buf.at[pl.ds(p * CHUNK, CHUNK)], sem)
        pltpu.async_copy(frac_hbm.at[pl.ds(j0, CHUNK)],
                         fracbuf.at[pl.ds(p * CHUNK, CHUNK)], sem)
        pltpu.async_copy(x_hbm.at[pl.ds(cbase, CPW), pl.ds(g0, SPAN)],
                         xbuf.at[pl.ds(p * CPW, CPW), :], sem)

    def wait_in(p, sem):
        pltpu.make_async_copy(y0_hbm.at[pl.ds(0, CHUNK)],
                              y0buf.at[pl.ds(p * CHUNK, CHUNK)], sem).wait()
        pltpu.make_async_copy(frac_hbm.at[pl.ds(0, CHUNK)],
                              fracbuf.at[pl.ds(p * CHUNK, CHUNK)], sem).wait()
        pltpu.make_async_copy(x_hbm.at[pl.ds(0, CPW), pl.ds(0, SPAN)],
                              xbuf.at[pl.ds(p * CPW, CPW), :], sem).wait()

    def fire_out(k, p, sem):
        pltpu.async_copy(outbuf.at[pl.ds(p * CPW, CPW), :],
                         bulk_hbm.at[pl.ds(cbase, CPW), pl.ds(k * CHUNK, CHUNK)],
                         sem)

    def wait_out(p, sem):
        pltpu.make_async_copy(outbuf.at[pl.ds(p * CPW, CPW), :],
                              bulk_hbm.at[pl.ds(cbase, CPW), pl.ds(0, CHUNK)],
                              sem).wait()

    def compute(p, g0):
        roff = p * CPW
        rows = [rv + roff for rv in rows0]
        coff = p * CHUNK

        @plsc.parallel_loop(0, CHUNK, step=LANES, unroll=1)
        def vec_body(col):
            sl = pl.ds(coff + col, LANES)
            li0 = y0buf[sl] - g0
            li1 = li0 + 1
            fv = fracbuf[sl]
            for ci in range(CPW):
                v0 = plsc.load_gather(xbuf, [rows[ci], li0])
                v1 = plsc.load_gather(xbuf, [rows[ci], li1])
                outbuf[roff + ci, pl.ds(col, LANES)] = v0 + fv * (v1 - v0)

    fire_in(0, 0, in_a)
    fire_in(1, 1, in_b)
    wait_in(0, in_a)
    compute(0, _g0_of(0))
    fire_in(2, 0, in_a)
    fire_out(0, 0, out_a)
    wait_in(1, in_b)
    compute(1, _g0_of(CHUNK))
    fire_in(3, 1, in_b)
    fire_out(1, 1, out_b)

    def chunk_body(k, _):
        p = k % 2
        in_sem = (in_a, in_b)
        def run(p_static):
            wait_out(p_static, out_sems[p_static])
            wait_in(p_static, in_sems[p_static])
            g0 = _g0_of(k * CHUNK)
            compute(p_static, g0)
            kn = jnp.minimum(k + 2, NFULL - 1)
            fire_in(kn, p_static, in_sems[p_static])
            fire_out(k, p_static, out_sems[p_static])

        lax.cond(p == 0, lambda: run(0), lambda: run(1))
        return 0

    lax.fori_loop(2, NFULL, chunk_body, 0)

    wait_out(1, out_b)
    wait_out(0, out_a)
    wait_in(1, in_b)
    wait_in(0, in_a)

    pltpu.sync_copy(y0_hbm.at[pl.ds(BULK, TAIL_OUT)], y0buf.at[pl.ds(0, TAIL_OUT)])
    pltpu.sync_copy(frac_hbm.at[pl.ds(BULK, TAIL_OUT)],
                    fracbuf.at[pl.ds(0, TAIL_OUT)])
    pltpu.sync_copy(x_hbm.at[pl.ds(cbase, CPW), pl.ds(TAIL_G0, TAIL_SPAN)],
                    xbuf.at[pl.ds(0, CPW), pl.ds(0, TAIL_SPAN)])
    li_max = IN_LEN - 1 - TAIL_G0

    @plsc.parallel_loop(0, TAIL_OUT, step=LANES, unroll=1)
    def tail_body(col):
        sl = pl.ds(col, LANES)
        li0 = y0buf[sl] - TAIL_G0
        li1 = jnp.minimum(li0 + 1, li_max)
        fv = fracbuf[sl]
        for ci in range(CPW):
            v0 = plsc.load_gather(xbuf, [rows0[ci], li0])
            v1 = plsc.load_gather(xbuf, [rows0[ci], li1])
            outbuf[ci, pl.ds(col, LANES)] = v0 + fv * (v1 - v0)

    pltpu.sync_copy(outbuf.at[pl.ds(0, CPW), pl.ds(0, TAIL_OUT)],
                    bulk_hbm.at[pl.ds(cbase, CPW), pl.ds(BULK, TAIL_OUT)])


def kernel(x, x_frac, y0_idx, y1_idx):
    pad = PAD_IDX - OUT_LEN
    y0p = jnp.pad(y0_idx, (0, pad), constant_values=IN_LEN - 2)
    fracp = jnp.pad(x_frac, (0, pad), constant_values=0.0)
    return _resample(x, y0p, fracp)[:, :OUT_LEN]

# --- scband reference (transcript-rebuilt; emitter-appended) ---
"""Pipeline reference for scband-inplace-interpolation-resampler-54271206752848 (READ-ONLY COPY).

The authoritative reference and input builder live on the scoring server;
editing this copy changes nothing except your own understanding.
"""

import math
import jax, jax.numpy as jnp
import numpy as np

IN_N_CH = 256
IN_SR = 48000
OUT_SR = 44100
IN_BS = 131072
OUT_BS = math.ceil(IN_BS * OUT_SR / IN_SR)


def calc_x_and_indices(in_bs, out_bs):
    scaling_factor = (in_bs - 1) / (out_bs - 1)
    x = np.arange(0, out_bs, dtype=np.float64) * scaling_factor
    y0_idx = np.clip(np.floor(x).astype(np.int64), 0, in_bs - 1)
    y1_idx = np.clip(np.ceil(x).astype(np.int64), 0, in_bs - 1)
    x_frac = np.clip(x - y0_idx, 0.0, 1.0).astype(np.float32)
    return x_frac, y0_idx.astype(np.int32), y1_idx.astype(np.int32)


def setup_inputs(seed: int = 0) -> dict:
    key = jax.random.key(seed)
    x = jax.random.normal(key, (IN_N_CH, IN_BS), dtype=jnp.float32)
    x_frac, y0_idx, y1_idx = calc_x_and_indices(IN_BS, OUT_BS)
    return {
        "x": x,
        "x_frac": jnp.asarray(x_frac),
        "y0_idx": jnp.asarray(y0_idx),
        "y1_idx": jnp.asarray(y1_idx),
    }


def reference(x, x_frac, y0_idx, y1_idx):
    # process_in: linear interpolation resampling via two gathers + fma
    y0 = jnp.take(x, y0_idx, axis=1)
    y1 = jnp.take(x, y1_idx, axis=1)
    y1 = y1 - y0
    y1 = y1 * x_frac
    out = y0 + y1
    return out

if __name__ == "__main__":
    import jax
    _d = setup_inputs()
    print(jax.jit(kernel)(*tuple(_d.values())))

</pallas_src>

<mosaic_0001>
#map = affine_map<(d0, d1) -> (0, 0)>
#map1 = affine_map<(d0, d1) -> (0)>
module attributes {stable_mosaic.version = 14 : i64} {
  func.func @_resample(%arg0: i32, %arg1: i32, %arg2: memref<256x131072xf32, #tpu.memory_space<hbm>>, %arg3: memref<120448xi32, #tpu.memory_space<hbm>>, %arg4: memref<120448xf32, #tpu.memory_space<hbm>>, %arg5: memref<256x120448xf32, #tpu.memory_space<hbm>>, %arg6: memref<16x3584xf32, #tpu.memory_space<vmem>>, %arg7: memref<6144xi32, #tpu.memory_space<vmem>>, %arg8: memref<6144xf32, #tpu.memory_space<vmem>>, %arg9: memref<16x3072xf32, #tpu.memory_space<vmem>>, %arg10: memref<!tpu.dma_semaphore, #tpu.memory_space<semaphore_mem>>, %arg11: memref<!tpu.dma_semaphore, #tpu.memory_space<semaphore_mem>>, %arg12: memref<!tpu.dma_semaphore, #tpu.memory_space<semaphore_mem>>, %arg13: memref<!tpu.dma_semaphore, #tpu.memory_space<semaphore_mem>>) attributes {dimension_semantics = [#tpu.dimension_semantics<core_parallel>, #tpu.dimension_semantics<subcore_parallel>], iteration_bounds = array<i64: 2, 16>, scalar_prefetch = 0 : i64, scratch_operands = 8 : i64, tpu.core_type = #tpu.core_type<sc_vector_subcore>, window_params = [{transform_indices = #map}, {transform_indices = #map1}, {transform_indices = #map1}, {transform_indices = #map}]} {
    %mul3A = arith.constant 2 : i32
    %mul3A_0 = arith.muli %arg1, %mul3A : i32
    %add3A = arith.addi %mul3A_0, %arg0 : i32
    %mul3A_1 = arith.constant 8 : i32
    %mul3A_2 = arith.muli %add3A, %mul3A_1 : i32
    %broadcast_in_dim3A = arith.constant 0 : i32
    %broadcast_in_dim3A_3 = vector.broadcast %broadcast_in_dim3A : i32 to vector<16xi32>
    %broadcast_in_dim3A_4 = arith.constant 1 : i32
    %broadcast_in_dim3A_5 = vector.broadcast %broadcast_in_dim3A_4 : i32 to vector<16xi32>
    %broadcast_in_dim3A_6 = arith.constant 2 : i32
    %broadcast_in_dim3A_7 = vector.broadcast %broadcast_in_dim3A_6 : i32 to vector<16xi32>
    %broadcast_in_dim3A_8 = arith.constant 3 : i32
    %broadcast_in_dim3A_9 = vector.broadcast %broadcast_in_dim3A_8 : i32 to vector<16xi32>
    %broadcast_in_dim3A_10 = arith.constant 4 : i32
    %broadcast_in_dim3A_11 = vector.broadcast %broadcast_in_dim3A_10 : i32 to vector<16xi32>
    %broadcast_in_dim3A_12 = arith.constant 5 : i32
    %broadcast_in_dim3A_13 = vector.broadcast %broadcast_in_dim3A_12 : i32 to vector<16xi32>
    %broadcast_in_dim3A_14 = arith.constant 6 : i32
    %broadcast_in_dim3A_15 = vector.broadcast %broadcast_in_dim3A_14 : i32 to vector<16xi32>
    %broadcast_in_dim3A_16 = arith.constant 7 : i32
    %broadcast_in_dim3A_17 = vector.broadcast %broadcast_in_dim3A_16 : i32 to vector<16xi32>
    %dma_start3A = arith.constant 0 : i32
    %dma_start3A_18 = tpu.memref_slice %arg7[%dma_start3A] : memref<6144xi32, #tpu.memory_space<vmem>> -> memref<3072xi32, #tpu.memory_space<vmem>>
    %dma_start3A_19 = arith.constant 0 : i32
    %dma_start3A_20 = tpu.memref_slice %arg3[%dma_start3A_19] : memref<120448xi32, #tpu.memory_space<hbm>> -> memref<3072xi32, #tpu.memory_space<hbm>>
    %dma_start3A_21 = arith.constant 0 : i32
    %dma_start3A_22 = tpu.memref_slice %arg7[%dma_start3A_21] : memref<6144xi32, #tpu.memory_space<vmem>> -> memref<3072xi32, #tpu.memory_space<vmem>>
    %dma_start3A_23 = arith.constant 0 : i32
    %dma_start3A_24 = tpu.memref_slice %arg3[%dma_start3A_23] : memref<120448xi32, #tpu.memory_space<hbm>> -> memref<3072xi32, #tpu.memory_space<hbm>>
    tpu.enqueue_dma source(%dma_start3A_24 : memref<3072xi32, #tpu.memory_space<hbm>>) target(%dma_start3A_22 : memref<3072xi32, #tpu.memory_space<vmem>>) target_semaphore(%arg10 : memref<!tpu.dma_semaphore, #tpu.memory_space<semaphore_mem>>)
    %dma_start3A_25 = arith.constant 0 : i32
    %dma_start3A_26 = tpu.memref_slice %arg8[%dma_start3A_25] : memref<6144xf32, #tpu.memory_space<vmem>> -> memref<3072xf32, #tpu.memory_space<vmem>>
    %dma_start3A_27 = arith.constant 0 : i32
    %dma_start3A_28 = tpu.memref_slice %arg4[%dma_start3A_27] : memref<120448xf32, #tpu.memory_space<hbm>> -> memref<3072xf32, #tpu.memory_space<hbm>>
    %dma_start3A_29 = arith.constant 0 : i32
    %dma_start3A_30 = tpu.memref_slice %arg8[%dma_start3A_29] : memref<6144xf32, #tpu.memory_space<vmem>> -> memref<3072xf32, #tpu.memory_space<vmem>>
    %dma_start3A_31 = arith.constant 0 : i32
    %dma_start3A_32 = tpu.memref_slice %arg4[%dma_start3A_31] : memref<120448xf32, #tpu.memory_space<hbm>> -> memref<3072xf32, #tpu.memory_space<hbm>>
    tpu.enqueue_dma source(%dma_start3A_32 : memref<3072xf32, #tpu.memory_space<hbm>>) target(%dma_start3A_30 : memref<3072xf32, #tpu.memory_space<vmem>>) target_semaphore(%arg10 : memref<!tpu.dma_semaphore, #tpu.memory_space<semaphore_mem>>)
    %dma_start3A_33 = arith.constant 0 : i32
    %dma_start3A_34 = arith.constant 0 : i32
    %dma_start3A_35 = tpu.memref_slice %arg6[%dma_start3A_33, %dma_start3A_34] : memref<16x3584xf32, #tpu.memory_space<vmem>> -> memref<8x3584xf32, #tpu.memory_space<vmem>>
    %dma_start3A_36 = arith.constant 0 : i32
    %dma_start3A_37 = tpu.memref_slice %arg2[%mul3A_2, %dma_start3A_36] : memref<256x131072xf32, #tpu.memory_space<hbm>> -> memref<8x3584xf32, #tpu.memory_space<hbm>>
    %dma_start3A_38 = arith.constant 0 : i32
    %dma_start3A_39 = arith.constant 0 : i32
    %dma_start3A_40 = tpu.memref_slice %arg6[%dma_start3A_38, %dma_start3A_39] : memref<16x3584xf32, #tpu.memory_space<vmem>> -> memref<8x3584xf32, #tpu.memory_space<vmem>>
    %dma_start3A_41 = arith.constant 0 : i32
    %dma_start3A_42 = tpu.memref_slice %arg2[%mul3A_2, %dma_start3A_41] : memref<256x131072xf32, #tpu.memory_space<hbm>> -> memref<8x3584xf32, #tpu.memory_space<hbm>>
    tpu.enqueue_dma source(%dma_start3A_42 : memref<8x3584xf32, #tpu.memory_space<hbm>>) target(%dma_start3A_40 : memref<8x3584xf32, #tpu.memory_space<vmem>>) target_semaphore(%arg10 : memref<!tpu.dma_semaphore, #tpu.memory_space<semaphore_mem>>)
    %dma_start3A_43 = arith.constant 3072 : i32
    %dma_start3A_44 = tpu.memref_slice %arg7[%dma_start3A_43] : memref<6144xi32, #tpu.memory_space<vmem>> -> memref<3072xi32, #tpu.memory_space<vmem>>
    %dma_start3A_45 = arith.constant 3072 : i32
    %dma_start3A_46 = tpu.memref_slice %arg3[%dma_start3A_45] : memref<120448xi32, #tpu.memory_space<hbm>> -> memref<3072xi32, #tpu.memory_space<hbm>>
    %dma_start3A_47 = arith.constant 3072 : i32
    %dma_start3A_48 = tpu.memref_slice %arg7[%dma_start3A_47] : memref<6144xi32, #tpu.memory_space<vmem>> -> memref<3072xi32, #tpu.memory_space<vmem>>
    %dma_start3A_49 = arith.constant 3072 : i32
    %dma_start3A_50 = tpu.memref_slice %arg3[%dma_start3A_49] : memref<120448xi32, #tpu.memory_space<hbm>> -> memref<3072xi32, #tpu.memory_space<hbm>>
    tpu.enqueue_dma source(%dma_start3A_50 : memref<3072xi32, #tpu.memory_space<hbm>>) target(%dma_start3A_48 : memref<3072xi32, #tpu.memory_space<vmem>>) target_semaphore(%arg11 : memref<!tpu.dma_semaphore, #tpu.memory_space<semaphore_mem>>)
    %dma_start3A_51 = arith.constant 3072 : i32
    %dma_start3A_52 = tpu.memref_slice %arg8[%dma_start3A_51] : memref<6144xf32, #tpu.memory_space<vmem>> -> memref<3072xf32, #tpu.memory_space<vmem>>
    %dma_start3A_53 = arith.constant 3072 : i32
    %dma_start3A_54 = tpu.memref_slice %arg4[%dma_start3A_53] : memref<120448xf32, #tpu.memory_space<hbm>> -> memref<3072xf32, #tpu.memory_space<hbm>>
    %dma_start3A_55 = arith.constant 3072 : i32
    %dma_start3A_56 = tpu.memref_slice %arg8[%dma_start3A_55] : memref<6144xf32, #tpu.memory_space<vmem>> -> memref<3072xf32, #tpu.memory_space<vmem>>
    %dma_start3A_57 = arith.constant 3072 : i32
    %dma_start3A_58 = tpu.memref_slice %arg4[%dma_start3A_57] : memref<120448xf32, #tpu.memory_space<hbm>> -> memref<3072xf32, #tpu.memory_space<hbm>>
    tpu.enqueue_dma source(%dma_start3A_58 : memref<3072xf32, #tpu.memory_space<hbm>>) target(%dma_start3A_56 : memref<3072xf32, #tpu.memory_space<vmem>>) target_semaphore(%arg11 : memref<!tpu.dma_semaphore, #tpu.memory_space<semaphore_mem>>)
    %dma_start3A_59 = arith.constant 8 : i32
    %dma_start3A_60 = arith.constant 0 : i32
    %dma_start3A_61 = tpu.memref_slice %arg6[%dma_start3A_59, %dma_start3A_60] : memref<16x3584xf32, #tpu.memory_space<vmem>> -> memref<8x3584xf32, #tpu.memory_space<vmem>>
    %dma_start3A_62 = arith.constant 3328 : i32
    %dma_start3A_63 = tpu.memref_slice %arg2[%mul3A_2, %dma_start3A_62] : memref<256x131072xf32, #tpu.memory_space<hbm>> -> memref<8x3584xf32, #tpu.memory_space<hbm>>
    %dma_start3A_64 = arith.constant 8 : i32
    %dma_start3A_65 = arith.constant 0 : i32
    %dma_start3A_66 = tpu.memref_slice %arg6[%dma_start3A_64, %dma_start3A_65] : memref<16x3584xf32, #tpu.memory_space<vmem>> -> memref<8x3584xf32, #tpu.memory_space<vmem>>
    %dma_start3A_67 = arith.constant 3328 : i32
    %dma_start3A_68 = tpu.memref_slice %arg2[%mul3A_2, %dma_start3A_67] : memref<256x131072xf32, #tpu.memory_space<hbm>> -> memref<8x3584xf32, #tpu.memory_space<hbm>>
    tpu.enqueue_dma source(%dma_start3A_68 : memref<8x3584xf32, #tpu.memory_space<hbm>>) target(%dma_start3A_66 : memref<8x3584xf32, #tpu.memory_space<vmem>>) target_semaphore(%arg11 : memref<!tpu.dma_semaphore, #tpu.memory_space<semaphore_mem>>)
    %dma_wait3A = arith.constant 0 : i32
    %dma_wait3A_69 = tpu.memref_slice %arg7[%dma_wait3A] : memref<6144xi32, #tpu.memory_space<vmem>> -> memref<3072xi32, #tpu.memory_space<vmem>>
    %dma_wait3A_70 = arith.constant 0 : i32
    %dma_wait3A_71 = tpu.memref_slice %arg3[%dma_wait3A_70] : memref<120448xi32, #tpu.memory_space<hbm>> -> memref<3072xi32, #tpu.memory_space<hbm>>
    %dma_wait3A_72 = arith.constant 0 : i32
    %dma_wait3A_73 = tpu.memref_slice %arg7[%dma_wait3A_72] : memref<6144xi32, #tpu.memory_space<vmem>> -> memref<3072xi32, #tpu.memory_space<vmem>>
    %dma_wait3A_74 = arith.constant 0 : i32
    %dma_wait3A_75 = tpu.memref_slice %arg3[%dma_wait3A_74] : memref<120448xi32, #tpu.memory_space<hbm>> -> memref<3072xi32, #tpu.memory_space<hbm>>
    tpu.wait_dma2 semaphore(%arg10 : memref<!tpu.dma_semaphore, #tpu.memory_space<semaphore_mem>>) src(%dma_wait3A_75 : memref<3072xi32, #tpu.memory_space<hbm>>) dst(%dma_wait3A_73 : memref<3072xi32, #tpu.memory_space<vmem>>)
    %dma_wait3A_76 = arith.constant 0 : i32
    %dma_wait3A_77 = tpu.memref_slice %arg8[%dma_wait3A_76] : memref<6144xf32, #tpu.memory_space<vmem>> -> memref<3072xf32, #tpu.memory_space<vmem>>
    %dma_wait3A_78 = arith.constant 0 : i32
    %dma_wait3A_79 = tpu.memref_slice %arg4[%dma_wait3A_78] : memref<120448xf32, #tpu.memory_space<hbm>> -> memref<3072xf32, #tpu.memory_space<hbm>>
    %dma_wait3A_80 = arith.constant 0 : i32
    %dma_wait3A_81 = tpu.memref_slice %arg8[%dma_wait3A_80] : memref<6144xf32, #tpu.memory_space<vmem>> -> memref<3072xf32, #tpu.memory_space<vmem>>
    %dma_wait3A_82 = arith.constant 0 : i32
    %dma_wait3A_83 = tpu.memref_slice %arg4[%dma_wait3A_82] : memref<120448xf32, #tpu.memory_space<hbm>> -> memref<3072xf32, #tpu.memory_space<hbm>>
    tpu.wait_dma2 semaphore(%arg10 : memref<!tpu.dma_semaphore, #tpu.memory_space<semaphore_mem>>) src(%dma_wait3A_83 : memref<3072xf32, #tpu.memory_space<hbm>>) dst(%dma_wait3A_81 : memref<3072xf32, #tpu.memory_space<vmem>>)
    %dma_wait3A_84 = arith.constant 0 : i32
    %dma_wait3A_85 = arith.constant 0 : i32
    %dma_wait3A_86 = tpu.memref_slice %arg6[%dma_wait3A_84, %dma_wait3A_85] : memref<16x3584xf32, #tpu.memory_space<vmem>> -> memref<8x3584xf32, #tpu.memory_space<vmem>>
    %dma_wait3A_87 = arith.constant 0 : i32
    %dma_wait3A_88 = arith.constant 0 : i32
    %dma_wait3A_89 = tpu.memref_slice %arg2[%dma_wait3A_87, %dma_wait3A_88] : memref<256x131072xf32, #tpu.memory_space<hbm>> -> memref<8x3584xf32, #tpu.memory_space<hbm>>
    %dma_wait3A_90 = arith.constant 0 : i32
    %dma_wait3A_91 = arith.constant 0 : i32
    %dma_wait3A_92 = tpu.memref_slice %arg6[%dma_wait3A_90, %dma_wait3A_91] : memref<16x3584xf32, #tpu.memory_space<vmem>> -> memref<8x3584xf32, #tpu.memory_space<vmem>>
    %dma_wait3A_93 = arith.constant 0 : i32
    %dma_wait3A_94 = arith.constant 0 : i32
    %dma_wait3A_95 = tpu.memref_slice %arg2[%dma_wait3A_93, %dma_wait3A_94] : memref<256x131072xf32, #tpu.memory_space<hbm>> -> memref<8x3584xf32, #tpu.memory_space<hbm>>
    tpu.wait_dma2 semaphore(%arg10 : memref<!tpu.dma_semaphore, #tpu.memory_space<semaphore_mem>>) src(%dma_wait3A_95 : memref<8x3584xf32, #tpu.memory_space<hbm>>) dst(%dma_wait3A_92 : memref<8x3584xf32, #tpu.memory_space<vmem>>)
    %add3A_96 = arith.constant 0 : i32
    %add3A_97 = vector.broadcast %add3A_96 : i32 to vector<16xi32>
    %add3A_98 = arith.addi %broadcast_in_dim3A_3, %add3A_97 : vector<16xi32>
    %add3A_99 = arith.constant 0 : i32
    %add3A_100 = vector.broadcast %add3A_99 : i32 to vector<16xi32>
    %add3A_101 = arith.addi %broadcast_in_dim3A_5, %add3A_100 : vector<16xi32>
    %add3A_102 = arith.constant 0 : i32
    %add3A_103 = vector.broadcast %add3A_102 : i32 to vector<16xi32>
    %add3A_104 = arith.addi %broadcast_in_dim3A_7, %add3A_103 : vector<16xi32>
    %add3A_105 = arith.constant 0 : i32
    %add3A_106 = vector.broadcast %add3A_105 : i32 to vector<16xi32>
    %add3A_107 = arith.addi %broadcast_in_dim3A_9, %add3A_106 : vector<16xi32>
    %add3A_108 = arith.constant 0 : i32
    %add3A_109 = vector.broadcast %add3A_108 : i32 to vector<16xi32>
    %add3A_110 = arith.addi %broadcast_in_dim3A_11, %add3A_109 : vector<16xi32>
    %add3A_111 = arith.constant 0 : i32
    %add3A_112 = vector.broadcast %add3A_111 : i32 to vector<16xi32>
    %add3A_113 = arith.addi %broadcast_in_dim3A_13, %add3A_112 : vector<16xi32>
    %add3A_114 = arith.constant 0 : i32
    %add3A_115 = vector.broadcast %add3A_114 : i32 to vector<16xi32>
    %add3A_116 = arith.addi %broadcast_in_dim3A_15, %add3A_115 : vector<16xi32>
    %add3A_117 = arith.constant 0 : i32
    %add3A_118 = vector.broadcast %add3A_117 : i32 to vector<16xi32>
    %add3A_119 = arith.addi %broadcast_in_dim3A_17, %add3A_118 : vector<16xi32>
    %parallel_loop3A = arith.constant 0 : i32
    %parallel_loop3A_120 = arith.constant 3072 : i32
    %parallel_loop3A_121 = arith.constant 16 : i32
    scf.for %parallel_loop3A_334 = %parallel_loop3A to %parallel_loop3A_120 step %parallel_loop3A_121  : i32 {
      %parallel_loop3A_335 = arith.constant 0 : i32
      %parallel_loop3A_336 = arith.addi %parallel_loop3A_335, %parallel_loop3A_334 : i32
      %parallel_loop3A_337 = arith.index_cast %parallel_loop3A_336 : i32 to index
      %parallel_loop3A_338 = tpu.vector_load %arg7[%parallel_loop3A_337] {strides = array<i32>} : memref<6144xi32, #tpu.memory_space<vmem>>, vector<16xi32>,
      %parallel_loop3A_339 = arith.constant 0 : i32
      %parallel_loop3A_340 = vector.broadcast %parallel_loop3A_339 : i32 to vector<16xi32>
      %parallel_loop3A_341 = arith.subi %parallel_loop3A_338, %parallel_loop3A_340 : vector<16xi32>
      %parallel_loop3A_342 = arith.constant 1 : i32
      %parallel_loop3A_343 = vector.broadcast %parallel_loop3A_342 : i32 to vector<16xi32>
      %parallel_loop3A_344 = arith.addi %parallel_loop3A_341, %parallel_loop3A_343 : vector<16xi32>
      %parallel_loop3A_345 = arith.index_cast %parallel_loop3A_336 : i32 to index
      %parallel_loop3A_346 = tpu.vector_load %arg8[%parallel_loop3A_345] {strides = array<i32>} : memref<6144xf32, #tpu.memory_space<vmem>>, vector<16xf32>,
      %parallel_loop3A_347 = tpu.vector_load_idx %arg6[%add3A_98, %parallel_loop3A_341] : memref<16x3584xf32, #tpu.memory_space<vmem>>[vector<16xi32>, vector<16xi32>], vector<16xf32>,
      %parallel_loop3A_348 = tpu.vector_load_idx %arg6[%add3A_98, %parallel_loop3A_344] : memref<16x3584xf32, #tpu.memory_space<vmem>>[vector<16xi32>, vector<16xi32>], vector<16xf32>,
      %parallel_loop3A_349 = arith.subf %parallel_loop3A_348, %parallel_loop3A_347 : vector<16xf32>
      %parallel_loop3A_350 = arith.mulf %parallel_loop3A_346, %parallel_loop3A_349 : vector<16xf32>
      %parallel_loop3A_351 = arith.addf %parallel_loop3A_347, %parallel_loop3A_350 : vector<16xf32>
      %parallel_loop3A_352 = arith.constant 0 : i32
      %parallel_loop3A_353 = arith.index_cast %parallel_loop3A_352 : i32 to index
      %parallel_loop3A_354 = arith.index_cast %parallel_loop3A_334 : i32 to index
      %parallel_loop3A_355 = tpu.vector_load %arg9[%parallel_loop3A_353, %parallel_loop3A_354] {strides = array<i32>} : memref<16x3072xf32, #tpu.memory_space<vmem>>, vector<16xf32>,
      tpu.vector_store %arg9[%parallel_loop3A_353, %parallel_loop3A_354], %parallel_loop3A_351 {strides = array<i32>} : memref<16x3072xf32, #tpu.memory_space<vmem>>, vector<16xf32>,
      %parallel_loop3A_356 = tpu.vector_load_idx %arg6[%add3A_101, %parallel_loop3A_341] : memref<16x3584xf32, #tpu.memory_space<vmem>>[vector<16xi32>, vector<16xi32>], vector<16xf32>,
      %parallel_loop3A_357 = tpu.vector_load_idx %arg6[%add3A_101, %parallel_loop3A_344] : memref<16x3584xf32, #tpu.memory_space<vmem>>[vector<16xi32>, vector<16xi32>], vector<16xf32>,
      %parallel_loop3A_358 = arith.subf %parallel_loop3A_357, %parallel_loop3A_356 : vector<16xf32>
      %parallel_loop3A_359 = arith.mulf %parallel_loop3A_346, %parallel_loop3A_358 : vector<16xf32>
      %parallel_loop3A_360 = arith.addf %parallel_loop3A_356, %parallel_loop3A_359 : vector<16xf32>
      %parallel_loop3A_361 = arith.constant 1 : i32
      %parallel_loop3A_362 = arith.index_cast %parallel_loop3A_361 : i32 to index
      %parallel_loop3A_363 = arith.index_cast %parallel_loop3A_334 : i32 to index
      %parallel_loop3A_364 = tpu.vector_load %arg9[%parallel_loop3A_362, %parallel_loop3A_363] {strides = array<i32>} : memref<16x3072xf32, #tpu.memory_space<vmem>>, vector<16xf32>,
      tpu.vector_store %arg9[%parallel_loop3A_362, %parallel_loop3A_363], %parallel_loop3A_360 {strides = array<i32>} : memref<16x3072xf32, #tpu.memory_space<vmem>>, vector<16xf32>,
      %parallel_loop3A_365 = tpu.vector_load_idx %arg6[%add3A_104, %parallel_loop3A_341] : memref<16x3584xf32, #tpu.memory_space<vmem>>[vector<16xi32>, vector<16xi32>], vector<16xf32>,
      %parallel_loop3A_366 = tpu.vector_load_idx %arg6[%add3A_104, %parallel_loop3A_344] : memref<16x3584xf32, #tpu.memory_space<vmem>>[vector<16xi32>, vector<16xi32>], vector<16xf32>,
      %parallel_loop3A_367 = arith.subf %parallel_loop3A_366, %parallel_loop3A_365 : vector<16xf32>
      %parallel_loop3A_368 = arith.mulf %parallel_loop3A_346, %parallel_loop3A_367 : vector<16xf32>
      %parallel_loop3A_369 = arith.addf %parallel_loop3A_365, %parallel_loop3A_368 : vector<16xf32>
      %parallel_loop3A_370 = arith.constant 2 : i32
      %parallel_loop3A_371 = arith.index_cast %parallel_loop3A_370 : i32 to index
      %parallel_loop3A_372 = arith.index_cast %parallel_loop3A_334 : i32 to index
      %parallel_loop3A_373 = tpu.vector_load %arg9[%parallel_loop3A_371, %parallel_loop3A_372] {strides = array<i32>} : memref<16x3072xf32, #tpu.memory_space<vmem>>, vector<16xf32>,
      tpu.vector_store %arg9[%parallel_loop3A_371, %parallel_loop3A_372], %parallel_loop3A_369 {strides = array<i32>} : memref<16x3072xf32, #tpu.memory_space<vmem>>, vector<16xf32>,
      %parallel_loop3A_374 = tpu.vector_load_idx %arg6[%add3A_107, %parallel_loop3A_341] : memref<16x3584xf32, #tpu.memory_space<vmem>>[vector<16xi32>, vector<16xi32>], vector<16xf32>,
      %parallel_loop3A_375 = tpu.vector_load_idx %arg6[%add3A_107, %parallel_loop3A_344] : memref<16x3584xf32, #tpu.memory_space<vmem>>[vector<16xi32>, vector<16xi32>], vector<16xf32>,
      %parallel_loop3A_376 = arith.subf %parallel_loop3A_375, %parallel_loop3A_374 : vector<16xf32>
      %parallel_loop3A_377 = arith.mulf %parallel_loop3A_346, %parallel_loop3A_376 : vector<16xf32>
      %parallel_loop3A_378 = arith.addf %parallel_loop3A_374, %parallel_loop3A_377 : vector<16xf32>
      %parallel_loop3A_379 = arith.constant 3 : i32
      %parallel_loop3A_380 = arith.index_cast %parallel_loop3A_379 : i32 to index
      %parallel_loop3A_381 = arith.index_cast %parallel_loop3A_334 : i32 to index
      %parallel_loop3A_382 = tpu.vector_load %arg9[%parallel_loop3A_380, %parallel_loop3A_381] {strides = array<i32>} : memref<16x3072xf32, #tpu.memory_space<vmem>>, vector<16xf32>,
      tpu.vector_store %arg9[%parallel_loop3A_380, %parallel_loop3A_381], %parallel_loop3A_378 {strides = array<i32>} : memref<16x3072xf32, #tpu.memory_space<vmem>>, vector<16xf32>,
      %parallel_loop3A_383 = tpu.vector_load_idx %arg6[%add3A_110, %parallel_loop3A_341] : memref<16x3584xf32, #tpu.memory_space<vmem>>[vector<16xi32>, vector<16xi32>], vector<16xf32>,
      %parallel_loop3A_384 = tpu.vector_load_idx %arg6[%add3A_110, %parallel_loop3A_344] : memref<16x3584xf32, #tpu.memory_space<vmem>>[vector<16xi32>, vector<16xi32>], vector<16xf32>,
      %parallel_loop3A_385 = arith.subf %parallel_loop3A_384, %parallel_loop3A_383 : vector<16xf32>
      %parallel_loop3A_386 = arith.mulf %parallel_loop3A_346, %parallel_loop3A_385 : vector<16xf32>
      %parallel_loop3A_387 = arith.addf %parallel_loop3A_383, %parallel_loop3A_386 : vector<16xf32>
      %parallel_loop3A_388 = arith.constant 4 : i32
      %parallel_loop3A_389 = arith.index_cast %parallel_loop3A_388 : i32 to index
      %parallel_loop3A_390 = arith.index_cast %parallel_loop3A_334 : i32 to index
      %parallel_loop3A_391 = tpu.vector_load %arg9[%parallel_loop3A_389, %parallel_loop3A_390] {strides = array<i32>} : memref<16x3072xf32, #tpu.memory_space<vmem>>, vector<16xf32>,
      tpu.vector_store %arg9[%parallel_loop3A_389, %parallel_loop3A_390], %parallel_loop3A_387 {strides = array<i32>} : memref<16x3072xf32, #tpu.memory_space<vmem>>, vector<16xf32>,
      %parallel_loop3A_392 = tpu.vector_load_idx %arg6[%add3A_113, %parallel_loop3A_341] : memref<16x3584xf32, #tpu.memory_space<vmem>>[vector<16xi32>, vector<16xi32>], vector<16xf32>,
      %parallel_loop3A_393 = tpu.vector_load_idx %arg6[%add3A_113, %parallel_loop3A_344] : memref<16x3584xf32, #tpu.memory_space<vmem>>[vector<16xi32>, vector<16xi32>], vector<16xf32>,
      %parallel_loop3A_394 = arith.subf %parallel_loop3A_393, %parallel_loop3A_392 : vector<16xf32>
      %parallel_loop3A_395 = arith.mulf %parallel_loop3A_346, %parallel_loop3A_394 : vector<16xf32>
      %parallel_loop3A_396 = arith.addf %parallel_loop3A_392, %parallel_loop3A_395 : vector<16xf32>
      %parallel_loop3A_397 = arith.constant 5 : i32
      %parallel_loop3A_398 = arith.index_cast %parallel_loop3A_397 : i32 to index
      %parallel_loop3A_399 = arith.index_cast %parallel_loop3A_334 : i32 to index
      %parallel_loop3A_400 = tpu.vector_load %arg9[%parallel_loop3A_398, %parallel_loop3A_399] {strides = array<i32>} : memref<16x3072xf32, #tpu.memory_space<vmem>>, vector<16xf32>,
      tpu.vector_store %arg9[%parallel_loop3A_398, %parallel_loop3A_399], %parallel_loop3A_396 {strides = array<i32>} : memref<16x3072xf32, #tpu.memory_space<vmem>>, vector<16xf32>,
      %parallel_loop3A_401 = tpu.vector_load_idx %arg6[%add3A_116, %parallel_loop3A_341] : memref<16x3584xf32, #tpu.memory_space<vmem>>[vector<16xi32>, vector<16xi32>], vector<16xf32>,
      %parallel_loop3A_402 = tpu.vector_load_idx %arg6[%add3A_116, %parallel_loop3A_344] : memref<16x3584xf32, #tpu.memory_space<vmem>>[vector<16xi32>, vector<16xi32>], vector<16xf32>,
      %parallel_loop3A_403 = arith.subf %parallel_loop3A_402, %parallel_loop3A_401 : vector<16xf32>
      %parallel_loop3A_404 = arith.mulf %parallel_loop3A_346, %parallel_loop3A_403 : vector<16xf32>
      %parallel_loop3A_405 = arith.addf %parallel_loop3A_401, %parallel_loop3A_404 : vector<16xf32>
      %parallel_loop3A_406 = arith.constant 6 : i32
      %parallel_loop3A_407 = arith.index_cast %parallel_loop3A_406 : i32 to index
      %parallel_loop3A_408 = arith.index_cast %parallel_loop3A_334 : i32 to index
      %parallel_loop3A_409 = tpu.vector_load %arg9[%parallel_loop3A_407, %parallel_loop3A_408] {strides = array<i32>} : memref<16x3072xf32, #tpu.memory_space<vmem>>, vector<16xf32>,
      tpu.vector_store %arg9[%parallel_loop3A_407, %parallel_loop3A_408], %parallel_loop3A_405 {strides = array<i32>} : memref<16x3072xf32, #tpu.memory_space<vmem>>, vector<16xf32>,
      %parallel_loop3A_410 = tpu.vector_load_idx %arg6[%add3A_119, %parallel_loop3A_341] : memref<16x3584xf32, #tpu.memory_space<vmem>>[vector<16xi32>, vector<16xi32>], vector<16xf32>,
      %parallel_loop3A_411 = tpu.vector_load_idx %arg6[%add3A_119, %parallel_loop3A_344] : memref<16x3584xf32, #tpu.memory_space<vmem>>[vector<16xi32>, vector<16xi32>], vector<16xf32>,
      %parallel_loop3A_412 = arith.subf %parallel_loop3A_411, %parallel_loop3A_410 : vector<16xf32>
      %parallel_loop3A_413 = arith.mulf %parallel_loop3A_346, %parallel_loop3A_412 : vector<16xf32>
      %parallel_loop3A_414 = arith.addf %parallel_loop3A_410, %parallel_loop3A_413 : vector<16xf32>
      %parallel_loop3A_415 = arith.constant 7 : i32
      %parallel_loop3A_416 = arith.index_cast %parallel_loop3A_415 : i32 to index
      %parallel_loop3A_417 = arith.index_cast %parallel_loop3A_334 : i32 to index
      %parallel_loop3A_418 = tpu.vector_load %arg9[%parallel_loop3A_416, %parallel_loop3A_417] {strides = array<i32>} : memref<16x3072xf32, #tpu.memory_space<vmem>>, vector<16xf32>,
      tpu.vector_store %arg9[%parallel_loop3A_416, %parallel_loop3A_417], %parallel_loop3A_414 {strides = array<i32>} : memref<16x3072xf32, #tpu.memory_space<vmem>>, vector<16xf32>,
    } {sc.loop_unroll_factor = 1 : i64, sc.parallel_access}
    %dma_start3A_122 = arith.constant 0 : i32
    %dma_start3A_123 = tpu.memref_slice %arg7[%dma_start3A_122] : memref<6144xi32, #tpu.memory_space<vmem>> -> memref<3072xi32, #tpu.memory_space<vmem>>
    %dma_start3A_124 = arith.constant 6144 : i32
    %dma_start3A_125 = tpu.memref_slice %arg3[%dma_start3A_124] : memref<120448xi32, #tpu.memory_space<hbm>> -> memref<3072xi32, #tpu.memory_space<hbm>>
    %dma_start3A_126 = arith.constant 0 : i32
    %dma_start3A_127 = tpu.memref_slice %arg7[%dma_start3A_126] : memref<6144xi32, #tpu.memory_space<vmem>> -> memref<3072xi32, #tpu.memory_space<vmem>>
    %dma_start3A_128 = arith.constant 6144 : i32
    %dma_start3A_129 = tpu.memref_slice %arg3[%dma_start3A_128] : memref<120448xi32, #tpu.memory_space<hbm>> -> memref<3072xi32, #tpu.memory_space<hbm>>
    tpu.enqueue_dma source(%dma_start3A_129 : memref<3072xi32, #tpu.memory_space<hbm>>) target(%dma_start3A_127 : memref<3072xi32, #tpu.memory_space<vmem>>) target_semaphore(%arg10 : memref<!tpu.dma_semaphore, #tpu.memory_space<semaphore_mem>>)
    %dma_start3A_130 = arith.constant 0 : i32
    %dma_start3A_131 = tpu.memref_slice %arg8[%dma_start3A_130] : memref<6144xf32, #tpu.memory_space<vmem>> -> memref<3072xf32, #tpu.memory_space<vmem>>
    %dma_start3A_132 = arith.constant 6144 : i32
    %dma_start3A_133 = tpu.memref_slice %arg4[%dma_start3A_132] : memref<120448xf32, #tpu.memory_space<hbm>> -> memref<3072xf32, #tpu.memory_space<hbm>>
    %dma_start3A_134 = arith.constant 0 : i32
    %dma_start3A_135 = tpu.memref_slice %arg8[%dma_start3A_134] : memref<6144xf32, #tpu.memory_space<vmem>> -> memref<3072xf32, #tpu.memory_space<vmem>>
    %dma_start3A_136 = arith.constant 6144 : i32
    %dma_start3A_137 = tpu.memref_slice %arg4[%dma_start3A_136] : memref<120448xf32, #tpu.memory_space<hbm>> -> memref<3072xf32, #tpu.memory_space<hbm>>
    tpu.enqueue_dma source(%dma_start3A_137 : memref<3072xf32, #tpu.memory_space<hbm>>) target(%dma_start3A_135 : memref<3072xf32, #tpu.memory_space<vmem>>) target_semaphore(%arg10 : memref<!tpu.dma_semaphore, #tpu.memory_space<semaphore_mem>>)
    %dma_start3A_138 = arith.constant 0 : i32
    %dma_start3A_139 = arith.constant 0 : i32
    %dma_start3A_140 = tpu.memref_slice %arg6[%dma_start3A_138, %dma_start3A_139] : memref<16x3584xf32, #tpu.memory_space<vmem>> -> memref<8x3584xf32, #tpu.memory_space<vmem>>
    %dma_start3A_141 = arith.constant 6656 : i32
    %dma_start3A_142 = tpu.memref_slice %arg2[%mul3A_2, %dma_start3A_141] : memref<256x131072xf32, #tpu.memory_space<hbm>> -> memref<8x3584xf32, #tpu.memory_space<hbm>>
    %dma_start3A_143 = arith.constant 0 : i32
    %dma_start3A_144 = arith.constant 0 : i32
    %dma_start3A_145 = tpu.memref_slice %arg6[%dma_start3A_143, %dma_start3A_144] : memref<16x3584xf32, #tpu.memory_space<vmem>> -> memref<8x3584xf32, #tpu.memory_space<vmem>>
    %dma_start3A_146 = arith.constant 6656 : i32
    %dma_start3A_147 = tpu.memref_slice %arg2[%mul3A_2, %dma_start3A_146] : memref<256x131072xf32, #tpu.memory_space<hbm>> -> memref<8x3584xf32, #tpu.memory_space<hbm>>
    tpu.enqueue_dma source(%dma_start3A_147 : memref<8x3584xf32, #tpu.memory_space<hbm>>) target(%dma_start3A_145 : memref<8x3584xf32, #tpu.memory_space<vmem>>) target_semaphore(%arg10 : memref<!tpu.dma_semaphore, #tpu.memory_space<semaphore_mem>>)
    %dma_start3A_148 = arith.constant 0 : i32
    %dma_start3A_149 = arith.constant 0 : i32
    %dma_start3A_150 = tpu.memref_slice %arg9[%dma_start3A_148, %dma_start3A_149] : memref<16x3072xf32, #tpu.memory_space<vmem>> -> memref<8x3072xf32, #tpu.memory_space<vmem>>
    %dma_start3A_151 = arith.constant 0 : i32
    %dma_start3A_152 = tpu.memref_slice %arg5[%mul3A_2, %dma_start3A_151] : memref<256x120448xf32, #tpu.memory_space<hbm>> -> memref<8x3072xf32, #tpu.memory_space<hbm>>
    %dma_start3A_153 = arith.constant 0 : i32
    %dma_start3A_154 = tpu.memref_slice %arg5[%mul3A_2, %dma_start3A_153] : memref<256x120448xf32, #tpu.memory_space<hbm>> -> memref<8x3072xf32, #tpu.memory_space<hbm>>
    %dma_start3A_155 = arith.constant 0 : i32
    %dma_start3A_156 = arith.constant 0 : i32
    %dma_start3A_157 = tpu.memref_slice %arg9[%dma_start3A_155, %dma_start3A_156] : memref<16x3072xf32, #tpu.memory_space<vmem>> -> memref<8x3072xf32, #tpu.memory_space<vmem>>
    tpu.enqueue_dma source(%dma_start3A_157 : memref<8x3072xf32, #tpu.memory_space<vmem>>) target(%dma_start3A_154 : memref<8x3072xf32, #tpu.memory_space<hbm>>) target_semaphore(%arg12 : memref<!tpu.dma_semaphore, #tpu.memory_space<semaphore_mem>>)
    %dma_wait3A_158 = arith.constant 3072 : i32
    %dma_wait3A_159 = tpu.memref_slice %arg7[%dma_wait3A_158] : memref<6144xi32, #tpu.memory_space<vmem>> -> memref<3072xi32, #tpu.memory_space<vmem>>
    %dma_wait3A_160 = arith.constant 0 : i32
    %dma_wait3A_161 = tpu.memref_slice %arg3[%dma_wait3A_160] : memref<120448xi32, #tpu.memory_space<hbm>> -> memref<3072xi32, #tpu.memory_space<hbm>>
    %dma_wait3A_162 = arith.constant 3072 : i32
    %dma_wait3A_163 = tpu.memref_slice %arg7[%dma_wait3A_162] : memref<6144xi32, #tpu.memory_space<vmem>> -> memref<3072xi32, #tpu.memory_space<vmem>>
    %dma_wait3A_164 = arith.constant 0 : i32
    %dma_wait3A_165 = tpu.memref_slice %arg3[%dma_wait3A_164] : memref<120448xi32, #tpu.memory_space<hbm>> -> memref<3072xi32, #tpu.memory_space<hbm>>
    tpu.wait_dma2 semaphore(%arg11 : memref<!tpu.dma_semaphore, #tpu.memory_space<semaphore_mem>>) src(%dma_wait3A_165 : memref<3072xi32, #tpu.memory_space<hbm>>) dst(%dma_wait3A_163 : memref<3072xi32, #tpu.memory_space<vmem>>)
    %dma_wait3A_166 = arith.constant 3072 : i32
    %dma_wait3A_167 = tpu.memref_slice %arg8[%dma_wait3A_166] : memref<6144xf32, #tpu.memory_space<vmem>> -> memref<3072xf32, #tpu.memory_space<vmem>>
    %dma_wait3A_168 = arith.constant 0 : i32
    %dma_wait3A_169 = tpu.memref_slice %arg4[%dma_wait3A_168] : memref<120448xf32, #tpu.memory_space<hbm>> -> memref<3072xf32, #tpu.memory_space<hbm>>
    %dma_wait3A_170 = arith.constant 3072 : i32
    %dma_wait3A_171 = tpu.memref_slice %arg8[%dma_wait3A_170] : memref<6144xf32, #tpu.memory_space<vmem>> -> memref<3072xf32, #tpu.memory_space<vmem>>
    %dma_wait3A_172 = arith.constant 0 : i32
    %dma_wait3A_173 = tpu.memref_slice %arg4[%dma_wait3A_172] : memref<120448xf32, #tpu.memory_space<hbm>> -> memref<3072xf32, #tpu.memory_space<hbm>>
    tpu.wait_dma2 semaphore(%arg11 : memref<!tpu.dma_semaphore, #tpu.memory_space<semaphore_mem>>) src(%dma_wait3A_173 : memref<3072xf32, #tpu.memory_space<hbm>>) dst(%dma_wait3A_171 : memref<3072xf32, #tpu.memory_space<vmem>>)
    %dma_wait3A_174 = arith.constant 8 : i32
    %dma_wait3A_175 = arith.constant 0 : i32
    %dma_wait3A_176 = tpu.memref_slice %arg6[%dma_wait3A_174, %dma_wait3A_175] : memref<16x3584xf32, #tpu.memory_space<vmem>> -> memref<8x3584xf32, #tpu.memory_space<vmem>>
    %dma_wait3A_177 = arith.constant 0 : i32
    %dma_wait3A_178 = arith.constant 0 : i32
    %dma_wait3A_179 = tpu.memref_slice %arg2[%dma_wait3A_177, %dma_wait3A_178] : memref<256x131072xf32, #tpu.memory_space<hbm>> -> memref<8x3584xf32, #tpu.memory_space<hbm>>
    %dma_wait3A_180 = arith.constant 8 : i32
    %dma_wait3A_181 = arith.constant 0 : i32
    %dma_wait3A_182 = tpu.memref_slice %arg6[%dma_wait3A_180, %dma_wait3A_181] : memref<16x3584xf32, #tpu.memory_space<vmem>> -> memref<8x3584xf32, #tpu.memory_space<vmem>>
    %dma_wait3A_183 = arith.constant 0 : i32
    %dma_wait3A_184 = arith.constant 0 : i32
    %dma_wait3A_185 = tpu.memref_slice %arg2[%dma_wait3A_183, %dma_wait3A_184] : memref<256x131072xf32, #tpu.memory_space<hbm>> -> memref<8x3584xf32, #tpu.memory_space<hbm>>
    tpu.wait_dma2 semaphore(%arg11 : memref<!tpu.dma_semaphore, #tpu.memory_space<semaphore_mem>>) src(%dma_wait3A_185 : memref<8x3584xf32, #tpu.memory_space<hbm>>) dst(%dma_wait3A_182 : memref<8x3584xf32, #tpu.memory_space<vmem>>)
    %add3A_186 = arith.constant 8 : i32
    %add3A_187 = vector.broadcast %add3A_186 : i32 to vector<16xi32>
    %add3A_188 = arith.addi %broadcast_in_dim3A_3, %add3A_187 : vector<16xi32>
    %add3A_189 = arith.constant 8 : i32
    %add3A_190 = vector.broadcast %add3A_189 : i32 to vector<16xi32>
    %add3A_191 = arith.addi %broadcast_in_dim3A_5, %add3A_190 : vector<16xi32>
    %add3A_192 = arith.constant 8 : i32
    %add3A_193 = vector.broadcast %add3A_192 : i32 to vector<16xi32>
    %add3A_194 = arith.addi %broadcast_in_dim3A_7, %add3A_193 : vector<16xi32>
    %add3A_195 = arith.constant 8 : i32
    %add3A_196 = vector.broadcast %add3A_195 : i32 to vector<16xi32>
    %add3A_197 = arith.addi %broadcast_in_dim3A_9, %add3A_196 : vector<16xi32>
    %add3A_198 = arith.constant 8 : i32
    %add3A_199 = vector.broadcast %add3A_198 : i32 to vector<16xi32>
    %add3A_200 = arith.addi %broadcast_in_dim3A_11, %add3A_199 : vector<16xi32>
    %add3A_201 = arith.constant 8 : i32
    %add3A_202 = vector.broadcast %add3A_201 : i32 to vector<16xi32>
    %add3A_203 = arith.addi %broadcast_in_dim3A_13, %add3A_202 : vector<16xi32>
    %add3A_204 = arith.constant 8 : i32
    %add3A_205 = vector.broadcast %add3A_204 : i32 to vector<16xi32>
    %add3A_206 = arith.addi %broadcast_in_dim3A_15, %add3A_205 : vector<16xi32>
    %add3A_207 = arith.constant 8 : i32
    %add3A_208 = vector.broadcast %add3A_207 : i32 to vector<16xi32>
    %add3A_209 = arith.addi %broadcast_in_dim3A_17, %add3A_208 : vector<16xi32>
    %parallel_loop3A_210 = arith.constant 0 : i32
    %parallel_loop3A_211 = arith.constant 3072 : i32
    %parallel_loop3A_212 = arith.constant 16 : i32
    scf.for %parallel_loop3A_334 = %parallel_loop3A_210 to %parallel_loop3A_211 step %parallel_loop3A_212  : i32 {
      %parallel_loop3A_335 = arith.constant 3072 : i32
      %parallel_loop3A_336 = arith.addi %parallel_loop3A_335, %parallel_loop3A_334 : i32
      %parallel_loop3A_337 = arith.index_cast %parallel_loop3A_336 : i32 to index
      %parallel_loop3A_338 = tpu.vector_load %arg7[%parallel_loop3A_337] {strides = array<i32>} : memref<6144xi32, #tpu.memory_space<vmem>>, vector<16xi32>,
      %parallel_loop3A_339 = arith.constant 3328 : i32
      %parallel_loop3A_340 = vector.broadcast %parallel_loop3A_339 : i32 to vector<16xi32>
      %parallel_loop3A_341 = arith.subi %parallel_loop3A_338, %parallel_loop3A_340 : vector<16xi32>
      %parallel_loop3A_342 = arith.constant 1 : i32
      %parallel_loop3A_343 = vector.broadcast %parallel_loop3A_342 : i32 to vector<16xi32>
      %parallel_loop3A_344 = arith.addi %parallel_loop3A_341, %parallel_loop3A_343 : vector<16xi32>
      %parallel_loop3A_345 = arith.index_cast %parallel_loop3A_336 : i32 to index
      %parallel_loop3A_346 = tpu.vector_load %arg8[%parallel_loop3A_345] {strides = array<i32>} : memref<6144xf32, #tpu.memory_space<vmem>>, vector<16xf32>,
      %parallel_loop3A_347 = tpu.vector_load_idx %arg6[%add3A_188, %parallel_loop3A_341] : memref<16x3584xf32, #tpu.memory_space<vmem>>[vector<16xi32>, vector<16xi32>], vector<16xf32>,
      %parallel_loop3A_348 = tpu.vector_load_idx %arg6[%add3A_188, %parallel_loop3A_344] : memref<16x3584xf32, #tpu.memory_space<vmem>>[vector<16xi32>, vector<16xi32>], vector<16xf32>,
      %parallel_loop3A_349 = arith.subf %parallel_loop3A_348, %parallel_loop3A_347 : vector<16xf32>
      %parallel_loop3A_350 = arith.mulf %parallel_loop3A_346, %parallel_loop3A_349 : vector<16xf32>
      %parallel_loop3A_351 = arith.addf %parallel_loop3A_347, %parallel_loop3A_350 : vector<16xf32>
      %parallel_loop3A_352 = arith.constant 8 : i32
      %parallel_loop3A_353 = arith.index_cast %parallel_loop3A_352 : i32 to index
      %parallel_loop3A_354 = arith.index_cast %parallel_loop3A_334 : i32 to index
      %parallel_loop3A_355 = tpu.vector_load %arg9[%parallel_loop3A_353, %parallel_loop3A_354] {strides = array<i32>} : memref<16x3072xf32, #tpu.memory_space<vmem>>, vector<16xf32>,
      tpu.vector_store %arg9[%parallel_loop3A_353, %parallel_loop3A_354], %parallel_loop3A_351 {strides = array<i32>} : memref<16x3072xf32, #tpu.memory_space<vmem>>, vector<16xf32>,
      %parallel_loop3A_356 = tpu.vector_load_idx %arg6[%add3A_191, %parallel_loop3A_341] : memref<16x3584xf32, #tpu.memory_space<vmem>>[vector<16xi32>, vector<16xi32>], vector<16xf32>,
      %parallel_loop3A_357 = tpu.vector_load_idx %arg6[%add3A_191, %parallel_loop3A_344] : memref<16x3584xf32, #tpu.memory_space<vmem>>[vector<16xi32>, vector<16xi32>], vector<16xf32>,
      %parallel_loop3A_358 = arith.subf %parallel_loop3A_357, %parallel_loop3A_356 : vector<16xf32>
      %parallel_loop3A_359 = arith.mulf %parallel_loop3A_346, %parallel_loop3A_358 : vector<16xf32>
      %parallel_loop3A_360 = arith.addf %parallel_loop3A_356, %parallel_loop3A_359 : vector<16xf32>
      %parallel_loop3A_361 = arith.constant 9 : i32
      %parallel_loop3A_362 = arith.index_cast %parallel_loop3A_361 : i32 to index
      %parallel_loop3A_363 = arith.index_cast %parallel_loop3A_334 : i32 to index
      %parallel_loop3A_364 = tpu.vector_load %arg9[%parallel_loop3A_362, %parallel_loop3A_363] {strides = array<i32>} : memref<16x3072xf32, #tpu.memory_space<vmem>>, vector<16xf32>,
      tpu.vector_store %arg9[%parallel_loop3A_362, %parallel_loop3A_363], %parallel_loop3A_360 {strides = array<i32>} : memref<16x3072xf32, #tpu.memory_space<vmem>>, vector<16xf32>,
      %parallel_loop3A_365 = tpu.vector_load_idx %arg6[%add3A_194, %parallel_loop3A_341] : memref<16x3584xf32, #tpu.memory_space<vmem>>[vector<16xi32>, vector<16xi32>], vector<16xf32>,
      %parallel_loop3A_366 = tpu.vector_load_idx %arg6[%add3A_194, %parallel_loop3A_344] : memref<16x3584xf32, #tpu.memory_space<vmem>>[vector<16xi32>, vector<16xi32>], vector<16xf32>,
      %parallel_loop3A_367 = arith.subf %parallel_loop3A_366, %parallel_loop3A_365 : vector<16xf32>
      %parallel_loop3A_368 = arith.mulf %parallel_loop3A_346, %parallel_loop3A_367 : vector<16xf32>
      %parallel_loop3A_369 = arith.addf %parallel_loop3A_365, %parallel_loop3A_368 : vector<16xf32>
      %parallel_loop3A_370 = arith.constant 10 : i32
      %parallel_loop3A_371 = arith.index_cast %parallel_loop3A_370 : i32 to index
      %parallel_loop3A_372 = arith.index_cast %parallel_loop3A_334 : i32 to index
      %parallel_loop3A_373 = tpu.vector_load %arg9[%parallel_loop3A_371, %parallel_loop3A_372] {strides = array<i32>} : memref<16x3072xf32, #tpu.memory_space<vmem>>, vector<16xf32>,
      tpu.vector_store %arg9[%parallel_loop3A_371, %parallel_loop3A_372], %parallel_loop3A_369 {strides = array<i32>} : memref<16x3072xf32, #tpu.memory_space<vmem>>, vector<16xf32>,
      %parallel_loop3A_374 = tpu.vector_load_idx %arg6[%add3A_197, %parallel_loop3A_341] : memref<16x3584xf32, #tpu.memory_space<vmem>>[vector<16xi32>, vector<16xi32>], vector<16xf32>,
      %parallel_loop3A_375 = tpu.vector_load_idx %arg6[%add3A_197, %parallel_loop3A_344] : memref<16x3584xf32, #tpu.memory_space<vmem>>[vector<16xi32>, vector<16xi32>], vector<16xf32>,
      %parallel_loop3A_376 = arith.subf %parallel_loop3A_375, %parallel_loop3A_374 : vector<16xf32>
      %parallel_loop3A_377 = arith.mulf %parallel_loop3A_346, %parallel_loop3A_376 : vector<16xf32>
      %parallel_loop3A_378 = arith.addf %parallel_loop3A_374, %parallel_loop3A_377 : vector<16xf32>
      %parallel_loop3A_379 = arith.constant 11 : i32
      %parallel_loop3A_380 = arith.index_cast %parallel_loop3A_379 : i32 to index
      %parallel_loop3A_381 = arith.index_cast %parallel_loop3A_334 : i32 to index
      %parallel_loop3A_382 = tpu.vector_load %arg9[%parallel_loop3A_380, %parallel_loop3A_381] {strides = array<i32>} : memref<16x3072xf32, #tpu.memory_space<vmem>>, vector<16xf32>,
      tpu.vector_store %arg9[%parallel_loop3A_380, %parallel_loop3A_381], %parallel_loop3A_378 {strides = array<i32>} : memref<16x3072xf32, #tpu.memory_space<vmem>>, vector<16xf32>,
      %parallel_loop3A_383 = tpu.vector_load_idx %arg6[%add3A_200, %parallel_loop3A_341] : memref<16x3584xf32, #tpu.memory_space<vmem>>[vector<16xi32>, vector<16xi32>], vector<16xf32>,
      %parallel_loop3A_384 = tpu.vector_load_idx %arg6[%add3A_200, %parallel_loop3A_344] : memref<16x3584xf32, #tpu.memory_space<vmem>>[vector<16xi32>, vector<16xi32>], vector<16xf32>,
      %parallel_loop3A_385 = arith.subf %parallel_loop3A_384, %parallel_loop3A_383 : vector<16xf32>
      %parallel_loop3A_386 = arith.mulf %parallel_loop3A_346, %parallel_loop3A_385 : vector<16xf32>
      %parallel_loop3A_387 = arith.addf %parallel_loop3A_383, %parallel_loop3A_386 : vector<16xf32>
      %parallel_loop3A_388 = arith.constant 12 : i32
      %parallel_loop3A_389 = arith.index_cast %parallel_loop3A_388 : i32 to index
      %parallel_loop3A_390 = arith.index_cast %parallel_loop3A_334 : i32 to index
      %parallel_loop3A_391 = tpu.vector_load %arg9[%parallel_loop3A_389, %parallel_loop3A_390] {strides = array<i32>} : memref<16x3072xf32, #tpu.memory_space<vmem>>, vector<16xf32>,
      tpu.vector_store %arg9[%parallel_loop3A_389, %parallel_loop3A_390], %parallel_loop3A_387 {strides = array<i32>} : memref<16x3072xf32, #tpu.memory_space<vmem>>, vector<16xf32>,
      %parallel_loop3A_392 = tpu.vector_load_idx %arg6[%add3A_203, %parallel_loop3A_341] : memref<16x3584xf32, #tpu.memory_space<vmem>>[vector<16xi32>, vector<16xi32>], vector<16xf32>,
      %parallel_loop3A_393 = tpu.vector_load_idx %arg6[%add3A_203, %parallel_loop3A_344] : memref<16x3584xf32, #tpu.memory_space<vmem>>[vector<16xi32>, vector<16xi32>], vector<16xf32>,
      %parallel_loop3A_394 = arith.subf %parallel_loop3A_393, %parallel_loop3A_392 : vector<16xf32>
      %parallel_loop3A_395 = arith.mulf %parallel_loop3A_346, %parallel_loop3A_394 : vector<16xf32>
      %parallel_loop3A_396 = arith.addf %parallel_loop3A_392, %parallel_loop3A_395 : vector<16xf32>
      %parallel_loop3A_397 = arith.constant 13 : i32
      %parallel_loop3A_398 = arith.index_cast %parallel_loop3A_397 : i32 to index
      %parallel_loop3A_399 = arith.index_cast %parallel_loop3A_334 : i32 to index
      %parallel_loop3A_400 = tpu.vector_load %arg9[%parallel_loop3A_398, %parallel_loop3A_399] {strides = array<i32>} : memref<16x3072xf32, #tpu.memory_space<vmem>>, vector<16xf32>,
      tpu.vector_store %arg9[%parallel_loop3A_398, %parallel_loop3A_399], %parallel_loop3A_396 {strides = array<i32>} : memref<16x3072xf32, #tpu.memory_space<vmem>>, vector<16xf32>,
      %parallel_loop3A_401 = tpu.vector_load_idx %arg6[%add3A_206, %parallel_loop3A_341] : memref<16x3584xf32, #tpu.memory_space<vmem>>[vector<16xi32>, vector<16xi32>], vector<16xf32>,
      %parallel_loop3A_402 = tpu.vector_load_idx %arg6[%add3A_206, %parallel_loop3A_344] : memref<16x3584xf32, #tpu.memory_space<vmem>>[vector<16xi32>, vector<16xi32>], vector<16xf32>,
      %parallel_loop3A_403 = arith.subf %parallel_loop3A_402, %parallel_loop3A_401 : vector<16xf32>
      %parallel_loop3A_404 = arith.mulf %parallel_loop3A_346, %parallel_loop3A_403 : vector<16xf32>
      %parallel_loop3A_405 = arith.addf %parallel_loop3A_401, %parallel_loop3A_404 : vector<16xf32>
      %parallel_loop3A_406 = arith.constant 14 : i32
      %parallel_loop3A_407 = arith.index_cast %parallel_loop3A_406 : i32 to index
      %parallel_loop3A_408 = arith.index_cast %parallel_loop3A_334 : i32 to index
      %parallel_loop3A_409 = tpu.vector_load %arg9[%parallel_loop3A_407, %parallel_loop3A_408] {strides = array<i32>} : memref<16x3072xf32, #tpu.memory_space<vmem>>, vector<16xf32>,
      tpu.vector_store %arg9[%parallel_loop3A_407, %parallel_loop3A_408], %parallel_loop3A_405 {strides = array<i32>} : memref<16x3072xf32, #tpu.memory_space<vmem>>, vector<16xf32>,
      %parallel_loop3A_410 = tpu.vector_load_idx %arg6[%add3A_209, %parallel_loop3A_341] : memref<16x3584xf32, #tpu.memory_space<vmem>>[vector<16xi32>, vector<16xi32>], vector<16xf32>,
      %parallel_loop3A_411 = tpu.vector_load_idx %arg6[%add3A_209, %parallel_loop3A_344] : memref<16x3584xf32, #tpu.memory_space<vmem>>[vector<16xi32>, vector<16xi32>], vector<16xf32>,
      %parallel_loop3A_412 = arith.subf %parallel_loop3A_411, %parallel_loop3A_410 : vector<16xf32>
      %parallel_loop3A_413 = arith.mulf %parallel_loop3A_346, %parallel_loop3A_412 : vector<16xf32>
      %parallel_loop3A_414 = arith.addf %parallel_loop3A_410, %parallel_loop3A_413 : vector<16xf32>
      %parallel_loop3A_415 = arith.constant 15 : i32
      %parallel_loop3A_416 = arith.index_cast %parallel_loop3A_415 : i32 to index
      %parallel_loop3A_417 = arith.index_cast %parallel_loop3A_334 : i32 to index
      %parallel_loop3A_418 = tpu.vector_load %arg9[%parallel_loop3A_416, %parallel_loop3A_417] {strides = array<i32>} : memref<16x3072xf32, #tpu.memory_space<vmem>>, vector<16xf32>,
      tpu.vector_store %arg9[%parallel_loop3A_416, %parallel_loop3A_417], %parallel_loop3A_414 {strides = array<i32>} : memref<16x3072xf32, #tpu.memory_space<vmem>>, vector<16xf32>,
    } {sc.loop_unroll_factor = 1 : i64, sc.parallel_access}
    %dma_start3A_213 = arith.constant 3072 : i32
    %dma_start3A_214 = tpu.memref_slice %arg7[%dma_start3A_213] : memref<6144xi32, #tpu.memory_space<vmem>> -> memref<3072xi32, #tpu.memory_space<vmem>>
    %dma_start3A_215 = arith.constant 9216 : i32
    %dma_start3A_216 = tpu.memref_slice %arg3[%dma_start3A_215] : memref<120448xi32, #tpu.memory_space<hbm>> -> memref<3072xi32, #tpu.memory_space<hbm>>
    %dma_start3A_217 = arith.constant 3072 : i32
    %dma_start3A_218 = tpu.memref_slice %arg7[%dma_start3A_217] : memref<6144xi32, #tpu.memory_space<vmem>> -> memref<3072xi32, #tpu.memory_space<vmem>>
    %dma_start3A_219 = arith.constant 9216 : i32
    %dma_start3A_220 = tpu.memref_slice %arg3[%dma_start3A_219] : memref<120448xi32, #tpu.memory_space<hbm>> -> memref<3072xi32, #tpu.memory_space<hbm>>
    tpu.enqueue_dma source(%dma_start3A_220 : memref<3072xi32, #tpu.memory_space<hbm>>) target(%dma_start3A_218 : memref<3072xi32, #tpu.memory_space<vmem>>) target_semaphore(%arg11 : memref<!tpu.dma_semaphore, #tpu.memory_space<semaphore_mem>>)
    %dma_start3A_221 = arith.constant 3072 : i32
    %dma_start3A_222 = tpu.memref_slice %arg8[%dma_start3A_221] : memref<6144xf32, #tpu.memory_space<vmem>> -> memref<3072xf32, #tpu.memory_space<vmem>>
    %dma_start3A_223 = arith.constant 9216 : i32
    %dma_start3A_224 = tpu.memref_slice %arg4[%dma_start3A_223] : memref<120448xf32, #tpu.memory_space<hbm>> -> memref<3072xf32, #tpu.memory_space<hbm>>
    %dma_start3A_225 = arith.constant 3072 : i32
    %dma_start3A_226 = tpu.memref_slice %arg8[%dma_start3A_225] : memref<6144xf32, #tpu.memory_space<vmem>> -> memref<3072xf32, #tpu.memory_space<vmem>>
    %dma_start3A_227 = arith.constant 9216 : i32
    %dma_start3A_228 = tpu.memref_slice %arg4[%dma_start3A_227] : memref<120448xf32, #tpu.memory_space<hbm>> -> memref<3072xf32, #tpu.memory_space<hbm>>
    tpu.enqueue_dma source(%dma_start3A_228 : memref<3072xf32, #tpu.memory_space<hbm>>) target(%dma_start3A_226 : memref<3072xf32, #tpu.memory_space<vmem>>) target_semaphore(%arg11 : memref<!tpu.dma_semaphore, #tpu.memory_space<semaphore_mem>>)
    %dma_start3A_229 = arith.constant 8 : i32
    %dma_start3A_230 = arith.constant 0 : i32
    %dma_start3A_231 = tpu.memref_slice %arg6[%dma_start3A_229, %dma_start3A_230] : memref<16x3584xf32, #tpu.memory_space<vmem>> -> memref<8x3584xf32, #tpu.memory_space<vmem>>
    %dma_start3A_232 = arith.constant 9984 : i32
    %dma_start3A_233 = tpu.memref_slice %arg2[%mul3A_2, %dma_start3A_232] : memref<256x131072xf32, #tpu.memory_space<hbm>> -> memref<8x3584xf32, #tpu.memory_space<hbm>>
    %dma_start3A_234 = arith.constant 8 : i32
    %dma_start3A_235 = arith.constant 0 : i32
    %dma_start3A_236 = tpu.memref_slice %arg6[%dma_start3A_234, %dma_start3A_235] : memref<16x3584xf32, #tpu.memory_space<vmem>> -> memref<8x3584xf32, #tpu.memory_space<vmem>>
    %dma_start3A_237 = arith.constant 9984 : i32
    %dma_start3A_238 = tpu.memref_slice %arg2[%mul3A_2, %dma_start3A_237] : memref<256x131072xf32, #tpu.memory_space<hbm>> -> memref<8x3584xf32, #tpu.memory_space<hbm>>
    tpu.enqueue_dma source(%dma_start3A_238 : memref<8x3584xf32, #tpu.memory_space<hbm>>) target(%dma_start3A_236 : memref<8x3584xf32, #tpu.memory_space<vmem>>) target_semaphore(%arg11 : memref<!tpu.dma_semaphore, #tpu.memory_space<semaphore_mem>>)
    %dma_start3A_239 = arith.constant 8 : i32
    %dma_start3A_240 = arith.constant 0 : i32
    %dma_start3A_241 = tpu.memref_slice %arg9[%dma_start3A_239, %dma_start3A_240] : memref<16x3072xf32, #tpu.memory_space<vmem>> -> memref<8x3072xf32, #tpu.memory_space<vmem>>
    %dma_start3A_242 = arith.constant 3072 : i32
    %dma_start3A_243 = tpu.memref_slice %arg5[%mul3A_2, %dma_start3A_242] : memref<256x120448xf32, #tpu.memory_space<hbm>> -> memref<8x3072xf32, #tpu.memory_space<hbm>>
    %dma_start3A_244 = arith.constant 3072 : i32
    %dma_start3A_245 = tpu.memref_slice %arg5[%mul3A_2, %dma_start3A_244] : memref<256x120448xf32, #tpu.memory_space<hbm>> -> memref<8x3072xf32, #tpu.memory_space<hbm>>
    %dma_start3A_246 = arith.constant 8 : i32
    %dma_start3A_247 = arith.constant 0 : i32
    %dma_start3A_248 = tpu.memref_slice %arg9[%dma_start3A_246, %dma_start3A_247] : memref<16x3072xf32, #tpu.memory_space<vmem>> -> memref<8x3072xf32, #tpu.memory_space<vmem>>
    tpu.enqueue_dma source(%dma_start3A_248 : memref<8x3072xf32, #tpu.memory_space<vmem>>) target(%dma_start3A_245 : memref<8x3072xf32, #tpu.memory_space<hbm>>) target_semaphore(%arg13 : memref<!tpu.dma_semaphore, #tpu.memory_space<semaphore_mem>>)
    %scan3A = arith.constant 0 : i32
    %scan3A_249 = arith.constant 2 : i32
    %scan3A_250 = arith.constant 37 : i32
    %scan3A_251 = arith.addi %scan3A_249, %scan3A_250 : i32
    %scan3A_252 = arith.constant 1 : i32
    %scan3A_253 = scf.for %scan3A_334 = %scan3A_249 to %scan3A_251 step %scan3A_252 iter_args(%scan3A_335 = %scan3A) -> (i32)  : i32 {
      %jit3A = arith.constant 2 : i32
      %eq3A = arith.constant 0 : i32
      %eq3A_336 = arith.cmpi eq, %jit3A, %eq3A : i32
      %jit3A_337 = arith.constant 1 : i32
      %select_n3A = arith.select %eq3A_336, %jit3A_337, %jit3A : i32
      %rem3A = arith.remsi %scan3A_334, %select_n3A : i32
      %ne3A = arith.constant 0 : i32
      %ne3A_338 = arith.cmpi ne, %rem3A, %ne3A : i32
      %lt3A = arith.constant 0 : i32
      %lt3A_339 = arith.cmpi slt, %rem3A, %lt3A : i32
      %lt3A_340 = arith.constant 0 : i32
      %lt3A_341 = arith.cmpi slt, %select_n3A, %lt3A_340 : i32
      %ne3A_342 = arith.xori %lt3A_339, %lt3A_341 : i1
      %and3A = arith.andi %ne3A_342, %ne3A_338 : i1
      %add3A_343 = arith.addi %rem3A, %select_n3A : i32
      %select_n3A_344 = arith.select %and3A, %add3A_343, %rem3A : i32
      %eq3A_345 = arith.constant 0 : i32
      %eq3A_346 = arith.cmpi eq, %select_n3A_344, %eq3A_345 : i32
      %convert_element_type3A = arith.extui %eq3A_346 : i1 to i32
      %cond3A = arith.constant 0 : i32
      %cond3A_347 = arith.cmpi ne, %convert_element_type3A, %cond3A : i32
      scf.if %cond3A_347 {
        %dma_wait3A_349 = arith.constant 0 : i32
        %dma_wait3A_350 = arith.constant 0 : i32
        %dma_wait3A_351 = tpu.memref_slice %arg9[%dma_wait3A_349, %dma_wait3A_350] : memref<16x3072xf32, #tpu.memory_space<vmem>> -> memref<8x3072xf32, #tpu.memory_space<vmem>>
        %dma_wait3A_352 = arith.constant 0 : i32
        %dma_wait3A_353 = tpu.memref_slice %arg5[%mul3A_2, %dma_wait3A_352] : memref<256x120448xf32, #tpu.memory_space<hbm>> -> memref<8x3072xf32, #tpu.memory_space<hbm>>
        %dma_wait3A_354 = arith.constant 0 : i32
        %dma_wait3A_355 = tpu.memref_slice %arg5[%mul3A_2, %dma_wait3A_354] : memref<256x120448xf32, #tpu.memory_space<hbm>> -> memref<8x3072xf32, #tpu.memory_space<hbm>>
        %dma_wait3A_356 = arith.constant 0 : i32
        %dma_wait3A_357 = arith.constant 0 : i32
        %dma_wait3A_358 = tpu.memref_slice %arg9[%dma_wait3A_356, %dma_wait3A_357] : memref<16x3072xf32, #tpu.memory_space<vmem>> -> memref<8x3072xf32, #tpu.memory_space<vmem>>
        tpu.wait_dma2 semaphore(%arg12 : memref<!tpu.dma_semaphore, #tpu.memory_space<semaphore_mem>>) src(%dma_wait3A_358 : memref<8x3072xf32, #tpu.memory_space<vmem>>) dst(%dma_wait3A_355 : memref<8x3072xf32, #tpu.memory_space<hbm>>)
        %dma_wait3A_359 = arith.constant 0 : i32
        %dma_wait3A_360 = tpu.memref_slice %arg7[%dma_wait3A_359] : memref<6144xi32, #tpu.memory_space<vmem>> -> memref<3072xi32, #tpu.memory_space<vmem>>
        %dma_wait3A_361 = arith.constant 0 : i32
        %dma_wait3A_362 = tpu.memref_slice %arg3[%dma_wait3A_361] : memref<120448xi32, #tpu.memory_space<hbm>> -> memref<3072xi32, #tpu.memory_space<hbm>>
        %dma_wait3A_363 = arith.constant 0 : i32
        %dma_wait3A_364 = tpu.memref_slice %arg7[%dma_wait3A_363] : memref<6144xi32, #tpu.memory_space<vmem>> -> memref<3072xi32, #tpu.memory_space<vmem>>
        %dma_wait3A_365 = arith.constant 0 : i32
        %dma_wait3A_366 = tpu.memref_slice %arg3[%dma_wait3A_365] : memref<120448xi32, #tpu.memory_space<hbm>> -> memref<3072xi32, #tpu.memory_space<hbm>>
        tpu.wait_dma2 semaphore(%arg10 : memref<!tpu.dma_semaphore, #tpu.memory_space<semaphore_mem>>) src(%dma_wait3A_366 : memref<3072xi32, #tpu.memory_space<hbm>>) dst(%dma_wait3A_364 : memref<3072xi32, #tpu.memory_space<vmem>>)
        %dma_wait3A_367 = arith.constant 0 : i32
        %dma_wait3A_368 = tpu.memref_slice %arg8[%dma_wait3A_367] : memref<6144xf32, #tpu.memory_space<vmem>> -> memref<3072xf32, #tpu.memory_space<vmem>>
        %dma_wait3A_369 = arith.constant 0 : i32
        %dma_wait3A_370 = tpu.memref_slice %arg4[%dma_wait3A_369] : memref<120448xf32, #tpu.memory_space<hbm>> -> memref<3072xf32, #tpu.memory_space<hbm>>
        %dma_wait3A_371 = arith.constant 0 : i32
        %dma_wait3A_372 = tpu.memref_slice %arg8[%dma_wait3A_371] : memref<6144xf32, #tpu.memory_space<vmem>> -> memref<3072xf32, #tpu.memory_space<vmem>>
        %dma_wait3A_373 = arith.constant 0 : i32
        %dma_wait3A_374 = tpu.memref_slice %arg4[%dma_wait3A_373] : memref<120448xf32, #tpu.memory_space<hbm>> -> memref<3072xf32, #tpu.memory_space<hbm>>
        tpu.wait_dma2 semaphore(%arg10 : memref<!tpu.dma_semaphore, #tpu.memory_space<semaphore_mem>>) src(%dma_wait3A_374 : memref<3072xf32, #tpu.memory_space<hbm>>) dst(%dma_wait3A_372 : memref<3072xf32, #tpu.memory_space<vmem>>)
        %dma_wait3A_375 = arith.constant 0 : i32
        %dma_wait3A_376 = arith.constant 0 : i32
        %dma_wait3A_377 = tpu.memref_slice %arg6[%dma_wait3A_375, %dma_wait3A_376] : memref<16x3584xf32, #tpu.memory_space<vmem>> -> memref<8x3584xf32, #tpu.memory_space<vmem>>
        %dma_wait3A_378 = arith.constant 0 : i32
        %dma_wait3A_379 = arith.constant 0 : i32
        %dma_wait3A_380 = tpu.memref_slice %arg2[%dma_wait3A_378, %dma_wait3A_379] : memref<256x131072xf32, #tpu.memory_space<hbm>> -> memref<8x3584xf32, #tpu.memory_space<hbm>>
        %dma_wait3A_381 = arith.constant 0 : i32
        %dma_wait3A_382 = arith.constant 0 : i32
        %dma_wait3A_383 = tpu.memref_slice %arg6[%dma_wait3A_381, %dma_wait3A_382] : memref<16x3584xf32, #tpu.memory_space<vmem>> -> memref<8x3584xf32, #tpu.memory_space<vmem>>
        %dma_wait3A_384 = arith.constant 0 : i32
        %dma_wait3A_385 = arith.constant 0 : i32
        %dma_wait3A_386 = tpu.memref_slice %arg2[%dma_wait3A_384, %dma_wait3A_385] : memref<256x131072xf32, #tpu.memory_space<hbm>> -> memref<8x3584xf32, #tpu.memory_space<hbm>>
        tpu.wait_dma2 semaphore(%arg10 : memref<!tpu.dma_semaphore, #tpu.memory_space<semaphore_mem>>) src(%dma_wait3A_386 : memref<8x3584xf32, #tpu.memory_space<hbm>>) dst(%dma_wait3A_383 : memref<8x3584xf32, #tpu.memory_space<vmem>>)
        %mul3A_387 = arith.constant 3072 : i32
        %mul3A_388 = arith.muli %scan3A_334, %mul3A_387 : i32
        %mul3A_389 = arith.constant 10649 : i32
        %mul3A_390 = arith.muli %mul3A_388, %mul3A_389 : i32
        %jit3A_391 = arith.constant 120422 : i32
        %div3A = arith.divsi %mul3A_390, %jit3A_391 : i32
        %sign3A = arith.constant 0 : i32
        %sign3A_392 = arith.cmpi sgt, %mul3A_390, %sign3A : i32
        %sign3A_393 = arith.extui %sign3A_392 : i1 to i32
        %sign3A_394 = arith.constant 0 : i32
        %sign3A_395 = arith.cmpi slt, %mul3A_390, %sign3A_394 : i32
        %sign3A_396 = arith.extui %sign3A_395 : i1 to i32
        %sign3A_397 = arith.subi %sign3A_393, %sign3A_396 : i32
        %sign3A_398 = arith.constant 0 : i32
        %sign3A_399 = arith.cmpi sgt, %jit3A_391, %sign3A_398 : i32
        %sign3A_400 = arith.extui %sign3A_399 : i1 to i32
        %sign3A_401 = arith.constant 0 : i32
        %sign3A_402 = arith.cmpi slt, %jit3A_391, %sign3A_401 : i32
        %sign3A_403 = arith.extui %sign3A_402 : i1 to i32
        %sign3A_404 = arith.subi %sign3A_400, %sign3A_403 : i32
        %ne3A_405 = arith.cmpi ne, %sign3A_397, %sign3A_404 : i32
        %rem3A_406 = arith.remsi %mul3A_390, %jit3A_391 : i32
        %ne3A_407 = arith.constant 0 : i32
        %ne3A_408 = arith.cmpi ne, %rem3A_406, %ne3A_407 : i32
        %and3A_409 = arith.andi %ne3A_405, %ne3A_408 : i1
        %sub3A = arith.constant 1 : i32
        %sub3A_410 = arith.subi %div3A, %sub3A : i32
        %select_n3A_411 = arith.select %and3A_409, %sub3A_410, %div3A : i32
        %add3A_412 = arith.addi %mul3A_388, %select_n3A_411 : i32
        %jit3A_413 = arith.constant 128 : i32
        %div3A_414 = arith.divsi %add3A_412, %jit3A_413 : i32
        %sign3A_415 = arith.constant 0 : i32
        %sign3A_416 = arith.cmpi sgt, %add3A_412, %sign3A_415 : i32
        %sign3A_417 = arith.extui %sign3A_416 : i1 to i32
        %sign3A_418 = arith.constant 0 : i32
        %sign3A_419 = arith.cmpi slt, %add3A_412, %sign3A_418 : i32
        %sign3A_420 = arith.extui %sign3A_419 : i1 to i32
        %sign3A_421 = arith.subi %sign3A_417, %sign3A_420 : i32
        %sign3A_422 = arith.constant 0 : i32
        %sign3A_423 = arith.cmpi sgt, %jit3A_413, %sign3A_422 : i32
        %sign3A_424 = arith.extui %sign3A_423 : i1 to i32
        %sign3A_425 = arith.constant 0 : i32
        %sign3A_426 = arith.cmpi slt, %jit3A_413, %sign3A_425 : i32
        %sign3A_427 = arith.extui %sign3A_426 : i1 to i32
        %sign3A_428 = arith.subi %sign3A_424, %sign3A_427 : i32
        %ne3A_429 = arith.cmpi ne, %sign3A_421, %sign3A_428 : i32
        %rem3A_430 = arith.remsi %add3A_412, %jit3A_413 : i32
        %ne3A_431 = arith.constant 0 : i32
        %ne3A_432 = arith.cmpi ne, %rem3A_430, %ne3A_431 : i32
        %and3A_433 = arith.andi %ne3A_429, %ne3A_432 : i1
        %sub3A_434 = arith.constant 1 : i32
        %sub3A_435 = arith.subi %div3A_414, %sub3A_434 : i32
        %select_n3A_436 = arith.select %and3A_433, %sub3A_435, %div3A_414 : i32
        %mul3A_437 = arith.constant 128 : i32
        %mul3A_438 = arith.muli %select_n3A_436, %mul3A_437 : i32
        %add3A_439 = arith.constant 0 : i32
        %add3A_440 = vector.broadcast %add3A_439 : i32 to vector<16xi32>
        %add3A_441 = arith.addi %broadcast_in_dim3A_3, %add3A_440 : vector<16xi32>
        %add3A_442 = arith.constant 0 : i32
        %add3A_443 = vector.broadcast %add3A_442 : i32 to vector<16xi32>
        %add3A_444 = arith.addi %broadcast_in_dim3A_5, %add3A_443 : vector<16xi32>
        %add3A_445 = arith.constant 0 : i32
        %add3A_446 = vector.broadcast %add3A_445 : i32 to vector<16xi32>
        %add3A_447 = arith.addi %broadcast_in_dim3A_7, %add3A_446 : vector<16xi32>
        %add3A_448 = arith.constant 0 : i32
        %add3A_449 = vector.broadcast %add3A_448 : i32 to vector<16xi32>
        %add3A_450 = arith.addi %broadcast_in_dim3A_9, %add3A_449 : vector<16xi32>
        %add3A_451 = arith.constant 0 : i32
        %add3A_452 = vector.broadcast %add3A_451 : i32 to vector<16xi32>
        %add3A_453 = arith.addi %broadcast_in_dim3A_11, %add3A_452 : vector<16xi32>
        %add3A_454 = arith.constant 0 : i32
        %add3A_455 = vector.broadcast %add3A_454 : i32 to vector<16xi32>
        %add3A_456 = arith.addi %broadcast_in_dim3A_13, %add3A_455 : vector<16xi32>
        %add3A_457 = arith.constant 0 : i32
        %add3A_458 = vector.broadcast %add3A_457 : i32 to vector<16xi32>
        %add3A_459 = arith.addi %broadcast_in_dim3A_15, %add3A_458 : vector<16xi32>
        %add3A_460 = arith.constant 0 : i32
        %add3A_461 = vector.broadcast %add3A_460 : i32 to vector<16xi32>
        %add3A_462 = arith.addi %broadcast_in_dim3A_17, %add3A_461 : vector<16xi32>
        %parallel_loop3A_463 = arith.constant 0 : i32
        %parallel_loop3A_464 = arith.constant 3072 : i32
        %parallel_loop3A_465 = arith.constant 16 : i32
        scf.for %parallel_loop3A_554 = %parallel_loop3A_463 to %parallel_loop3A_464 step %parallel_loop3A_465  : i32 {
          %parallel_loop3A_555 = arith.constant 0 : i32
          %parallel_loop3A_556 = arith.addi %parallel_loop3A_555, %parallel_loop3A_554 : i32
          %parallel_loop3A_557 = arith.index_cast %parallel_loop3A_556 : i32 to index
          %parallel_loop3A_558 = tpu.vector_load %arg7[%parallel_loop3A_557] {strides = array<i32>} : memref<6144xi32, #tpu.memory_space<vmem>>, vector<16xi32>,
          %parallel_loop3A_559 = vector.broadcast %mul3A_438 : i32 to vector<16xi32>
          %parallel_loop3A_560 = arith.subi %parallel_loop3A_558, %parallel_loop3A_559 : vector<16xi32>
          %parallel_loop3A_561 = arith.constant 1 : i32
          %parallel_loop3A_562 = vector.broadcast %parallel_loop3A_561 : i32 to vector<16xi32>
          %parallel_loop3A_563 = arith.addi %parallel_loop3A_560, %parallel_loop3A_562 : vector<16xi32>
          %parallel_loop3A_564 = arith.index_cast %parallel_loop3A_556 : i32 to index
          %parallel_loop3A_565 = tpu.vector_load %arg8[%parallel_loop3A_564] {strides = array<i32>} : memref<6144xf32, #tpu.memory_space<vmem>>, vector<16xf32>,
          %parallel_loop3A_566 = tpu.vector_load_idx %arg6[%add3A_441, %parallel_loop3A_560] : memref<16x3584xf32, #tpu.memory_space<vmem>>[vector<16xi32>, vector<16xi32>], vector<16xf32>,
          %parallel_loop3A_567 = tpu.vector_load_idx %arg6[%add3A_441, %parallel_loop3A_563] : memref<16x3584xf32, #tpu.memory_space<vmem>>[vector<16xi32>, vector<16xi32>], vector<16xf32>,
          %parallel_loop3A_568 = arith.subf %parallel_loop3A_567, %parallel_loop3A_566 : vector<16xf32>
          %parallel_loop3A_569 = arith.mulf %parallel_loop3A_565, %parallel_loop3A_568 : vector<16xf32>
          %parallel_loop3A_570 = arith.addf %parallel_loop3A_566, %parallel_loop3A_569 : vector<16xf32>
          %parallel_loop3A_571 = arith.constant 0 : i32
          %parallel_loop3A_572 = arith.index_cast %parallel_loop3A_571 : i32 to index
          %parallel_loop3A_573 = arith.index_cast %parallel_loop3A_554 : i32 to index
          %parallel_loop3A_574 = tpu.vector_load %arg9[%parallel_loop3A_572, %parallel_loop3A_573] {strides = array<i32>} : memref<16x3072xf32, #tpu.memory_space<vmem>>, vector<16xf32>,
          tpu.vector_store %arg9[%parallel_loop3A_572, %parallel_loop3A_573], %parallel_loop3A_570 {strides = array<i32>} : memref<16x3072xf32, #tpu.memory_space<vmem>>, vector<16xf32>,
          %parallel_loop3A_575 = tpu.vector_load_idx %arg6[%add3A_444, %parallel_loop3A_560] : memref<16x3584xf32, #tpu.memory_space<vmem>>[vector<16xi32>, vector<16xi32>], vector<16xf32>,
          %parallel_loop3A_576 = tpu.vector_load_idx %arg6[%add3A_444, %parallel_loop3A_563] : memref<16x3584xf32, #tpu.memory_space<vmem>>[vector<16xi32>, vector<16xi32>], vector<16xf32>,
          %parallel_loop3A_577 = arith.subf %parallel_loop3A_576, %parallel_loop3A_575 : vector<16xf32>
          %parallel_loop3A_578 = arith.mulf %parallel_loop3A_565, %parallel_loop3A_577 : vector<16xf32>
          %parallel_loop3A_579 = arith.addf %parallel_loop3A_575, %parallel_loop3A_578 : vector<16xf32>
          %parallel_loop3A_580 = arith.constant 1 : i32
          %parallel_loop3A_581 = arith.index_cast %parallel_loop3A_580 : i32 to index
          %parallel_loop3A_582 = arith.index_cast %parallel_loop3A_554 : i32 to index
          %parallel_loop3A_583 = tpu.vector_load %arg9[%parallel_loop3A_581, %parallel_loop3A_582] {strides = array<i32>} : memref<16x3072xf32, #tpu.memory_space<vmem>>, vector<16xf32>,
          tpu.vector_store %arg9[%parallel_loop3A_581, %parallel_loop3A_582], %parallel_loop3A_579 {strides = array<i32>} : memref<16x3072xf32, #tpu.memory_space<vmem>>, vector<16xf32>,
          %parallel_loop3A_584 = tpu.vector_load_idx %arg6[%add3A_447, %parallel_loop3A_560] : memref<16x3584xf32, #tpu.memory_space<vmem>>[vector<16xi32>, vector<16xi32>], vector<16xf32>,
          %parallel_loop3A_585 = tpu.vector_load_idx %arg6[%add3A_447, %parallel_loop3A_563] : memref<16x3584xf32, #tpu.memory_space<vmem>>[vector<16xi32>, vector<16xi32>], vector<16xf32>,
          %parallel_loop3A_586 = arith.subf %parallel_loop3A_585, %parallel_loop3A_584 : vector<16xf32>
          %parallel_loop3A_587 = arith.mulf %parallel_loop3A_565, %parallel_loop3A_586 : vector<16xf32>
          %parallel_loop3A_588 = arith.addf %parallel_loop3A_584, %parallel_loop3A_587 : vector<16xf32>
          %parallel_loop3A_589 = arith.constant 2 : i32
          %parallel_loop3A_590 = arith.index_cast %parallel_loop3A_589 : i32 to index
          %parallel_loop3A_591 = arith.index_cast %parallel_loop3A_554 : i32 to index
          %parallel_loop3A_592 = tpu.vector_load %arg9[%parallel_loop3A_590, %parallel_loop3A_591] {strides = array<i32>} : memref<16x3072xf32, #tpu.memory_space<vmem>>, vector<16xf32>,
          tpu.vector_store %arg9[%parallel_loop3A_590, %parallel_loop3A_591], %parallel_loop3A_588 {strides = array<i32>} : memref<16x3072xf32, #tpu.memory_space<vmem>>, vector<16xf32>,
          %parallel_loop3A_593 = tpu.vector_load_idx %arg6[%add3A_450, %parallel_loop3A_560] : memref<16x3584xf32, #tpu.memory_space<vmem>>[vector<16xi32>, vector<16xi32>], vector<16xf32>,
          %parallel_loop3A_594 = tpu.vector_load_idx %arg6[%add3A_450, %parallel_loop3A_563] : memref<16x3584xf32, #tpu.memory_space<vmem>>[vector<16xi32>, vector<16xi32>], vector<16xf32>,
          %parallel_loop3A_595 = arith.subf %parallel_loop3A_594, %parallel_loop3A_593 : vector<16xf32>
          %parallel_loop3A_596 = arith.mulf %parallel_loop3A_565, %parallel_loop3A_595 : vector<16xf32>
          %parallel_loop3A_597 = arith.addf %parallel_loop3A_593, %parallel_loop3A_596 : vector<16xf32>
          %parallel_loop3A_598 = arith.constant 3 : i32
          %parallel_loop3A_599 = arith.index_cast %parallel_loop3A_598 : i32 to index
          %parallel_loop3A_600 = arith.index_cast %parallel_loop3A_554 : i32 to index
          %parallel_loop3A_601 = tpu.vector_load %arg9[%parallel_loop3A_599, %parallel_loop3A_600] {strides = array<i32>} : memref<16x3072xf32, #tpu.memory_space<vmem>>, vector<16xf32>,
          tpu.vector_store %arg9[%parallel_loop3A_599, %parallel_loop3A_600], %parallel_loop3A_597 {strides = array<i32>} : memref<16x3072xf32, #tpu.memory_space<vmem>>, vector<16xf32>,
          %parallel_loop3A_602 = tpu.vector_load_idx %arg6[%add3A_453, %parallel_loop3A_560] : memref<16x3584xf32, #tpu.memory_space<vmem>>[vector<16xi32>, vector<16xi32>], vector<16xf32>,
          %parallel_loop3A_603 = tpu.vector_load_idx %arg6[%add3A_453, %parallel_loop3A_563] : memref<16x3584xf32, #tpu.memory_space<vmem>>[vector<16xi32>, vector<16xi32>], vector<16xf32>,
          %parallel_loop3A_604 = arith.subf %parallel_loop3A_603, %parallel_loop3A_602 : vector<16xf32>
          %parallel_loop3A_605 = arith.mulf %parallel_loop3A_565, %parallel_loop3A_604 : vector<16xf32>
          %parallel_loop3A_606 = arith.addf %parallel_loop3A_602, %parallel_loop3A_605 : vector<16xf32>
          %parallel_loop3A_607 = arith.constant 4 : i32
          %parallel_loop3A_608 = arith.index_cast %parallel_loop3A_607 : i32 to index
          %parallel_loop3A_609 = arith.index_cast %parallel_loop3A_554 : i32 to index
          %parallel_loop3A_610 = tpu.vector_load %arg9[%parallel_loop3A_608, %parallel_loop3A_609] {strides = array<i32>} : memref<16x3072xf32, #tpu.memory_space<vmem>>, vector<16xf32>,
          tpu.vector_store %arg9[%parallel_loop3A_608, %parallel_loop3A_609], %parallel_loop3A_606 {strides = array<i32>} : memref<16x3072xf32, #tpu.memory_space<vmem>>, vector<16xf32>,
          %parallel_loop3A_611 = tpu.vector_load_idx %arg6[%add3A_456, %parallel_loop3A_560] : memref<16x3584xf32, #tpu.memory_space<vmem>>[vector<16xi32>, vector<16xi32>], vector<16xf32>,
          %parallel_loop3A_612 = tpu.vector_load_idx %arg6[%add3A_456, %parallel_loop3A_563] : memref<16x3584xf32, #tpu.memory_space<vmem>>[vector<16xi32>, vector<16xi32>], vector<16xf32>,
          %parallel_loop3A_613 = arith.subf %parallel_loop3A_612, %parallel_loop3A_611 : vector<16xf32>
          %parallel_loop3A_614 = arith.mulf %parallel_loop3A_565, %parallel_loop3A_613 : vector<16xf32>
          %parallel_loop3A_615 = arith.addf %parallel_loop3A_611, %parallel_loop3A_614 : vector<16xf32>
          %parallel_loop3A_616 = arith.constant 5 : i32
          %parallel_loop3A_617 = arith.index_cast %parallel_loop3A_616 : i32 to index
          %parallel_loop3A_618 = arith.index_cast %parallel_loop3A_554 : i32 to index
          %parallel_loop3A_619 = tpu.vector_load %arg9[%parallel_loop3A_617, %parallel_loop3A_618] {strides = array<i32>} : memref<16x3072xf32, #tpu.memory_space<vmem>>, vector<16xf32>,
          tpu.vector_store %arg9[%parallel_loop3A_617, %parallel_loop3A_618], %parallel_loop3A_615 {strides = array<i32>} : memref<16x3072xf32, #tpu.memory_space<vmem>>, vector<16xf32>,
          %parallel_loop3A_620 = tpu.vector_load_idx %arg6[%add3A_459, %parallel_loop3A_560] : memref<16x3584xf32, #tpu.memory_space<vmem>>[vector<16xi32>, vector<16xi32>], vector<16xf32>,
          %parallel_loop3A_621 = tpu.vector_load_idx %arg6[%add3A_459, %parallel_loop3A_563] : memref<16x3584xf32, #tpu.memory_space<vmem>>[vector<16xi32>, vector<16xi32>], vector<16xf32>,
          %parallel_loop3A_622 = arith.subf %parallel_loop3A_621, %parallel_loop3A_620 : vector<16xf32>
          %parallel_loop3A_623 = arith.mulf %parallel_loop3A_565, %parallel_loop3A_622 : vector<16xf32>
          %parallel_loop3A_624 = arith.addf %parallel_loop3A_620, %parallel_loop3A_623 : vector<16xf32>
          %parallel_loop3A_625 = arith.constant 6 : i32
          %parallel_loop3A_626 = arith.index_cast %parallel_loop3A_625 : i32 to index
          %parallel_loop3A_627 = arith.index_cast %parallel_loop3A_554 : i32 to index
          %parallel_loop3A_628 = tpu.vector_load %arg9[%parallel_loop3A_626, %parallel_loop3A_627] {strides = array<i32>} : memref<16x3072xf32, #tpu.memory_space<vmem>>, vector<16xf32>,
          tpu.vector_store %arg9[%parallel_loop3A_626, %parallel_loop3A_627], %parallel_loop3A_624 {strides = array<i32>} : memref<16x3072xf32, #tpu.memory_space<vmem>>, vector<16xf32>,
          %parallel_loop3A_629 = tpu.vector_load_idx %arg6[%add3A_462, %parallel_loop3A_560] : memref<16x3584xf32, #tpu.memory_space<vmem>>[vector<16xi32>, vector<16xi32>], vector<16xf32>,
          %parallel_loop3A_630 = tpu.vector_load_idx %arg6[%add3A_462, %parallel_loop3A_563] : memref<16x3584xf32, #tpu.memory_space<vmem>>[vector<16xi32>, vector<16xi32>], vector<16xf32>,
          %parallel_loop3A_631 = arith.subf %parallel_loop3A_630, %parallel_loop3A_629 : vector<16xf32>
          %parallel_loop3A_632 = arith.mulf %parallel_loop3A_565, %parallel_loop3A_631 : vector<16xf32>
          %parallel_loop3A_633 = arith.addf %parallel_loop3A_629, %parallel_loop3A_632 : vector<16xf32>
          %parallel_loop3A_634 = arith.constant 7 : i32
          %parallel_loop3A_635 = arith.index_cast %parallel_loop3A_634 : i32 to index
          %parallel_loop3A_636 = arith.index_cast %parallel_loop3A_554 : i32 to index
          %parallel_loop3A_637 = tpu.vector_load %arg9[%parallel_loop3A_635, %parallel_loop3A_636] {strides = array<i32>} : memref<16x3072xf32, #tpu.memory_space<vmem>>, vector<16xf32>,
          tpu.vector_store %arg9[%parallel_loop3A_635, %parallel_loop3A_636], %parallel_loop3A_633 {strides = array<i32>} : memref<16x3072xf32, #tpu.memory_space<vmem>>, vector<16xf32>,
        } {sc.loop_unroll_factor = 1 : i64, sc.parallel_access}
        %add3A_466 = arith.constant 2 : i32
        %add3A_467 = arith.addi %scan3A_334, %add3A_466 : i32
        %min3A = arith.constant 38 : i32
        %min3A_468 = arith.minsi %add3A_467, %min3A : i32
        %mul3A_469 = arith.constant 3072 : i32
        %mul3A_470 = arith.muli %min3A_468, %mul3A_469 : i32
        %mul3A_471 = arith.constant 10649 : i32
        %mul3A_472 = arith.muli %mul3A_470, %mul3A_471 : i32
        %jit3A_473 = arith.constant 120422 : i32
        %div3A_474 = arith.divsi %mul3A_472, %jit3A_473 : i32
        %sign3A_475 = arith.constant 0 : i32
        %sign3A_476 = arith.cmpi sgt, %mul3A_472, %sign3A_475 : i32
        %sign3A_477 = arith.extui %sign3A_476 : i1 to i32
        %sign3A_478 = arith.constant 0 : i32
        %sign3A_479 = arith.cmpi slt, %mul3A_472, %sign3A_478 : i32
        %sign3A_480 = arith.extui %sign3A_479 : i1 to i32
        %sign3A_481 = arith.subi %sign3A_477, %sign3A_480 : i32
        %sign3A_482 = arith.constant 0 : i32
        %sign3A_483 = arith.cmpi sgt, %jit3A_473, %sign3A_482 : i32
        %sign3A_484 = arith.extui %sign3A_483 : i1 to i32
        %sign3A_485 = arith.constant 0 : i32
        %sign3A_486 = arith.cmpi slt, %jit3A_473, %sign3A_485 : i32
        %sign3A_487 = arith.extui %sign3A_486 : i1 to i32
        %sign3A_488 = arith.subi %sign3A_484, %sign3A_487 : i32
        %ne3A_489 = arith.cmpi ne, %sign3A_481, %sign3A_488 : i32
        %rem3A_490 = arith.remsi %mul3A_472, %jit3A_473 : i32
        %ne3A_491 = arith.constant 0 : i32
        %ne3A_492 = arith.cmpi ne, %rem3A_490, %ne3A_491 : i32
        %and3A_493 = arith.andi %ne3A_489, %ne3A_492 : i1
        %sub3A_494 = arith.constant 1 : i32
        %sub3A_495 = arith.subi %div3A_474, %sub3A_494 : i32
        %select_n3A_496 = arith.select %and3A_493, %sub3A_495, %div3A_474 : i32
        %add3A_497 = arith.addi %mul3A_470, %select_n3A_496 : i32
        %jit3A_498 = arith.constant 128 : i32
        %div3A_499 = arith.divsi %add3A_497, %jit3A_498 : i32
        %sign3A_500 = arith.constant 0 : i32
        %sign3A_501 = arith.cmpi sgt, %add3A_497, %sign3A_500 : i32
        %sign3A_502 = arith.extui %sign3A_501 : i1 to i32
        %sign3A_503 = arith.constant 0 : i32
        %sign3A_504 = arith.cmpi slt, %add3A_497, %sign3A_503 : i32
        %sign3A_505 = arith.extui %sign3A_504 : i1 to i32
        %sign3A_506 = arith.subi %sign3A_502, %sign3A_505 : i32
        %sign3A_507 = arith.constant 0 : i32
        %sign3A_508 = arith.cmpi sgt, %jit3A_498, %sign3A_507 : i32
        %sign3A_509 = arith.extui %sign3A_508 : i1 to i32
        %sign3A_510 = arith.constant 0 : i32
        %sign3A_511 = arith.cmpi slt, %jit3A_498, %sign3A_510 : i32
        %sign3A_512 = arith.extui %sign3A_511 : i1 to i32
        %sign3A_513 = arith.subi %sign3A_509, %sign3A_512 : i32
        %ne3A_514 = arith.cmpi ne, %sign3A_506, %sign3A_513 : i32
        %rem3A_515 = arith.remsi %add3A_497, %jit3A_498 : i32
        %ne3A_516 = arith.constant 0 : i32
        %ne3A_517 = arith.cmpi ne, %rem3A_515, %ne3A_516 : i32
        %and3A_518 = arith.andi %ne3A_514, %ne3A_517 : i1
        %sub3A_519 = arith.constant 1 : i32
        %sub3A_520 = arith.subi %div3A_499, %sub3A_519 : i32
        %select_n3A_521 = arith.select %and3A_518, %sub3A_520, %div3A_499 : i32
        %mul3A_522 = arith.constant 128 : i32
        %mul3A_523 = arith.muli %select_n3A_521, %mul3A_522 : i32
        %dma_start3A_524 = arith.constant 0 : i32
        %dma_start3A_525 = tpu.memref_slice %arg7[%dma_start3A_524] : memref<6144xi32, #tpu.memory_space<vmem>> -> memref<3072xi32, #tpu.memory_space<vmem>>
        %dma_start3A_526 = tpu.memref_slice %arg3[%mul3A_470] : memref<120448xi32, #tpu.memory_space<hbm>> -> memref<3072xi32, #tpu.memory_space<hbm>>
        %dma_start3A_527 = arith.constant 0 : i32
        %dma_start3A_528 = tpu.memref_slice %arg7[%dma_start3A_527] : memref<6144xi32, #tpu.memory_space<vmem>> -> memref<3072xi32, #tpu.memory_space<vmem>>
        %dma_start3A_529 = tpu.memref_slice %arg3[%mul3A_470] : memref<120448xi32, #tpu.memory_space<hbm>> -> memref<3072xi32, #tpu.memory_space<hbm>>
        tpu.enqueue_dma source(%dma_start3A_529 : memref<3072xi32, #tpu.memory_space<hbm>>) target(%dma_start3A_528 : memref<3072xi32, #tpu.memory_space<vmem>>) target_semaphore(%arg10 : memref<!tpu.dma_semaphore, #tpu.memory_space<semaphore_mem>>)
        %dma_start3A_530 = arith.constant 0 : i32
        %dma_start3A_531 = tpu.memref_slice %arg8[%dma_start3A_530] : memref<6144xf32, #tpu.memory_space<vmem>> -> memref<3072xf32, #tpu.memory_space<vmem>>
        %dma_start3A_532 = tpu.memref_slice %arg4[%mul3A_470] : memref<120448xf32, #tpu.memory_space<hbm>> -> memref<3072xf32, #tpu.memory_space<hbm>>
        %dma_start3A_533 = arith.constant 0 : i32
        %dma_start3A_534 = tpu.memref_slice %arg8[%dma_start3A_533] : memref<6144xf32, #tpu.memory_space<vmem>> -> memref<3072xf32, #tpu.memory_space<vmem>>
        %dma_start3A_535 = tpu.memref_slice %arg4[%mul3A_470] : memref<120448xf32, #tpu.memory_space<hbm>> -> memref<3072xf32, #tpu.memory_space<hbm>>
        tpu.enqueue_dma source(%dma_start3A_535 : memref<3072xf32, #tpu.memory_space<hbm>>) target(%dma_start3A_534 : memref<3072xf32, #tpu.memory_space<vmem>>) target_semaphore(%arg10 : memref<!tpu.dma_semaphore, #tpu.memory_space<semaphore_mem>>)
        %dma_start3A_536 = arith.constant 0 : i32
        %dma_start3A_537 = arith.constant 0 : i32
        %dma_start3A_538 = tpu.memref_slice %arg6[%dma_start3A_536, %dma_start3A_537] : memref<16x3584xf32, #tpu.memory_space<vmem>> -> memref<8x3584xf32, #tpu.memory_space<vmem>>
        %dma_start3A_539 = tpu.memref_slice %arg2[%mul3A_2, %mul3A_523] : memref<256x131072xf32, #tpu.memory_space<hbm>> -> memref<8x3584xf32, #tpu.memory_space<hbm>>
        %dma_start3A_540 = arith.constant 0 : i32
        %dma_start3A_541 = arith.constant 0 : i32
        %dma_start3A_542 = tpu.memref_slice %arg6[%dma_start3A_540, %dma_start3A_541] : memref<16x3584xf32, #tpu.memory_space<vmem>> -> memref<8x3584xf32, #tpu.memory_space<vmem>>
        %dma_start3A_543 = tpu.memref_slice %arg2[%mul3A_2, %mul3A_523] : memref<256x131072xf32, #tpu.memory_space<hbm>> -> memref<8x3584xf32, #tpu.memory_space<hbm>>
        tpu.enqueue_dma source(%dma_start3A_543 : memref<8x3584xf32, #tpu.memory_space<hbm>>) target(%dma_start3A_542 : memref<8x3584xf32, #tpu.memory_space<vmem>>) target_semaphore(%arg10 : memref<!tpu.dma_semaphore, #tpu.memory_space<semaphore_mem>>)
        %mul3A_544 = arith.constant 3072 : i32
        %mul3A_545 = arith.muli %scan3A_334, %mul3A_544 : i32
        %dma_start3A_546 = arith.constant 0 : i32
        %dma_start3A_547 = arith.constant 0 : i32
        %dma_start3A_548 = tpu.memref_slice %arg9[%dma_start3A_546, %dma_start3A_547] : memref<16x3072xf32, #tpu.memory_space<vmem>> -> memref<8x3072xf32, #tpu.memory_space<vmem>>
        %dma_start3A_549 = tpu.memref_slice %arg5[%mul3A_2, %mul3A_545] : memref<256x120448xf32, #tpu.memory_space<hbm>> -> memref<8x3072xf32, #tpu.memory_space<hbm>>
        %dma_start3A_550 = tpu.memref_slice %arg5[%mul3A_2, %mul3A_545] : memref<256x120448xf32, #tpu.memory_space<hbm>> -> memref<8x3072xf32, #tpu.memory_space<hbm>>
        %dma_start3A_551 = arith.constant 0 : i32
        %dma_start3A_552 = arith.constant 0 : i32
        %dma_start3A_553 = tpu.memref_slice %arg9[%dma_start3A_551, %dma_start3A_552] : memref<16x3072xf32, #tpu.memory_space<vmem>> -> memref<8x3072xf32, #tpu.memory_space<vmem>>
        tpu.enqueue_dma source(%dma_start3A_553 : memref<8x3072xf32, #tpu.memory_space<vmem>>) target(%dma_start3A_550 : memref<8x3072xf32, #tpu.memory_space<hbm>>) target_semaphore(%arg12 : memref<!tpu.dma_semaphore, #tpu.memory_space<semaphore_mem>>)
      } else {
        %dma_wait3A_349 = arith.constant 8 : i32
        %dma_wait3A_350 = arith.constant 0 : i32
        %dma_wait3A_351 = tpu.memref_slice %arg9[%dma_wait3A_349, %dma_wait3A_350] : memref<16x3072xf32, #tpu.memory_space<vmem>> -> memref<8x3072xf32, #tpu.memory_space<vmem>>
        %dma_wait3A_352 = arith.constant 0 : i32
        %dma_wait3A_353 = tpu.memref_slice %arg5[%mul3A_2, %dma_wait3A_352] : memref<256x120448xf32, #tpu.memory_space<hbm>> -> memref<8x3072xf32, #tpu.memory_space<hbm>>
        %dma_wait3A_354 = arith.constant 0 : i32
        %dma_wait3A_355 = tpu.memref_slice %arg5[%mul3A_2, %dma_wait3A_354] : memref<256x120448xf32, #tpu.memory_space<hbm>> -> memref<8x3072xf32, #tpu.memory_space<hbm>>
        %dma_wait3A_356 = arith.constant 8 : i32
        %dma_wait3A_357 = arith.constant 0 : i32
        %dma_wait3A_358 = tpu.memref_slice %arg9[%dma_wait3A_356, %dma_wait3A_357] : memref<16x3072xf32, #tpu.memory_space<vmem>> -> memref<8x3072xf32, #tpu.memory_space<vmem>>
        tpu.wait_dma2 semaphore(%arg13 : memref<!tpu.dma_semaphore, #tpu.memory_space<semaphore_mem>>) src(%dma_wait3A_358 : memref<8x3072xf32, #tpu.memory_space<vmem>>) dst(%dma_wait3A_355 : memref<8x3072xf32, #tpu.memory_space<hbm>>)
        %dma_wait3A_359 = arith.constant 3072 : i32
        %dma_wait3A_360 = tpu.memref_slice %arg7[%dma_wait3A_359] : memref<6144xi32, #tpu.memory_space<vmem>> -> memref<3072xi32, #tpu.memory_space<vmem>>
        %dma_wait3A_361 = arith.constant 0 : i32
        %dma_wait3A_362 = tpu.memref_slice %arg3[%dma_wait3A_361] : memref<120448xi32, #tpu.memory_space<hbm>> -> memref<3072xi32, #tpu.memory_space<hbm>>
        %dma_wait3A_363 = arith.constant 3072 : i32
        %dma_wait3A_364 = tpu.memref_slice %arg7[%dma_wait3A_363] : memref<6144xi32, #tpu.memory_space<vmem>> -> memref<3072xi32, #tpu.memory_space<vmem>>
        %dma_wait3A_365 = arith.constant 0 : i32
        %dma_wait3A_366 = tpu.memref_slice %arg3[%dma_wait3A_365] : memref<120448xi32, #tpu.memory_space<hbm>> -> memref<3072xi32, #tpu.memory_space<hbm>>
        tpu.wait_dma2 semaphore(%arg11 : memref<!tpu.dma_semaphore, #tpu.memory_space<semaphore_mem>>) src(%dma_wait3A_366 : memref<3072xi32, #tpu.memory_space<hbm>>) dst(%dma_wait3A_364 : memref<3072xi32, #tpu.memory_space<vmem>>)
        %dma_wait3A_367 = arith.constant 3072 : i32
        %dma_wait3A_368 = tpu.memref_slice %arg8[%dma_wait3A_367] : memref<6144xf32, #tpu.memory_space<vmem>> -> memref<3072xf32, #tpu.memory_space<vmem>>
        %dma_wait3A_369 = arith.constant 0 : i32
        %dma_wait3A_370 = tpu.memref_slice %arg4[%dma_wait3A_369] : memref<120448xf32, #tpu.memory_space<hbm>> -> memref<3072xf32, #tpu.memory_space<hbm>>
        %dma_wait3A_371 = arith.constant 3072 : i32
        %dma_wait3A_372 = tpu.memref_slice %arg8[%dma_wait3A_371] : memref<6144xf32, #tpu.memory_space<vmem>> -> memref<3072xf32, #tpu.memory_space<vmem>>
        %dma_wait3A_373 = arith.constant 0 : i32
        %dma_wait3A_374 = tpu.memref_slice %arg4[%dma_wait3A_373] : memref<120448xf32, #tpu.memory_space<hbm>> -> memref<3072xf32, #tpu.memory_space<hbm>>
        tpu.wait_dma2 semaphore(%arg11 : memref<!tpu.dma_semaphore, #tpu.memory_space<semaphore_mem>>) src(%dma_wait3A_374 : memref<3072xf32, #tpu.memory_space<hbm>>) dst(%dma_wait3A_372 : memref<3072xf32, #tpu.memory_space<vmem>>)
        %dma_wait3A_375 = arith.constant 8 : i32
        %dma_wait3A_376 = arith.constant 0 : i32
        %dma_wait3A_377 = tpu.memref_slice %arg6[%dma_wait3A_375, %dma_wait3A_376] : memref<16x3584xf32, #tpu.memory_space<vmem>> -> memref<8x3584xf32, #tpu.memory_space<vmem>>
        %dma_wait3A_378 = arith.constant 0 : i32
        %dma_wait3A_379 = arith.constant 0 : i32
        %dma_wait3A_380 = tpu.memref_slice %arg2[%dma_wait3A_378, %dma_wait3A_379] : memref<256x131072xf32, #tpu.memory_space<hbm>> -> memref<8x3584xf32, #tpu.memory_space<hbm>>
        %dma_wait3A_381 = arith.constant 8 : i32
        %dma_wait3A_382 = arith.constant 0 : i32
        %dma_wait3A_383 = tpu.memref_slice %arg6[%dma_wait3A_381, %dma_wait3A_382] : memref<16x3584xf32, #tpu.memory_space<vmem>> -> memref<8x3584xf32, #tpu.memory_space<vmem>>
        %dma_wait3A_384 = arith.constant 0 : i32
        %dma_wait3A_385 = arith.constant 0 : i32
        %dma_wait3A_386 = tpu.memref_slice %arg2[%dma_wait3A_384, %dma_wait3A_385] : memref<256x131072xf32, #tpu.memory_space<hbm>> -> memref<8x3584xf32, #tpu.memory_space<hbm>>
        tpu.wait_dma2 semaphore(%arg11 : memref<!tpu.dma_semaphore, #tpu.memory_space<semaphore_mem>>) src(%dma_wait3A_386 : memref<8x3584xf32, #tpu.memory_space<hbm>>) dst(%dma_wait3A_383 : memref<8x3584xf32, #tpu.memory_space<vmem>>)
        %mul3A_387 = arith.constant 3072 : i32
        %mul3A_388 = arith.muli %scan3A_334, %mul3A_387 : i32
        %mul3A_389 = arith.constant 10649 : i32
        %mul3A_390 = arith.muli %mul3A_388, %mul3A_389 : i32
        %jit3A_391 = arith.constant 120422 : i32
        %div3A = arith.divsi %mul3A_390, %jit3A_391 : i32
        %sign3A = arith.constant 0 : i32
        %sign3A_392 = arith.cmpi sgt, %mul3A_390, %sign3A : i32
        %sign3A_393 = arith.extui %sign3A_392 : i1 to i32
        %sign3A_394 = arith.constant 0 : i32
        %sign3A_395 = arith.cmpi slt, %mul3A_390, %sign3A_394 : i32
        %sign3A_396 = arith.extui %sign3A_395 : i1 to i32
        %sign3A_397 = arith.subi %sign3A_393, %sign3A_396 : i32
        %sign3A_398 = arith.constant 0 : i32
        %sign3A_399 = arith.cmpi sgt, %jit3A_391, %sign3A_398 : i32
        %sign3A_400 = arith.extui %sign3A_399 : i1 to i32
        %sign3A_401 = arith.constant 0 : i32
        %sign3A_402 = arith.cmpi slt, %jit3A_391, %sign3A_401 : i32
        %sign3A_403 = arith.extui %sign3A_402 : i1 to i32
        %sign3A_404 = arith.subi %sign3A_400, %sign3A_403 : i32
        %ne3A_405 = arith.cmpi ne, %sign3A_397, %sign3A_404 : i32
        %rem3A_406 = arith.remsi %mul3A_390, %jit3A_391 : i32
        %ne3A_407 = arith.constant 0 : i32
        %ne3A_408 = arith.cmpi ne, %rem3A_406, %ne3A_407 : i32
        %and3A_409 = arith.andi %ne3A_405, %ne3A_408 : i1
        %sub3A = arith.constant 1 : i32
        %sub3A_410 = arith.subi %div3A, %sub3A : i32
        %select_n3A_411 = arith.select %and3A_409, %sub3A_410, %div3A : i32
        %add3A_412 = arith.addi %mul3A_388, %select_n3A_411 : i32
        %jit3A_413 = arith.constant 128 : i32
        %div3A_414 = arith.divsi %add3A_412, %jit3A_413 : i32
        %sign3A_415 = arith.constant 0 : i32
        %sign3A_416 = arith.cmpi sgt, %add3A_412, %sign3A_415 : i32
        %sign3A_417 = arith.extui %sign3A_416 : i1 to i32
        %sign3A_418 = arith.constant 0 : i32
        %sign3A_419 = arith.cmpi slt, %add3A_412, %sign3A_418 : i32
        %sign3A_420 = arith.extui %sign3A_419 : i1 to i32
        %sign3A_421 = arith.subi %sign3A_417, %sign3A_420 : i32
        %sign3A_422 = arith.constant 0 : i32
        %sign3A_423 = arith.cmpi sgt, %jit3A_413, %sign3A_422 : i32
        %sign3A_424 = arith.extui %sign3A_423 : i1 to i32
        %sign3A_425 = arith.constant 0 : i32
        %sign3A_426 = arith.cmpi slt, %jit3A_413, %sign3A_425 : i32
        %sign3A_427 = arith.extui %sign3A_426 : i1 to i32
        %sign3A_428 = arith.subi %sign3A_424, %sign3A_427 : i32
        %ne3A_429 = arith.cmpi ne, %sign3A_421, %sign3A_428 : i32
        %rem3A_430 = arith.remsi %add3A_412, %jit3A_413 : i32
        %ne3A_431 = arith.constant 0 : i32
        %ne3A_432 = arith.cmpi ne, %rem3A_430, %ne3A_431 : i32
        %and3A_433 = arith.andi %ne3A_429, %ne3A_432 : i1
        %sub3A_434 = arith.constant 1 : i32
        %sub3A_435 = arith.subi %div3A_414, %sub3A_434 : i32
        %select_n3A_436 = arith.select %and3A_433, %sub3A_435, %div3A_414 : i32
        %mul3A_437 = arith.constant 128 : i32
        %mul3A_438 = arith.muli %select_n3A_436, %mul3A_437 : i32
        %add3A_439 = arith.constant 8 : i32
        %add3A_440 = vector.broadcast %add3A_439 : i32 to vector<16xi32>
        %add3A_441 = arith.addi %broadcast_in_dim3A_3, %add3A_440 : vector<16xi32>
        %add3A_442 = arith.constant 8 : i32
        %add3A_443 = vector.broadcast %add3A_442 : i32 to vector<16xi32>
        %add3A_444 = arith.addi %broadcast_in_dim3A_5, %add3A_443 : vector<16xi32>
        %add3A_445 = arith.constant 8 : i32
        %add3A_446 = vector.broadcast %add3A_445 : i32 to vector<16xi32>
        %add3A_447 = arith.addi %broadcast_in_dim3A_7, %add3A_446 : vector<16xi32>
        %add3A_448 = arith.constant 8 : i32
        %add3A_449 = vector.broadcast %add3A_448 : i32 to vector<16xi32>
        %add3A_450 = arith.addi %broadcast_in_dim3A_9, %add3A_449 : vector<16xi32>
        %add3A_451 = arith.constant 8 : i32
        %add3A_452 = vector.broadcast %add3A_451 : i32 to vector<16xi32>
        %add3A_453 = arith.addi %broadcast_in_dim3A_11, %add3A_452 : vector<16xi32>
        %add3A_454 = arith.constant 8 : i32
        %add3A_455 = vector.broadcast %add3A_454 : i32 to vector<16xi32>
        %add3A_456 = arith.addi %broadcast_in_dim3A_13, %add3A_455 : vector<16xi32>
        %add3A_457 = arith.constant 8 : i32
        %add3A_458 = vector.broadcast %add3A_457 : i32 to vector<16xi32>
        %add3A_459 = arith.addi %broadcast_in_dim3A_15, %add3A_458 : vector<16xi32>
        %add3A_460 = arith.constant 8 : i32
        %add3A_461 = vector.broadcast %add3A_460 : i32 to vector<16xi32>
        %add3A_462 = arith.addi %broadcast_in_dim3A_17, %add3A_461 : vector<16xi32>
        %parallel_loop3A_463 = arith.constant 0 : i32
        %parallel_loop3A_464 = arith.constant 3072 : i32
        %parallel_loop3A_465 = arith.constant 16 : i32
        scf.for %parallel_loop3A_554 = %parallel_loop3A_463 to %parallel_loop3A_464 step %parallel_loop3A_465  : i32 {
          %parallel_loop3A_555 = arith.constant 3072 : i32
          %parallel_loop3A_556 = arith.addi %parallel_loop3A_555, %parallel_loop3A_554 : i32
          %parallel_loop3A_557 = arith.index_cast %parallel_loop3A_556 : i32 to index
          %parallel_loop3A_558 = tpu.vector_load %arg7[%parallel_loop3A_557] {strides = array<i32>} : memref<6144xi32, #tpu.memory_space<vmem>>, vector<16xi32>,
          %parallel_loop3A_559 = vector.broadcast %mul3A_438 : i32 to vector<16xi32>
          %parallel_loop3A_560 = arith.subi %parallel_loop3A_558, %parallel_loop3A_559 : vector<16xi32>
          %parallel_loop3A_561 = arith.constant 1 : i32
          %parallel_loop3A_562 = vector.broadcast %parallel_loop3A_561 : i32 to vector<16xi32>
          %parallel_loop3A_563 = arith.addi %parallel_loop3A_560, %parallel_loop3A_562 : vector<16xi32>
          %parallel_loop3A_564 = arith.index_cast %parallel_loop3A_556 : i32 to index
          %parallel_loop3A_565 = tpu.vector_load %arg8[%parallel_loop3A_564] {strides = array<i32>} : memref<6144xf32, #tpu.memory_space<vmem>>, vector<16xf32>,
          %parallel_loop3A_566 = tpu.vector_load_idx %arg6[%add3A_441, %parallel_loop3A_560] : memref<16x3584xf32, #tpu.memory_space<vmem>>[vector<16xi32>, vector<16xi32>], vector<16xf32>,
          %parallel_loop3A_567 = tpu.vector_load_idx %arg6[%add3A_441, %parallel_loop3A_563] : memref<16x3584xf32, #tpu.memory_space<vmem>>[vector<16xi32>, vector<16xi32>], vector<16xf32>,
          %parallel_loop3A_568 = arith.subf %parallel_loop3A_567, %parallel_loop3A_566 : vector<16xf32>
          %parallel_loop3A_569 = arith.mulf %parallel_loop3A_565, %parallel_loop3A_568 : vector<16xf32>
          %parallel_loop3A_570 = arith.addf %parallel_loop3A_566, %parallel_loop3A_569 : vector<16xf32>
          %parallel_loop3A_571 = arith.constant 8 : i32
          %parallel_loop3A_572 = arith.index_cast %parallel_loop3A_571 : i32 to index
          %parallel_loop3A_573 = arith.index_cast %parallel_loop3A_554 : i32 to index
          %parallel_loop3A_574 = tpu.vector_load %arg9[%parallel_loop3A_572, %parallel_loop3A_573] {strides = array<i32>} : memref<16x3072xf32, #tpu.memory_space<vmem>>, vector<16xf32>,
          tpu.vector_store %arg9[%parallel_loop3A_572, %parallel_loop3A_573], %parallel_loop3A_570 {strides = array<i32>} : memref<16x3072xf32, #tpu.memory_space<vmem>>, vector<16xf32>,
          %parallel_loop3A_575 = tpu.vector_load_idx %arg6[%add3A_444, %parallel_loop3A_560] : memref<16x3584xf32, #tpu.memory_space<vmem>>[vector<16xi32>, vector<16xi32>], vector<16xf32>,
          %parallel_loop3A_576 = tpu.vector_load_idx %arg6[%add3A_444, %parallel_loop3A_563] : memref<16x3584xf32, #tpu.memory_space<vmem>>[vector<16xi32>, vector<16xi32>], vector<16xf32>,
          %parallel_loop3A_577 = arith.subf %parallel_loop3A_576, %parallel_loop3A_575 : vector<16xf32>
          %parallel_loop3A_578 = arith.mulf %parallel_loop3A_565, %parallel_loop3A_577 : vector<16xf32>
          %parallel_loop3A_579 = arith.addf %parallel_loop3A_575, %parallel_loop3A_578 : vector<16xf32>
          %parallel_loop3A_580 = arith.constant 9 : i32
          %parallel_loop3A_581 = arith.index_cast %parallel_loop3A_580 : i32 to index
          %parallel_loop3A_582 = arith.index_cast %parallel_loop3A_554 : i32 to index
          %parallel_loop3A_583 = tpu.vector_load %arg9[%parallel_loop3A_581, %parallel_loop3A_582] {strides = array<i32>} : memref<16x3072xf32, #tpu.memory_space<vmem>>, vector<16xf32>,
          tpu.vector_store %arg9[%parallel_loop3A_581, %parallel_loop3A_582], %parallel_loop3A_579 {strides = array<i32>} : memref<16x3072xf32, #tpu.memory_space<vmem>>, vector<16xf32>,
          %parallel_loop3A_584 = tpu.vector_load_idx %arg6[%add3A_447, %parallel_loop3A_560] : memref<16x3584xf32, #tpu.memory_space<vmem>>[vector<16xi32>, vector<16xi32>], vector<16xf32>,
          %parallel_loop3A_585 = tpu.vector_load_idx %arg6[%add3A_447, %parallel_loop3A_563] : memref<16x3584xf32, #tpu.memory_space<vmem>>[vector<16xi32>, vector<16xi32>], vector<16xf32>,
          %parallel_loop3A_586 = arith.subf %parallel_loop3A_585, %parallel_loop3A_584 : vector<16xf32>
          %parallel_loop3A_587 = arith.mulf %parallel_loop3A_565, %parallel_loop3A_586 : vector<16xf32>
          %parallel_loop3A_588 = arith.addf %parallel_loop3A_584, %parallel_loop3A_587 : vector<16xf32>
          %parallel_loop3A_589 = arith.constant 10 : i32
          %parallel_loop3A_590 = arith.index_cast %parallel_loop3A_589 : i32 to index
          %parallel_loop3A_591 = arith.index_cast %parallel_loop3A_554 : i32 to index
          %parallel_loop3A_592 = tpu.vector_load %arg9[%parallel_loop3A_590, %parallel_loop3A_591] {strides = array<i32>} : memref<16x3072xf32, #tpu.memory_space<vmem>>, vector<16xf32>,
          tpu.vector_store %arg9[%parallel_loop3A_590, %parallel_loop3A_591], %parallel_loop3A_588 {strides = array<i32>} : memref<16x3072xf32, #tpu.memory_space<vmem>>, vector<16xf32>,
          %parallel_loop3A_593 = tpu.vector_load_idx %arg6[%add3A_450, %parallel_loop3A_560] : memref<16x3584xf32, #tpu.memory_space<vmem>>[vector<16xi32>, vector<16xi32>], vector<16xf32>,
          %parallel_loop3A_594 = tpu.vector_load_idx %arg6[%add3A_450, %parallel_loop3A_563] : memref<16x3584xf32, #tpu.memory_space<vmem>>[vector<16xi32>, vector<16xi32>], vector<16xf32>,
          %parallel_loop3A_595 = arith.subf %parallel_loop3A_594, %parallel_loop3A_593 : vector<16xf32>
          %parallel_loop3A_596 = arith.mulf %parallel_loop3A_565, %parallel_loop3A_595 : vector<16xf32>
          %parallel_loop3A_597 = arith.addf %parallel_loop3A_593, %parallel_loop3A_596 : vector<16xf32>
          %parallel_loop3A_598 = arith.constant 11 : i32
          %parallel_loop3A_599 = arith.index_cast %parallel_loop3A_598 : i32 to index
          %parallel_loop3A_600 = arith.index_cast %parallel_loop3A_554 : i32 to index
          %parallel_loop3A_601 = tpu.vector_load %arg9[%parallel_loop3A_599, %parallel_loop3A_600] {strides = array<i32>} : memref<16x3072xf32, #tpu.memory_space<vmem>>, vector<16xf32>,
          tpu.vector_store %arg9[%parallel_loop3A_599, %parallel_loop3A_600], %parallel_loop3A_597 {strides = array<i32>} : memref<16x3072xf32, #tpu.memory_space<vmem>>, vector<16xf32>,
          %parallel_loop3A_602 = tpu.vector_load_idx %arg6[%add3A_453, %parallel_loop3A_560] : memref<16x3584xf32, #tpu.memory_space<vmem>>[vector<16xi32>, vector<16xi32>], vector<16xf32>,
          %parallel_loop3A_603 = tpu.vector_load_idx %arg6[%add3A_453, %parallel_loop3A_563] : memref<16x3584xf32, #tpu.memory_space<vmem>>[vector<16xi32>, vector<16xi32>], vector<16xf32>,
          %parallel_loop3A_604 = arith.subf %parallel_loop3A_603, %parallel_loop3A_602 : vector<16xf32>
          %parallel_loop3A_605 = arith.mulf %parallel_loop3A_565, %parallel_loop3A_604 : vector<16xf32>
          %parallel_loop3A_606 = arith.addf %parallel_loop3A_602, %parallel_loop3A_605 : vector<16xf32>
          %parallel_loop3A_607 = arith.constant 12 : i32
          %parallel_loop3A_608 = arith.index_cast %parallel_loop3A_607 : i32 to index
          %parallel_loop3A_609 = arith.index_cast %parallel_loop3A_554 : i32 to index
          %parallel_loop3A_610 = tpu.vector_load %arg9[%parallel_loop3A_608, %parallel_loop3A_609] {strides = array<i32>} : memref<16x3072xf32, #tpu.memory_space<vmem>>, vector<16xf32>,
          tpu.vector_store %arg9[%parallel_loop3A_608, %parallel_loop3A_609], %parallel_loop3A_606 {strides = array<i32>} : memref<16x3072xf32, #tpu.memory_space<vmem>>, vector<16xf32>,
          %parallel_loop3A_611 = tpu.vector_load_idx %arg6[%add3A_456, %parallel_loop3A_560] : memref<16x3584xf32, #tpu.memory_space<vmem>>[vector<16xi32>, vector<16xi32>], vector<16xf32>,
          %parallel_loop3A_612 = tpu.vector_load_idx %arg6[%add3A_456, %parallel_loop3A_563] : memref<16x3584xf32, #tpu.memory_space<vmem>>[vector<16xi32>, vector<16xi32>], vector<16xf32>,
          %parallel_loop3A_613 = arith.subf %parallel_loop3A_612, %parallel_loop3A_611 : vector<16xf32>
          %parallel_loop3A_614 = arith.mulf %parallel_loop3A_565, %parallel_loop3A_613 : vector<16xf32>
          %parallel_loop3A_615 = arith.addf %parallel_loop3A_611, %parallel_loop3A_614 : vector<16xf32>
          %parallel_loop3A_616 = arith.constant 13 : i32
          %parallel_loop3A_617 = arith.index_cast %parallel_loop3A_616 : i32 to index
          %parallel_loop3A_618 = arith.index_cast %parallel_loop3A_554 : i32 to index
          %parallel_loop3A_619 = tpu.vector_load %arg9[%parallel_loop3A_617, %parallel_loop3A_618] {strides = array<i32>} : memref<16x3072xf32, #tpu.memory_space<vmem>>, vector<16xf32>,
          tpu.vector_store %arg9[%parallel_loop3A_617, %parallel_loop3A_618], %parallel_loop3A_615 {strides = array<i32>} : memref<16x3072xf32, #tpu.memory_space<vmem>>, vector<16xf32>,
          %parallel_loop3A_620 = tpu.vector_load_idx %arg6[%add3A_459, %parallel_loop3A_560] : memref<16x3584xf32, #tpu.memory_space<vmem>>[vector<16xi32>, vector<16xi32>], vector<16xf32>,
          %parallel_loop3A_621 = tpu.vector_load_idx %arg6[%add3A_459, %parallel_loop3A_563] : memref<16x3584xf32, #tpu.memory_space<vmem>>[vector<16xi32>, vector<16xi32>], vector<16xf32>,
          %parallel_loop3A_622 = arith.subf %parallel_loop3A_621, %parallel_loop3A_620 : vector<16xf32>
          %parallel_loop3A_623 = arith.mulf %parallel_loop3A_565, %parallel_loop3A_622 : vector<16xf32>
          %parallel_loop3A_624 = arith.addf %parallel_loop3A_620, %parallel_loop3A_623 : vector<16xf32>
          %parallel_loop3A_625 = arith.constant 14 : i32
          %parallel_loop3A_626 = arith.index_cast %parallel_loop3A_625 : i32 to index
          %parallel_loop3A_627 = arith.index_cast %parallel_loop3A_554 : i32 to index
          %parallel_loop3A_628 = tpu.vector_load %arg9[%parallel_loop3A_626, %parallel_loop3A_627] {strides = array<i32>} : memref<16x3072xf32, #tpu.memory_space<vmem>>, vector<16xf32>,
          tpu.vector_store %arg9[%parallel_loop3A_626, %parallel_loop3A_627], %parallel_loop3A_624 {strides = array<i32>} : memref<16x3072xf32, #tpu.memory_space<vmem>>, vector<16xf32>,
          %parallel_loop3A_629 = tpu.vector_load_idx %arg6[%add3A_462, %parallel_loop3A_560] : memref<16x3584xf32, #tpu.memory_space<vmem>>[vector<16xi32>, vector<16xi32>], vector<16xf32>,
          %parallel_loop3A_630 = tpu.vector_load_idx %arg6[%add3A_462, %parallel_loop3A_563] : memref<16x3584xf32, #tpu.memory_space<vmem>>[vector<16xi32>, vector<16xi32>], vector<16xf32>,
          %parallel_loop3A_631 = arith.subf %parallel_loop3A_630, %parallel_loop3A_629 : vector<16xf32>
          %parallel_loop3A_632 = arith.mulf %parallel_loop3A_565, %parallel_loop3A_631 : vector<16xf32>
          %parallel_loop3A_633 = arith.addf %parallel_loop3A_629, %parallel_loop3A_632 : vector<16xf32>
          %parallel_loop3A_634 = arith.constant 15 : i32
          %parallel_loop3A_635 = arith.index_cast %parallel_loop3A_634 : i32 to index
          %parallel_loop3A_636 = arith.index_cast %parallel_loop3A_554 : i32 to index
          %parallel_loop3A_637 = tpu.vector_load %arg9[%parallel_loop3A_635, %parallel_loop3A_636] {strides = array<i32>} : memref<16x3072xf32, #tpu.memory_space<vmem>>, vector<16xf32>,
          tpu.vector_store %arg9[%parallel_loop3A_635, %parallel_loop3A_636], %parallel_loop3A_633 {strides = array<i32>} : memref<16x3072xf32, #tpu.memory_space<vmem>>, vector<16xf32>,
        } {sc.loop_unroll_factor = 1 : i64, sc.parallel_access}
        %add3A_466 = arith.constant 2 : i32
        %add3A_467 = arith.addi %scan3A_334, %add3A_466 : i32
        %min3A = arith.constant 38 : i32
        %min3A_468 = arith.minsi %add3A_467, %min3A : i32
        %mul3A_469 = arith.constant 3072 : i32
        %mul3A_470 = arith.muli %min3A_468, %mul3A_469 : i32
        %mul3A_471 = arith.constant 10649 : i32
        %mul3A_472 = arith.muli %mul3A_470, %mul3A_471 : i32
        %jit3A_473 = arith.constant 120422 : i32
        %div3A_474 = arith.divsi %mul3A_472, %jit3A_473 : i32
        %sign3A_475 = arith.constant 0 : i32
        %sign3A_476 = arith.cmpi sgt, %mul3A_472, %sign3A_475 : i32
        %sign3A_477 = arith.extui %sign3A_476 : i1 to i32
        %sign3A_478 = arith.constant 0 : i32
        %sign3A_479 = arith.cmpi slt, %mul3A_472, %sign3A_478 : i32
        %sign3A_480 = arith.extui %sign3A_479 : i1 to i32
        %sign3A_481 = arith.subi %sign3A_477, %sign3A_480 : i32
        %sign3A_482 = arith.constant 0 : i32
        %sign3A_483 = arith.cmpi sgt, %jit3A_473, %sign3A_482 : i32
        %sign3A_484 = arith.extui %sign3A_483 : i1 to i32
        %sign3A_485 = arith.constant 0 : i32
        %sign3A_486 = arith.cmpi slt, %jit3A_473, %sign3A_485 : i32
        %sign3A_487 = arith.extui %sign3A_486 : i1 to i32
        %sign3A_488 = arith.subi %sign3A_484, %sign3A_487 : i32
        %ne3A_489 = arith.cmpi ne, %sign3A_481, %sign3A_488 : i32
        %rem3A_490 = arith.remsi %mul3A_472, %jit3A_473 : i32
        %ne3A_491 = arith.constant 0 : i32
        %ne3A_492 = arith.cmpi ne, %rem3A_490, %ne3A_491 : i32
        %and3A_493 = arith.andi %ne3A_489, %ne3A_492 : i1
        %sub3A_494 = arith.constant 1 : i32
        %sub3A_495 = arith.subi %div3A_474, %sub3A_494 : i32
        %select_n3A_496 = arith.select %and3A_493, %sub3A_495, %div3A_474 : i32
        %add3A_497 = arith.addi %mul3A_470, %select_n3A_496 : i32
        %jit3A_498 = arith.constant 128 : i32
        %div3A_499 = arith.divsi %add3A_497, %jit3A_498 : i32
        %sign3A_500 = arith.constant 0 : i32
        %sign3A_501 = arith.cmpi sgt, %add3A_497, %sign3A_500 : i32
        %sign3A_502 = arith.extui %sign3A_501 : i1 to i32
        %sign3A_503 = arith.constant 0 : i32
        %sign3A_504 = arith.cmpi slt, %add3A_497, %sign3A_503 : i32
        %sign3A_505 = arith.extui %sign3A_504 : i1 to i32
        %sign3A_506 = arith.subi %sign3A_502, %sign3A_505 : i32
        %sign3A_507 = arith.constant 0 : i32
        %sign3A_508 = arith.cmpi sgt, %jit3A_498, %sign3A_507 : i32
        %sign3A_509 = arith.extui %sign3A_508 : i1 to i32
        %sign3A_510 = arith.constant 0 : i32
        %sign3A_511 = arith.cmpi slt, %jit3A_498, %sign3A_510 : i32
        %sign3A_512 = arith.extui %sign3A_511 : i1 to i32
        %sign3A_513 = arith.subi %sign3A_509, %sign3A_512 : i32
        %ne3A_514 = arith.cmpi ne, %sign3A_506, %sign3A_513 : i32
        %rem3A_515 = arith.remsi %add3A_497, %jit3A_498 : i32
        %ne3A_516 = arith.constant 0 : i32
        %ne3A_517 = arith.cmpi ne, %rem3A_515, %ne3A_516 : i32
        %and3A_518 = arith.andi %ne3A_514, %ne3A_517 : i1
        %sub3A_519 = arith.constant 1 : i32
        %sub3A_520 = arith.subi %div3A_499, %sub3A_519 : i32
        %select_n3A_521 = arith.select %and3A_518, %sub3A_520, %div3A_499 : i32
        %mul3A_522 = arith.constant 128 : i32
        %mul3A_523 = arith.muli %select_n3A_521, %mul3A_522 : i32
        %dma_start3A_524 = arith.constant 3072 : i32
        %dma_start3A_525 = tpu.memref_slice %arg7[%dma_start3A_524] : memref<6144xi32, #tpu.memory_space<vmem>> -> memref<3072xi32, #tpu.memory_space<vmem>>
        %dma_start3A_526 = tpu.memref_slice %arg3[%mul3A_470] : memref<120448xi32, #tpu.memory_space<hbm>> -> memref<3072xi32, #tpu.memory_space<hbm>>
        %dma_start3A_527 = arith.constant 3072 : i32
        %dma_start3A_528 = tpu.memref_slice %arg7[%dma_start3A_527] : memref<6144xi32, #tpu.memory_space<vmem>> -> memref<3072xi32, #tpu.memory_space<vmem>>
        %dma_start3A_529 = tpu.memref_slice %arg3[%mul3A_470] : memref<120448xi32, #tpu.memory_space<hbm>> -> memref<3072xi32, #tpu.memory_space<hbm>>
        tpu.enqueue_dma source(%dma_start3A_529 : memref<3072xi32, #tpu.memory_space<hbm>>) target(%dma_start3A_528 : memref<3072xi32, #tpu.memory_space<vmem>>) target_semaphore(%arg11 : memref<!tpu.dma_semaphore, #tpu.memory_space<semaphore_mem>>)
        %dma_start3A_530 = arith.constant 3072 : i32
        %dma_start3A_531 = tpu.memref_slice %arg8[%dma_start3A_530] : memref<6144xf32, #tpu.memory_space<vmem>> -> memref<3072xf32, #tpu.memory_space<vmem>>
        %dma_start3A_532 = tpu.memref_slice %arg4[%mul3A_470] : memref<120448xf32, #tpu.memory_space<hbm>> -> memref<3072xf32, #tpu.memory_space<hbm>>
        %dma_start3A_533 = arith.constant 3072 : i32
        %dma_start3A_534 = tpu.memref_slice %arg8[%dma_start3A_533] : memref<6144xf32, #tpu.memory_space<vmem>> -> memref<3072xf32, #tpu.memory_space<vmem>>
        %dma_start3A_535 = tpu.memref_slice %arg4[%mul3A_470] : memref<120448xf32, #tpu.memory_space<hbm>> -> memref<3072xf32, #tpu.memory_space<hbm>>
        tpu.enqueue_dma source(%dma_start3A_535 : memref<3072xf32, #tpu.memory_space<hbm>>) target(%dma_start3A_534 : memref<3072xf32, #tpu.memory_space<vmem>>) target_semaphore(%arg11 : memref<!tpu.dma_semaphore, #tpu.memory_space<semaphore_mem>>)
        %dma_start3A_536 = arith.constant 8 : i32
        %dma_start3A_537 = arith.constant 0 : i32
        %dma_start3A_538 = tpu.memref_slice %arg6[%dma_start3A_536, %dma_start3A_537] : memref<16x3584xf32, #tpu.memory_space<vmem>> -> memref<8x3584xf32, #tpu.memory_space<vmem>>
        %dma_start3A_539 = tpu.memref_slice %arg2[%mul3A_2, %mul3A_523] : memref<256x131072xf32, #tpu.memory_space<hbm>> -> memref<8x3584xf32, #tpu.memory_space<hbm>>
        %dma_start3A_540 = arith.constant 8 : i32
        %dma_start3A_541 = arith.constant 0 : i32
        %dma_start3A_542 = tpu.memref_slice %arg6[%dma_start3A_540, %dma_start3A_541] : memref<16x3584xf32, #tpu.memory_space<vmem>> -> memref<8x3584xf32, #tpu.memory_space<vmem>>
        %dma_start3A_543 = tpu.memref_slice %arg2[%mul3A_2, %mul3A_523] : memref<256x131072xf32, #tpu.memory_space<hbm>> -> memref<8x3584xf32, #tpu.memory_space<hbm>>
        tpu.enqueue_dma source(%dma_start3A_543 : memref<8x3584xf32, #tpu.memory_space<hbm>>) target(%dma_start3A_542 : memref<8x3584xf32, #tpu.memory_space<vmem>>) target_semaphore(%arg11 : memref<!tpu.dma_semaphore, #tpu.memory_space<semaphore_mem>>)
        %mul3A_544 = arith.constant 3072 : i32
        %mul3A_545 = arith.muli %scan3A_334, %mul3A_544 : i32
        %dma_start3A_546 = arith.constant 8 : i32
        %dma_start3A_547 = arith.constant 0 : i32
        %dma_start3A_548 = tpu.memref_slice %arg9[%dma_start3A_546, %dma_start3A_547] : memref<16x3072xf32, #tpu.memory_space<vmem>> -> memref<8x3072xf32, #tpu.memory_space<vmem>>
        %dma_start3A_549 = tpu.memref_slice %arg5[%mul3A_2, %mul3A_545] : memref<256x120448xf32, #tpu.memory_space<hbm>> -> memref<8x3072xf32, #tpu.memory_space<hbm>>
        %dma_start3A_550 = tpu.memref_slice %arg5[%mul3A_2, %mul3A_545] : memref<256x120448xf32, #tpu.memory_space<hbm>> -> memref<8x3072xf32, #tpu.memory_space<hbm>>
        %dma_start3A_551 = arith.constant 8 : i32
        %dma_start3A_552 = arith.constant 0 : i32
        %dma_start3A_553 = tpu.memref_slice %arg9[%dma_start3A_551, %dma_start3A_552] : memref<16x3072xf32, #tpu.memory_space<vmem>> -> memref<8x3072xf32, #tpu.memory_space<vmem>>
        tpu.enqueue_dma source(%dma_start3A_553 : memref<8x3072xf32, #tpu.memory_space<vmem>>) target(%dma_start3A_550 : memref<8x3072xf32, #tpu.memory_space<hbm>>) target_semaphore(%arg13 : memref<!tpu.dma_semaphore, #tpu.memory_space<semaphore_mem>>)
      }
      %scan3A_348 = arith.constant 0 : i32
      scf.yield %scan3A_348 : i32
    }
    %scan3A_254 = arith.constant 37 : i32
    %dma_wait3A_255 = arith.constant 8 : i32
    %dma_wait3A_256 = arith.constant 0 : i32
    %dma_wait3A_257 = tpu.memref_slice %arg9[%dma_wait3A_255, %dma_wait3A_256] : memref<16x3072xf32, #tpu.memory_space<vmem>> -> memref<8x3072xf32, #tpu.memory_space<vmem>>
    %dma_wait3A_258 = arith.constant 0 : i32
    %dma_wait3A_259 = tpu.memref_slice %arg5[%mul3A_2, %dma_wait3A_258] : memref<256x120448xf32, #tpu.memory_space<hbm>> -> memref<8x3072xf32, #tpu.memory_space<hbm>>
    %dma_wait3A_260 = arith.constant 0 : i32
    %dma_wait3A_261 = tpu.memref_slice %arg5[%mul3A_2, %dma_wait3A_260] : memref<256x120448xf32, #tpu.memory_space<hbm>> -> memref<8x3072xf32, #tpu.memory_space<hbm>>
    %dma_wait3A_262 = arith.constant 8 : i32
    %dma_wait3A_263 = arith.constant 0 : i32
    %dma_wait3A_264 = tpu.memref_slice %arg9[%dma_wait3A_262, %dma_wait3A_263] : memref<16x3072xf32, #tpu.memory_space<vmem>> -> memref<8x3072xf32, #tpu.memory_space<vmem>>
    tpu.wait_dma2 semaphore(%arg13 : memref<!tpu.dma_semaphore, #tpu.memory_space<semaphore_mem>>) src(%dma_wait3A_264 : memref<8x3072xf32, #tpu.memory_space<vmem>>) dst(%dma_wait3A_261 : memref<8x3072xf32, #tpu.memory_space<hbm>>)
    %dma_wait3A_265 = arith.constant 0 : i32
    %dma_wait3A_266 = arith.constant 0 : i32
    %dma_wait3A_267 = tpu.memref_slice %arg9[%dma_wait3A_265, %dma_wait3A_266] : memref<16x3072xf32, #tpu.memory_space<vmem>> -> memref<8x3072xf32, #tpu.memory_space<vmem>>
    %dma_wait3A_268 = arith.constant 0 : i32
    %dma_wait3A_269 = tpu.memref_slice %arg5[%mul3A_2, %dma_wait3A_268] : memref<256x120448xf32, #tpu.memory_space<hbm>> -> memref<8x3072xf32, #tpu.memory_space<hbm>>
    %dma_wait3A_270 = arith.constant 0 : i32
    %dma_wait3A_271 = tpu.memref_slice %arg5[%mul3A_2, %dma_wait3A_270] : memref<256x120448xf32, #tpu.memory_space<hbm>> -> memref<8x3072xf32, #tpu.memory_space<hbm>>
    %dma_wait3A_272 = arith.constant 0 : i32
    %dma_wait3A_273 = arith.constant 0 : i32
    %dma_wait3A_274 = tpu.memref_slice %arg9[%dma_wait3A_272, %dma_wait3A_273] : memref<16x3072xf32, #tpu.memory_space<vmem>> -> memref<8x3072xf32, #tpu.memory_space<vmem>>
    tpu.wait_dma2 semaphore(%arg12 : memref<!tpu.dma_semaphore, #tpu.memory_space<semaphore_mem>>) src(%dma_wait3A_274 : memref<8x3072xf32, #tpu.memory_space<vmem>>) dst(%dma_wait3A_271 : memref<8x3072xf32, #tpu.memory_space<hbm>>)
    %dma_wait3A_275 = arith.constant 3072 : i32
    %dma_wait3A_276 = tpu.memref_slice %arg7[%dma_wait3A_275] : memref<6144xi32, #tpu.memory_space<vmem>> -> memref<3072xi32, #tpu.memory_space<vmem>>
    %dma_wait3A_277 = arith.constant 0 : i32
    %dma_wait3A_278 = tpu.memref_slice %arg3[%dma_wait3A_277] : memref<120448xi32, #tpu.memory_space<hbm>> -> memref<3072xi32, #tpu.memory_space<hbm>>
    %dma_wait3A_279 = arith.constant 3072 : i32
    %dma_wait3A_280 = tpu.memref_slice %arg7[%dma_wait3A_279] : memref<6144xi32, #tpu.memory_space<vmem>> -> memref<3072xi32, #tpu.memory_space<vmem>>
    %dma_wait3A_281 = arith.constant 0 : i32
    %dma_wait3A_282 = tpu.memref_slice %arg3[%dma_wait3A_281] : memref<120448xi32, #tpu.memory_space<hbm>> -> memref<3072xi32, #tpu.memory_space<hbm>>
    tpu.wait_dma2 semaphore(%arg11 : memref<!tpu.dma_semaphore, #tpu.memory_space<semaphore_mem>>) src(%dma_wait3A_282 : memref<3072xi32, #tpu.memory_space<hbm>>) dst(%dma_wait3A_280 : memref<3072xi32, #tpu.memory_space<vmem>>)
    %dma_wait3A_283 = arith.constant 3072 : i32
    %dma_wait3A_284 = tpu.memref_slice %arg8[%dma_wait3A_283] : memref<6144xf32, #tpu.memory_space<vmem>> -> memref<3072xf32, #tpu.memory_space<vmem>>
    %dma_wait3A_285 = arith.constant 0 : i32
    %dma_wait3A_286 = tpu.memref_slice %arg4[%dma_wait3A_285] : memref<120448xf32, #tpu.memory_space<hbm>> -> memref<3072xf32, #tpu.memory_space<hbm>>
    %dma_wait3A_287 = arith.constant 3072 : i32
    %dma_wait3A_288 = tpu.memref_slice %arg8[%dma_wait3A_287] : memref<6144xf32, #tpu.memory_space<vmem>> -> memref<3072xf32, #tpu.memory_space<vmem>>
    %dma_wait3A_289 = arith.constant 0 : i32
    %dma_wait3A_290 = tpu.memref_slice %arg4[%dma_wait3A_289] : memref<120448xf32, #tpu.memory_space<hbm>> -> memref<3072xf32, #tpu.memory_space<hbm>>
    tpu.wait_dma2 semaphore(%arg11 : memref<!tpu.dma_semaphore, #tpu.memory_space<semaphore_mem>>) src(%dma_wait3A_290 : memref<3072xf32, #tpu.memory_space<hbm>>) dst(%dma_wait3A_288 : memref<3072xf32, #tpu.memory_space<vmem>>)
    %dma_wait3A_291 = arith.constant 8 : i32
    %dma_wait3A_292 = arith.constant 0 : i32
    %dma_wait3A_293 = tpu.memref_slice %arg6[%dma_wait3A_291, %dma_wait3A_292] : memref<16x3584xf32, #tpu.memory_space<vmem>> -> memref<8x3584xf32, #tpu.memory_space<vmem>>
    %dma_wait3A_294 = arith.constant 0 : i32
    %dma_wait3A_295 = arith.constant 0 : i32
    %dma_wait3A_296 = tpu.memref_slice %arg2[%dma_wait3A_294, %dma_wait3A_295] : memref<256x131072xf32, #tpu.memory_space<hbm>> -> memref<8x3584xf32, #tpu.memory_space<hbm>>
    %dma_wait3A_297 = arith.constant 8 : i32
    %dma_wait3A_298 = arith.constant 0 : i32
    %dma_wait3A_299 = tpu.memref_slice %arg6[%dma_wait3A_297, %dma_wait3A_298] : memref<16x3584xf32, #tpu.memory_space<vmem>> -> memref<8x3584xf32, #tpu.memory_space<vmem>>
    %dma_wait3A_300 = arith.constant 0 : i32
    %dma_wait3A_301 = arith.constant 0 : i32
    %dma_wait3A_302 = tpu.memref_slice %arg2[%dma_wait3A_300, %dma_wait3A_301] : memref<256x131072xf32, #tpu.memory_space<hbm>> -> memref<8x3584xf32, #tpu.memory_space<hbm>>
    tpu.wait_dma2 semaphore(%arg11 : memref<!tpu.dma_semaphore, #tpu.memory_space<semaphore_mem>>) src(%dma_wait3A_302 : memref<8x3584xf32, #tpu.memory_space<hbm>>) dst(%dma_wait3A_299 : memref<8x3584xf32, #tpu.memory_space<vmem>>)
    %dma_wait3A_303 = arith.constant 0 : i32
    %dma_wait3A_304 = tpu.memref_slice %arg7[%dma_wait3A_303] : memref<6144xi32, #tpu.memory_space<vmem>> -> memref<3072xi32, #tpu.memory_space<vmem>>
    %dma_wait3A_305 = arith.constant 0 : i32
    %dma_wait3A_306 = tpu.memref_slice %arg3[%dma_wait3A_305] : memref<120448xi32, #tpu.memory_space<hbm>> -> memref<3072xi32, #tpu.memory_space<hbm>>
    %dma_wait3A_307 = arith.constant 0 : i32
    %dma_wait3A_308 = tpu.memref_slice %arg7[%dma_wait3A_307] : memref<6144xi32, #tpu.memory_space<vmem>> -> memref<3072xi32, #tpu.memory_space<vmem>>
    %dma_wait3A_309 = arith.constant 0 : i32
    %dma_wait3A_310 = tpu.memref_slice %arg3[%dma_wait3A_309] : memref<120448xi32, #tpu.memory_space<hbm>> -> memref<3072xi32, #tpu.memory_space<hbm>>
    tpu.wait_dma2 semaphore(%arg10 : memref<!tpu.dma_semaphore, #tpu.memory_space<semaphore_mem>>) src(%dma_wait3A_310 : memref<3072xi32, #tpu.memory_space<hbm>>) dst(%dma_wait3A_308 : memref<3072xi32, #tpu.memory_space<vmem>>)
    %dma_wait3A_311 = arith.constant 0 : i32
    %dma_wait3A_312 = tpu.memref_slice %arg8[%dma_wait3A_311] : memref<6144xf32, #tpu.memory_space<vmem>> -> memref<3072xf32, #tpu.memory_space<vmem>>
    %dma_wait3A_313 = arith.constant 0 : i32
    %dma_wait3A_314 = tpu.memref_slice %arg4[%dma_wait3A_313] : memref<120448xf32, #tpu.memory_space<hbm>> -> memref<3072xf32, #tpu.memory_space<hbm>>
    %dma_wait3A_315 = arith.constant 0 : i32
    %dma_wait3A_316 = tpu.memref_slice %arg8[%dma_wait3A_315] : memref<6144xf32, #tpu.memory_space<vmem>> -> memref<3072xf32, #tpu.memory_space<vmem>>
    %dma_wait3A_317 = arith.constant 0 : i32
    %dma_wait3A_318 = tpu.memref_slice %arg4[%dma_wait3A_317] : memref<120448xf32, #tpu.memory_space<hbm>> -> memref<3072xf32, #tpu.memory_space<hbm>>
    tpu.wait_dma2 semaphore(%arg10 : memref<!tpu.dma_semaphore, #tpu.memory_space<semaphore_mem>>) src(%dma_wait3A_318 : memref<3072xf32, #tpu.memory_space<hbm>>) dst(%dma_wait3A_316 : memref<3072xf32, #tpu.memory_space<vmem>>)
    %dma_wait3A_319 = arith.constant 0 : i32
    %dma_wait3A_320 = arith.constant 0 : i32
    %dma_wait3A_321 = tpu.memref_slice %arg6[%dma_wait3A_319, %dma_wait3A_320] : memref<16x3584xf32, #tpu.memory_space<vmem>> -> memref<8x3584xf32, #tpu.memory_space<vmem>>
    %dma_wait3A_322 = arith.constant 0 : i32
    %dma_wait3A_323 = arith.constant 0 : i32
    %dma_wait3A_324 = tpu.memref_slice %arg2[%dma_wait3A_322, %dma_wait3A_323] : memref<256x131072xf32, #tpu.memory_space<hbm>> -> memref<8x3584xf32, #tpu.memory_space<hbm>>
    %dma_wait3A_325 = arith.constant 0 : i32
    %dma_wait3A_326 = arith.constant 0 : i32
    %dma_wait3A_327 = tpu.memref_slice %arg6[%dma_wait3A_325, %dma_wait3A_326] : memref<16x3584xf32, #tpu.memory_space<vmem>> -> memref<8x3584xf32, #tpu.memory_space<vmem>>
    %dma_wait3A_328 = arith.constant 0 : i32
    %dma_wait3A_329 = arith.constant 0 : i32
    %dma_wait3A_330 = tpu.memref_slice %arg2[%dma_wait3A_328, %dma_wait3A_329] : memref<256x131072xf32, #tpu.memory_space<hbm>> -> memref<8x3584xf32, #tpu.memory_space<hbm>>
    tpu.wait_dma2 semaphore(%arg10 : memref<!tpu.dma_semaphore, #tpu.memory_space<semaphore_mem>>) src(%dma_wait3A_330 : memref<8x3584xf32, #tpu.memory_space<hbm>>) dst(%dma_wait3A_327 : memref<8x3584xf32, #tpu.memory_space<vmem>>)
    "tpu.region"() ({
      %run_scoped3A = tpu.sem_alloc : memref<!tpu.dma_semaphore, #tpu.memory_space<semaphore_mem>>
      %dma_start3A_334 = arith.constant 0 : i32
      %dma_start3A_335 = tpu.memref_slice %arg7[%dma_start3A_334] : memref<6144xi32, #tpu.memory_space<vmem>> -> memref<640xi32, #tpu.memory_space<vmem>>
      %dma_start3A_336 = arith.constant 119808 : i32
      %dma_start3A_337 = tpu.memref_slice %arg3[%dma_start3A_336] : memref<120448xi32, #tpu.memory_space<hbm>> -> memref<640xi32, #tpu.memory_space<hbm>>
      %dma_start3A_338 = arith.constant 0 : i32
      %dma_start3A_339 = tpu.memref_slice %arg7[%dma_start3A_338] : memref<6144xi32, #tpu.memory_space<vmem>> -> memref<640xi32, #tpu.memory_space<vmem>>
      %dma_start3A_340 = arith.constant 119808 : i32
      %dma_start3A_341 = tpu.memref_slice %arg3[%dma_start3A_340] : memref<120448xi32, #tpu.memory_space<hbm>> -> memref<640xi32, #tpu.memory_space<hbm>>
      tpu.enqueue_dma source(%dma_start3A_341 : memref<640xi32, #tpu.memory_space<hbm>>) target(%dma_start3A_339 : memref<640xi32, #tpu.memory_space<vmem>>) target_semaphore(%run_scoped3A : memref<!tpu.dma_semaphore, #tpu.memory_space<semaphore_mem>>)
      %dma_wait3A_342 = arith.constant 0 : i32
      %dma_wait3A_343 = tpu.memref_slice %arg7[%dma_wait3A_342] : memref<6144xi32, #tpu.memory_space<vmem>> -> memref<640xi32, #tpu.memory_space<vmem>>
      %dma_wait3A_344 = arith.constant 119808 : i32
      %dma_wait3A_345 = tpu.memref_slice %arg3[%dma_wait3A_344] : memref<120448xi32, #tpu.memory_space<hbm>> -> memref<640xi32, #tpu.memory_space<hbm>>
      %dma_wait3A_346 = arith.constant 0 : i32
      %dma_wait3A_347 = tpu.memref_slice %arg7[%dma_wait3A_346] : memref<6144xi32, #tpu.memory_space<vmem>> -> memref<640xi32, #tpu.memory_space<vmem>>
      %dma_wait3A_348 = arith.constant 119808 : i32
      %dma_wait3A_349 = tpu.memref_slice %arg3[%dma_wait3A_348] : memref<120448xi32, #tpu.memory_space<hbm>> -> memref<640xi32, #tpu.memory_space<hbm>>
      tpu.wait_dma2 semaphore(%run_scoped3A : memref<!tpu.dma_semaphore, #tpu.memory_space<semaphore_mem>>) src(%dma_wait3A_349 : memref<640xi32, #tpu.memory_space<hbm>>) dst(%dma_wait3A_347 : memref<640xi32, #tpu.memory_space<vmem>>)
      tpu.yield
    }) : () -> ()
    "tpu.region"() ({
      %run_scoped3A = tpu.sem_alloc : memref<!tpu.dma_semaphore, #tpu.memory_space<semaphore_mem>>
      %dma_start3A_334 = arith.constant 0 : i32
      %dma_start3A_335 = tpu.memref_slice %arg8[%dma_start3A_334] : memref<6144xf32, #tpu.memory_space<vmem>> -> memref<640xf32, #tpu.memory_space<vmem>>
      %dma_start3A_336 = arith.constant 119808 : i32
      %dma_start3A_337 = tpu.memref_slice %arg4[%dma_start3A_336] : memref<120448xf32, #tpu.memory_space<hbm>> -> memref<640xf32, #tpu.memory_space<hbm>>
      %dma_start3A_338 = arith.constant 0 : i32
      %dma_start3A_339 = tpu.memref_slice %arg8[%dma_start3A_338] : memref<6144xf32, #tpu.memory_space<vmem>> -> memref<640xf32, #tpu.memory_space<vmem>>
      %dma_start3A_340 = arith.constant 119808 : i32
      %dma_start3A_341 = tpu.memref_slice %arg4[%dma_start3A_340] : memref<120448xf32, #tpu.memory_space<hbm>> -> memref<640xf32, #tpu.memory_space<hbm>>
      tpu.enqueue_dma source(%dma_start3A_341 : memref<640xf32, #tpu.memory_space<hbm>>) target(%dma_start3A_339 : memref<640xf32, #tpu.memory_space<vmem>>) target_semaphore(%run_scoped3A : memref<!tpu.dma_semaphore, #tpu.memory_space<semaphore_mem>>)
      %dma_wait3A_342 = arith.constant 0 : i32
      %dma_wait3A_343 = tpu.memref_slice %arg8[%dma_wait3A_342] : memref<6144xf32, #tpu.memory_space<vmem>> -> memref<640xf32, #tpu.memory_space<vmem>>
      %dma_wait3A_344 = arith.constant 119808 : i32
      %dma_wait3A_345 = tpu.memref_slice %arg4[%dma_wait3A_344] : memref<120448xf32, #tpu.memory_space<hbm>> -> memref<640xf32, #tpu.memory_space<hbm>>
      %dma_wait3A_346 = arith.constant 0 : i32
      %dma_wait3A_347 = tpu.memref_slice %arg8[%dma_wait3A_346] : memref<6144xf32, #tpu.memory_space<vmem>> -> memref<640xf32, #tpu.memory_space<vmem>>
      %dma_wait3A_348 = arith.constant 119808 : i32
      %dma_wait3A_349 = tpu.memref_slice %arg4[%dma_wait3A_348] : memref<120448xf32, #tpu.memory_space<hbm>> -> memref<640xf32, #tpu.memory_space<hbm>>
      tpu.wait_dma2 semaphore(%run_scoped3A : memref<!tpu.dma_semaphore, #tpu.memory_space<semaphore_mem>>) src(%dma_wait3A_349 : memref<640xf32, #tpu.memory_space<hbm>>) dst(%dma_wait3A_347 : memref<640xf32, #tpu.memory_space<vmem>>)
      tpu.yield
    }) : () -> ()
    "tpu.region"() ({
      %run_scoped3A = tpu.sem_alloc : memref<!tpu.dma_semaphore, #tpu.memory_space<semaphore_mem>>
      %dma_start3A_334 = arith.constant 0 : i32
      %dma_start3A_335 = arith.constant 0 : i32
      %dma_start3A_336 = tpu.memref_slice %arg6[%dma_start3A_334, %dma_start3A_335] : memref<16x3584xf32, #tpu.memory_space<vmem>> -> memref<8x768xf32, #tpu.memory_space<vmem>>
      %dma_start3A_337 = arith.constant 130304 : i32
      %dma_start3A_338 = tpu.memref_slice %arg2[%mul3A_2, %dma_start3A_337] : memref<256x131072xf32, #tpu.memory_space<hbm>> -> memref<8x768xf32, #tpu.memory_space<hbm>>
      %dma_start3A_339 = arith.constant 0 : i32
      %dma_start3A_340 = arith.constant 0 : i32
      %dma_start3A_341 = tpu.memref_slice %arg6[%dma_start3A_339, %dma_start3A_340] : memref<16x3584xf32, #tpu.memory_space<vmem>> -> memref<8x768xf32, #tpu.memory_space<vmem>>
      %dma_start3A_342 = arith.constant 130304 : i32
      %dma_start3A_343 = tpu.memref_slice %arg2[%mul3A_2, %dma_start3A_342] : memref<256x131072xf32, #tpu.memory_space<hbm>> -> memref<8x768xf32, #tpu.memory_space<hbm>>
      tpu.enqueue_dma source(%dma_start3A_343 : memref<8x768xf32, #tpu.memory_space<hbm>>) target(%dma_start3A_341 : memref<8x768xf32, #tpu.memory_space<vmem>>) target_semaphore(%run_scoped3A : memref<!tpu.dma_semaphore, #tpu.memory_space<semaphore_mem>>)
      %dma_wait3A_344 = arith.constant 0 : i32
      %dma_wait3A_345 = arith.constant 0 : i32
      %dma_wait3A_346 = tpu.memref_slice %arg6[%dma_wait3A_344, %dma_wait3A_345] : memref<16x3584xf32, #tpu.memory_space<vmem>> -> memref<8x768xf32, #tpu.memory_space<vmem>>
      %dma_wait3A_347 = arith.constant 130304 : i32
      %dma_wait3A_348 = tpu.memref_slice %arg2[%mul3A_2, %dma_wait3A_347] : memref<256x131072xf32, #tpu.memory_space<hbm>> -> memref<8x768xf32, #tpu.memory_space<hbm>>
      %dma_wait3A_349 = arith.constant 0 : i32
      %dma_wait3A_350 = arith.constant 0 : i32
      %dma_wait3A_351 = tpu.memref_slice %arg6[%dma_wait3A_349, %dma_wait3A_350] : memref<16x3584xf32, #tpu.memory_space<vmem>> -> memref<8x768xf32, #tpu.memory_space<vmem>>
      %dma_wait3A_352 = arith.constant 130304 : i32
      %dma_wait3A_353 = tpu.memref_slice %arg2[%mul3A_2, %dma_wait3A_352] : memref<256x131072xf32, #tpu.memory_space<hbm>> -> memref<8x768xf32, #tpu.memory_space<hbm>>
      tpu.wait_dma2 semaphore(%run_scoped3A : memref<!tpu.dma_semaphore, #tpu.memory_space<semaphore_mem>>) src(%dma_wait3A_353 : memref<8x768xf32, #tpu.memory_space<hbm>>) dst(%dma_wait3A_351 : memref<8x768xf32, #tpu.memory_space<vmem>>)
      tpu.yield
    }) : () -> ()
    %parallel_loop3A_331 = arith.constant 0 : i32
    %parallel_loop3A_332 = arith.constant 640 : i32
    %parallel_loop3A_333 = arith.constant 16 : i32
    scf.for %parallel_loop3A_334 = %parallel_loop3A_331 to %parallel_loop3A_332 step %parallel_loop3A_333  : i32 {
      %parallel_loop3A_335 = arith.index_cast %parallel_loop3A_334 : i32 to index
      %parallel_loop3A_336 = tpu.vector_load %arg7[%parallel_loop3A_335] {strides = array<i32>} : memref<6144xi32, #tpu.memory_space<vmem>>, vector<16xi32>,
      %parallel_loop3A_337 = arith.constant 130304 : i32
      %parallel_loop3A_338 = vector.broadcast %parallel_loop3A_337 : i32 to vector<16xi32>
      %parallel_loop3A_339 = arith.subi %parallel_loop3A_336, %parallel_loop3A_338 : vector<16xi32>
      %parallel_loop3A_340 = arith.constant 1 : i32
      %parallel_loop3A_341 = vector.broadcast %parallel_loop3A_340 : i32 to vector<16xi32>
      %parallel_loop3A_342 = arith.addi %parallel_loop3A_339, %parallel_loop3A_341 : vector<16xi32>
      %parallel_loop3A_343 = arith.constant 767 : i32
      %parallel_loop3A_344 = vector.broadcast %parallel_loop3A_343 : i32 to vector<16xi32>
      %parallel_loop3A_345 = arith.minsi %parallel_loop3A_342, %parallel_loop3A_344 : vector<16xi32>
      %parallel_loop3A_346 = arith.index_cast %parallel_loop3A_334 : i32 to index
      %parallel_loop3A_347 = tpu.vector_load %arg8[%parallel_loop3A_346] {strides = array<i32>} : memref<6144xf32, #tpu.memory_space<vmem>>, vector<16xf32>,
      %parallel_loop3A_348 = tpu.vector_load_idx %arg6[%broadcast_in_dim3A_3, %parallel_loop3A_339] : memref<16x3584xf32, #tpu.memory_space<vmem>>[vector<16xi32>, vector<16xi32>], vector<16xf32>,
      %parallel_loop3A_349 = tpu.vector_load_idx %arg6[%broadcast_in_dim3A_3, %parallel_loop3A_345] : memref<16x3584xf32, #tpu.memory_space<vmem>>[vector<16xi32>, vector<16xi32>], vector<16xf32>,
      %parallel_loop3A_350 = arith.subf %parallel_loop3A_349, %parallel_loop3A_348 : vector<16xf32>
      %parallel_loop3A_351 = arith.mulf %parallel_loop3A_347, %parallel_loop3A_350 : vector<16xf32>
      %parallel_loop3A_352 = arith.addf %parallel_loop3A_348, %parallel_loop3A_351 : vector<16xf32>
      %parallel_loop3A_353 = arith.constant 0 : i32
      %parallel_loop3A_354 = arith.index_cast %parallel_loop3A_353 : i32 to index
      %parallel_loop3A_355 = arith.index_cast %parallel_loop3A_334 : i32 to index
      %parallel_loop3A_356 = tpu.vector_load %arg9[%parallel_loop3A_354, %parallel_loop3A_355] {strides = array<i32>} : memref<16x3072xf32, #tpu.memory_space<vmem>>, vector<16xf32>,
      tpu.vector_store %arg9[%parallel_loop3A_354, %parallel_loop3A_355], %parallel_loop3A_352 {strides = array<i32>} : memref<16x3072xf32, #tpu.memory_space<vmem>>, vector<16xf32>,
      %parallel_loop3A_357 = tpu.vector_load_idx %arg6[%broadcast_in_dim3A_5, %parallel_loop3A_339] : memref<16x3584xf32, #tpu.memory_space<vmem>>[vector<16xi32>, vector<16xi32>], vector<16xf32>,
      %parallel_loop3A_358 = tpu.vector_load_idx %arg6[%broadcast_in_dim3A_5, %parallel_loop3A_345] : memref<16x3584xf32, #tpu.memory_space<vmem>>[vector<16xi32>, vector<16xi32>], vector<16xf32>,
      %parallel_loop3A_359 = arith.subf %parallel_loop3A_358, %parallel_loop3A_357 : vector<16xf32>
      %parallel_loop3A_360 = arith.mulf %parallel_loop3A_347, %parallel_loop3A_359 : vector<16xf32>
      %parallel_loop3A_361 = arith.addf %parallel_loop3A_357, %parallel_loop3A_360 : vector<16xf32>
      %parallel_loop3A_362 = arith.constant 1 : i32
      %parallel_loop3A_363 = arith.index_cast %parallel_loop3A_362 : i32 to index
      %parallel_loop3A_364 = arith.index_cast %parallel_loop3A_334 : i32 to index
      %parallel_loop3A_365 = tpu.vector_load %arg9[%parallel_loop3A_363, %parallel_loop3A_364] {strides = array<i32>} : memref<16x3072xf32, #tpu.memory_space<vmem>>, vector<16xf32>,
      tpu.vector_store %arg9[%parallel_loop3A_363, %parallel_loop3A_364], %parallel_loop3A_361 {strides = array<i32>} : memref<16x3072xf32, #tpu.memory_space<vmem>>, vector<16xf32>,
      %parallel_loop3A_366 = tpu.vector_load_idx %arg6[%broadcast_in_dim3A_7, %parallel_loop3A_339] : memref<16x3584xf32, #tpu.memory_space<vmem>>[vector<16xi32>, vector<16xi32>], vector<16xf32>,
      %parallel_loop3A_367 = tpu.vector_load_idx %arg6[%broadcast_in_dim3A_7, %parallel_loop3A_345] : memref<16x3584xf32, #tpu.memory_space<vmem>>[vector<16xi32>, vector<16xi32>], vector<16xf32>,
      %parallel_loop3A_368 = arith.subf %parallel_loop3A_367, %parallel_loop3A_366 : vector<16xf32>
      %parallel_loop3A_369 = arith.mulf %parallel_loop3A_347, %parallel_loop3A_368 : vector<16xf32>
      %parallel_loop3A_370 = arith.addf %parallel_loop3A_366, %parallel_loop3A_369 : vector<16xf32>
      %parallel_loop3A_371 = arith.constant 2 : i32
      %parallel_loop3A_372 = arith.index_cast %parallel_loop3A_371 : i32 to index
      %parallel_loop3A_373 = arith.index_cast %parallel_loop3A_334 : i32 to index
      %parallel_loop3A_374 = tpu.vector_load %arg9[%parallel_loop3A_372, %parallel_loop3A_373] {strides = array<i32>} : memref<16x3072xf32, #tpu.memory_space<vmem>>, vector<16xf32>,
      tpu.vector_store %arg9[%parallel_loop3A_372, %parallel_loop3A_373], %parallel_loop3A_370 {strides = array<i32>} : memref<16x3072xf32, #tpu.memory_space<vmem>>, vector<16xf32>,
      %parallel_loop3A_375 = tpu.vector_load_idx %arg6[%broadcast_in_dim3A_9, %parallel_loop3A_339] : memref<16x3584xf32, #tpu.memory_space<vmem>>[vector<16xi32>, vector<16xi32>], vector<16xf32>,
      %parallel_loop3A_376 = tpu.vector_load_idx %arg6[%broadcast_in_dim3A_9, %parallel_loop3A_345] : memref<16x3584xf32, #tpu.memory_space<vmem>>[vector<16xi32>, vector<16xi32>], vector<16xf32>,
      %parallel_loop3A_377 = arith.subf %parallel_loop3A_376, %parallel_loop3A_375 : vector<16xf32>
      %parallel_loop3A_378 = arith.mulf %parallel_loop3A_347, %parallel_loop3A_377 : vector<16xf32>
      %parallel_loop3A_379 = arith.addf %parallel_loop3A_375, %parallel_loop3A_378 : vector<16xf32>
      %parallel_loop3A_380 = arith.constant 3 : i32
      %parallel_loop3A_381 = arith.index_cast %parallel_loop3A_380 : i32 to index
      %parallel_loop3A_382 = arith.index_cast %parallel_loop3A_334 : i32 to index
      %parallel_loop3A_383 = tpu.vector_load %arg9[%parallel_loop3A_381, %parallel_loop3A_382] {strides = array<i32>} : memref<16x3072xf32, #tpu.memory_space<vmem>>, vector<16xf32>,
      tpu.vector_store %arg9[%parallel_loop3A_381, %parallel_loop3A_382], %parallel_loop3A_379 {strides = array<i32>} : memref<16x3072xf32, #tpu.memory_space<vmem>>, vector<16xf32>,
      %parallel_loop3A_384 = tpu.vector_load_idx %arg6[%broadcast_in_dim3A_11, %parallel_loop3A_339] : memref<16x3584xf32, #tpu.memory_space<vmem>>[vector<16xi32>, vector<16xi32>], vector<16xf32>,
      %parallel_loop3A_385 = tpu.vector_load_idx %arg6[%broadcast_in_dim3A_11, %parallel_loop3A_345] : memref<16x3584xf32, #tpu.memory_space<vmem>>[vector<16xi32>, vector<16xi32>], vector<16xf32>,
      %parallel_loop3A_386 = arith.subf %parallel_loop3A_385, %parallel_loop3A_384 : vector<16xf32>
      %parallel_loop3A_387 = arith.mulf %parallel_loop3A_347, %parallel_loop3A_386 : vector<16xf32>
      %parallel_loop3A_388 = arith.addf %parallel_loop3A_384, %parallel_loop3A_387 : vector<16xf32>
      %parallel_loop3A_389 = arith.constant 4 : i32
      %parallel_loop3A_390 = arith.index_cast %parallel_loop3A_389 : i32 to index
      %parallel_loop3A_391 = arith.index_cast %parallel_loop3A_334 : i32 to index
      %parallel_loop3A_392 = tpu.vector_load %arg9[%parallel_loop3A_390, %parallel_loop3A_391] {strides = array<i32>} : memref<16x3072xf32, #tpu.memory_space<vmem>>, vector<16xf32>,
      tpu.vector_store %arg9[%parallel_loop3A_390, %parallel_loop3A_391], %parallel_loop3A_388 {strides = array<i32>} : memref<16x3072xf32, #tpu.memory_space<vmem>>, vector<16xf32>,
      %parallel_loop3A_393 = tpu.vector_load_idx %arg6[%broadcast_in_dim3A_13, %parallel_loop3A_339] : memref<16x3584xf32, #tpu.memory_space<vmem>>[vector<16xi32>, vector<16xi32>], vector<16xf32>,
      %parallel_loop3A_394 = tpu.vector_load_idx %arg6[%broadcast_in_dim3A_13, %parallel_loop3A_345] : memref<16x3584xf32, #tpu.memory_space<vmem>>[vector<16xi32>, vector<16xi32>], vector<16xf32>,
      %parallel_loop3A_395 = arith.subf %parallel_loop3A_394, %parallel_loop3A_393 : vector<16xf32>
      %parallel_loop3A_396 = arith.mulf %parallel_loop3A_347, %parallel_loop3A_395 : vector<16xf32>
      %parallel_loop3A_397 = arith.addf %parallel_loop3A_393, %parallel_loop3A_396 : vector<16xf32>
      %parallel_loop3A_398 = arith.constant 5 : i32
      %parallel_loop3A_399 = arith.index_cast %parallel_loop3A_398 : i32 to index
      %parallel_loop3A_400 = arith.index_cast %parallel_loop3A_334 : i32 to index
      %parallel_loop3A_401 = tpu.vector_load %arg9[%parallel_loop3A_399, %parallel_loop3A_400] {strides = array<i32>} : memref<16x3072xf32, #tpu.memory_space<vmem>>, vector<16xf32>,
      tpu.vector_store %arg9[%parallel_loop3A_399, %parallel_loop3A_400], %parallel_loop3A_397 {strides = array<i32>} : memref<16x3072xf32, #tpu.memory_space<vmem>>, vector<16xf32>,
      %parallel_loop3A_402 = tpu.vector_load_idx %arg6[%broadcast_in_dim3A_15, %parallel_loop3A_339] : memref<16x3584xf32, #tpu.memory_space<vmem>>[vector<16xi32>, vector<16xi32>], vector<16xf32>,
      %parallel_loop3A_403 = tpu.vector_load_idx %arg6[%broadcast_in_dim3A_15, %parallel_loop3A_345] : memref<16x3584xf32, #tpu.memory_space<vmem>>[vector<16xi32>, vector<16xi32>], vector<16xf32>,
      %parallel_loop3A_404 = arith.subf %parallel_loop3A_403, %parallel_loop3A_402 : vector<16xf32>
      %parallel_loop3A_405 = arith.mulf %parallel_loop3A_347, %parallel_loop3A_404 : vector<16xf32>
      %parallel_loop3A_406 = arith.addf %parallel_loop3A_402, %parallel_loop3A_405 : vector<16xf32>
      %parallel_loop3A_407 = arith.constant 6 : i32
      %parallel_loop3A_408 = arith.index_cast %parallel_loop3A_407 : i32 to index
      %parallel_loop3A_409 = arith.index_cast %parallel_loop3A_334 : i32 to index
      %parallel_loop3A_410 = tpu.vector_load %arg9[%parallel_loop3A_408, %parallel_loop3A_409] {strides = array<i32>} : memref<16x3072xf32, #tpu.memory_space<vmem>>, vector<16xf32>,
      tpu.vector_store %arg9[%parallel_loop3A_408, %parallel_loop3A_409], %parallel_loop3A_406 {strides = array<i32>} : memref<16x3072xf32, #tpu.memory_space<vmem>>, vector<16xf32>,
      %parallel_loop3A_411 = tpu.vector_load_idx %arg6[%broadcast_in_dim3A_17, %parallel_loop3A_339] : memref<16x3584xf32, #tpu.memory_space<vmem>>[vector<16xi32>, vector<16xi32>], vector<16xf32>,
      %parallel_loop3A_412 = tpu.vector_load_idx %arg6[%broadcast_in_dim3A_17, %parallel_loop3A_345] : memref<16x3584xf32, #tpu.memory_space<vmem>>[vector<16xi32>, vector<16xi32>], vector<16xf32>,
      %parallel_loop3A_413 = arith.subf %parallel_loop3A_412, %parallel_loop3A_411 : vector<16xf32>
      %parallel_loop3A_414 = arith.mulf %parallel_loop3A_347, %parallel_loop3A_413 : vector<16xf32>
      %parallel_loop3A_415 = arith.addf %parallel_loop3A_411, %parallel_loop3A_414 : vector<16xf32>
      %parallel_loop3A_416 = arith.constant 7 : i32
      %parallel_loop3A_417 = arith.index_cast %parallel_loop3A_416 : i32 to index
      %parallel_loop3A_418 = arith.index_cast %parallel_loop3A_334 : i32 to index
      %parallel_loop3A_419 = tpu.vector_load %arg9[%parallel_loop3A_417, %parallel_loop3A_418] {strides = array<i32>} : memref<16x3072xf32, #tpu.memory_space<vmem>>, vector<16xf32>,
      tpu.vector_store %arg9[%parallel_loop3A_417, %parallel_loop3A_418], %parallel_loop3A_415 {strides = array<i32>} : memref<16x3072xf32, #tpu.memory_space<vmem>>, vector<16xf32>,
    } {sc.loop_unroll_factor = 1 : i64, sc.parallel_access}
    "tpu.region"() ({
      %run_scoped3A = tpu.sem_alloc : memref<!tpu.dma_semaphore, #tpu.memory_space<semaphore_mem>>
      %dma_start3A_334 = arith.constant 0 : i32
      %dma_start3A_335 = arith.constant 0 : i32
      %dma_start3A_336 = tpu.memref_slice %arg9[%dma_start3A_334, %dma_start3A_335] : memref<16x3072xf32, #tpu.memory_space<vmem>> -> memref<8x640xf32, #tpu.memory_space<vmem>>
      %dma_start3A_337 = arith.constant 119808 : i32
      %dma_start3A_338 = tpu.memref_slice %arg5[%mul3A_2, %dma_start3A_337] : memref<256x120448xf32, #tpu.memory_space<hbm>> -> memref<8x640xf32, #tpu.memory_space<hbm>>
      %dma_start3A_339 = arith.constant 119808 : i32
      %dma_start3A_340 = tpu.memref_slice %arg5[%mul3A_2, %dma_start3A_339] : memref<256x120448xf32, #tpu.memory_space<hbm>> -> memref<8x640xf32, #tpu.memory_space<hbm>>
      %dma_start3A_341 = arith.constant 0 : i32
      %dma_start3A_342 = arith.constant 0 : i32
      %dma_start3A_343 = tpu.memref_slice %arg9[%dma_start3A_341, %dma_start3A_342] : memref<16x3072xf32, #tpu.memory_space<vmem>> -> memref<8x640xf32, #tpu.memory_space<vmem>>
      tpu.enqueue_dma source(%dma_start3A_343 : memref<8x640xf32, #tpu.memory_space<vmem>>) target(%dma_start3A_340 : memref<8x640xf32, #tpu.memory_space<hbm>>) target_semaphore(%run_scoped3A : memref<!tpu.dma_semaphore, #tpu.memory_space<semaphore_mem>>)
      %dma_wait3A_344 = arith.constant 0 : i32
      %dma_wait3A_345 = arith.constant 0 : i32
      %dma_wait3A_346 = tpu.memref_slice %arg9[%dma_wait3A_344, %dma_wait3A_345] : memref<16x3072xf32, #tpu.memory_space<vmem>> -> memref<8x640xf32, #tpu.memory_space<vmem>>
      %dma_wait3A_347 = arith.constant 119808 : i32
      %dma_wait3A_348 = tpu.memref_slice %arg5[%mul3A_2, %dma_wait3A_347] : memref<256x120448xf32, #tpu.memory_space<hbm>> -> memref<8x640xf32, #tpu.memory_space<hbm>>
      %dma_wait3A_349 = arith.constant 119808 : i32
      %dma_wait3A_350 = tpu.memref_slice %arg5[%mul3A_2, %dma_wait3A_349] : memref<256x120448xf32, #tpu.memory_space<hbm>> -> memref<8x640xf32, #tpu.memory_space<hbm>>
      %dma_wait3A_351 = arith.constant 0 : i32
      %dma_wait3A_352 = arith.constant 0 : i32
      %dma_wait3A_353 = tpu.memref_slice %arg9[%dma_wait3A_351, %dma_wait3A_352] : memref<16x3072xf32, #tpu.memory_space<vmem>> -> memref<8x640xf32, #tpu.memory_space<vmem>>
      tpu.wait_dma2 semaphore(%run_scoped3A : memref<!tpu.dma_semaphore, #tpu.memory_space<semaphore_mem>>) src(%dma_wait3A_353 : memref<8x640xf32, #tpu.memory_space<vmem>>) dst(%dma_wait3A_350 : memref<8x640xf32, #tpu.memory_space<hbm>>)
      tpu.yield
    }) : () -> ()
    return
  }
}

</mosaic_0001>

<sc_bundles>
// kernel: kernel.3.cloned.1.call-start
scs
__scs_entry_jumppad:
0x0: {  	(pc) =	sbr.rel $0x88, $3  }
0x1: {  	(tag) =	ssettag $0x0;
	lr =	simm.s32 $0x1  }
0x2: {  	[smem:$0x3F9E] =	sst lr;
	_ =	strace $0xD0000000  }
0x3: {  	_ = 	snop  }
0x4: {  	_ = 	snop  }
0x5: {  	_ = 	snop  }
0x6: {  	_ = 	snop  }
0x7: {  	_ = 	snop  }
__scs_overlays_trampoline_lowered:
0x8: {  	[smem:$0x3FAD] =	sst s0  }
0x9: {  	[smem:$0x3FAE] =	sst s1  }
0xa: {  	[smem:$0x3FAF] =	sst s2  }
0xb: {  	[smem:$0x3FB0] =	sst s3  }
0xc: {  	[smem:$0x3FB1] =	sst s4  }
0xd: {  	[smem:$0x3FB2] =	sst s5  }
0xe: {  	[smem:$0x3FB3] =	sst s6  }
0xf: {  	[smem:$0x3FB4] =	sst s7  }
0x10: {  	[smem:$0x3FB5] =	sst s8  }
0x11: {  	[smem:$0x3FB6] =	sst s9;
	s0 =	simm.s32 @!p0 $0x0  }
0x12: {  	s1 =	sld [smem:$0x3F9C];
	s0 =	simm.s32 @p0 $0x1  }
0x13: {  	[smem:$0x3FB7] =	sst s0;
	s0 =	simm.s32 @!p1 $0x0  }
0x14: {  	s2 =	sld [smem:$0x3F9B];
	s0 =	simm.s32 @p1 $0x1  }
0x15: {  	[smem:$0x3FB8] =	sst s0;
	s0 =	simm.s32 @!p2 $0x0  }
0x16: {  	s3 =	sld [smem:$0x3FDB];
	s0 =	simm.s32 @p2 $0x1  }
0x17: {  	s4 =	simm.s32 $0x1BF5;
	[smem:$0x3FBA] =	sst s0  }
0x18: {  	s0 =	sld [smem:$0x3F9D];
	_ =	swait.ge [sflag:s4], $0x0  }
0x19: {  	s7 =	sld [smem:$0x3F9E]  }
0x1a: {  	s8 =	sadd.s32 $0xFFFFE003, lr  }
0x1b: {  	s9 =	sadd.s32 $0xFFFFFEF7, lr;
	s5 =	simm.s32 $0xFFFFFFFF;
	p2 =	slt.u32 s8, $0xFFFFF086  }
0x1c: {  	p1 =	slt.u32 s9, $0xF7A;
	s5 =	simm.s32 @!p2 $0x0  }
0x1d: {  	s5 =	simm.s32 @p1 $0x1;
	p0 =	seq.s32 s7, s2  }
0x1e: {  	s7 =	smul.u32 @!p0 $0xF7A, s2;
	p2 =	seq.s32 @!p0 s5, $0x0  }
0x1f: {  	s9 =	smul.u32 $0xF7A, s1;
	s8 =	simm.s32 @!p0 $0x1BF5;
	p2 =	por !p2, p0  }
0x20: {  	[sflag:s8] =	ssyncset.s32 @!p0 $0xFFFFF086;
	s6 =	sadd.s32 @!p0 s3, s7;
	s7 =	simm.s32 @!p0 $0x108  }
0x21: {  	s3 =	sadd.s32 s3, s9;
	s6 =	sadd.s32 @!p0 $0x88, s6;
	s7 =	simm.s32 @p2 $0x1082  }
0x22: {  	[simem:s7], [sflag:s8] =	dma.local @!p0 [hbm:s6], $0xF7A  }
0x23: {  	s9 =	sor.u32 $0xD0000000, s2;
	s6 =	simm.s32 $0x108;
	_ =	swait.ge @!p0 [sflag:s8], $0x0  }
0x24: {  	s3 =	sadd.s32 $0x88, s3;
	s6 =	simm.s32 @!p1 $0x1082;
	[sflag:s4] =	ssyncset.s32 $0xFFFFF086  }
0x25: {  	[simem:s6], [sflag:s4] =	dma.local [hbm:s3], $0xF7A  }
0x26: {  	[smem:$0x3F9E] =	sst s1;
	(tag) =	ssettag s2;
	_ =	strace s9  }
0x27: {  	s1 =	sld [smem:$0x3FAE]  }
0x28: {  	s2 =	sld [smem:$0x3FAF]  }
0x29: {  	s4 =	sld [smem:$0x3FB1]  }
0x2a: {  	p0 =	seq.s32 s5, $0x0;
	s5 =	sld [smem:$0x3FB2]  }
0x2b: {  	s6 =	sld [smem:$0x3FB3]  }
0x2c: {  	s7 =	sld [smem:$0x3FB4]  }
0x2d: {  	s3 =	simm.s32 $0x108;
	s8 =	sld [smem:$0x3FB5]  }
0x2e: {  	s3 =	simm.s32 @!p0 $0x1082;
	s9 =	sld [smem:$0x3FB6]  }
0x2f: {  	lr =	sadd.s32 s0, s3;
	s0 =	sld [smem:$0x3FAD]  }
0x30: {  	s3 =	sld [smem:$0x3FB0]  }
0x31: {  	[smem:$0x3FB9] =	sst s10  }
0x32: {  	s10 =	sld [smem:$0x3FB7];
	_ =	sdelay $0x3  }
0x33: {  	p0 =	seq.s32 s10, $0x1;
	s10 =	sld [smem:$0x3FB9];
	_ =	sdelay $0x3  }
0x34: {  	[smem:$0x3FB9] =	sst s10  }
0x35: {  	s10 =	sld [smem:$0x3FB8];
	_ =	sdelay $0x3  }
0x36: {  	p1 =	seq.s32 s10, $0x1;
	s10 =	sld [smem:$0x3FB9];
	_ =	sdelay $0x3  }
0x37: {  	[smem:$0x3FB9] =	sst s10  }
0x38: {  	s10 =	sld [smem:$0x3FBA]  }
0x39: {  	_ = 	snop;
	(pc) =	sbr.ind lr, $3  }
0x3a: {  	_ = 	snop  }
0x3b: {  	_ = 	snop  }
0x3c: {  	p2 =	seq.s32 s10, $0x1;
	s10 =	sld [smem:$0x3FB9]  }
0x3d: {  	_ =	shalt  }
0x3e: {  	_ =	shalt  }
0x3f: {  	_ =	shalt  }
0x40: {  	_ =	shalt  }
0x41: {  	_ =	shalt  }
0x42: {  	_ =	shalt  }
0x43: {  	_ =	shalt  }
0x44: {  	_ =	shalt  }
0x45: {  	_ =	shalt  }
0x46: {  	_ =	shalt  }
0x47: {  	_ =	shalt  }
0x48: {  	_ =	shalt  }
0x49: {  	_ =	shalt  }
0x4a: {  	_ =	shalt  }
0x4b: {  	_ =	shalt  }
0x4c: {  	_ =	shalt  }
0x4d: {  	_ =	shalt  }
0x4e: {  	_ =	shalt  }
0x4f: {  	_ =	shalt  }
0x50: {  	_ =	shalt  }
0x51: {  	_ =	shalt  }
0x52: {  	_ =	shalt  }
0x53: {  	_ =	shalt  }
0x54: {  	_ =	shalt  }
0x55: {  	_ =	shalt  }
0x56: {  	_ =	shalt  }
0x57: {  	_ =	shalt  }
0x58: {  	_ =	shalt  }
0x59: {  	_ =	shalt  }
0x5a: {  	_ =	shalt  }
0x5b: {  	_ =	shalt  }
0x5c: {  	_ =	shalt  }
0x5d: {  	_ =	shalt  }
0x5e: {  	_ =	shalt  }
0x5f: {  	_ =	shalt  }
0x60: {  	_ =	shalt  }
0x61: {  	_ =	shalt  }
0x62: {  	_ =	shalt  }
0x63: {  	_ =	shalt  }
0x64: {  	_ =	shalt  }
0x65: {  	_ =	shalt  }
0x66: {  	_ =	shalt  }
0x67: {  	_ =	shalt  }
0x68: {  	_ =	shalt  }
0x69: {  	_ =	shalt  }
0x6a: {  	_ =	shalt  }
0x6b: {  	_ =	shalt  }
0x6c: {  	_ =	shalt  }
0x6d: {  	_ =	shalt  }
0x6e: {  	_ =	shalt  }
0x6f: {  	_ =	shalt  }
0x70: {  	_ =	shalt  }
0x71: {  	_ =	shalt  }
0x72: {  	_ =	shalt  }
0x73: {  	_ =	shalt  }
0x74: {  	_ =	shalt  }
0x75: {  	_ =	shalt  }
0x76: {  	_ =	shalt  }
0x77: {  	_ =	shalt  }
0x78: {  	_ =	shalt  }
0x79: {  	_ =	shalt  }
0x7a: {  	_ =	shalt  }
0x7b: {  	_ =	shalt  }
0x7c: {  	_ =	shalt  }
0x7d: {  	_ =	shalt  }
0x7e: {  	_ =	shalt  }
0x7f: {  	_ =	shalt  }
0x80: {  	_ =	shalt  }
0x81: {  	_ =	shalt  }
0x82: {  	_ =	shalt  }
0x83: {  	_ =	shalt  }
0x84: {  	_ =	shalt  }
0x85: {  	_ =	shalt  }
0x86: {  	_ =	shalt  }
0x87: {  	_ =	shalt  }
.Lfunc_end0:
.L_simem_size_0:
called_computation.1_lowered:
.L_overlay_start_0:
0x88: {  	s2 =	sld [smem:$0x3FD9]  }
0x89: {  	s3 =	sld [smem:$0x3FFE];
	_ =	sdelay $0x1  }
0x8a: {  	s1 =	srdreg.scid  }
0x8b: {  	s0 =	sand.u32 $0x1, s1  }
0x8c: {  	s17 =	sshll.u32 s0, $0xA;
	s2 =	sadd.s32 s3, s2  }
0x8d: {  	s2 =	sadd.s32 s2, s17  }
0x8e: {  	[smem:$0x3FC5] =	sst s2  }
0x8f: {  	_ = 	snop  }
0x90: {  	s2 =	sld [smem:$0x3FC9]  }
0x91: {  	s18 =	sld [smem:$0x3FD0];
	(tm) =	ssettm $0x1  }
0x92: {  	s4 =	sld [smem:$0x3FFB];
	_ =	sdelay $0x3  }
0x93: {  	_ =	strace s4  }
0x94: {  	s4 =	sld [smem:$0x3FFC];
	_ =	sdelay $0x3  }
0x95: {  	_ =	strace s4  }
0x96: {  	s4 =	sld [smem:$0x3FFD];
	_ =	sdelay $0x3  }
0x97: {  	_ =	strace s4  }
0x98: {  	_ =	strace $0x8FFFFFFF  }
0x99: {  	s19 =	sld [smem:$0x3FDB];
	_ =	sdelay $0x1  }
0x9a: {  	s5 =	simm.s32 $_scs_section_size  }
0x9b: {  	s6 =	simm.s32 $_size__tile_overlayer_lowered;
	s7 =	simm.s32 $_tile_overlayer_lowered  }
0x9c: {  	s22 =	simm.s32 $0x1BFF;
	s21 =	sshll.u32 s7, $0x1;
	s4 =	sadd.s32 s5, s19  }
0x9d: {  	s8 =	simm.s32 $0x0;
	s20 =	sshll.u32 s6, $0x1;
	s6 =	sadd.s32 s21, s4  }
0x9e: {  	[timem:s8], [sflag:s22] =	dma.local [hbm:s6], s20  }
0x9f: {  	_ =	swait.ge [sflag:s22], s20  }
0xa0: {  	s5 =	ssub.s32 $0x0, s20;
	[sflag:s22] =	ssyncset.done $0x0  }
0xa1: {  	[sflag:s22] =	ssyncadd.s32 s5;
	_ =	sdelay $0x1  }
0xa2: {  	s23 =	simm.s32 $0x1B8B  }
0xa3: {  	_ =	swait.ge [sflag:s23], $0x1  }
0xa4: {  	[sflag:s23] =	ssyncset.done $0x0  }
0xa5: {  	s25 =	simm.s32 $0x1B8E;
	s24 =	sld [smem:$0x3FFE];
	[sflag:s23] =	ssyncadd.s32 $0xFFFFFFFF  }
0xa6: {  	s26 =	simm.s32 $execute0_lowered;
	[smem:$0x3FD2] =	sst s25  }
0xa7: {  	s6 =	sshll.u32 s26, $0x1;
	_ =	strace $0x80000046;
	[dreg:$0x1] =	wrdreg $0xFFFFFFFF  }
0xa8: {  	s28 =	simm.s32 $_size_execute0_lowered;
	s4 =	sadd.s32 s4, s6;
	[dreg:$0x0] =	wrdreg $0x0  }
0xa9: {  	s6 =	sshll.u32 s28, $0x1;
	[dreg:$0x2] =	wrdreg s4  }
0xaa: {  	[dreg:$0x3] =	wrdreg s6  }
0xab: {  	[dreg:$0x4] =	wrdreg $0xC0  }
0xac: {  	_ =	task [dreg:s8], $0x5FFFF  }
0xad: {  	[dreg:$0x1] =	wrdreg $0xFFFFFFFF  }
0xae: {  	[dreg:$0x0] =	wrdreg $0x60  }
0xaf: {  	[dreg:$0x2] =	wrdreg s2  }
0xb0: {  	[dreg:$0x3] =	wrdreg s18  }
0xb1: {  	[dreg:$0x4] =	wrdreg s24  }
0xb2: {  	[dreg:$0x5] =	wrdreg $0x9  }
0xb3: {  	_ =	task.clear_ibuf [dreg:s8], $0x6FFFF;
	_ =	strace $0x90000046  }
0xb4: {  	s29 =	simm.s32 $0x9;
	_ =	strace $0x80000048  }
0xb5: {  	_ =	swait.ge [sflag:s29], $0x1  }
0xb6: {  	[sflag:s29] =	ssyncadd.s32 $0xFFFFFFFF  }
0xb7: {  	_ =	strace $0x90000048  }
0xb8: {  	_ =	sfence  }
0xb9: {  	s30 =	sld [smem:$0x0];
	_ =	sdelay $0x2  }
0xba: {  	s31 =	sshll.u32 s1, $0xD;
	s1 =	sshrl.u32 s1, $0x2  }
0xbb: {  	s3 =	sand.u32 $0x4000, s31;
	s1 =	sadd.s32 s1, s30  }
0xbc: {  	s0 =	sor.u32 s3, s0;
	s1 =	sshll.u32 s1, $0x11  }
0xbd: {  	s0 =	sor.u32 s1, s0  }
0xbe: {  	s0 =	sadd.s32 $0x8F2B, s0  }
0xbf: {  	[sflag:s0] =	ssyncadd.remote.s32 $0x1  }
0xc0: {  	_ =	sfence.sel $0xFFFF  }
0xc1: {  	[dreg:$0x0] =	wrdreg $0xFFFFFFFF;
	(pc) =	sbr.abs _section_cstart, $3  }
0xc2: {  	[dreg:$0x1] =	wrdreg $0xFFFFFFFF  }
0xc3: {  	_ =	task.clear_ibuf [dreg:s8], $0x2FFFF;
	_ =	strace $0x9FFFFFFF  }
0xc4: {  	(tm) =	ssettm $0x7FFFFFFF  }
0xc5: {  	_ =	shalt  }
tec
execute0_lowered:
.L_overlay_start_1:
0x0: {  	(tag) =	ssettag $0x1  }
0x1: {  	s8 =	rddreg [dreg:$0x0]  }
0x2: {  	s10 =	rddreg [dreg:$0x1]  }
0x3: {  	s0 =	rddreg [dreg:$0x2]  }
0x4: {  	s4 =	simm.s32 $0x0;
	s1 =	srdreg.scid;
	s3 =	stileid.u32  }
0x5: {  	[smem:$0x7FF] =	sst s4;
	s1 =	sand.u32 $0x1, s1;
	s16 =	sadd.s32 $0x180, s10  }
0x6: {  	s17 =	sadd.s32 $0x980, s0;
	_ =	strace $0x80000047;
	[dreg:$0x5] =	wrdreg s16  }
0x7: {  	s3 =	sshll.u32 s3, $0x1;
	s19 =	sadd.s32 $0x300, s10;
	[dreg:$0x6] =	wrdreg s17  }
0x8: {  	s5 =	sadd.s32 $0x800, s0;
	s20 =	sadd.s32 $0xB00, s0;
	[dreg:$0x8] =	wrdreg s19  }
0x9: {  	s6 =	sadd.s32 $0x4400, s0;
	s22 =	sadd.s32 $0x480, s10;
	[dreg:$0x9] =	wrdreg s20  }
0xa: {  	s23 =	sadd.s32 $0xC80, s0;
	s26 =	sadd.s32 $0x3A80, s10;
	[dreg:$0xc] =	wrdreg s22  }
0xb: {  	s2 =	ssub.s32 $0x2, s1;
	s1 =	sor.u32 s1, s3;
	[dreg:$0xd] =	wrdreg s23  }
0xc: {  	s0 =	sadd.s32 $0x4280, s0;
	[dreg:$0x10] =	wrdreg s26;
	s3 =	sshll.u32 s1, $0x11  }
0xd: {  	[dreg:$0x11] =	wrdreg s0;
	s3 =	sadd.s32 s8, s3  }
0xe: {  	s18 =	sadd.s32 $0xD00, s3;
	[dreg:$0x4] =	wrdreg s3  }
0xf: {  	s7 =	sshrl.u32 s2, $0x1;
	s8 =	sadd.s32 $0x1A00, s3;
	[dreg:$0x7] =	wrdreg s18  }
0x10: {  	s9 =	smul.u32 $0xEB400, s1;
	s24 =	sadd.s32 $0x2700, s3;
	[dreg:$0xa] =	wrdreg s8  }
0x11: {  	s2 =	ssub.s32 s2, s7;
	s28 =	sadd.s32 $0x1FD00, s3;
	[dreg:$0xe] =	wrdreg s24  }
0x12: {  	s21 =	sshrl.u32 s9, $0x3;
	s31 =	smax.u32 s2, $0x1;
	[dreg:$0x12] =	wrdreg s28  }
0x13: {  	s7 =	sshll.u32 s1, $0x14;
	s1 =	sadd.s32 s6, s21;
	[dreg:$0x14] =	wrdreg s31  }
0x14: {  	s25 =	sadd.s32 $0xC00, s1;
	[dreg:$0xb] =	wrdreg s1  }
0x15: {  	s30 =	simm.s32 $0x1;
	s29 =	sadd.s32 $0x1D400, s1;
	[dreg:$0xf] =	wrdreg s25  }
0x16: {  	s10 =	simm.s32 $0x2;
	s2 =	simm.s32 $0x0;
	[dreg:$0x13] =	wrdreg s29  }
.LBB2_1:
0x17: {  	s0 =	rddreg [dreg:$0x1];
	s15 =	simm.s32 $0xE000  }
0x18: {  	[tilespmem:s15], [sflag:$0x1] =	stream.linear.gather [hbm4b:s0+s4], $0xC00, $0x38;
	[tilespmem:$0x1D000] =	vst v63  }
0x19: {  	[dreg:$0x15] =	wrdreg s2;
	s3 =	simm.s32 $0xF800  }
0x1a: {  	[tilespmem:s3], [sflag:$0x1] =	stream.linear.gather [hbm4b:s5+s4], $0xC00, $0x38;
	[tilespmem:$0x1D000] =	vst v63  }
0x1b: {  	s16 =	rddreg [dreg:$0x4]  }
0x1c: {  	[tilespmem:s4], [sflag:$0x1] =	stream.linear.gather [hbm4b:s16+s4], $0x7000, $0x38;
	[tilespmem:$0x1D000] =	vst v63  }
0x1d: {  	s17 =	rddreg [dreg:$0x5];
	s1 =	simm.s32 $0xEC00  }
0x1e: {  	[tilespmem:s1], [sflag:$0x2] =	stream.linear.gather [hbm4b:s17+s4], $0xC00, $0x38;
	[tilespmem:$0x1D000] =	vst v63  }
0x1f: {  	s18 =	rddreg [dreg:$0x6];
	s19 =	simm.s32 $0x10400  }
0x20: {  	[tilespmem:s19], [sflag:$0x2] =	stream.linear.gather [hbm4b:s18+s4], $0xC00, $0x38;
	[tilespmem:$0x1D000] =	vst v63  }
0x21: {  	s20 =	rddreg [dreg:$0x7];
	s21 =	simm.s32 $0x7000  }
0x22: {  	[tilespmem:s21], [sflag:$0x2] =	stream.linear.gather [hbm4b:s20+s4], $0x7000, $0x38;
	[tilespmem:$0x1D000] =	vst v63  }
0x23: {  	_ =	swait.ge [sflag:s30], $0xC00  }
0x24: {  	[sflag:s30] =	ssyncset.done $0x0  }
0x25: {  	[sflag:s30] =	ssyncadd.s32 $0xFFFFF400  }
0x26: {  	_ =	swait.ge [sflag:s30], $0xC00  }
0x27: {  	[sflag:s30] =	ssyncset.done $0x0  }
0x28: {  	[sflag:s30] =	ssyncadd.s32 $0xFFFFF400  }
0x29: {  	_ =	swait.ge [sflag:s30], $0x7000  }
0x2a: {  	[sflag:s30] =	ssyncset.done $0x0  }
0x2b: {  	[sflag:s30] =	ssyncadd.s32 $0xFFFF9000  }
0x2c: {  	v0 =	vld [tilespmem:s15+$0x0];
	_ =	sdelay $0x4  }
0x2d: {  	v1 =	vadd.s32 $0x1, v0;
	v2 =	vshll.u32 v0, $0x3  }
0x2e: {  	v0 =	vand.u32 $0x7F, v0;
	v2 =	vand.u32 $0xFFFFFC00, v2;
	v3 =	vshll.u32 v1, $0x3  }
0x2f: {  	v1 =	vand.u32 $0x7F, v1;
	v3 =	vand.u32 $0xFFFFFC00, v3;
	v11 =	vor.u32 v0, v2  }
0x30: {  	v14 =	vor.u32 v1, v3;
	_ =	sdelay $0x3  }
0x31: {  	v0 =	vld.idx.msk [tilespmem:v11+s4+$0x0], $0xffff  }
0x32: {  	s22 =	simm.s32 $0xE010;
	v1 =	vld.idx.msk [tilespmem:v14+s4+$0x0], $0xffff  }
0x33: {  	v2 =	vld [tilespmem:s22+$0x0]  }
0x34: {  	v24 =	vld [tilespmem:s3+$0x0];
	_ =	sdelay $0x2  }
0x35: {  	v1 =	vsub.f32 v1, v0  }
0x36: {  	v3 =	vor.u32 $0x80, v11;
	v7 =	vor.u32 $0x80, v14;
	v4 =	vadd.s32 $0x1, v2  }
0x37: {  	v5 =	vshll.u32 v2, $0x3;
	v6 =	vshll.u32 v4, $0x3;
	v1 =	vmul.f32 v1, v24  }
0x38: {  	s23 =	simm.s32 $0x0;
	v2 =	vand.u32 $0x7F, v2;
	v4 =	vand.u32 $0x7F, v4;
	v6 =	vand.u32 $0xFFFFFC00, v6  }
0x39: {  	s24 =	sand.u32 $0x7C00, s4;
	s0 =	sand.u32 $0x70, s23;
	v5 =	vand.u32 $0xFFFFFC00, v5;
	v19 =	vor.u32 v4, v6;
	v0 =	vadd.f32 v1, v0  }
0x3a: {  	s0 =	sor.u32 s0, s24;
	v25 =	vor.u32 v2, v5  }
0x3b: {  	[tilespmem:s0+$0x11000] =	vst v0  }
0x3c: {  	v1 =	vld.idx.msk [tilespmem:v3+s4+$0x0], $0xffff  }
0x3d: {  	v2 =	vld.idx.msk [tilespmem:v7+s4+$0x0], $0xffff  }
0x3e: {  	v4 =	vld.idx.msk [tilespmem:v19+s4+$0x0], $0xffff  }
0x3f: {  	s25 =	simm.s32 $0xE020;
	v3 =	vld.idx.msk [tilespmem:v25+s4+$0x0], $0xffff  }
0x40: {  	s26 =	simm.s32 $0xF810;
	v5 =	vld [tilespmem:s25+$0x0]  }
0x41: {  	v0 =	vld [tilespmem:s26+$0x0]  }
0x42: {  	v2 =	vsub.f32 v2, v1;
	_ =	sdelay $0x1  }
0x43: {  	v6 =	vor.u32 $0x100, v11;
	v4 =	vsub.f32 v4, v3;
	v2 =	vmul.f32 v2, v24  }
0x44: {  	v8 =	vor.u32 $0x100, v14;
	v9 =	vshll.u32 v5, $0x3  }
0x45: {  	v7 =	vor.u32 $0x80, v25;
	v1 =	vadd.f32 v2, v1;
	v2 =	vmul.f32 v4, v0  }
0x46: {  	s29 =	simm.s32 $0x10;
	s31 =	simm.s32 $0x80;
	s8 =	sadd.s32 $0x11000, s0;
	v10 =	vor.u32 $0x80, v19;
	v9 =	vand.u32 $0xFFFFFC00, v9;
	v4 =	vadd.s32 $0x1, v5  }
0x47: {  	s1 =	sand.u32 $0x70, s29;
	s3 =	sand.u32 $0x7C00, s31;
	v5 =	vand.u32 $0x7F, v5;
	v12 =	vshll.u32 v4, $0x3;
	[tilespmem:s8+$0x80] =	vst v1;
	v1 =	vadd.f32 v2, v3  }
0x48: {  	s0 =	sor.u32 s1, s3;
	v5 =	vor.u32 v5, v9;
	v2 =	vand.u32 $0xFFFFFC00, v12;
	v3 =	vand.u32 $0x7F, v4;
	v4 =	vld.idx.msk [tilespmem:v6+s4+$0x0], $0xffff  }
0x49: {  	v26 =	vor.u32 v3, v2;
	v2 =	vld.idx.msk [tilespmem:v8+s4+$0x0], $0xffff;
	[tilespmem:s0+$0x11000] =	vst v1  }
0x4a: {  	v3 =	vld.idx.msk [tilespmem:v7+s4+$0x0], $0xffff  }
0x4b: {  	v6 =	vld.idx.msk [tilespmem:v10+s4+$0x0], $0xffff;
	_ =	sdelay $0x1  }
0x4c: {  	v7 =	vld.idx.msk [tilespmem:v5+s4+$0x0], $0xffff  }
0x4d: {  	v8 =	vld.idx.msk [tilespmem:v26+s4+$0x0], $0xffff;
	v1 =	vsub.f32 v2, v4  }
0x4e: {  	s12 =	simm.s32 $0xF820  }
0x4f: {  	s11 =	simm.s32 $0xE030;
	v10 =	vor.u32 $0x180, v11;
	v9 =	vmul.f32 v1, v24;
	v1 =	vld [tilespmem:s12+$0x0];
	v6 =	vsub.f32 v6, v3  }
0x50: {  	v12 =	vor.u32 $0x180, v14;
	v2 =	vld [tilespmem:s11+$0x0]  }
0x51: {  	v13 =	vor.u32 $0x100, v25;
	v4 =	vadd.f32 v9, v4;
	v6 =	vmul.f32 v6, v0  }
0x52: {  	v9 =	vor.u32 $0x100, v19;
	v8 =	vsub.f32 v8, v7  }
0x53: {  	[tilespmem:s8+$0x100] =	vst v4;
	v3 =	vadd.f32 v6, v3  }
0x54: {  	s14 =	sadd.s32 $0x11000, s0;
	v16 =	vor.u32 $0x80, v26;
	v4 =	vor.u32 $0x80, v5;
	v10 =	vld.idx.msk [tilespmem:v10+s4+$0x0], $0xffff;
	v8 =	vmul.f32 v8, v1  }
0x55: {  	s13 =	simm.s32 $0x20;
	s15 =	simm.s32 $0x100;
	v15 =	vadd.s32 $0x1, v2;
	v6 =	vshll.u32 v2, $0x3;
	v2 =	vand.u32 $0x7F, v2;
	v12 =	vld.idx.msk [tilespmem:v12+s4+$0x0], $0xffff;
	[tilespmem:s14+$0x80] =	vst v3  }
0x56: {  	s1 =	sand.u32 $0x7C00, s15;
	s0 =	sand.u32 $0x70, s13;
	v6 =	vand.u32 $0xFFFFFC00, v6;
	v3 =	vshll.u32 v15, $0x3;
	v8 =	vadd.f32 v8, v7;
	v13 =	vld.idx.msk [tilespmem:v13+s4+$0x0], $0xffff  }
0x57: {  	s0 =	sor.u32 s0, s1;
	v15 =	vand.u32 $0x7F, v15;
	v7 =	vand.u32 $0xFFFFFC00, v3;
	v3 =	vor.u32 v2, v6;
	v2 =	vld.idx.msk [tilespmem:v9+s4+$0x0], $0xffff  }
0x58: {  	v7 =	vor.u32 v15, v7;
	[tilespmem:s0+$0x11000] =	vst v8  }
0x59: {  	v4 =	vld.idx.msk [tilespmem:v4+s4+$0x0], $0xffff  }
0x5a: {  	s16 =	simm.s32 $0xE040;
	v6 =	vld.idx.msk [tilespmem:v16+s4+$0x0], $0xffff  }
0x5b: {  	v8 =	vsub.f32 v12, v10;
	v16 =	vld [tilespmem:s16+$0x0]  }
0x5c: {  	v9 =	vld.idx.msk [tilespmem:v3+s4+$0x0], $0xffff;
	v2 =	vsub.f32 v2, v13  }
0x5d: {  	v12 =	vor.u32 $0x200, v11;
	v8 =	vmul.f32 v8, v24;
	v15 =	vld.idx.msk [tilespmem:v7+s4+$0x0], $0xffff  }
0x5e: {  	s17 =	simm.s32 $0xF830;
	v18 =	vor.u32 $0x180, v25;
	v17 =	vmul.f32 v2, v0  }
0x5f: {  	v8 =	vadd.f32 v8, v10;
	v10 =	vor.u32 $0x180, v19;
	v2 =	vld [tilespmem:s17+$0x0];
	v6 =	vsub.f32 v6, v4  }
0x60: {  	v20 =	vor.u32 $0x200, v14;
	v13 =	vadd.f32 v17, v13  }
0x61: {  	[tilespmem:s8+$0x180] =	vst v8;
	v8 =	vor.u32 $0x100, v5;
	v6 =	vmul.f32 v6, v1  }
0x62: {  	v21 =	vor.u32 $0x100, v26;
	v22 =	vshll.u32 v16, $0x3;
	v12 =	vld.idx.msk [tilespmem:v12+s4+$0x0], $0xffff;
	[tilespmem:s14+$0x100] =	vst v13;
	v13 =	vsub.f32 v15, v9  }
0x63: {  	v17 =	vor.u32 $0x80, v3;
	v15 =	vadd.s32 $0x1, v16;
	v18 =	vld.idx.msk [tilespmem:v18+s4+$0x0], $0xffff;
	v4 =	vadd.f32 v6, v4  }
0x64: {  	s19 =	sadd.s32 $0x11000, s0;
	v6 =	vand.u32 $0xFFFFFC00, v22;
	v22 =	vshll.u32 v15, $0x3;
	v10 =	vld.idx.msk [tilespmem:v10+s4+$0x0], $0xffff;
	v13 =	vmul.f32 v13, v2  }
0x65: {  	s18 =	simm.s32 $0x30;
	v23 =	vor.u32 $0x80, v7;
	s17 =	simm.s32 $0x180;
	v20 =	vld.idx.msk [tilespmem:v20+s4+$0x0], $0xffff;
	v16 =	vand.u32 $0x7F, v16;
	v22 =	vand.u32 $0xFFFFFC00, v22;
	[tilespmem:s19+$0x80] =	vst v4  }
0x66: {  	s0 =	sand.u32 $0x70, s18;
	s20 =	sand.u32 $0x7C00, s17;
	v6 =	vor.u32 v16, v6;
	v4 =	vand.u32 $0x7F, v15;
	v13 =	vadd.f32 v13, v9;
	v8 =	vld.idx.msk [tilespmem:v8+s4+$0x0], $0xffff  }
0x67: {  	s21 =	simm.s32 $0xE050;
	s0 =	sor.u32 s0, s20;
	v9 =	vor.u32 v4, v22;
	v4 =	vld.idx.msk [tilespmem:v21+s4+$0x0], $0xffff  }
0x68: {  	v27 =	vld [tilespmem:s21+$0x0];
	[tilespmem:s0+$0x11000] =	vst v13  }
0x69: {  	v10 =	vsub.f32 v10, v18;
	v13 =	vld.idx.msk [tilespmem:v17+s4+$0x0], $0xffff  }
0x6a: {  	v15 =	vld.idx.msk [tilespmem:v23+s4+$0x0], $0xffff  }
0x6b: {  	v16 =	vsub.f32 v20, v12;
	v20 =	vor.u32 $0x200, v25;
	v17 =	vld.idx.msk [tilespmem:v6+s4+$0x0], $0xffff;
	v10 =	vmul.f32 v10, v0  }
0x6c: {  	v21 =	vor.u32 $0x200, v19;
	v22 =	vld.idx.msk [tilespmem:v9+s4+$0x0], $0xffff;
	v4 =	vsub.f32 v4, v8  }
0x6d: {  	s22 =	simm.s32 $0xF840;
	v16 =	vmul.f32 v16, v24;
	v23 =	vor.u32 $0x280, v11;
	v10 =	vadd.f32 v10, v18  }
0x6e: {  	s3 =	simm.s32 $0xE070;
	v28 =	vor.u32 $0x180, v5;
	v18 =	vmul.f32 v4, v1;
	v4 =	vld [tilespmem:s22+$0x0]  }
0x6f: {  	v37 =	vld [tilespmem:s3+$0x0];
	v12 =	vadd.f32 v16, v12;
	v16 =	vor.u32 $0x180, v26;
	[tilespmem:s14+$0x180] =	vst v10;
	v10 =	vsub.f32 v15, v13  }
0x70: {  	v30 =	vadd.s32 $0x1, v27;
	v15 =	vor.u32 $0x280, v14;
	v8 =	vadd.f32 v18, v8;
	v18 =	vld.idx.msk [tilespmem:v20+s4+$0x0], $0xffff  }
0x71: {  	[tilespmem:s8+$0x200] =	vst v12;
	v12 =	vor.u32 $0x100, v3;
	v20 =	vld.idx.msk [tilespmem:v21+s4+$0x0], $0xffff;
	v10 =	vmul.f32 v10, v2;
	v21 =	vsub.f32 v22, v17  }
0x72: {  	v31 =	vshll.u32 v30, $0x3;
	v29 =	vor.u32 $0x100, v7;
	v23 =	vld.idx.msk [tilespmem:v23+s4+$0x0], $0xffff;
	[tilespmem:s19+$0x100] =	vst v8  }
0x73: {  	v8 =	vshll.u32 v27, $0x3;
	v28 =	vld.idx.msk [tilespmem:v28+s4+$0x0], $0xffff;
	v10 =	vadd.f32 v10, v13;
	v13 =	vmul.f32 v21, v4  }
0x74: {  	s20 =	sadd.s32 $0x11000, s0;
	v22 =	vor.u32 $0x80, v6;
	v8 =	vand.u32 $0xFFFFFC00, v8;
	v21 =	vand.u32 $0x7F, v27;
	v16 =	vld.idx.msk [tilespmem:v16+s4+$0x0], $0xffff  }
0x75: {  	s23 =	simm.s32 $0x40;
	s18 =	simm.s32 $0x200;
	v27 =	vor.u32 $0x80, v9;
	v15 =	vld.idx.msk [tilespmem:v15+s4+$0x0], $0xffff;
	[tilespmem:s20+$0x80] =	vst v10;
	v10 =	vor.u32 v21, v8;
	v8 =	vadd.f32 v13, v17  }
0x76: {  	s24 =	sand.u32 $0x70, s23;
	s25 =	sand.u32 $0x7C00, s18;
	v13 =	vand.u32 $0xFFFFFC00, v31;
	v17 =	vand.u32 $0x7F, v30;
	v20 =	vsub.f32 v20, v18;
	v12 =	vld.idx.msk [tilespmem:v12+s4+$0x0], $0xffff  }
0x77: {  	s3 =	simm.s32 $0xE080;
	s0 =	sor.u32 s24, s25;
	v13 =	vor.u32 v17, v13;
	v17 =	vld.idx.msk [tilespmem:v29+s4+$0x0], $0xffff  }
0x78: {  	v46 =	vld [tilespmem:s3+$0x0];
	[tilespmem:s0+$0x11000] =	vst v8;
	v8 =	vmul.f32 v20, v0  }
0x79: {  	v20 =	vld.idx.msk [tilespmem:v22+s4+$0x0], $0xffff;
	v16 =	vsub.f32 v16, v28  }
0x7a: {  	s26 =	simm.s32 $0xE060;
	v22 =	vld.idx.msk [tilespmem:v27+s4+$0x0], $0xffff;
	v8 =	vadd.f32 v8, v18;
	v18 =	vor.u32 $0x280, v19  }
0x7b: {  	v30 =	vor.u32 $0x200, v5;
	v29 =	vld [tilespmem:s26+$0x0];
	v15 =	vsub.f32 v15, v23;
	v16 =	vmul.f32 v16, v1  }
0x7c: {  	v31 =	vor.u32 $0x200, v26;
	v27 =	vld.idx.msk [tilespmem:v10+s4+$0x0], $0xffff;
	[tilespmem:s14+$0x200] =	vst v8;
	v8 =	vsub.f32 v17, v12  }
0x7d: {  	s29 =	simm.s32 $0xF850;
	v32 =	vld.idx.msk [tilespmem:v13+s4+$0x0], $0xffff;
	v17 =	vor.u32 $0x300, v11;
	v15 =	vmul.f32 v15, v24;
	v16 =	vadd.f32 v16, v28  }
0x7e: {  	v33 =	vor.u32 $0x180, v3;
	v28 =	vmul.f32 v8, v2;
	v8 =	vld [tilespmem:s29+$0x0]  }
0x7f: {  	v34 =	vor.u32 $0x180, v7;
	v15 =	vadd.f32 v15, v23;
	[tilespmem:s19+$0x180] =	vst v16;
	v16 =	vld.idx.msk [tilespmem:v18+s4+$0x0], $0xffff;
	v18 =	vsub.f32 v22, v20  }
0x80: {  	v41 =	vor.u32 $0x380, v11;
	v21 =	vor.u32 $0x280, v25;
	v12 =	vadd.f32 v28, v12;
	v23 =	vld.idx.msk [tilespmem:v30+s4+$0x0], $0xffff  }
0x81: {  	v58 =	vor.u32 $0x380, v14;
	v28 =	vor.u32 $0x100, v6;
	v30 =	vld.idx.msk [tilespmem:v31+s4+$0x0], $0xffff;
	[tilespmem:s8+$0x280] =	vst v15;
	v18 =	vmul.f32 v18, v4  }
0x82: {  	v40 =	vor.u32 $0x300, v25;
	v56 =	vor.u32 $0x100, v9;
	v15 =	vsub.f32 v32, v27;
	v36 =	vld.idx.msk [tilespmem:v17+s4+$0x0], $0xffff;
	[tilespmem:s20+$0x100] =	vst v12  }
0x83: {  	v35 =	vadd.s32 $0x1, v29;
	v22 =	vor.u32 $0x300, v14;
	v33 =	vld.idx.msk [tilespmem:v33+s4+$0x0], $0xffff;
	v17 =	vadd.f32 v18, v20  }
0x84: {  	s22 =	sadd.s32 $0x11000, s0;
	v31 =	vor.u32 $0x80, v10;
	v12 =	vshll.u32 v29, $0x3;
	v15 =	vmul.f32 v15, v8;
	v20 =	vld.idx.msk [tilespmem:v34+s4+$0x0], $0xffff  }
0x85: {  	s31 =	simm.s32 $0x50;
	s21 =	simm.s32 $0x280;
	v21 =	vld.idx.msk [tilespmem:v21+s4+$0x0], $0xffff;
	v57 =	vshll.u32 v35, $0x3;
	v12 =	vand.u32 $0xFFFFFC00, v12;
	v18 =	vand.u32 $0x7F, v29;
	[tilespmem:s22+$0x80] =	vst v17  }
0x86: {  	s2 =	sand.u32 $0x7C00, s21;
	s1 =	sand.u32 $0x70, s31;
	v29 =	vor.u32 $0x80, v13;
	v12 =	vor.u32 v18, v12;
	v15 =	vadd.f32 v15, v27;
	v27 =	vld.idx.msk [tilespmem:v28+s4+$0x0], $0xffff  }
0x87: {  	s0 =	sor.u32 s1, s2;
	v18 =	vand.u32 $0x7F, v35;
	v17 =	vand.u32 $0xFFFFFC00, v57;
	v28 =	vsub.f32 v30, v23;
	v30 =	vld.idx.msk [tilespmem:v56+s4+$0x0], $0xffff  }
0x88: {  	v59 =	vor.u32 $0x280, v26;
	v38 =	vor.u32 $0x200, v3;
	v22 =	vld.idx.msk [tilespmem:v22+s4+$0x0], $0xffff;
	v17 =	vor.u32 v18, v17;
	[tilespmem:s0+$0x11000] =	vst v15  }
0x89: {  	s11 =	simm.s32 $0xF860;
	v15 =	vmul.f32 v28, v1;
	v28 =	vld.idx.msk [tilespmem:v31+s4+$0x0], $0xffff;
	v31 =	vor.u32 $0x280, v5;
	v20 =	vsub.f32 v20, v33  }
0x8a: {  	v45 =	vor.u32 $0x280, v3;
	v39 =	vor.u32 $0x200, v7;
	v47 =	vor.u32 $0x200, v6;
	v11 =	vld [tilespmem:s11+$0x0]  }
0x8b: {  	v16 =	vsub.f32 v16, v21;
	v29 =	vld.idx.msk [tilespmem:v29+s4+$0x0], $0xffff;
	v23 =	vadd.f32 v15, v23;
	v20 =	vmul.f32 v20, v2  }
0x8c: {  	v42 =	vor.u32 $0x180, v9;
	v48 =	vor.u32 $0x200, v9;
	v60 =	vld.idx.msk [tilespmem:v12+s4+$0x0], $0xffff;
	v30 =	vsub.f32 v30, v27  }
0x8d: {  	v18 =	vor.u32 $0x380, v19;
	v16 =	vmul.f32 v16, v0;
	[tilespmem:s19+$0x200] =	vst v23;
	v23 =	vld.idx.msk [tilespmem:v17+s4+$0x0], $0xffff;
	v20 =	vadd.f32 v20, v33  }
0x8e: {  	v19 =	vor.u32 $0x300, v19;
	v22 =	vsub.f32 v22, v36;
	v33 =	vld.idx.msk [tilespmem:v31+s4+$0x0], $0xffff;
	v30 =	vmul.f32 v30, v4  }
0x8f: {  	v62 =	vor.u32 $0x100, v10;
	v31 =	vor.u32 $0x180, v6;
	v34 =	vld.idx.msk [tilespmem:v59+s4+$0x0], $0xffff;
	[tilespmem:s20+$0x180] =	vst v20;
	v20 =	vadd.f32 v16, v21  }
0x90: {  	v21 =	vmul.f32 v22, v24;
	v22 =	vsub.f32 v29, v28;
	v27 =	vadd.f32 v30, v27;
	v30 =	vld.idx.msk [tilespmem:v38+s4+$0x0], $0xffff  }
0x91: {  	v50 =	vor.u32 $0x180, v10;
	v14 =	vor.u32 $0x380, v26;
	v52 =	vor.u32 $0x80, v17;
	v61 =	vld.idx.msk [tilespmem:v39+s4+$0x0], $0xffff;
	[tilespmem:s14+$0x280] =	vst v20  }
0x92: {  	v15 =	vor.u32 $0x380, v7;
	v20 =	vadd.f32 v21, v36;
	v21 =	vmul.f32 v22, v8;
	v63 =	vld.idx.msk [tilespmem:v40+s4+$0x0], $0xffff  }
0x93: {  	v22 =	vshll.u32 v37, $0x3;
	[tilespmem:s22+$0x100] =	vst v27;
	v27 =	vor.u32 $0x100, v13;
	v23 =	vsub.f32 v23, v60;
	v53 =	vld.idx.msk [tilespmem:v19+s4+$0x0], $0xffff  }
0x94: {  	v29 =	vor.u32 $0x80, v12;
	v22 =	vand.u32 $0xFFFFFC00, v22;
	v31 =	vld.idx.msk [tilespmem:v31+s4+$0x0], $0xffff;
	v21 =	vadd.f32 v21, v28  }
0x95: {  	[tilespmem:s8+$0x300] =	vst v20;
	v20 =	vadd.s32 $0x1, v37;
	v28 =	vld.idx.msk [tilespmem:v42+s4+$0x0], $0xffff;
	v37 =	vand.u32 $0x7F, v37;
	s8 =	sadd.s32 $0x11000, s0;
	v23 =	vmul.f32 v23, v11  }
0x96: {  	s23 =	simm.s32 $0x300;
	s12 =	simm.s32 $0x60;
	v51 =	vshll.u32 v20, $0x3;
	v44 =	vld.idx.msk [tilespmem:v41+s4+$0x0], $0xffff;
	v20 =	vand.u32 $0x7F, v20;
	[tilespmem:s8+$0x80] =	vst v21;
	v55 =	vsub.f32 v61, v30  }
0x97: {  	s13 =	sand.u32 $0x7C00, s23;
	s0 =	sand.u32 $0x70, s12;
	v40 =	vand.u32 $0xFFFFFC00, v51;
	v21 =	vor.u32 v37, v22;
	v54 =	vadd.f32 v23, v60;
	v43 =	vld.idx.msk [tilespmem:v62+s4+$0x0], $0xffff  }
0x98: {  	v16 =	vor.u32 $0x380, v9;
	s26 =	sor.u32 s0, s13;
	v23 =	vor.u32 v20, v40;
	v56 =	vld.idx.msk [tilespmem:v27+s4+$0x0], $0xffff;
	v27 =	vmul.f32 v55, v2  }
0x99: {  	v19 =	vor.u32 $0x380, v13;
	v42 =	vor.u32 $0x100, v12;
	v32 =	vld.idx.msk [tilespmem:v58+s4+$0x0], $0xffff;
	v22 =	vor.u32 $0x380, v17;
	[tilespmem:s26+$0x11000] =	vst v54  }
0x9a: {  	v28 =	vsub.f32 v28, v31;
	v36 =	vld.idx.msk [tilespmem:v29+s4+$0x0], $0xffff;
	v29 =	vor.u32 $0x380, v25;
	v25 =	vadd.f32 v27, v30  }
0x9b: {  	v35 =	vor.u32 $0x80, v21;
	v57 =	vsub.f32 v53, v63;
	v41 =	vld.idx.msk [tilespmem:v52+s4+$0x0], $0xffff;
	v30 =	vor.u32 $0x280, v7  }
0x9c: {  	v27 =	vor.u32 $0x300, v26;
	v37 =	vld.idx.msk [tilespmem:v21+s4+$0x0], $0xffff;
	v26 =	vmul.f32 v28, v4;
	[tilespmem:s20+$0x200] =	vst v25;
	v25 =	vsub.f32 v34, v33  }
0x9d: {  	s16 =	simm.s32 $0x1;
	v40 =	vor.u32 $0x180, v13;
	v59 =	vmul.f32 v57, v0;
	v49 =	vld.idx.msk [tilespmem:v23+s4+$0x0], $0xffff;
	v58 =	vsub.f32 v56, v43  }
0x9e: {  	s25 =	simm.s32 $0xF870;
	s24 =	sand.u32 $0x7, s16;
	s16 =	simm.s32 $0x2;
	v28 =	vor.u32 $0x300, v5;
	v26 =	vadd.f32 v26, v31;
	v31 =	vld.idx.msk [tilespmem:v45+s4+$0x0], $0xffff;
	v60 =	vmul.f32 v25, v1  }
0x9f: {  	s15 =	sand.u32 $0x7, s4;
	s31 =	sand.u32 $0x7, s16;
	v62 =	vshll.u32 v46, $0x3;
	v32 =	vsub.f32 v32, v44;
	v25 =	vld [tilespmem:s25+$0x0];
	v34 =	vmul.f32 v58, v8  }
0xa0: {  	s2 =	sshll.u32 s31, $0x4;
	s0 =	sshll.u32 s15, $0x4;
	v20 =	vor.u32 $0x380, v23;
	v38 =	vadd.f32 v59, v63;
	v30 =	vld.idx.msk [tilespmem:v30+s4+$0x0], $0xffff;
	[tilespmem:s22+$0x180] =	vst v26;
	v61 =	vadd.f32 v60, v33  }
0xa1: {  	s1 =	simm.s32 $0x80;
	s2 =	sadd.s32 $0x100, s2;
	s0 =	sadd.s32 $0x0, s0;
	v51 =	vmul.f32 v32, v24;
	v26 =	vsub.f32 v41, v36;
	v39 =	vld.idx.msk [tilespmem:v48+s4+$0x0], $0xffff;
	v24 =	vadd.f32 v34, v43  }
0xa2: {  	s29 =	simm.s32 $0x70;
	s11 =	sor.u32 $0x380, s0;
	s0 =	sshll.u32 s24, $0x4;
	v32 =	vand.u32 $0xFFFFFC00, v62;
	v41 =	vor.u32 $0x100, v17;
	v33 =	vadd.s32 $0x1, v46;
	v34 =	vld.idx.msk [tilespmem:v47+s4+$0x0], $0xffff;
	[tilespmem:s19+$0x280] =	vst v61  }
0xa3: {  	s28 =	sand.u32 $0x70, s29;
	s24 =	sor.u32 $0x380, s2;
	s0 =	sadd.s32 $0x80, s0;
	v43 =	vmul.f32 v26, v11;
	v63 =	vshll.u32 v33, $0x3;
	v26 =	vadd.f32 v51, v44;
	[tilespmem:s8+$0x100] =	vst v24;
	v24 =	vld.idx.msk [tilespmem:v28+s4+$0x0], $0xffff  }
0xa4: {  	s15 =	sor.u32 $0x380, s0;
	s0 =	sand.u32 $0x70, s1;
	[tilespmem:s14+$0x300] =	vst v38;
	s14 =	simm.s32 $0x380;
	v44 =	vand.u32 $0x7F, v46;
	v45 =	vsub.f32 v49, v37;
	v46 =	vand.u32 $0xFFFFFC00, v63;
	v38 =	vld.idx.msk [tilespmem:v50+s4+$0x0], $0xffff  }
.LBB2_2:
0xa5: {  	s1 =	sadd.s32 $0x10, s1;
	v33 =	vand.u32 $0x7F, v33;
	v36 =	vadd.f32 v43, v36;
	v40 =	vld.idx.msk [tilespmem:v40+s4+$0x0], $0xffff;
	s16 =	sadd.s32 $0x1, s16;
	v28 =	vmovc v21;
	v43 =	vmovc v35;
	v47 =	vmov v31  }
0xa6: {  	s29 =	sadd.s32 $0x11000, s26;
	s2 =	sand.u32 $0x70, s1;
	p0 =	slt.u32 s1, $0xBF0;
	v31 =	vor.u32 v33, v46;
	v33 =	vmul.f32 v45, v25;
	v45 =	vld.idx.msk [tilespmem:v29+s4+$0x0], $0xffff;
	[tilespmem:s11+$0x11000] =	vst v26;
	v26 =	vmov v0  }
0xa7: {  	v48 =	vor.u32 $0x80, v23;
	s26 =	sand.u32 $0x7, s16;
	v0 =	vmovc v1;
	v1 =	vmovc v2;
	v2 =	vmov v4;
	s11 =	smov.u32 s15;
	s15 =	smov.u32 s24;
	v46 =	vor.u32 $0x380, v31;
	[tilespmem:s29+$0x80] =	vst v36;
	v49 =	vld.idx.msk [tilespmem:v27+s4+$0x0], $0xffff  }
0xa8: {  	v21 =	vor.u32 v44, v32;
	s24 =	sand.u32 $0x7C00, s14;
	v29 =	vsub.f32 v39, v34;
	s31 =	sshll.u32 s26, $0x4;
	v27 =	vadd.f32 v33, v37;
	v32 =	vld.idx.msk [tilespmem:v42+s4+$0x0], $0xffff  }
0xa9: {  	v35 =	vor.u32 $0x80, v21;
	v4 =	vmovc v8;
	v8 =	vmov v11;
	v11 =	vmov v25;
	s26 =	sor.u32 s28, s24;
	s28 =	smov.u32 s0;
	s17 =	sadd.s32 s31, s17;
	v33 =	vld.idx.msk [tilespmem:v41+s4+$0x0], $0xffff  }
0xaa: {  	s0 =	smov.u32 s2;
	v25 =	vmul.f32 v29, v2;
	s24 =	sor.u32 $0x380, s17;
	s17 =	smov.u32 s18;
	[tilespmem:s26+$0x11000] =	vst v27;
	v39 =	vld.idx.msk [tilespmem:v18+s4+$0x0], $0xffff;
	v18 =	vmovc v14;
	v14 =	vmov v15;
	v15 =	vmov v16  }
0xab: {  	v41 =	vor.u32 $0x280, v6;
	v29 =	vor.u32 $0x380, v5;
	s18 =	smov.u32 s21;
	s21 =	smov.u32 s23;
	s23 =	smov.u32 s14;
	v40 =	vsub.f32 v40, v38;
	v16 =	vmovc v19;
	v19 =	vmovc v22;
	v36 =	vld.idx.msk [tilespmem:v43+s4+$0x0], $0xffff  }
0xac: {  	s25 =	sadd.s32 $0x10, s25;
	v27 =	vor.u32 $0x300, v7;
	v7 =	vmovc v9;
	v22 =	vadd.f32 v25, v34;
	v25 =	vor.u32 $0x280, v9;
	v9 =	vmovc v13;
	v5 =	vld.idx.msk [tilespmem:v48+s4+$0x0], $0xffff  }
0xad: {  	s3 =	sadd.s32 $0x10, s3;
	v44 =	vor.u32 $0x300, v3;
	v13 =	vmovc v17;
	v34 =	vmul.f32 v40, v4;
	v40 =	vsub.f32 v49, v24;
	v37 =	vld.idx.msk [tilespmem:v21+s4+$0x0], $0xffff  }
0xae: {  	v42 =	vsub.f32 v30, v47;
	v43 =	vor.u32 $0x200, v10;
	v17 =	vmovc v23;
	v23 =	vmovc v31;
	v49 =	vor.u32 $0x200, v9;
	v48 =	vld [tilespmem:s3+$0x0];
	[tilespmem:s22+$0x200] =	vst v22  }
0xaf: {  	v30 =	vsub.f32 v33, v32;
	v33 =	vadd.f32 v34, v38;
	v34 =	vmul.f32 v40, v0;
	v50 =	vld.idx.msk [tilespmem:v31+s4+$0x0], $0xffff  }
0xb0: {  	v40 =	vor.u32 $0x180, v13;
	v38 =	vmul.f32 v42, v1;
	v39 =	vsub.f32 v39, v45;
	v22 =	vmovc v20;
	v31 =	vld.idx.msk [tilespmem:v41+s4+$0x0], $0xffff  }
0xb1: {  	v52 =	vor.u32 $0x180, v12;
	v51 =	vmul.f32 v30, v8;
	v24 =	vadd.f32 v34, v24;
	[tilespmem:s8+$0x180] =	vst v33;
	v30 =	vld.idx.msk [tilespmem:v25+s4+$0x0], $0xffff  }
.Ltmp0:
0xb2: {  	v20 =	vmovc v46;
	v38 =	vadd.f32 v38, v47;
	v53 =	vsub.f32 v5, v36;
	v26 =	vmul.f32 v39, v26;
	v25 =	vld [tilespmem:s25+$0x0];
	(pc) =	sbr.rel @p0 .LBB2_2-.Ltmp0, $4  }
0xb3: {  	s14 =	sadd.s32 $0x80, s14;
	v42 =	vor.u32 $0x100, v28;
	v41 =	vor.u32 $0x100, v17;
	v5 =	vmovc v3;
	v46 =	vadd.f32 v51, v32;
	v34 =	vld.idx.msk [tilespmem:v43+s4+$0x0], $0xffff;
	[tilespmem:s19+$0x300] =	vst v24;
	s19 =	smov.u32 s20;
	s20 =	smov.u32 s22  }
0xb4: {  	v3 =	vmovc v6;
	v33 =	vadd.s32 $0x1, v48;
	v24 =	vshll.u32 v48, $0x3;
	v43 =	vmul.f32 v53, v11;
	s22 =	smov.u32 s8;
	s8 =	smov.u32 s29;
	v39 =	vld.idx.msk [tilespmem:v49+s4+$0x0], $0xffff;
	[tilespmem:s19+$0x280] =	vst v38  }
0xb5: {  	v6 =	vmovc v10;
	v26 =	vadd.f32 v26, v45;
	v32 =	vand.u32 $0xFFFFFC00, v24;
	v38 =	vshll.u32 v33, $0x3;
	[tilespmem:s8+$0x100] =	vst v46;
	v24 =	vld.idx.msk [tilespmem:v44+s4+$0x0], $0xffff  }
0xb6: {  	v10 =	vmovc v12;
	v12 =	vmovc v28;
	v45 =	vsub.f32 v50, v37;
	v44 =	vand.u32 $0x7F, v48;
	v46 =	vand.u32 $0xFFFFFC00, v38;
	v38 =	vld.idx.msk [tilespmem:v52+s4+$0x0], $0xffff  }
0xb7: {  	v28 =	vand.u32 $0x7F, v33;
	v33 =	vor.u32 v44, v32  }
0xb8: {  	v32 =	vor.u32 v28, v46;
	_ =	sdelay $0x3  }
0xb9: {  	v44 =	vld.idx.msk [tilespmem:v33+s4+$0x0], $0xffff  }
0xba: {  	v46 =	vld.idx.msk [tilespmem:v32+s4+$0x0], $0xffff  }
0xbb: {  	s1 =	sadd.s32 $0x10, s25  }
0xbc: {  	v28 =	vld [tilespmem:s1+$0x0];
	_ =	sdelay $0x2  }
0xbd: {  	v45 =	vmul.f32 v45, v25;
	v46 =	vsub.f32 v46, v44  }
0xbe: {  	v47 =	vor.u32 $0x80, v23  }
0xbf: {  	s12 =	sand.u32 $0x7C00, s14;
	v54 =	vor.u32 $0x80, v33;
	v37 =	vadd.f32 v45, v37;
	v46 =	vmul.f32 v46, v28  }
0xc0: {  	s25 =	sadd.s32 $0x80, s14;
	s1 =	sor.u32 s28, s12;
	v48 =	vor.u32 $0x80, v32  }
0xc1: {  	s2 =	sand.u32 $0x7C00, s25;
	[tilespmem:s1+$0x11000] =	vst v37;
	v55 =	vadd.f32 v46, v44  }
0xc2: {  	s0 =	sor.u32 s0, s2;
	v35 =	vld.idx.msk [tilespmem:v35+s4+$0x0], $0xffff  }
0xc3: {  	v56 =	vld.idx.msk [tilespmem:v47+s4+$0x0], $0xffff;
	[tilespmem:s0+$0x11000] =	vst v55  }
0xc4: {  	v37 =	vld.idx.msk [tilespmem:v54+s4+$0x0], $0xffff  }
0xc5: {  	v57 =	vld.idx.msk [tilespmem:v48+s4+$0x0], $0xffff;
	_ =	sdelay $0x2  }
0xc6: {  	v44 =	vsub.f32 v56, v35  }
0xc7: {  	v36 =	vadd.f32 v43, v36  }
0xc8: {  	s3 =	sadd.s32 $0x11000, s26;
	v58 =	vor.u32 $0x100, v21;
	v44 =	vmul.f32 v44, v25;
	v45 =	vsub.f32 v57, v37  }
0xc9: {  	v59 =	vor.u32 $0x100, v23;
	[tilespmem:s3+$0x80] =	vst v36  }
0xca: {  	v60 =	vor.u32 $0x100, v33;
	v42 =	vld.idx.msk [tilespmem:v42+s4+$0x0], $0xffff;
	v35 =	vadd.f32 v44, v35;
	v45 =	vmul.f32 v45, v28  }
0xcb: {  	s28 =	sadd.s32 $0x11000, s1;
	v61 =	vor.u32 $0x100, v32;
	v41 =	vld.idx.msk [tilespmem:v41+s4+$0x0], $0xffff  }
0xcc: {  	[tilespmem:s28+$0x80] =	vst v35;
	v62 =	vadd.f32 v45, v37  }
0xcd: {  	s13 =	sadd.s32 $0x11000, s0;
	v63 =	vld.idx.msk [tilespmem:v58+s4+$0x0], $0xffff  }
0xce: {  	v36 =	vld.idx.msk [tilespmem:v59+s4+$0x0], $0xffff;
	[tilespmem:s13+$0x80] =	vst v62  }
0xcf: {  	v35 =	vld.idx.msk [tilespmem:v60+s4+$0x0], $0xffff  }
0xd0: {  	v41 =	vsub.f32 v41, v42;
	v48 =	vld.idx.msk [tilespmem:v61+s4+$0x0], $0xffff;
	_ =	sdelay $0x1  }
0xd1: {  	v49 =	vor.u32 $0x180, v12;
	v41 =	vmul.f32 v41, v11  }
0xd2: {  	v50 =	vor.u32 $0x180, v17;
	v36 =	vsub.f32 v36, v63  }
0xd3: {  	v41 =	vadd.f32 v41, v42  }
0xd4: {  	v51 =	vor.u32 $0x180, v21;
	v36 =	vmul.f32 v36, v25;
	v43 =	vsub.f32 v48, v35  }
0xd5: {  	v40 =	vld.idx.msk [tilespmem:v40+s4+$0x0], $0xffff;
	v52 =	vor.u32 $0x180, v23;
	[tilespmem:s3+$0x100] =	vst v41  }
0xd6: {  	v54 =	vor.u32 $0x180, v33;
	v44 =	vld.idx.msk [tilespmem:v49+s4+$0x0], $0xffff;
	v36 =	vadd.f32 v36, v63;
	v53 =	vmul.f32 v43, v28  }
0xd7: {  	v55 =	vor.u32 $0x180, v32;
	v45 =	vld.idx.msk [tilespmem:v50+s4+$0x0], $0xffff  }
0xd8: {  	[tilespmem:s28+$0x100] =	vst v36;
	v35 =	vadd.f32 v53, v35  }
0xd9: {  	v36 =	vld.idx.msk [tilespmem:v51+s4+$0x0], $0xffff  }
0xda: {  	v56 =	vsub.f32 v40, v38;
	v57 =	vld.idx.msk [tilespmem:v52+s4+$0x0], $0xffff;
	[tilespmem:s13+$0x100] =	vst v35  }
0xdb: {  	v35 =	vld.idx.msk [tilespmem:v54+s4+$0x0], $0xffff  }
0xdc: {  	v58 =	vor.u32 $0x200, v10;
	v37 =	vmul.f32 v56, v8;
	v59 =	vsub.f32 v45, v44;
	v60 =	vld.idx.msk [tilespmem:v55+s4+$0x0], $0xffff  }
0xdd: {  	v61 =	vor.u32 $0x200, v13  }
0xde: {  	v37 =	vadd.f32 v37, v38;
	v63 =	vor.u32 $0x200, v12;
	v62 =	vmul.f32 v59, v11  }
0xdf: {  	v48 =	vor.u32 $0x200, v17;
	v40 =	vsub.f32 v57, v36  }
0xe0: {  	[tilespmem:s8+$0x180] =	vst v37;
	v49 =	vadd.f32 v62, v44  }
0xe1: {  	v50 =	vor.u32 $0x200, v21;
	v38 =	vld.idx.msk [tilespmem:v58+s4+$0x0], $0xffff;
	v40 =	vmul.f32 v40, v25;
	v43 =	vsub.f32 v60, v35  }
0xe2: {  	v52 =	vor.u32 $0x200, v23;
	v51 =	vld.idx.msk [tilespmem:v61+s4+$0x0], $0xffff;
	[tilespmem:s3+$0x180] =	vst v49  }
0xe3: {  	v42 =	vld.idx.msk [tilespmem:v63+s4+$0x0], $0xffff;
	v54 =	vor.u32 $0x200, v33;
	v36 =	vadd.f32 v40, v36;
	v53 =	vmul.f32 v43, v28  }
0xe4: {  	v56 =	vor.u32 $0x200, v32;
	v55 =	vld.idx.msk [tilespmem:v48+s4+$0x0], $0xffff  }
0xe5: {  	v39 =	vsub.f32 v39, v34;
	[tilespmem:s28+$0x180] =	vst v36;
	v35 =	vadd.f32 v53, v35  }
0xe6: {  	v40 =	vld.idx.msk [tilespmem:v50+s4+$0x0], $0xffff  }
0xe7: {  	v58 =	vor.u32 $0x280, v6;
	v57 =	vmul.f32 v39, v4;
	v44 =	vsub.f32 v51, v38;
	v37 =	vld.idx.msk [tilespmem:v52+s4+$0x0], $0xffff;
	[tilespmem:s13+$0x180] =	vst v35  }
0xe8: {  	v59 =	vor.u32 $0x280, v9;
	v62 =	vor.u32 $0x280, v10;
	v35 =	vld.idx.msk [tilespmem:v54+s4+$0x0], $0xffff  }
0xe9: {  	v61 =	vmul.f32 v44, v8;
	v60 =	vadd.f32 v57, v34;
	v63 =	vsub.f32 v55, v42;
	v48 =	vld.idx.msk [tilespmem:v56+s4+$0x0], $0xffff  }
0xea: {  	v29 =	vld.idx.msk [tilespmem:v29+s4+$0x0], $0xffff;
	v30 =	vsub.f32 v30, v31;
	v49 =	vor.u32 $0x280, v13  }
0xeb: {  	v27 =	vld.idx.msk [tilespmem:v27+s4+$0x0], $0xffff;
	v51 =	vor.u32 $0x280, v12;
	v36 =	vadd.f32 v61, v38;
	[tilespmem:s22+$0x200] =	vst v60;
	v50 =	vmul.f32 v63, v11  }
0xec: {  	v52 =	vor.u32 $0x280, v17;
	v39 =	vld.idx.msk [tilespmem:v58+s4+$0x0], $0xffff;
	v37 =	vsub.f32 v37, v40  }
0xed: {  	v30 =	vmul.f32 v30, v2;
	[tilespmem:s8+$0x200] =	vst v36;
	v41 =	vld.idx.msk [tilespmem:v59+s4+$0x0], $0xffff;
	v54 =	vadd.f32 v50, v42  }
0xee: {  	v55 =	vld.idx.msk [tilespmem:v62+s4+$0x0], $0xffff;
	v58 =	vor.u32 $0x280, v23;
	v37 =	vmul.f32 v37, v25;
	v57 =	vsub.f32 v48, v35  }
0xef: {  	v30 =	vadd.f32 v30, v31;
	v31 =	vld.idx.msk [tilespmem:v49+s4+$0x0], $0xffff;
	v56 =	vor.u32 $0x280, v21;
	[tilespmem:s3+$0x200] =	vst v54  }
0xf0: {  	v60 =	vor.u32 $0x280, v33;
	v37 =	vadd.f32 v37, v40;
	v36 =	vld.idx.msk [tilespmem:v51+s4+$0x0], $0xffff;
	v59 =	vmul.f32 v57, v28  }
0xf1: {  	[tilespmem:s20+$0x280] =	vst v30;
	v62 =	vor.u32 $0x280, v32;
	v61 =	vld.idx.msk [tilespmem:v52+s4+$0x0], $0xffff  }
0xf2: {  	v7 =	vor.u32 $0x300, v7;
	v18 =	vld.idx.msk [tilespmem:v18+s4+$0x0], $0xffff;
	v30 =	vsub.f32 v41, v39;
	[tilespmem:s28+$0x200] =	vst v37;
	v35 =	vadd.f32 v59, v35  }
0xf3: {  	v53 =	vor.u32 $0x300, v3;
	v34 =	vld.idx.msk [tilespmem:v58+s4+$0x0], $0xffff  }
0xf4: {  	v46 =	vor.u32 $0x300, v6;
	v31 =	vsub.f32 v31, v55;
	v30 =	vmul.f32 v30, v4;
	v37 =	vld.idx.msk [tilespmem:v56+s4+$0x0], $0xffff;
	[tilespmem:s13+$0x200] =	vst v35  }
0xf5: {  	v27 =	vsub.f32 v27, v24;
	v47 =	vor.u32 $0x300, v10;
	v9 =	vor.u32 $0x300, v9;
	v35 =	vld.idx.msk [tilespmem:v60+s4+$0x0], $0xffff  }
0xf6: {  	v31 =	vmul.f32 v31, v8;
	v30 =	vadd.f32 v30, v39;
	v41 =	vsub.f32 v61, v36;
	v48 =	vld.idx.msk [tilespmem:v62+s4+$0x0], $0xffff  }
0xf7: {  	v7 =	vld.idx.msk [tilespmem:v7+s4+$0x0], $0xffff;
	v27 =	vmul.f32 v27, v1;
	v13 =	vor.u32 $0x300, v13  }
0xf8: {  	v63 =	vld.idx.msk [tilespmem:v53+s4+$0x0], $0xffff;
	[tilespmem:s22+$0x280] =	vst v30;
	v30 =	vadd.f32 v31, v55;
	v31 =	vor.u32 $0x300, v12;
	v49 =	vmul.f32 v41, v11  }
0xf9: {  	v5 =	vor.u32 $0x380, v5;
	v40 =	vld.idx.msk [tilespmem:v46+s4+$0x0], $0xffff;
	v34 =	vsub.f32 v34, v37  }
0xfa: {  	v24 =	vadd.f32 v27, v24;
	v17 =	vor.u32 $0x300, v17;
	v9 =	vld.idx.msk [tilespmem:v9+s4+$0x0], $0xffff;
	[tilespmem:s8+$0x280] =	vst v30;
	v30 =	vadd.f32 v49, v36  }
0xfb: {  	v51 =	vor.u32 $0x300, v21;
	v50 =	vld.idx.msk [tilespmem:v47+s4+$0x0], $0xffff;
	v34 =	vmul.f32 v34, v25;
	v52 =	vsub.f32 v48, v35  }
0xfc: {  	v23 =	vor.u32 $0x300, v23;
	v13 =	vld.idx.msk [tilespmem:v13+s4+$0x0], $0xffff;
	[tilespmem:s3+$0x280] =	vst v30  }
0xfd: {  	[tilespmem:s19+$0x300] =	vst v24;
	v30 =	vadd.f32 v34, v37;
	v27 =	vld.idx.msk [tilespmem:v31+s4+$0x0], $0xffff;
	v31 =	vor.u32 $0x300, v33;
	v53 =	vmul.f32 v52, v28  }
0xfe: {  	v24 =	vor.u32 $0x300, v32;
	v5 =	vld.idx.msk [tilespmem:v5+s4+$0x0], $0xffff;
	v7 =	vsub.f32 v7, v63  }
0xff: {  	v17 =	vld.idx.msk [tilespmem:v17+s4+$0x0], $0xffff;
	[tilespmem:s28+$0x280] =	vst v30;
	v30 =	vadd.f32 v53, v35  }
0x100: {  	v3 =	vor.u32 $0x380, v3;
	v7 =	vmul.f32 v7, v2;
	v9 =	vsub.f32 v9, v40;
	v54 =	vld.idx.msk [tilespmem:v51+s4+$0x0], $0xffff  }
0x101: {  	v13 =	vsub.f32 v13, v50;
	v23 =	vld.idx.msk [tilespmem:v23+s4+$0x0], $0xffff;
	[tilespmem:s13+$0x280] =	vst v30  }
0x102: {  	v7 =	vadd.f32 v7, v63;
	v9 =	vmul.f32 v9, v4;
	v30 =	vld.idx.msk [tilespmem:v31+s4+$0x0], $0xffff  }
0x103: {  	v6 =	vor.u32 $0x380, v6;
	v13 =	vmul.f32 v13, v8;
	v24 =	vld.idx.msk [tilespmem:v24+s4+$0x0], $0xffff  }
0x104: {  	v10 =	vor.u32 $0x380, v10;
	[tilespmem:s20+$0x300] =	vst v7;
	v7 =	vld.idx.msk [tilespmem:v14+s4+$0x0], $0xffff;
	v9 =	vadd.f32 v9, v40;
	v17 =	vsub.f32 v17, v27  }
0x105: {  	v3 =	vld.idx.msk [tilespmem:v3+s4+$0x0], $0xffff;
	v13 =	vadd.f32 v13, v50  }
0x106: {  	v12 =	vor.u32 $0x380, v12;
	[tilespmem:s22+$0x300] =	vst v9;
	v9 =	vld.idx.msk [tilespmem:v15+s4+$0x0], $0xffff;
	v14 =	vmul.f32 v17, v11;
	v15 =	vsub.f32 v23, v54  }
0x107: {  	[tilespmem:s8+$0x300] =	vst v13;
	v13 =	vld.idx.msk [tilespmem:v16+s4+$0x0], $0xffff;
	v16 =	vor.u32 $0x380, v21  }
0x108: {  	v6 =	vld.idx.msk [tilespmem:v6+s4+$0x0], $0xffff;
	v14 =	vadd.f32 v14, v27;
	v15 =	vmul.f32 v15, v25;
	v17 =	vsub.f32 v24, v30  }
0x109: {  	v10 =	vld.idx.msk [tilespmem:v10+s4+$0x0], $0xffff  }
0x10a: {  	[tilespmem:s3+$0x300] =	vst v14;
	v14 =	vld.idx.msk [tilespmem:v19+s4+$0x0], $0xffff;
	v15 =	vadd.f32 v15, v54;
	v19 =	vor.u32 $0x380, v33;
	v17 =	vmul.f32 v17, v28  }
0x10b: {  	v21 =	vor.u32 $0x380, v32;
	v12 =	vld.idx.msk [tilespmem:v12+s4+$0x0], $0xffff  }
0x10c: {  	v22 =	vld.idx.msk [tilespmem:v22+s4+$0x0], $0xffff;
	[tilespmem:s28+$0x300] =	vst v15;
	v15 =	vadd.f32 v17, v30  }
0x10d: {  	v16 =	vld.idx.msk [tilespmem:v16+s4+$0x0], $0xffff  }
0x10e: {  	s22 =	sadd.s32 $0x1, s16;
	v17 =	vsub.f32 v18, v29;
	v18 =	vld.idx.msk [tilespmem:v20+s4+$0x0], $0xffff;
	[tilespmem:s13+$0x300] =	vst v15  }
0x10f: {  	v7 =	vsub.f32 v7, v5;
	s26 =	sand.u32 $0x7, s22;
	v15 =	vld.idx.msk [tilespmem:v19+s4+$0x0], $0xffff  }
0x110: {  	s0 =	sadd.s32 $0x1, s22;
	s1 =	sshll.u32 s26, $0x4;
	v9 =	vsub.f32 v9, v3;
	v0 =	vmul.f32 v17, v0;
	v17 =	vld.idx.msk [tilespmem:v21+s4+$0x0], $0xffff  }
0x111: {  	v1 =	vmul.f32 v7, v1;
	s1 =	sadd.s32 s1, s17;
	v7 =	vsub.f32 v13, v6;
	s28 =	sand.u32 $0x7, s0  }
0x112: {  	s1 =	sor.u32 $0x380, s1;
	v2 =	vmul.f32 v9, v2;
	s0 =	sadd.s32 $0x1, s0;
	s2 =	sshll.u32 s28, $0x4;
	v9 =	vsub.f32 v14, v10;
	v0 =	vadd.f32 v0, v29  }
0x113: {  	[tilespmem:s11+$0x11000] =	vst v26;
	v1 =	vadd.f32 v1, v5;
	v4 =	vmul.f32 v7, v4;
	s29 =	sand.u32 $0x7, s0;
	s0 =	sadd.s32 $0x1, s0;
	s2 =	sadd.s32 s2, s18;
	v5 =	vsub.f32 v22, v12  }
0x114: {  	s3 =	sshll.u32 s29, $0x4;
	s31 =	sand.u32 $0x7, s0;
	s0 =	sadd.s32 $0x1, s0;
	[tilespmem:s15+$0x11000] =	vst v0;
	v0 =	vadd.f32 v2, v3;
	v2 =	vmul.f32 v9, v8;
	v3 =	vsub.f32 v18, v16  }
0x115: {  	[tilespmem:s24+$0x11000] =	vst v1;
	v1 =	vadd.f32 v4, v6;
	s2 =	sor.u32 $0x380, s2;
	s3 =	sadd.s32 s3, s21;
	s8 =	sshll.u32 s31, $0x4;
	v4 =	vmul.f32 v5, v11;
	v5 =	vsub.f32 v17, v15  }
0x116: {  	s11 =	sand.u32 $0x7, s0;
	s0 =	sadd.s32 $0x1, s0;
	s3 =	sor.u32 $0x380, s3;
	[tilespmem:s1+$0x11000] =	vst v0;
	v0 =	vadd.f32 v2, v10;
	v2 =	vmul.f32 v3, v25  }
0x117: {  	[tilespmem:s2+$0x11000] =	vst v1;
	s12 =	sshll.u32 s11, $0x4;
	s0 =	sand.u32 $0x7, s0;
	v1 =	vadd.f32 v4, v12;
	s1 =	sadd.s32 s8, s23;
	v3 =	vmul.f32 v5, v28  }
0x118: {  	s2 =	sadd.s32 s12, s14;
	s0 =	sshll.u32 s0, $0x4;
	s1 =	sor.u32 $0x380, s1;
	[tilespmem:s3+$0x11000] =	vst v0;
	v0 =	vadd.f32 v2, v16  }
0x119: {  	s2 =	sor.u32 $0x380, s2;
	s0 =	sadd.s32 s0, s25;
	[tilespmem:s1+$0x11000] =	vst v1;
	v1 =	vadd.f32 v3, v15  }
0x11a: {  	s0 =	sor.u32 $0x380, s0;
	[tilespmem:s2+$0x11000] =	vst v0  }
0x11b: {  	[tilespmem:s0+$0x11000] =	vst v1  }
0x11c: {  	s14 =	simm.s32 $0xE000;
	s13 =	simm.s32 $0x0;
	s1 =	rddreg [dreg:$0x8]  }
0x11d: {  	[tilespmem:s14], [sflag:$0x1] =	stream.linear.gather [hbm4b:s1+s13], $0xC00, $0x38;
	[tilespmem:$0x1D000] =	vst v63  }
0x11e: {  	s16 =	simm.s32 $0xF800;
	s15 =	rddreg [dreg:$0x9]  }
0x11f: {  	[tilespmem:s16], [sflag:$0x1] =	stream.linear.gather [hbm4b:s15+s13], $0xC00, $0x38;
	[tilespmem:$0x1D000] =	vst v63  }
0x120: {  	s17 =	rddreg [dreg:$0xa]  }
0x121: {  	[tilespmem:s13], [sflag:$0x1] =	stream.linear.gather [hbm4b:s17+s13], $0x7000, $0x38;
	[tilespmem:$0x1D000] =	vst v63  }
0x122: {  	s19 =	simm.s32 $0x11000;
	s18 =	rddreg [dreg:$0xb]  }
0x123: {  	[hbm4b:s18+s13] =	stream.linear.scatter [tilespmem:s19], [sflag:$0x3], $0x6000, $0x38;
	[tilespmem:$0x1D000] =	vst v63  }
0x124: {  	_ =	swait.ge [sflag:s10], $0xC00  }
0x125: {  	[sflag:s10] =	ssyncset.done $0x0  }
0x126: {  	[sflag:s10] =	ssyncadd.s32 $0xFFFFF400  }
0x127: {  	_ =	swait.ge [sflag:s10], $0xC00  }
0x128: {  	[sflag:s10] =	ssyncset.done $0x0  }
0x129: {  	[sflag:s10] =	ssyncadd.s32 $0xFFFFF400  }
0x12a: {  	_ =	swait.ge [sflag:s10], $0x7000  }
0x12b: {  	s20 =	simm.s32 $0x0;
	[sflag:s10] =	ssyncset.done $0x0  }
0x12c: {  	s21 =	sand.u32 $0xFF0, s20;
	[sflag:s10] =	ssyncadd.s32 $0xFFFF9000  }
0x12d: {  	v0 =	vld [tilespmem:s21+$0xEC00];
	_ =	sdelay $0x4  }
0x12e: {  	v1 =	vshll.u32 v0, $0x3;
	v2 =	vadd.s32 $0xFFFFF301, v0  }
0x12f: {  	v0 =	vand.u32 $0x7F, v0;
	v1 =	vand.u32 $0xFFFFFC00, v1;
	v3 =	vshll.u32 v2, $0x3  }
0x130: {  	v19 =	vor.u32 v0, v1;
	v0 =	vand.u32 $0x7F, v2;
	v1 =	vand.u32 $0xFFFFFC00, v3  }
0x131: {  	v2 =	vadd.s32 $0x800, v19;
	v18 =	vor.u32 v0, v1  }
0x132: {  	v0 =	vadd.s32 $0x7000, v18;
	_ =	sdelay $0x3  }
0x133: {  	s22 =	simm.s32 $0x10;
	v1 =	vld.idx.msk [tilespmem:v2+s4+$0x0], $0xffff  }
0x134: {  	s23 =	sand.u32 $0xFF0, s22;
	v0 =	vld.idx.msk [tilespmem:v0+s4+$0x0], $0xffff  }
0x135: {  	v2 =	vld [tilespmem:s23+$0xEC00]  }
0x136: {  	v20 =	vld [tilespmem:s21+$0x10400];
	_ =	sdelay $0x2  }
0x137: {  	v0 =	vsub.f32 v0, v1  }
0x138: {  	v4 =	vadd.s32 $0x880, v19;
	v3 =	vshll.u32 v2, $0x3;
	v5 =	vand.u32 $0x7F, v2  }
0x139: {  	v2 =	vadd.s32 $0xFFFFF301, v2;
	v3 =	vand.u32 $0xFFFFFC00, v3;
	v0 =	vmul.f32 v0, v20  }
0x13a: {  	v6 =	vadd.s32 $0x7080, v18;
	v7 =	vshll.u32 v2, $0x3;
	v14 =	vor.u32 v5, v3  }
0x13b: {  	s0 =	sand.u32 $0x7C00, s13;
	s1 =	sand.u32 $0x70, s20;
	v0 =	vadd.f32 v0, v1;
	v1 =	vand.u32 $0x7F, v2;
	v2 =	vand.u32 $0xFFFFFC00, v7  }
0x13c: {  	s17 =	sor.u32 s1, s0;
	v3 =	vadd.s32 $0x800, v14;
	v9 =	vor.u32 v1, v2  }
0x13d: {  	[tilespmem:s17+$0x17000] =	vst v0;
	v0 =	vadd.s32 $0x7000, v9  }
0x13e: {  	v1 =	vld.idx.msk [tilespmem:v4+s4+$0x0], $0xffff  }
0x13f: {  	v2 =	vld.idx.msk [tilespmem:v6+s4+$0x0], $0xffff;
	_ =	sdelay $0x1  }
0x140: {  	v3 =	vld.idx.msk [tilespmem:v3+s4+$0x0], $0xffff  }
0x141: {  	v4 =	vld.idx.msk [tilespmem:v0+s4+$0x0], $0xffff  }
0x142: {  	s24 =	simm.s32 $0x20  }
0x143: {  	s25 =	sand.u32 $0xFF0, s24;
	v0 =	vld [tilespmem:s23+$0x10400];
	v2 =	vsub.f32 v2, v1  }
0x144: {  	v5 =	vld [tilespmem:s25+$0xEC00]  }
0x145: {  	v6 =	vadd.s32 $0x900, v19;
	v2 =	vmul.f32 v2, v20  }
0x146: {  	v7 =	vadd.s32 $0x7100, v18;
	v4 =	vsub.f32 v4, v3  }
0x147: {  	v1 =	vadd.f32 v2, v1  }
0x148: {  	v8 =	vadd.s32 $0x880, v14;
	v10 =	vadd.s32 $0x7080, v9;
	v4 =	vmul.f32 v4, v0  }
0x149: {  	v2 =	vshll.u32 v5, $0x3;
	[tilespmem:s17+$0x17080] =	vst v1;
	v1 =	vand.u32 $0x7F, v5;
	v5 =	vadd.s32 $0xFFFFF301, v5  }
0x14a: {  	s26 =	simm.s32 $0x80;
	v2 =	vand.u32 $0xFFFFFC00, v2;
	v11 =	vld.idx.msk [tilespmem:v6+s4+$0x0], $0xffff;
	v6 =	vshll.u32 v5, $0x3;
	v12 =	vadd.f32 v4, v3  }
0x14b: {  	s28 =	simm.s32 $0x30;
	s29 =	sand.u32 $0x70, s22;
	s8 =	sand.u32 $0x7C00, s26;
	v7 =	vld.idx.msk [tilespmem:v7+s4+$0x0], $0xffff;
	v4 =	vor.u32 v1, v2;
	v1 =	vand.u32 $0x7F, v5;
	v2 =	vand.u32 $0xFFFFFC00, v6  }
0x14c: {  	s31 =	sand.u32 $0xFF0, s28;
	s18 =	sor.u32 s29, s8;
	v6 =	vadd.s32 $0x800, v4;
	v3 =	vor.u32 v1, v2  }
0x14d: {  	v5 =	vld [tilespmem:s31+$0xEC00];
	[tilespmem:s18+$0x17000] =	vst v12;
	v1 =	vadd.s32 $0x7000, v3  }
0x14e: {  	v2 =	vld.idx.msk [tilespmem:v8+s4+$0x0], $0xffff  }
0x14f: {  	v8 =	vld.idx.msk [tilespmem:v10+s4+$0x0], $0xffff  }
0x150: {  	v7 =	vsub.f32 v7, v11  }
0x151: {  	v15 =	vadd.s32 $0x7180, v18;
	v10 =	vld.idx.msk [tilespmem:v6+s4+$0x0], $0xffff  }
0x152: {  	v12 =	vadd.s32 $0x980, v19;
	v6 =	vshll.u32 v5, $0x3;
	v7 =	vmul.f32 v7, v20;
	v13 =	vld.idx.msk [tilespmem:v1+s4+$0x0], $0xffff  }
0x153: {  	v1 =	vand.u32 $0x7F, v5;
	v6 =	vand.u32 $0xFFFFFC00, v6;
	v5 =	vadd.s32 $0xFFFFF301, v5  }
0x154: {  	v6 =	vor.u32 v1, v6;
	v8 =	vsub.f32 v8, v2;
	v7 =	vadd.f32 v7, v11;
	v1 =	vld [tilespmem:s25+$0x10400]  }
0x155: {  	v17 =	vadd.s32 $0x900, v14;
	v16 =	vshll.u32 v5, $0x3;
	v11 =	vadd.s32 $0x800, v6  }
0x156: {  	v5 =	vand.u32 $0x7F, v5;
	v8 =	vmul.f32 v8, v0;
	[tilespmem:s17+$0x17100] =	vst v7;
	v7 =	vand.u32 $0xFFFFFC00, v16  }
0x157: {  	s12 =	simm.s32 $0x40;
	v16 =	vadd.s32 $0x7100, v9;
	v12 =	vld.idx.msk [tilespmem:v12+s4+$0x0], $0xffff;
	v5 =	vor.u32 v5, v7;
	v7 =	vsub.f32 v13, v10  }
0x158: {  	s13 =	sand.u32 $0xFF0, s12;
	v2 =	vadd.f32 v8, v2;
	v8 =	vld.idx.msk [tilespmem:v15+s4+$0x0], $0xffff;
	v15 =	vadd.s32 $0x7000, v5  }
0x159: {  	v21 =	vadd.s32 $0x880, v4;
	v13 =	vld [tilespmem:s13+$0xEC00];
	v7 =	vmul.f32 v7, v1  }
0x15a: {  	s14 =	simm.s32 $0x100;
	[tilespmem:s18+$0x17080] =	vst v2;
	v2 =	vadd.s32 $0x7080, v3;
	v11 =	vld.idx.msk [tilespmem:v11+s4+$0x0], $0xffff  }
0x15b: {  	s11 =	sand.u32 $0x7C00, s14;
	s0 =	sand.u32 $0x70, s24;
	v17 =	vld.idx.msk [tilespmem:v17+s4+$0x0], $0xffff;
	v7 =	vadd.f32 v7, v10  }
0x15c: {  	s19 =	sor.u32 s0, s11;
	v10 =	vld.idx.msk [tilespmem:v16+s4+$0x0], $0xffff  }
0x15d: {  	v8 =	vsub.f32 v8, v12;
	v15 =	vld.idx.msk [tilespmem:v15+s4+$0x0], $0xffff;
	[tilespmem:s19+$0x17000] =	vst v7  }
0x15e: {  	v22 =	vadd.s32 $0xA00, v19;
	v7 =	vshll.u32 v13, $0x3;
	v16 =	vld.idx.msk [tilespmem:v21+s4+$0x0], $0xffff  }
0x15f: {  	v21 =	vand.u32 $0x7F, v13;
	v8 =	vmul.f32 v8, v20;
	v7 =	vand.u32 $0xFFFFFC00, v7;
	v23 =	vld.idx.msk [tilespmem:v2+s4+$0x0], $0xffff  }
0x160: {  	s15 =	simm.s32 $0x50;
	v24 =	vadd.s32 $0x7200, v18;
	v13 =	vadd.s32 $0xFFFFF301, v13;
	v2 =	vld [tilespmem:s31+$0x10400];
	v7 =	vor.u32 v21, v7  }
0x161: {  	s16 =	sand.u32 $0xFF0, s15;
	v10 =	vsub.f32 v10, v17;
	v8 =	vadd.f32 v8, v12;
	v12 =	vadd.s32 $0x800, v7  }
0x162: {  	v25 =	vld [tilespmem:s16+$0xEC00];
	v26 =	vadd.s32 $0x980, v14;
	v21 =	vand.u32 $0x7F, v13;
	v13 =	vshll.u32 v13, $0x3  }
0x163: {  	v13 =	vand.u32 $0xFFFFFC00, v13;
	v27 =	vmul.f32 v10, v0;
	[tilespmem:s17+$0x17180] =	vst v8;
	v8 =	vsub.f32 v15, v11  }
0x164: {  	v10 =	vor.u32 v21, v13;
	v13 =	vadd.s32 $0x7180, v9;
	v15 =	vld.idx.msk [tilespmem:v22+s4+$0x0], $0xffff;
	v22 =	vsub.f32 v23, v16  }
0x165: {  	v21 =	vadd.s32 $0x7000, v10;
	v23 =	vld.idx.msk [tilespmem:v24+s4+$0x0], $0xffff;
	v17 =	vadd.f32 v27, v17;
	v8 =	vmul.f32 v8, v2  }
0x166: {  	v27 =	vadd.s32 $0x900, v4;
	v24 =	vld.idx.msk [tilespmem:v12+s4+$0x0], $0xffff;
	v12 =	vmul.f32 v22, v1  }
0x167: {  	v28 =	vadd.s32 $0x7100, v3;
	v22 =	vshll.u32 v25, $0x3;
	[tilespmem:s18+$0x17100] =	vst v17;
	v11 =	vadd.f32 v8, v11;
	v8 =	vld [tilespmem:s13+$0x10400]  }
0x168: {  	v29 =	vand.u32 $0x7F, v25;
	v22 =	vand.u32 $0xFFFFFC00, v22;
	v26 =	vld.idx.msk [tilespmem:v26+s4+$0x0], $0xffff;
	v16 =	vadd.f32 v12, v16  }
0x169: {  	s22 =	simm.s32 $0x180;
	v17 =	vadd.s32 $0x880, v6;
	v30 =	vld.idx.msk [tilespmem:v13+s4+$0x0], $0xffff;
	v12 =	vor.u32 v29, v22  }
0x16a: {  	s2 =	sand.u32 $0x70, s28;
	s11 =	sand.u32 $0x7C00, s22;
	v22 =	vadd.s32 $0xFFFFF301, v25;
	v21 =	vld.idx.msk [tilespmem:v21+s4+$0x0], $0xffff;
	v13 =	vsub.f32 v23, v15;
	v23 =	vadd.s32 $0x7080, v5;
	[tilespmem:s19+$0x17080] =	vst v16  }
0x16b: {  	s20 =	sor.u32 s2, s11;
	v31 =	vadd.s32 $0xA80, v19;
	s23 =	simm.s32 $0x60;
	v25 =	vshll.u32 v22, $0x3;
	v16 =	vadd.s32 $0x800, v12;
	v27 =	vld.idx.msk [tilespmem:v27+s4+$0x0], $0xffff  }
0x16c: {  	s24 =	sand.u32 $0xFF0, s23;
	[tilespmem:s20+$0x17000] =	vst v11;
	v11 =	vand.u32 $0x7F, v22;
	v29 =	vmul.f32 v13, v20;
	v13 =	vand.u32 $0xFFFFFC00, v25;
	v22 =	vld.idx.msk [tilespmem:v28+s4+$0x0], $0xffff  }
0x16d: {  	v25 =	vadd.s32 $0x7280, v18;
	v28 =	vld [tilespmem:s24+$0xEC00];
	v13 =	vor.u32 v11, v13  }
0x16e: {  	v17 =	vld.idx.msk [tilespmem:v17+s4+$0x0], $0xffff;
	v11 =	vsub.f32 v30, v26;
	v15 =	vadd.f32 v29, v15;
	v29 =	vadd.s32 $0x7000, v13  }
0x16f: {  	v23 =	vld.idx.msk [tilespmem:v23+s4+$0x0], $0xffff  }
0x170: {  	v30 =	vadd.s32 $0xA00, v14;
	v11 =	vmul.f32 v11, v0;
	[tilespmem:s17+$0x17200] =	vst v15;
	v15 =	vsub.f32 v21, v24;
	v16 =	vld.idx.msk [tilespmem:v16+s4+$0x0], $0xffff  }
0x171: {  	v21 =	vadd.s32 $0x7200, v9;
	v31 =	vld.idx.msk [tilespmem:v31+s4+$0x0], $0xffff;
	v22 =	vsub.f32 v22, v27  }
0x172: {  	v25 =	vld.idx.msk [tilespmem:v25+s4+$0x0], $0xffff;
	v11 =	vadd.f32 v11, v26;
	v15 =	vmul.f32 v15, v8;
	v26 =	vadd.s32 $0x880, v7  }
0x173: {  	v55 =	vadd.s32 $0x980, v4;
	s25 =	simm.s32 $0x200;
	v29 =	vld.idx.msk [tilespmem:v29+s4+$0x0], $0xffff;
	v22 =	vmul.f32 v22, v1  }
0x174: {  	s1 =	sand.u32 $0x70, s12;
	s11 =	sand.u32 $0x7C00, s25;
	[tilespmem:s18+$0x17180] =	vst v11;
	v15 =	vadd.f32 v15, v24;
	v24 =	vadd.s32 $0x7180, v3;
	v11 =	vld [tilespmem:s16+$0x10400]  }
0x175: {  	s21 =	sor.u32 s1, s11;
	v58 =	vadd.s32 $0x7080, v10;
	v23 =	vsub.f32 v23, v17;
	v30 =	vld.idx.msk [tilespmem:v30+s4+$0x0], $0xffff;
	v22 =	vadd.f32 v22, v27  }
0x176: {  	v57 =	vadd.s32 $0xB00, v19;
	v56 =	vadd.s32 $0x900, v6;
	v21 =	vld.idx.msk [tilespmem:v21+s4+$0x0], $0xffff;
	[tilespmem:s21+$0x17000] =	vst v15  }
0x177: {  	v27 =	vshll.u32 v28, $0x3;
	v15 =	vmul.f32 v23, v2;
	v23 =	vsub.f32 v25, v31;
	v25 =	vld.idx.msk [tilespmem:v26+s4+$0x0], $0xffff;
	[tilespmem:s19+$0x17100] =	vst v22  }
0x178: {  	v60 =	vadd.s32 $0xA80, v14;
	v26 =	vand.u32 $0xFFFFFC00, v27;
	v27 =	vadd.s32 $0x7100, v5;
	v32 =	vld.idx.msk [tilespmem:v55+s4+$0x0], $0xffff  }
0x179: {  	s11 =	simm.s32 $0x70;
	v22 =	vand.u32 $0x7F, v28;
	v17 =	vadd.f32 v15, v17;
	v23 =	vmul.f32 v23, v20;
	v24 =	vld.idx.msk [tilespmem:v24+s4+$0x0], $0xffff  }
0x17a: {  	s26 =	sand.u32 $0xFF0, s11;
	v61 =	vld.idx.msk [tilespmem:v58+s4+$0x0], $0xffff;
	v15 =	vor.u32 v22, v26;
	v22 =	vadd.s32 $0x7300, v18;
	v29 =	vsub.f32 v29, v16  }
0x17b: {  	v28 =	vadd.s32 $0xFFFFF301, v28;
	v26 =	vld [tilespmem:s26+$0xEC00];
	[tilespmem:s20+$0x17080] =	vst v17;
	v17 =	vsub.f32 v21, v30;
	v21 =	vadd.f32 v23, v31  }
0x17c: {  	v23 =	vadd.s32 $0x800, v15;
	v31 =	vand.u32 $0x7F, v28;
	v28 =	vshll.u32 v28, $0x3;
	v33 =	vld.idx.msk [tilespmem:v56+s4+$0x0], $0xffff  }
0x17d: {  	v29 =	vmul.f32 v29, v11;
	v28 =	vand.u32 $0xFFFFFC00, v28;
	v27 =	vld.idx.msk [tilespmem:v27+s4+$0x0], $0xffff;
	v59 =	vmul.f32 v17, v0;
	[tilespmem:s17+$0x17280] =	vst v21  }
0x17e: {  	v17 =	vor.u32 v31, v28;
	v21 =	vadd.s32 $0x7280, v9;
	v28 =	vld.idx.msk [tilespmem:v57+s4+$0x0], $0xffff;
	v24 =	vsub.f32 v24, v32  }
0x17f: {  	v31 =	vadd.s32 $0x7000, v17;
	v22 =	vld.idx.msk [tilespmem:v22+s4+$0x0], $0xffff;
	v30 =	vadd.f32 v59, v30  }
0x180: {  	v62 =	vadd.s32 $0xA00, v4;
	v29 =	vadd.f32 v29, v16;
	v16 =	vld [tilespmem:s24+$0x10400];
	v24 =	vmul.f32 v24, v1  }
0x181: {  	v23 =	vld.idx.msk [tilespmem:v23+s4+$0x0], $0xffff;
	[tilespmem:s18+$0x17200] =	vst v30;
	v30 =	vadd.s32 $0x7200, v3  }
0x182: {  	s28 =	simm.s32 $0x280;
	v41 =	vadd.s32 $0x880, v12;
	v63 =	vld.idx.msk [tilespmem:v60+s4+$0x0], $0xffff;
	v27 =	vsub.f32 v27, v33;
	v24 =	vadd.f32 v24, v32  }
0x183: {  	s3 =	sand.u32 $0x7C00, s28;
	s0 =	sand.u32 $0x70, s15;
	v21 =	vld.idx.msk [tilespmem:v21+s4+$0x0], $0xffff  }
0x184: {  	s22 =	sor.u32 s0, s3;
	v42 =	vadd.s32 $0x980, v6;
	v31 =	vld.idx.msk [tilespmem:v31+s4+$0x0], $0xffff;
	v22 =	vsub.f32 v22, v28;
	v27 =	vmul.f32 v27, v2;
	[tilespmem:s19+$0x17180] =	vst v24  }
0x185: {  	v19 =	vadd.s32 $0xB80, v19;
	v43 =	vadd.s32 $0x7180, v5;
	[tilespmem:s22+$0x17000] =	vst v29;
	v35 =	vld.idx.msk [tilespmem:v62+s4+$0x0], $0xffff  }
0x186: {  	s14 =	simm.s32 $0x80;
	v24 =	vsub.f32 v61, v25;
	v44 =	vmul.f32 v22, v20;
	v29 =	vadd.f32 v27, v33;
	v30 =	vld.idx.msk [tilespmem:v30+s4+$0x0], $0xffff  }
0x187: {  	s3 =	sand.u32 $0xFF0, s14;
	v47 =	vadd.s32 $0x7380, v18;
	v49 =	vadd.s32 $0xB00, v14;
	v46 =	vadd.s32 $0x900, v7;
	v27 =	vld.idx.msk [tilespmem:v41+s4+$0x0], $0xffff  }
0x188: {  	v22 =	vld [tilespmem:s3+$0xEC00];
	v18 =	vmul.f32 v24, v8;
	v21 =	vsub.f32 v21, v63;
	v24 =	vadd.f32 v44, v28;
	[tilespmem:s20+$0x17100] =	vst v29  }
0x189: {  	v48 =	vadd.s32 $0x7100, v10;
	v45 =	vshll.u32 v26, $0x3;
	v28 =	vand.u32 $0x7F, v26;
	v32 =	vld.idx.msk [tilespmem:v42+s4+$0x0], $0xffff  }
0x18a: {  	v29 =	vand.u32 $0xFFFFFC00, v45;
	v25 =	vadd.f32 v18, v25;
	v34 =	vld.idx.msk [tilespmem:v43+s4+$0x0], $0xffff;
	v21 =	vmul.f32 v21, v0;
	[tilespmem:s17+$0x17300] =	vst v24  }
0x18b: {  	v18 =	vor.u32 v28, v29;
	v24 =	vadd.s32 $0x7300, v9;
	v29 =	vld.idx.msk [tilespmem:v19+s4+$0x0], $0xffff  }
0x18c: {  	v28 =	vadd.s32 $0x7080, v13;
	[tilespmem:s21+$0x17080] =	vst v25;
	v19 =	vsub.f32 v30, v35;
	v21 =	vadd.f32 v21, v63;
	v25 =	vld.idx.msk [tilespmem:v47+s4+$0x0], $0xffff  }
0x18d: {  	v26 =	vadd.s32 $0xFFFFF301, v26;
	v50 =	vadd.s32 $0x800, v18;
	v30 =	vld.idx.msk [tilespmem:v46+s4+$0x0], $0xffff  }
0x18e: {  	v53 =	vadd.s32 $0xA80, v4;
	v51 =	vshll.u32 v26, $0x3;
	v33 =	vld.idx.msk [tilespmem:v48+s4+$0x0], $0xffff;
	v52 =	vmul.f32 v19, v1;
	[tilespmem:s18+$0x17280] =	vst v21  }
0x18f: {  	v54 =	vadd.s32 $0x7280, v3;
	v19 =	vand.u32 $0x7F, v26;
	v21 =	vand.u32 $0xFFFFFC00, v51;
	v26 =	vld.idx.msk [tilespmem:v49+s4+$0x0], $0xffff  }
0x190: {  	v19 =	vor.u32 v19, v21;
	v21 =	vsub.f32 v34, v32;
	v24 =	vld.idx.msk [tilespmem:v24+s4+$0x0], $0xffff;
	v55 =	vadd.f32 v52, v35  }
0x191: {  	v57 =	vsub.f32 v31, v23;
	v58 =	vld.idx.msk [tilespmem:v28+s4+$0x0], $0xffff;
	v56 =	vadd.s32 $0x7000, v19  }
0x192: {  	v59 =	vadd.s32 $0xA00, v6;
	v31 =	vld.idx.msk [tilespmem:v50+s4+$0x0], $0xffff;
	v21 =	vmul.f32 v21, v2;
	v60 =	vsub.f32 v25, v29;
	[tilespmem:s19+$0x17200] =	vst v55  }
0x193: {  	v61 =	vmul.f32 v57, v16;
	v62 =	vsub.f32 v33, v30;
	v33 =	vadd.s32 $0x7200, v5;
	v25 =	vld.idx.msk [tilespmem:v53+s4+$0x0], $0xffff  }
0x194: {  	s15 =	simm.s32 $0x300;
	v38 =	vadd.s32 $0x880, v15;
	v21 =	vadd.f32 v21, v32;
	v28 =	vld.idx.msk [tilespmem:v54+s4+$0x0], $0xffff;
	v63 =	vmul.f32 v60, v20  }
0x195: {  	s29 =	sand.u32 $0x70, s23;
	s31 =	sand.u32 $0x7C00, s15;
	v23 =	vadd.f32 v61, v23;
	v20 =	vld [tilespmem:s26+$0x10400];
	v37 =	vmul.f32 v62, v8  }
0x196: {  	s8 =	sor.u32 s29, s31;
	v32 =	vadd.s32 $0x980, v7;
	v36 =	vsub.f32 v24, v26;
	v34 =	vld.idx.msk [tilespmem:v56+s4+$0x0], $0xffff;
	[tilespmem:s20+$0x17180] =	vst v21;
	v21 =	vadd.f32 v63, v29  }
0x197: {  	s0 =	simm.s32 $0x80;
	[tilespmem:s8+$0x17000] =	vst v23;
	v35 =	vadd.s32 $0x7180, v10;
	v39 =	vsub.f32 v58, v27;
	v29 =	vld.idx.msk [tilespmem:v59+s4+$0x0], $0xffff  }
.LBB2_4:
0x198: {  	s14 =	sadd.s32 $0x10, s14;
	v23 =	vadd.f32 v37, v30;
	v24 =	vld.idx.msk [tilespmem:v33+s4+$0x0], $0xffff;
	v30 =	vmul.f32 v36, v0;
	v33 =	vadd.s32 $0xB80, v14;
	[tilespmem:s17+$0x17380] =	vst v21;
	s17 =	smov.u32 s18;
	s18 =	smov.u32 s19  }
0x199: {  	v21 =	vshll.u32 v22, $0x3;
	v37 =	vadd.s32 $0x900, v12;
	v9 =	vadd.s32 $0x7380, v9;
	v14 =	vmovc v4;
	v4 =	vmovc v6;
	s19 =	smov.u32 s20;
	s1 =	sand.u32 $0xFF0, s14;
	p0 =	slt.u32 s14, $0xBF0;
	v36 =	vld.idx.msk [tilespmem:v38+s4+$0x0], $0xffff  }
0x19a: {  	s20 =	smov.u32 s21;
	v39 =	vmul.f32 v39, v11;
	v38 =	vld [tilespmem:s1+$0xEC00];
	[tilespmem:s21+$0x17100] =	vst v23;
	v23 =	vsub.f32 v28, v25;
	v26 =	vadd.f32 v30, v26;
	s21 =	smov.u32 s22;
	s22 =	smov.u32 s8  }
0x19b: {  	v40 =	vadd.s32 $0x7100, v13;
	v6 =	vmovc v7;
	v7 =	vmovc v12;
	v21 =	vand.u32 $0xFFFFFC00, v21;
	v28 =	vand.u32 $0x7F, v22;
	v32 =	vld.idx.msk [tilespmem:v32+s4+$0x0], $0xffff  }
0x19c: {  	v43 =	vadd.f32 v39, v27;
	v39 =	vadd.s32 $0xB00, v14;
	v35 =	vld.idx.msk [tilespmem:v35+s4+$0x0], $0xffff;
	v23 =	vmul.f32 v23, v1;
	[tilespmem:s17+$0x17300] =	vst v26  }
0x19d: {  	v44 =	vadd.s32 $0xFFFFF301, v22;
	v41 =	vadd.s32 $0x7300, v3;
	v12 =	vmovc v15;
	v15 =	vmovc v18;
	v18 =	vor.u32 v28, v21;
	v42 =	vld.idx.msk [tilespmem:v33+s4+$0x0], $0xffff  }
0x19e: {  	v21 =	vadd.s32 $0x7080, v17;
	v24 =	vsub.f32 v24, v29;
	[tilespmem:s21+$0x17080] =	vst v43;
	v23 =	vadd.f32 v23, v25;
	v25 =	vld.idx.msk [tilespmem:v9+s4+$0x0], $0xffff  }
0x19f: {  	v28 =	vadd.s32 $0x800, v18;
	v26 =	vand.u32 $0x7F, v44;
	v43 =	vshll.u32 v44, $0x3;
	v27 =	vmovc v36;
	v30 =	vld.idx.msk [tilespmem:v37+s4+$0x0], $0xffff;
	v22 =	vmovc v38  }
0x1a0: {  	v9 =	vmovc v3;
	v33 =	vand.u32 $0xFFFFFC00, v43;
	v24 =	vmul.f32 v24, v2;
	v37 =	vadd.s32 $0xA80, v4;
	v36 =	vld.idx.msk [tilespmem:v40+s4+$0x0], $0xffff;
	[tilespmem:s18+$0x17280] =	vst v23  }
0x1a1: {  	v3 =	vmovc v5;
	v38 =	vor.u32 v26, v33;
	v40 =	vadd.s32 $0x7280, v5;
	v5 =	vmovc v10;
	v10 =	vmov v13;
	v26 =	vld.idx.msk [tilespmem:v39+s4+$0x0], $0xffff  }
0x1a2: {  	v13 =	vmovc v17;
	v39 =	vadd.s32 $0x7000, v38;
	v33 =	vsub.f32 v35, v32;
	v24 =	vadd.f32 v24, v29;
	v29 =	vld.idx.msk [tilespmem:v41+s4+$0x0], $0xffff  }
0x1a3: {  	v34 =	vsub.f32 v34, v31;
	v17 =	vmovc v19;
	v19 =	vmovc v38;
	v23 =	vmov v16;
	v35 =	vld.idx.msk [tilespmem:v21+s4+$0x0], $0xffff;
	v21 =	vmov v31  }
0x1a4: {  	v41 =	vadd.s32 $0xA00, v6;
	v31 =	vld.idx.msk [tilespmem:v28+s4+$0x0], $0xffff;
	v28 =	vmul.f32 v33, v8;
	[tilespmem:s19+$0x17200] =	vst v24;
	v24 =	vsub.f32 v25, v42  }
.Ltmp1:
0x1a5: {  	v43 =	vmul.f32 v34, v20;
	v38 =	vadd.s32 $0x880, v15;
	v16 =	vmovc v20;
	v33 =	vadd.s32 $0x7200, v5;
	v25 =	vld.idx.msk [tilespmem:v37+s4+$0x0], $0xffff;
	(pc) =	sbr.rel @p0 .LBB2_4-.Ltmp1, $4  }
0x1a6: {  	s15 =	sadd.s32 $0x80, s15;
	v36 =	vsub.f32 v36, v30;
	v44 =	vadd.f32 v28, v32;
	v28 =	vld.idx.msk [tilespmem:v40+s4+$0x0], $0xffff;
	v24 =	vmul.f32 v24, v0  }
0x1a7: {  	s2 =	sand.u32 $0x70, s11;
	s11 =	smov.u32 s0;
	s8 =	sand.u32 $0x7C00, s15;
	v32 =	vadd.s32 $0x980, v7;
	v0 =	vmovc v1;
	v1 =	vmovc v2;
	v2 =	vmov v8;
	v34 =	vld.idx.msk [tilespmem:v39+s4+$0x0], $0xffff;
	v39 =	vadd.f32 v43, v21  }
0x1a8: {  	s0 =	smov.u32 s14;
	s8 =	sor.u32 s2, s8;
	v37 =	vmul.f32 v36, v11;
	v36 =	vsub.f32 v29, v26;
	v20 =	vld [tilespmem:s3+$0x10400];
	[tilespmem:s20+$0x17180] =	vst v44;
	v21 =	vadd.f32 v24, v42;
	s3 =	smov.u32 s1  }
0x1a9: {  	v8 =	vmovc v11;
	v11 =	vmov v23;
	[tilespmem:s8+$0x17000] =	vst v39;
	v39 =	vsub.f32 v35, v27;
	v35 =	vadd.s32 $0x7180, v10;
	v29 =	vld.idx.msk [tilespmem:v41+s4+$0x0], $0xffff  }
0x1aa: {  	v23 =	vshll.u32 v22, $0x3;
	v24 =	vadd.s32 $0xFFFFF301, v22  }
0x1ab: {  	v59 =	vand.u32 $0x7F, v22;
	v23 =	vand.u32 $0xFFFFFC00, v23;
	v40 =	vshll.u32 v24, $0x3  }
0x1ac: {  	v60 =	vand.u32 $0x7F, v24;
	v23 =	vor.u32 v59, v23;
	v61 =	vand.u32 $0xFFFFFC00, v40  }
0x1ad: {  	v62 =	vadd.s32 $0x800, v23;
	v24 =	vor.u32 v60, v61  }
0x1ae: {  	v22 =	vadd.s32 $0x7000, v24;
	_ =	sdelay $0x3  }
0x1af: {  	v40 =	vld.idx.msk [tilespmem:v62+s4+$0x0], $0xffff  }
0x1b0: {  	v41 =	vld.idx.msk [tilespmem:v22+s4+$0x0], $0xffff;
	_ =	sdelay $0x1  }
0x1b1: {  	v42 =	vadd.s32 $0x7080, v17;
	v34 =	vsub.f32 v34, v31;
	v22 =	vld [tilespmem:s3+$0x10400];
	_ =	sdelay $0x1  }
0x1b2: {  	v43 =	vadd.s32 $0x880, v18;
	v34 =	vmul.f32 v34, v20  }
0x1b3: {  	s1 =	sadd.s32 $0x80, s15;
	v44 =	vadd.s32 $0x7080, v19;
	v41 =	vsub.f32 v41, v40  }
0x1b4: {  	v38 =	vld.idx.msk [tilespmem:v38+s4+$0x0], $0xffff;
	s2 =	sand.u32 $0x70, s11;
	s16 =	sand.u32 $0x7C00, s1;
	v63 =	vadd.f32 v34, v31  }
0x1b5: {  	s11 =	sor.u32 s2, s16;
	v49 =	vadd.s32 $0x880, v23;
	v42 =	vld.idx.msk [tilespmem:v42+s4+$0x0], $0xffff;
	v48 =	vmul.f32 v41, v22  }
0x1b6: {  	s1 =	sadd.s32 $0x80, s1;
	v45 =	vadd.s32 $0x7080, v24;
	[tilespmem:s11+$0x17000] =	vst v63  }
0x1b7: {  	s0 =	sand.u32 $0x70, s0;
	s1 =	sand.u32 $0x7C00, s1;
	v51 =	vld.idx.msk [tilespmem:v43+s4+$0x0], $0xffff;
	v50 =	vadd.f32 v48, v40  }
0x1b8: {  	v53 =	vadd.s32 $0x900, v12;
	v39 =	vmul.f32 v39, v11;
	s14 =	sor.u32 s0, s1;
	v52 =	vld.idx.msk [tilespmem:v44+s4+$0x0], $0xffff  }
0x1b9: {  	v55 =	vadd.s32 $0x7100, v13;
	[tilespmem:s14+$0x17000] =	vst v50  }
0x1ba: {  	v27 =	vadd.f32 v39, v27;
	v42 =	vsub.f32 v42, v38;
	v31 =	vld.idx.msk [tilespmem:v49+s4+$0x0], $0xffff  }
0x1bb: {  	v54 =	vld.idx.msk [tilespmem:v45+s4+$0x0], $0xffff  }
0x1bc: {  	v56 =	vadd.s32 $0x900, v15;
	[tilespmem:s22+$0x17080] =	vst v27;
	v42 =	vmul.f32 v42, v16  }
0x1bd: {  	v57 =	vadd.s32 $0x7100, v17;
	v30 =	vadd.f32 v37, v30;
	v59 =	vld.idx.msk [tilespmem:v53+s4+$0x0], $0xffff;
	v40 =	vsub.f32 v52, v51  }
0x1be: {  	v62 =	vld.idx.msk [tilespmem:v55+s4+$0x0], $0xffff;
	v58 =	vadd.f32 v42, v38  }
0x1bf: {  	[tilespmem:s21+$0x17100] =	vst v30;
	v60 =	vadd.s32 $0x900, v18;
	v40 =	vmul.f32 v40, v20  }
0x1c0: {  	v32 =	vld.idx.msk [tilespmem:v32+s4+$0x0], $0xffff;
	v63 =	vadd.s32 $0x7100, v19;
	[tilespmem:s8+$0x17080] =	vst v58;
	v61 =	vsub.f32 v54, v31  }
0x1c1: {  	v39 =	vld.idx.msk [tilespmem:v56+s4+$0x0], $0xffff;
	v34 =	vadd.f32 v40, v51  }
0x1c2: {  	v48 =	vadd.s32 $0x900, v23;
	v49 =	vld.idx.msk [tilespmem:v57+s4+$0x0], $0xffff;
	v42 =	vmul.f32 v61, v22  }
0x1c3: {  	v35 =	vld.idx.msk [tilespmem:v35+s4+$0x0], $0xffff;
	v50 =	vadd.s32 $0x7100, v24;
	v51 =	vsub.f32 v62, v59;
	[tilespmem:s11+$0x17080] =	vst v34  }
0x1c4: {  	v34 =	vld.idx.msk [tilespmem:v60+s4+$0x0], $0xffff;
	v31 =	vadd.f32 v42, v31  }
0x1c5: {  	v52 =	vadd.s32 $0x980, v12;
	v53 =	vmul.f32 v51, v11;
	v27 =	vld.idx.msk [tilespmem:v63+s4+$0x0], $0xffff  }
0x1c6: {  	v56 =	vadd.s32 $0x7180, v13;
	[tilespmem:s14+$0x17080] =	vst v31  }
0x1c7: {  	v54 =	vsub.f32 v49, v39;
	v38 =	vadd.f32 v53, v59;
	v31 =	vld.idx.msk [tilespmem:v48+s4+$0x0], $0xffff  }
0x1c8: {  	v55 =	vld.idx.msk [tilespmem:v50+s4+$0x0], $0xffff  }
0x1c9: {  	v35 =	vsub.f32 v35, v32;
	v57 =	vadd.s32 $0x980, v15;
	v41 =	vmul.f32 v54, v16;
	[tilespmem:s22+$0x17100] =	vst v38  }
0x1ca: {  	v58 =	vadd.s32 $0x7180, v17;
	v37 =	vld.idx.msk [tilespmem:v52+s4+$0x0], $0xffff;
	v27 =	vsub.f32 v27, v34  }
0x1cb: {  	v35 =	vmul.f32 v35, v8;
	v49 =	vadd.s32 $0x7200, v10;
	v30 =	vld.idx.msk [tilespmem:v56+s4+$0x0], $0xffff;
	v59 =	vadd.f32 v41, v39  }
0x1cc: {  	v60 =	vadd.s32 $0x980, v18;
	v27 =	vmul.f32 v27, v20  }
0x1cd: {  	v33 =	vld.idx.msk [tilespmem:v33+s4+$0x0], $0xffff;
	v32 =	vadd.f32 v35, v32;
	[tilespmem:s8+$0x17100] =	vst v59;
	v48 =	vadd.s32 $0xA00, v7;
	v61 =	vsub.f32 v55, v31  }
0x1ce: {  	v62 =	vadd.s32 $0x7180, v19;
	v40 =	vld.idx.msk [tilespmem:v57+s4+$0x0], $0xffff;
	v27 =	vadd.f32 v27, v34  }
0x1cf: {  	v47 =	vmul.f32 v36, v0;
	[tilespmem:s21+$0x17180] =	vst v32;
	v63 =	vadd.s32 $0x980, v23;
	v45 =	vld.idx.msk [tilespmem:v58+s4+$0x0], $0xffff;
	v41 =	vmul.f32 v61, v22  }
0x1d0: {  	v46 =	vadd.s32 $0x7180, v24;
	v30 =	vsub.f32 v30, v37;
	[tilespmem:s11+$0x17100] =	vst v27;
	v27 =	vld.idx.msk [tilespmem:v49+s4+$0x0], $0xffff  }
0x1d1: {  	v14 =	vadd.s32 $0xB80, v14;
	v26 =	vadd.f32 v47, v26;
	v39 =	vld.idx.msk [tilespmem:v60+s4+$0x0], $0xffff;
	v31 =	vadd.f32 v41, v31  }
0x1d2: {  	v33 =	vsub.f32 v33, v29;
	v53 =	vadd.s32 $0xA00, v12;
	v52 =	vmul.f32 v30, v11;
	v58 =	vld.idx.msk [tilespmem:v48+s4+$0x0], $0xffff  }
0x1d3: {  	v57 =	vadd.s32 $0x7200, v13;
	v50 =	vld.idx.msk [tilespmem:v62+s4+$0x0], $0xffff;
	[tilespmem:s14+$0x17100] =	vst v31  }
0x1d4: {  	[tilespmem:s18+$0x17300] =	vst v26;
	v33 =	vmul.f32 v33, v2;
	v51 =	vadd.s32 $0xA80, v6;
	v26 =	vadd.f32 v52, v37;
	v34 =	vld.idx.msk [tilespmem:v63+s4+$0x0], $0xffff  }
0x1d5: {  	v9 =	vadd.s32 $0x7380, v9;
	v54 =	vsub.f32 v45, v40;
	v55 =	vld.idx.msk [tilespmem:v46+s4+$0x0], $0xffff  }
0x1d6: {  	v14 =	vld.idx.msk [tilespmem:v14+s4+$0x0], $0xffff;
	v56 =	vadd.f32 v33, v29;
	v62 =	vadd.s32 $0x7280, v5;
	[tilespmem:s22+$0x17180] =	vst v26  }
0x1d7: {  	v60 =	vadd.s32 $0xA00, v15;
	v59 =	vmul.f32 v54, v16;
	v30 =	vld.idx.msk [tilespmem:v53+s4+$0x0], $0xffff;
	v27 =	vsub.f32 v27, v58  }
0x1d8: {  	[tilespmem:s20+$0x17200] =	vst v56;
	v61 =	vadd.s32 $0x7200, v17;
	v32 =	vld.idx.msk [tilespmem:v57+s4+$0x0], $0xffff;
	v31 =	vsub.f32 v50, v39  }
0x1d9: {  	v35 =	vld.idx.msk [tilespmem:v51+s4+$0x0], $0xffff;
	v51 =	vadd.s32 $0xA80, v7;
	v63 =	vadd.f32 v59, v40;
	v27 =	vmul.f32 v27, v8  }
0x1da: {  	v9 =	vld.idx.msk [tilespmem:v9+s4+$0x0], $0xffff;
	v44 =	vadd.s32 $0xA00, v18;
	v31 =	vmul.f32 v31, v20;
	v45 =	vsub.f32 v55, v34  }
0x1db: {  	v38 =	vld.idx.msk [tilespmem:v62+s4+$0x0], $0xffff;
	v46 =	vadd.s32 $0x7200, v19;
	[tilespmem:s8+$0x17180] =	vst v63;
	v27 =	vadd.f32 v27, v58  }
0x1dc: {  	v48 =	vadd.s32 $0xA00, v23;
	v37 =	vld.idx.msk [tilespmem:v60+s4+$0x0], $0xffff;
	v31 =	vadd.f32 v31, v39;
	v47 =	vmul.f32 v45, v22  }
0x1dd: {  	v28 =	vsub.f32 v28, v25;
	v49 =	vadd.s32 $0x7200, v24;
	v32 =	vsub.f32 v32, v30;
	v29 =	vld.idx.msk [tilespmem:v61+s4+$0x0], $0xffff;
	[tilespmem:s21+$0x17200] =	vst v27  }
0x1de: {  	v53 =	vadd.s32 $0x7280, v10;
	[tilespmem:s11+$0x17180] =	vst v31;
	v39 =	vld.idx.msk [tilespmem:v51+s4+$0x0], $0xffff;
	v34 =	vadd.f32 v47, v34  }
0x1df: {  	v28 =	vmul.f32 v28, v1;
	v57 =	vadd.s32 $0xA80, v12;
	v56 =	vmul.f32 v32, v11;
	v36 =	vld.idx.msk [tilespmem:v44+s4+$0x0], $0xffff  }
0x1e0: {  	v59 =	vadd.s32 $0x7280, v13;
	v38 =	vsub.f32 v38, v35;
	v26 =	vld.idx.msk [tilespmem:v46+s4+$0x0], $0xffff;
	[tilespmem:s14+$0x17180] =	vst v34  }
0x1e1: {  	v52 =	vadd.f32 v28, v25;
	v50 =	vadd.s32 $0xB00, v4;
	v25 =	vadd.f32 v56, v30;
	v55 =	vld.idx.msk [tilespmem:v48+s4+$0x0], $0xffff  }
0x1e2: {  	v62 =	vadd.s32 $0xB00, v6;
	v38 =	vmul.f32 v38, v2;
	v29 =	vsub.f32 v29, v37;
	v58 =	vld.idx.msk [tilespmem:v49+s4+$0x0], $0xffff  }
0x1e3: {  	v54 =	vadd.s32 $0x7300, v3;
	v28 =	vld.idx.msk [tilespmem:v53+s4+$0x0], $0xffff;
	[tilespmem:s22+$0x17200] =	vst v25  }
0x1e4: {  	v60 =	vadd.s32 $0xA80, v15;
	v35 =	vadd.f32 v38, v35;
	v32 =	vld.idx.msk [tilespmem:v57+s4+$0x0], $0xffff;
	v29 =	vmul.f32 v29, v16  }
0x1e5: {  	[tilespmem:s19+$0x17280] =	vst v52;
	v61 =	vadd.s32 $0x7280, v17;
	v27 =	vld.idx.msk [tilespmem:v59+s4+$0x0], $0xffff;
	v26 =	vsub.f32 v26, v36  }
0x1e6: {  	v31 =	vld.idx.msk [tilespmem:v50+s4+$0x0], $0xffff;
	[tilespmem:s20+$0x17280] =	vst v35;
	v29 =	vadd.f32 v29, v37;
	v49 =	vadd.s32 $0x7300, v5  }
0x1e7: {  	v63 =	vadd.s32 $0xA80, v18;
	v25 =	vld.idx.msk [tilespmem:v62+s4+$0x0], $0xffff;
	v26 =	vmul.f32 v26, v20;
	v40 =	vsub.f32 v58, v55  }
0x1e8: {  	v44 =	vadd.s32 $0x7280, v19;
	v46 =	vadd.s32 $0xA80, v23;
	v34 =	vld.idx.msk [tilespmem:v54+s4+$0x0], $0xffff;
	[tilespmem:s8+$0x17200] =	vst v29  }
0x1e9: {  	v28 =	vsub.f32 v28, v39;
	v30 =	vld.idx.msk [tilespmem:v60+s4+$0x0], $0xffff;
	v26 =	vadd.f32 v26, v36;
	v45 =	vmul.f32 v40, v22  }
0x1ea: {  	v48 =	vadd.s32 $0x7280, v24;
	v27 =	vsub.f32 v27, v32;
	v47 =	vld.idx.msk [tilespmem:v61+s4+$0x0], $0xffff  }
0x1eb: {  	v53 =	vadd.s32 $0x7300, v10;
	v28 =	vmul.f32 v28, v8;
	[tilespmem:s11+$0x17200] =	vst v26;
	v57 =	vld.idx.msk [tilespmem:v49+s4+$0x0], $0xffff;
	v50 =	vadd.f32 v45, v55  }
0x1ec: {  	v27 =	vmul.f32 v27, v11;
	v51 =	vld.idx.msk [tilespmem:v63+s4+$0x0], $0xffff  }
0x1ed: {  	v52 =	vadd.s32 $0xB00, v7;
	v28 =	vadd.f32 v28, v39;
	v34 =	vsub.f32 v34, v31;
	v29 =	vld.idx.msk [tilespmem:v44+s4+$0x0], $0xffff;
	[tilespmem:s14+$0x17200] =	vst v50  }
0x1ee: {  	v58 =	vadd.s32 $0x7300, v13;
	v27 =	vadd.f32 v27, v32;
	v54 =	vld.idx.msk [tilespmem:v46+s4+$0x0], $0xffff  }
0x1ef: {  	[tilespmem:s21+$0x17280] =	vst v28;
	v62 =	vmul.f32 v34, v1;
	v63 =	vadd.s32 $0xB80, v4;
	v35 =	vsub.f32 v47, v30;
	v56 =	vld.idx.msk [tilespmem:v48+s4+$0x0], $0xffff  }
0x1f0: {  	v60 =	vadd.s32 $0xB00, v15;
	v26 =	vld.idx.msk [tilespmem:v53+s4+$0x0], $0xffff;
	v55 =	vadd.s32 $0xB00, v12  }
0x1f1: {  	[tilespmem:s22+$0x17280] =	vst v27;
	v27 =	vadd.f32 v62, v31;
	v59 =	vmul.f32 v35, v16;
	v44 =	vsub.f32 v57, v25  }
0x1f2: {  	v61 =	vadd.s32 $0x7300, v17;
	v35 =	vld.idx.msk [tilespmem:v52+s4+$0x0], $0xffff;
	v29 =	vsub.f32 v29, v51  }
0x1f3: {  	v53 =	vadd.s32 $0xB80, v6;
	v45 =	vld.idx.msk [tilespmem:v58+s4+$0x0], $0xffff;
	[tilespmem:s19+$0x17300] =	vst v27;
	v28 =	vadd.f32 v59, v30;
	v31 =	vmul.f32 v44, v2  }
0x1f4: {  	v4 =	vld.idx.msk [tilespmem:v63+s4+$0x0], $0xffff;
	v46 =	vadd.s32 $0x7300, v19;
	v29 =	vmul.f32 v29, v20;
	v43 =	vsub.f32 v56, v54  }
0x1f5: {  	v42 =	vadd.s32 $0xB00, v18;
	v30 =	vld.idx.msk [tilespmem:v55+s4+$0x0], $0xffff;
	[tilespmem:s8+$0x17280] =	vst v28;
	v25 =	vadd.f32 v31, v25  }
0x1f6: {  	v48 =	vadd.s32 $0xB00, v23;
	v32 =	vld.idx.msk [tilespmem:v60+s4+$0x0], $0xffff;
	v29 =	vadd.f32 v29, v51;
	v47 =	vmul.f32 v43, v22  }
0x1f7: {  	v50 =	vadd.s32 $0x7300, v24;
	v49 =	vld.idx.msk [tilespmem:v61+s4+$0x0], $0xffff;
	[tilespmem:s20+$0x17300] =	vst v25  }
0x1f8: {  	v55 =	vadd.s32 $0x7380, v5;
	v26 =	vsub.f32 v26, v35;
	[tilespmem:s11+$0x17280] =	vst v29;
	v6 =	vld.idx.msk [tilespmem:v53+s4+$0x0], $0xffff;
	v52 =	vadd.f32 v47, v54  }
0x1f9: {  	v51 =	vadd.s32 $0x7380, v3;
	v28 =	vld.idx.msk [tilespmem:v46+s4+$0x0], $0xffff  }
0x1fa: {  	v26 =	vmul.f32 v26, v8;
	v56 =	vadd.s32 $0xB80, v7;
	v54 =	vld.idx.msk [tilespmem:v42+s4+$0x0], $0xffff;
	[tilespmem:s14+$0x17280] =	vst v52  }
0x1fb: {  	v59 =	vadd.s32 $0x7380, v10;
	v57 =	vsub.f32 v45, v30;
	v58 =	vld.idx.msk [tilespmem:v48+s4+$0x0], $0xffff  }
0x1fc: {  	v61 =	vadd.f32 v26, v35;
	v60 =	vld.idx.msk [tilespmem:v50+s4+$0x0], $0xffff  }
0x1fd: {  	v63 =	vadd.s32 $0xB80, v12;
	v5 =	vld.idx.msk [tilespmem:v55+s4+$0x0], $0xffff;
	v27 =	vsub.f32 v49, v32;
	v62 =	vmul.f32 v57, v11  }
0x1fe: {  	v37 =	vadd.s32 $0xB80, v15;
	v35 =	vadd.s32 $0x7380, v13;
	v3 =	vld.idx.msk [tilespmem:v51+s4+$0x0], $0xffff;
	[tilespmem:s21+$0x17300] =	vst v61  }
0x1ff: {  	v27 =	vmul.f32 v27, v16;
	v7 =	vld.idx.msk [tilespmem:v56+s4+$0x0], $0xffff;
	v36 =	vadd.f32 v62, v30;
	v38 =	vsub.f32 v28, v54  }
0x200: {  	v41 =	vadd.s32 $0xB80, v18;
	v39 =	vadd.s32 $0x7380, v17;
	v10 =	vld.idx.msk [tilespmem:v59+s4+$0x0], $0xffff  }
0x201: {  	v27 =	vadd.f32 v27, v32;
	[tilespmem:s22+$0x17300] =	vst v36;
	v40 =	vmul.f32 v38, v20;
	v42 =	vsub.f32 v60, v58  }
0x202: {  	v43 =	vadd.s32 $0x7380, v19;
	v12 =	vld.idx.msk [tilespmem:v63+s4+$0x0], $0xffff  }
0x203: {  	v23 =	vadd.s32 $0xB80, v23;
	v13 =	vld.idx.msk [tilespmem:v35+s4+$0x0], $0xffff;
	[tilespmem:s8+$0x17300] =	vst v27;
	v25 =	vadd.f32 v40, v54;
	v26 =	vmul.f32 v42, v22  }
0x204: {  	v24 =	vadd.s32 $0x7380, v24;
	v15 =	vld.idx.msk [tilespmem:v37+s4+$0x0], $0xffff  }
0x205: {  	v17 =	vld.idx.msk [tilespmem:v39+s4+$0x0], $0xffff;
	[tilespmem:s11+$0x17300] =	vst v25;
	v44 =	vadd.f32 v26, v58  }
0x206: {  	v18 =	vld.idx.msk [tilespmem:v41+s4+$0x0], $0xffff  }
0x207: {  	v9 =	vsub.f32 v9, v14;
	v19 =	vld.idx.msk [tilespmem:v43+s4+$0x0], $0xffff;
	[tilespmem:s14+$0x17300] =	vst v44  }
0x208: {  	v5 =	vsub.f32 v5, v6;
	v23 =	vld.idx.msk [tilespmem:v23+s4+$0x0], $0xffff  }
0x209: {  	v45 =	vmul.f32 v9, v0;
	v3 =	vsub.f32 v3, v4;
	v46 =	vld.idx.msk [tilespmem:v24+s4+$0x0], $0xffff  }
0x20a: {  	v49 =	vmul.f32 v5, v2;
	v48 =	vsub.f32 v10, v7  }
0x20b: {  	v0 =	vadd.f32 v45, v14;
	v47 =	vmul.f32 v3, v1;
	v50 =	vsub.f32 v13, v12  }
0x20c: {  	[tilespmem:s17+$0x17380] =	vst v21;
	v52 =	vadd.f32 v49, v6;
	v3 =	vmul.f32 v48, v8;
	v51 =	vsub.f32 v17, v15  }
0x20d: {  	[tilespmem:s18+$0x17380] =	vst v0;
	v1 =	vadd.f32 v47, v4;
	v53 =	vmul.f32 v50, v11;
	v54 =	vsub.f32 v19, v18  }
0x20e: {  	[tilespmem:s20+$0x17380] =	vst v52;
	v55 =	vadd.f32 v3, v7;
	v56 =	vmul.f32 v51, v16;
	v57 =	vsub.f32 v46, v23  }
0x20f: {  	[tilespmem:s19+$0x17380] =	vst v1;
	v58 =	vadd.f32 v53, v12;
	v59 =	vmul.f32 v54, v20  }
0x210: {  	[tilespmem:s21+$0x17380] =	vst v55;
	v60 =	vadd.f32 v56, v15;
	v61 =	vmul.f32 v57, v22  }
0x211: {  	[tilespmem:s22+$0x17380] =	vst v58;
	v62 =	vadd.f32 v59, v18  }
0x212: {  	[tilespmem:s8+$0x17380] =	vst v60;
	v63 =	vadd.f32 v61, v23  }
0x213: {  	[tilespmem:s11+$0x17380] =	vst v62  }
0x214: {  	[tilespmem:s14+$0x17380] =	vst v63  }
0x215: {  	s23 =	simm.s32 $0xEC00;
	s22 =	rddreg [dreg:$0xc]  }
0x216: {  	[tilespmem:s23], [sflag:$0x2] =	stream.linear.gather [hbm4b:s22+s4], $0xC00, $0x38;
	[tilespmem:$0x1D000] =	vst v63  }
0x217: {  	s25 =	simm.s32 $0x10400;
	s24 =	rddreg [dreg:$0xd]  }
0x218: {  	[tilespmem:s25], [sflag:$0x2] =	stream.linear.gather [hbm4b:s24+s4], $0xC00, $0x38;
	[tilespmem:$0x1D000] =	vst v63  }
.Ltmp2:
0x219: {  	_ = 	snop;
	(pc) =	sbr.rel .LBB2_6-.Ltmp2, $4  }
0x21a: {  	s28 =	simm.s32 $0x7000;
	s26 =	rddreg [dreg:$0xe]  }
0x21b: {  	[tilespmem:s28], [sflag:$0x2] =	stream.linear.gather [hbm4b:s26+s4], $0x7000, $0x38;
	[tilespmem:$0x1D000] =	vst v63  }
0x21c: {  	s31 =	simm.s32 $0x17000;
	s17 =	simm.s32 $0x2;
	s29 =	rddreg [dreg:$0xf]  }
0x21d: {  	[hbm4b:s29+s4] =	stream.linear.scatter [tilespmem:s31], [sflag:$0x4], $0x6000, $0x38;
	[tilespmem:$0x1D000] =	vst v63  }
.LBB2_12:
0x21e: {  	v1 =	vshll.u32 v40, $0x3;
	v0 =	vadd.s32 v0, v24  }
0x21f: {  	v59 =	vand.u32 $0x7F, v24;
	v1 =	vand.u32 $0xFFFFFC00, v1;
	v60 =	vshll.u32 v0, $0x3  }
0x220: {  	v0 =	vand.u32 $0x7F, v0;
	v1 =	vor.u32 v59, v1;
	v61 =	vand.u32 $0xFFFFFC00, v60  }
0x221: {  	v62 =	vadd.s32 $0x7000, v1;
	v24 =	vor.u32 v0, v61  }
0x222: {  	v0 =	vadd.s32 $0x7000, v24;
	_ =	sdelay $0x3  }
0x223: {  	v40 =	vld.idx.msk [tilespmem:v62+s4+$0x0], $0xffff  }
0x224: {  	v41 =	vld.idx.msk [tilespmem:v0+s4+$0x0], $0xffff;
	_ =	sdelay $0x1  }
0x225: {  	v0 =	vld [tilespmem:s3+$0x10400]  }
0x226: {  	v42 =	vadd.s32 $0x7080, v19;
	v33 =	vsub.f32 v33, v31;
	_ =	sdelay $0x1  }
0x227: {  	v43 =	vadd.s32 $0x7080, v22;
	v33 =	vmul.f32 v33, v21;
	v41 =	vsub.f32 v41, v40  }
0x228: {  	s1 =	sadd.s32 $0x80, s15;
	v44 =	vadd.s32 $0x7080, v20  }
0x229: {  	v37 =	vld.idx.msk [tilespmem:v37+s4+$0x0], $0xffff;
	s2 =	sand.u32 $0x70, s11;
	s12 =	sand.u32 $0x7C00, s1;
	v49 =	vadd.s32 $0x7080, v1;
	v63 =	vadd.f32 v33, v31;
	v48 =	vmul.f32 v41, v0  }
0x22a: {  	s1 =	sadd.s32 $0x80, s1;
	s11 =	sor.u32 s2, s12;
	v45 =	vadd.s32 $0x7080, v24;
	v42 =	vld.idx.msk [tilespmem:v42+s4+$0x0], $0xffff  }
0x22b: {  	s0 =	sand.u32 $0x70, s0;
	s1 =	sand.u32 $0x7C00, s1;
	[tilespmem:s11+$0x17000] =	vst v63;
	v50 =	vadd.f32 v48, v40  }
0x22c: {  	s14 =	sor.u32 s0, s1;
	v51 =	vld.idx.msk [tilespmem:v43+s4+$0x0], $0xffff  }
0x22d: {  	v52 =	vld.idx.msk [tilespmem:v44+s4+$0x0], $0xffff;
	[tilespmem:s14+$0x17000] =	vst v50  }
0x22e: {  	v31 =	vld.idx.msk [tilespmem:v49+s4+$0x0], $0xffff  }
0x22f: {  	v53 =	vadd.s32 $0x7100, v14;
	v39 =	vmul.f32 v39, v12;
	v42 =	vsub.f32 v42, v37;
	v54 =	vld.idx.msk [tilespmem:v45+s4+$0x0], $0xffff  }
0x230: {  	v55 =	vadd.s32 $0x7100, v16  }
0x231: {  	v56 =	vadd.s32 $0x7100, v18;
	v27 =	vadd.f32 v39, v27;
	v42 =	vmul.f32 v42, v17  }
0x232: {  	v57 =	vadd.s32 $0x7100, v19;
	v40 =	vsub.f32 v52, v51  }
0x233: {  	[tilespmem:s23+$0x17080] =	vst v27;
	v58 =	vadd.f32 v42, v37  }
0x234: {  	v60 =	vadd.s32 $0x7100, v22;
	v59 =	vld.idx.msk [tilespmem:v53+s4+$0x0], $0xffff;
	v40 =	vmul.f32 v40, v21;
	v61 =	vsub.f32 v54, v31  }
0x235: {  	v63 =	vadd.s32 $0x7100, v20;
	v62 =	vld.idx.msk [tilespmem:v55+s4+$0x0], $0xffff;
	[tilespmem:s8+$0x17080] =	vst v58  }
0x236: {  	v39 =	vld.idx.msk [tilespmem:v56+s4+$0x0], $0xffff;
	v48 =	vadd.s32 $0x7100, v1;
	v33 =	vadd.f32 v40, v51;
	v42 =	vmul.f32 v61, v0  }
0x237: {  	v50 =	vadd.s32 $0x7100, v24;
	v49 =	vld.idx.msk [tilespmem:v57+s4+$0x0], $0xffff  }
0x238: {  	[tilespmem:s11+$0x17080] =	vst v33;
	v31 =	vadd.f32 v42, v31  }
0x239: {  	v33 =	vld.idx.msk [tilespmem:v60+s4+$0x0], $0xffff  }
0x23a: {  	v51 =	vsub.f32 v62, v59;
	v27 =	vld.idx.msk [tilespmem:v63+s4+$0x0], $0xffff;
	[tilespmem:s14+$0x17080] =	vst v31  }
0x23b: {  	v30 =	vadd.f32 v38, v30;
	v31 =	vld.idx.msk [tilespmem:v48+s4+$0x0], $0xffff  }
0x23c: {  	v52 =	vadd.s32 $0x7180, v14;
	v53 =	vmul.f32 v51, v12;
	v54 =	vsub.f32 v49, v39;
	v55 =	vld.idx.msk [tilespmem:v50+s4+$0x0], $0xffff  }
0x23d: {  	[tilespmem:s22+$0x17100] =	vst v30;
	v56 =	vadd.s32 $0x7180, v16  }
0x23e: {  	v32 =	vld.idx.msk [tilespmem:v32+s4+$0x0], $0xffff;
	v57 =	vadd.s32 $0x7180, v18;
	v37 =	vadd.f32 v53, v59;
	v41 =	vmul.f32 v54, v17  }
0x23f: {  	v35 =	vld.idx.msk [tilespmem:v35+s4+$0x0], $0xffff;
	v58 =	vadd.s32 $0x7180, v19;
	v27 =	vsub.f32 v27, v33  }
0x240: {  	[tilespmem:s23+$0x17100] =	vst v37;
	v59 =	vadd.f32 v41, v39  }
0x241: {  	v60 =	vadd.s32 $0x7180, v22;
	v38 =	vld.idx.msk [tilespmem:v52+s4+$0x0], $0xffff;
	v27 =	vmul.f32 v27, v21;
	v61 =	vsub.f32 v55, v31  }
0x242: {  	v62 =	vadd.s32 $0x7180, v20;
	v30 =	vld.idx.msk [tilespmem:v56+s4+$0x0], $0xffff;
	[tilespmem:s8+$0x17100] =	vst v59  }
0x243: {  	v63 =	vadd.s32 $0x7180, v1;
	v40 =	vld.idx.msk [tilespmem:v57+s4+$0x0], $0xffff;
	v27 =	vadd.f32 v27, v33;
	v41 =	vmul.f32 v61, v0  }
0x244: {  	v46 =	vadd.s32 $0x7180, v24;
	v35 =	vsub.f32 v35, v32;
	v45 =	vld.idx.msk [tilespmem:v58+s4+$0x0], $0xffff  }
0x245: {  	v34 =	vld.idx.msk [tilespmem:v34+s4+$0x0], $0xffff;
	v47 =	vmul.f32 v36, v2;
	v15 =	vadd.s32 $0x7380, v15;
	[tilespmem:s11+$0x17100] =	vst v27;
	v31 =	vadd.f32 v41, v31  }
0x246: {  	v35 =	vmul.f32 v35, v10;
	v49 =	vadd.s32 $0x7200, v13;
	v39 =	vld.idx.msk [tilespmem:v60+s4+$0x0], $0xffff  }
0x247: {  	v26 =	vadd.f32 v47, v26;
	v48 =	vadd.s32 $0x7200, v11;
	v30 =	vsub.f32 v30, v38;
	v50 =	vld.idx.msk [tilespmem:v62+s4+$0x0], $0xffff;
	[tilespmem:s14+$0x17100] =	vst v31  }
0x248: {  	v5 =	vadd.s32 $0x7380, v5;
	v32 =	vadd.f32 v35, v32;
	v33 =	vld.idx.msk [tilespmem:v63+s4+$0x0], $0xffff  }
0x249: {  	[tilespmem:s19+$0x17300] =	vst v26;
	v53 =	vadd.s32 $0x7200, v14;
	v52 =	vmul.f32 v30, v12;
	v54 =	vsub.f32 v45, v40;
	v55 =	vld.idx.msk [tilespmem:v46+s4+$0x0], $0xffff  }
0x24a: {  	v34 =	vsub.f32 v34, v29;
	v15 =	vld.idx.msk [tilespmem:v15+s4+$0x0], $0xffff;
	[tilespmem:s22+$0x17180] =	vst v32;
	v57 =	vadd.s32 $0x7200, v16  }
0x24b: {  	v27 =	vld.idx.msk [tilespmem:v49+s4+$0x0], $0xffff;
	v60 =	vadd.s32 $0x7200, v18;
	v26 =	vadd.f32 v52, v38;
	v59 =	vmul.f32 v54, v17  }
0x24c: {  	v58 =	vld.idx.msk [tilespmem:v48+s4+$0x0], $0xffff;
	v61 =	vadd.s32 $0x7200, v19;
	v31 =	vsub.f32 v50, v39  }
0x24d: {  	v5 =	vld.idx.msk [tilespmem:v5+s4+$0x0], $0xffff;
	v34 =	vmul.f32 v34, v4;
	v51 =	vadd.s32 $0x7280, v6;
	[tilespmem:s23+$0x17180] =	vst v26;
	v63 =	vadd.f32 v59, v40  }
0x24e: {  	v44 =	vadd.s32 $0x7200, v22;
	v30 =	vld.idx.msk [tilespmem:v53+s4+$0x0], $0xffff;
	v31 =	vmul.f32 v31, v21;
	v45 =	vsub.f32 v55, v33  }
0x24f: {  	v56 =	vadd.f32 v34, v29;
	v32 =	vld.idx.msk [tilespmem:v57+s4+$0x0], $0xffff;
	v46 =	vadd.s32 $0x7200, v20;
	[tilespmem:s8+$0x17180] =	vst v63  }
0x250: {  	v48 =	vadd.s32 $0x7200, v1;
	v37 =	vld.idx.msk [tilespmem:v60+s4+$0x0], $0xffff;
	v31 =	vadd.f32 v31, v39;
	v47 =	vmul.f32 v45, v0  }
0x251: {  	[tilespmem:s21+$0x17200] =	vst v56;
	v49 =	vadd.s32 $0x7200, v24;
	v27 =	vsub.f32 v27, v58;
	v29 =	vld.idx.msk [tilespmem:v61+s4+$0x0], $0xffff  }
0x252: {  	v35 =	vld.idx.msk [tilespmem:v51+s4+$0x0], $0xffff;
	v62 =	vadd.s32 $0x7280, v9;
	[tilespmem:s11+$0x17180] =	vst v31;
	v33 =	vadd.f32 v47, v33  }
0x253: {  	v28 =	vsub.f32 v28, v25;
	v51 =	vadd.s32 $0x7280, v11;
	v27 =	vmul.f32 v27, v10;
	v36 =	vld.idx.msk [tilespmem:v44+s4+$0x0], $0xffff  }
0x254: {  	v53 =	vadd.s32 $0x7280, v13;
	v32 =	vsub.f32 v32, v30;
	v26 =	vld.idx.msk [tilespmem:v46+s4+$0x0], $0xffff;
	[tilespmem:s14+$0x17180] =	vst v33  }
0x255: {  	v28 =	vmul.f32 v28, v3;
	v50 =	vadd.s32 $0x7300, v7;
	v27 =	vadd.f32 v27, v58;
	v55 =	vld.idx.msk [tilespmem:v48+s4+$0x0], $0xffff  }
0x256: {  	v57 =	vadd.s32 $0x7280, v14;
	v56 =	vmul.f32 v32, v12;
	v29 =	vsub.f32 v29, v37;
	v58 =	vld.idx.msk [tilespmem:v49+s4+$0x0], $0xffff  }
0x257: {  	v52 =	vadd.f32 v28, v25;
	v38 =	vld.idx.msk [tilespmem:v62+s4+$0x0], $0xffff;
	v59 =	vadd.s32 $0x7280, v16;
	[tilespmem:s22+$0x17200] =	vst v27  }
0x258: {  	v60 =	vadd.s32 $0x7280, v18;
	v39 =	vld.idx.msk [tilespmem:v51+s4+$0x0], $0xffff;
	v25 =	vadd.f32 v56, v30;
	v29 =	vmul.f32 v29, v17  }
0x259: {  	[tilespmem:s20+$0x17280] =	vst v52;
	v61 =	vadd.s32 $0x7280, v19;
	v28 =	vld.idx.msk [tilespmem:v53+s4+$0x0], $0xffff;
	v26 =	vsub.f32 v26, v36  }
0x25a: {  	v54 =	vadd.s32 $0x7300, v8;
	v31 =	vld.idx.msk [tilespmem:v50+s4+$0x0], $0xffff;
	[tilespmem:s23+$0x17200] =	vst v25;
	v29 =	vadd.f32 v29, v37  }
0x25b: {  	v63 =	vadd.s32 $0x7280, v22;
	v32 =	vld.idx.msk [tilespmem:v57+s4+$0x0], $0xffff;
	v26 =	vmul.f32 v26, v21;
	v40 =	vsub.f32 v58, v55  }
0x25c: {  	v38 =	vsub.f32 v38, v35;
	v44 =	vadd.s32 $0x7280, v20;
	v27 =	vld.idx.msk [tilespmem:v59+s4+$0x0], $0xffff;
	[tilespmem:s8+$0x17200] =	vst v29  }
0x25d: {  	v46 =	vadd.s32 $0x7280, v1;
	v30 =	vld.idx.msk [tilespmem:v60+s4+$0x0], $0xffff;
	v26 =	vadd.f32 v26, v36;
	v45 =	vmul.f32 v40, v0  }
0x25e: {  	v28 =	vsub.f32 v28, v39;
	v48 =	vadd.s32 $0x7280, v24;
	v47 =	vld.idx.msk [tilespmem:v61+s4+$0x0], $0xffff  }
0x25f: {  	v62 =	vadd.s32 $0x7300, v6;
	v38 =	vmul.f32 v38, v4;
	v33 =	vld.idx.msk [tilespmem:v54+s4+$0x0], $0xffff;
	[tilespmem:s11+$0x17200] =	vst v26;
	v50 =	vadd.f32 v45, v55  }
0x260: {  	v49 =	vadd.s32 $0x7300, v9;
	v28 =	vmul.f32 v28, v10;
	v51 =	vld.idx.msk [tilespmem:v63+s4+$0x0], $0xffff  }
0x261: {  	v53 =	vadd.s32 $0x7300, v13;
	v35 =	vadd.f32 v38, v35;
	v27 =	vsub.f32 v27, v32;
	v29 =	vld.idx.msk [tilespmem:v44+s4+$0x0], $0xffff;
	[tilespmem:s14+$0x17200] =	vst v50  }
0x262: {  	v52 =	vadd.s32 $0x7300, v11;
	v28 =	vadd.f32 v28, v39;
	v54 =	vld.idx.msk [tilespmem:v46+s4+$0x0], $0xffff  }
0x263: {  	[tilespmem:s21+$0x17280] =	vst v35;
	v27 =	vmul.f32 v27, v12;
	v58 =	vadd.s32 $0x7300, v16;
	v35 =	vsub.f32 v47, v30;
	v56 =	vld.idx.msk [tilespmem:v48+s4+$0x0], $0xffff  }
0x264: {  	v25 =	vld.idx.msk [tilespmem:v62+s4+$0x0], $0xffff;
	v33 =	vsub.f32 v33, v31;
	v55 =	vadd.s32 $0x7300, v14  }
0x265: {  	v60 =	vadd.s32 $0x7300, v18;
	[tilespmem:s22+$0x17280] =	vst v28;
	v57 =	vld.idx.msk [tilespmem:v49+s4+$0x0], $0xffff;
	v27 =	vadd.f32 v27, v32;
	v59 =	vmul.f32 v35, v17  }
0x266: {  	v61 =	vadd.s32 $0x7300, v19;
	v26 =	vld.idx.msk [tilespmem:v53+s4+$0x0], $0xffff;
	v29 =	vsub.f32 v29, v51  }
0x267: {  	v62 =	vmul.f32 v33, v3;
	v63 =	vadd.s32 $0x7380, v7;
	[tilespmem:s23+$0x17280] =	vst v27;
	v35 =	vld.idx.msk [tilespmem:v52+s4+$0x0], $0xffff;
	v28 =	vadd.f32 v59, v30  }
0x268: {  	v43 =	vadd.s32 $0x7300, v22;
	v46 =	vld.idx.msk [tilespmem:v58+s4+$0x0], $0xffff;
	v29 =	vmul.f32 v29, v21;
	v44 =	vsub.f32 v56, v54  }
0x269: {  	v27 =	vadd.f32 v62, v31;
	v47 =	vadd.s32 $0x7300, v20;
	v42 =	vld.idx.msk [tilespmem:v55+s4+$0x0], $0xffff;
	[tilespmem:s8+$0x17280] =	vst v28  }
0x26a: {  	v49 =	vadd.s32 $0x7300, v1;
	v32 =	vld.idx.msk [tilespmem:v60+s4+$0x0], $0xffff;
	v29 =	vadd.f32 v29, v51;
	v48 =	vmul.f32 v44, v0  }
0x26b: {  	v45 =	vsub.f32 v57, v25;
	[tilespmem:s20+$0x17300] =	vst v27;
	v50 =	vld.idx.msk [tilespmem:v61+s4+$0x0], $0xffff;
	v51 =	vadd.s32 $0x7300, v24  }
0x26c: {  	v52 =	vadd.s32 $0x7380, v8;
	v7 =	vld.idx.msk [tilespmem:v63+s4+$0x0], $0xffff;
	v26 =	vsub.f32 v26, v35;
	[tilespmem:s11+$0x17280] =	vst v29;
	v53 =	vadd.f32 v48, v54  }
0x26d: {  	v31 =	vmul.f32 v45, v4;
	v55 =	vadd.s32 $0x7380, v9;
	v33 =	vld.idx.msk [tilespmem:v43+s4+$0x0], $0xffff  }
0x26e: {  	v26 =	vmul.f32 v26, v10;
	v56 =	vadd.s32 $0x7380, v11;
	v28 =	vld.idx.msk [tilespmem:v47+s4+$0x0], $0xffff;
	[tilespmem:s14+$0x17280] =	vst v53  }
0x26f: {  	v59 =	vadd.s32 $0x7380, v13;
	v25 =	vadd.f32 v31, v25;
	v57 =	vsub.f32 v46, v42;
	v58 =	vld.idx.msk [tilespmem:v49+s4+$0x0], $0xffff  }
0x270: {  	v61 =	vadd.f32 v26, v35;
	v27 =	vsub.f32 v50, v32;
	v54 =	vadd.s32 $0x7380, v6;
	v60 =	vld.idx.msk [tilespmem:v51+s4+$0x0], $0xffff  }
0x271: {  	p0 =	slt.s32 s17, $0x24;
	s0 =	smov.u32 s17;
	v63 =	vadd.s32 $0x7380, v14;
	v8 =	vld.idx.msk [tilespmem:v52+s4+$0x0], $0xffff;
	[tilespmem:s21+$0x17300] =	vst v25;
	v62 =	vmul.f32 v57, v12  }
0x272: {  	s0 =	simm.s32 @!p0 $0x24;
	v35 =	vadd.s32 $0x7380, v16;
	v9 =	vld.idx.msk [tilespmem:v55+s4+$0x0], $0xffff;
	[tilespmem:s22+$0x17300] =	vst v61;
	v27 =	vmul.f32 v27, v17  }
0x273: {  	s0 =	sadd.s32 $0x2, s0;
	v37 =	vadd.s32 $0x7380, v18;
	v11 =	vld.idx.msk [tilespmem:v56+s4+$0x0], $0xffff;
	v36 =	vadd.f32 v62, v42;
	v38 =	vsub.f32 v28, v33  }
0x274: {  	s13 =	smul.u32 $0x1F32C00, s0;
	v39 =	vadd.s32 $0x7380, v19;
	v13 =	vld.idx.msk [tilespmem:v59+s4+$0x0], $0xffff;
	v27 =	vadd.f32 v27, v32  }
0x275: {  	v41 =	vadd.s32 $0x7380, v22;
	[tilespmem:s23+$0x17300] =	vst v36;
	v40 =	vmul.f32 v38, v21;
	v6 =	vld.idx.msk [tilespmem:v54+s4+$0x0], $0xffff;
	v42 =	vsub.f32 v60, v58  }
0x276: {  	s15 =	smulhi.u32 $0x22D47E01, s13;
	s16 =	sshra.s32 s13, $0x1F;
	v43 =	vadd.s32 $0x7380, v20;
	v14 =	vld.idx.msk [tilespmem:v63+s4+$0x0], $0xffff  }
0x277: {  	s3 =	smul.u32 $0x22D47E01, s16;
	v1 =	vadd.s32 $0x7380, v1;
	v16 =	vld.idx.msk [tilespmem:v35+s4+$0x0], $0xffff;
	[tilespmem:s8+$0x17300] =	vst v27;
	v25 =	vadd.f32 v40, v33;
	v26 =	vmul.f32 v42, v0  }
0x278: {  	v24 =	vadd.s32 $0x7380, v24;
	v18 =	vld.idx.msk [tilespmem:v37+s4+$0x0], $0xffff  }
0x279: {  	s2 =	sadd.s32 s3, s15;
	v19 =	vld.idx.msk [tilespmem:v39+s4+$0x0], $0xffff;
	[tilespmem:s11+$0x17300] =	vst v25;
	v44 =	vadd.f32 v26, v58  }
0x27a: {  	s3 =	sshrl.u32 s2, $0x1F;
	s2 =	sshra.s32 s2, $0xE;
	v22 =	vld.idx.msk [tilespmem:v41+s4+$0x0], $0xffff  }
0x27b: {  	v5 =	vsub.f32 v5, v15;
	s2 =	sadd.s32 s3, s2;
	v20 =	vld.idx.msk [tilespmem:v43+s4+$0x0], $0xffff;
	[tilespmem:s14+$0x17300] =	vst v44  }
0x27c: {  	s3 =	smul.u32 $0xFFFE299A, s2;
	v8 =	vsub.f32 v8, v7;
	v1 =	vld.idx.msk [tilespmem:v1+s4+$0x0], $0xffff  }
0x27d: {  	s12 =	ssub.s32 $0x0, s13;
	v45 =	vmul.f32 v5, v2;
	v49 =	vsub.f32 v13, v11;
	v47 =	vld.idx.msk [tilespmem:v24+s4+$0x0], $0xffff  }
0x27e: {  	p1 =	slt.s32 s13, $0x1;
	p4 =	sne.s32 s3, s12;
	v48 =	vmul.f32 v8, v3;
	v46 =	vsub.f32 v9, v6  }
0x27f: {  	p0 =	por !p1, !p4;
	v2 =	vadd.f32 v45, v15;
	v52 =	vmul.f32 v49, v10;
	v51 =	vsub.f32 v16, v14  }
0x280: {  	[tilespmem:s18+$0x17380] =	vst v23;
	s1 =	simm.s32 $0x1;
	p0 =	por !p0, !p0;
	v3 =	vadd.f32 v48, v7;
	v53 =	vsub.f32 v19, v18;
	v50 =	vmul.f32 v46, v4  }
0x281: {  	s0 =	smul.u32 $0xC00, s0;
	s1 =	simm.s32 @!p0 $0x0;
	[tilespmem:s19+$0x17380] =	vst v2;
	v57 =	vadd.f32 v52, v11;
	v55 =	vmul.f32 v51, v12;
	v56 =	vsub.f32 v20, v22  }
0x282: {  	s1 =	ssub.s32 s2, s1;
	[tilespmem:s20+$0x17380] =	vst v3;
	v58 =	vmul.f32 v53, v17;
	v54 =	vadd.f32 v50, v6;
	v59 =	vsub.f32 v47, v1  }
0x283: {  	s2 =	sadd.s32 s0, s1;
	s1 =	sand.u32 $0x7F, s1;
	[tilespmem:s22+$0x17380] =	vst v57;
	v60 =	vadd.f32 v55, v14;
	v61 =	vmul.f32 v56, v21  }
0x284: {  	p5 =	slt.s32 s2, $0x1;
	p6 =	sne.s32 s1, $0x0;
	s19 =	sshra.s32 s2, $0x1F;
	v62 =	vadd.f32 v58, v18;
	[tilespmem:s21+$0x17380] =	vst v54;
	v0 =	vmul.f32 v59, v0  }
0x285: {  	s0 =	sshrl.u32 s0, $0x3;
	p0 =	por !p5, !p6;
	s3 =	sshrl.u32 s19, $0x19;
	[tilespmem:s23+$0x17380] =	vst v60;
	v63 =	vadd.f32 v61, v22  }
0x286: {  	p0 =	por !p0, !p0;
	s20 =	sadd.s32 s3, s2;
	s2 =	simm.s32 $0x1;
	[tilespmem:s8+$0x17380] =	vst v62;
	v0 =	vadd.f32 v0, v1  }
0x287: {  	s1 =	sshrl.u32 s20, $0x7;
	s2 =	simm.s32 @!p0 $0x0;
	s21 =	rddreg [dreg:$0x1];
	[tilespmem:s11+$0x17380] =	vst v63  }
0x288: {  	s1 =	ssub.s32 s1, s2;
	s22 =	simm.s32 $0xEC00;
	s3 =	sadd.s32 s21, s0;
	[tilespmem:s14+$0x17380] =	vst v0  }
0x289: {  	[tilespmem:s22], [sflag:$0x2] =	stream.linear.gather [hbm4b:s3+s4], $0xC00, $0x38;
	[tilespmem:$0x1D000] =	vst v63  }
0x28a: {  	s24 =	sshll.u32 s1, $0xA;
	s23 =	simm.s32 $0x10400;
	s0 =	sadd.s32 s5, s0  }
0x28b: {  	[tilespmem:s23], [sflag:$0x2] =	stream.linear.gather [hbm4b:s0+s4], $0xC00, $0x38;
	[tilespmem:$0x1D000] =	vst v63  }
0x28c: {  	s26 =	smul.u32 $0x6000, s17;
	s0 =	sadd.s32 s7, s24  }
0x28d: {  	s25 =	rddreg [dreg:$0x0];
	s0 =	sshrl.u32 s0, $0x3  }
0x28e: {  	s28 =	simm.s32 $0x7000;
	s29 =	sadd.s32 s9, s26;
	s0 =	sadd.s32 s25, s0  }
0x28f: {  	[tilespmem:s28], [sflag:$0x2] =	stream.linear.gather [hbm4b:s0+s4], $0x7000, $0x38;
	[tilespmem:$0x1D000] =	vst v63  }
0x290: {  	s0 =	sshrl.u32 s29, $0x3  }
0x291: {  	s31 =	simm.s32 $0x17000;
	s0 =	sadd.s32 s6, s0  }
0x292: {  	[hbm4b:s0+s4] =	stream.linear.scatter [tilespmem:s31], [sflag:$0x4], $0x6000, $0x38;
	[tilespmem:$0x1D000] =	vst v63  }
.LBB2_13:
0x293: {  	s17 =	sadd.s32 $0x1, s17  }
0x294: {  	p0 =	sne.s32 s17, $0x27  }
.Ltmp3:
0x295: {  	_ = 	snop;
	(pc) =	sbr.rel @!p0 .LBB2_14-.Ltmp3, $1  }
0x296: {  	_ =	sdelay $0x3  }
.LBB2_6:
0x297: {  	s0 =	smul.u32 $0x1F32C00, s17;
	_ =	sdelay $0x1  }
0x298: {  	s0 =	smulhi.u32 $0x22D47E01, s0  }
0x299: {  	s1 =	smul.u32 $0xC00, s17;
	s31 =	sand.u32 $0x1, s17  }
0x29a: {  	p0 =	seq.s32 s31, $0x1;
	s0 =	sshrl.u32 s0, $0xE  }
.Ltmp4:
0x29b: {  	s0 =	sadd.s32 s1, s0;
	(pc) =	sbr.rel @p0 .LBB2_10-.Ltmp4, $4  }
0x29c: {  	s0 =	sand.u32 $0x7FF80, s0  }
0x29d: {  	s0 =	ssub.s32 $0x0, s0  }
0x29e: {  	v1 =	vmov s0  }
0x29f: {  	v0 =	vor.u32 $0x1, v1  }
0x2a0: {  	s0 =	simm.s32 $0x3  }
0x2a1: {  	_ =	swait.ge [sflag:s0], $0x6000  }
0x2a2: {  	[sflag:s0] =	ssyncset.done $0x0  }
0x2a3: {  	[sflag:s0] =	ssyncadd.s32 $0xFFFFA000  }
0x2a4: {  	_ =	swait.ge [sflag:s30], $0xC00  }
0x2a5: {  	[sflag:s30] =	ssyncset.done $0x0  }
0x2a6: {  	[sflag:s30] =	ssyncadd.s32 $0xFFFFF400  }
0x2a7: {  	_ =	swait.ge [sflag:s30], $0xC00  }
0x2a8: {  	[sflag:s30] =	ssyncset.done $0x0  }
0x2a9: {  	[sflag:s30] =	ssyncadd.s32 $0xFFFFF400  }
0x2aa: {  	_ =	swait.ge [sflag:s30], $0x7000  }
0x2ab: {  	[sflag:s30] =	ssyncset.done $0x0  }
0x2ac: {  	s11 =	simm.s32 $0xE000;
	[sflag:s30] =	ssyncadd.s32 $0xFFFF9000  }
0x2ad: {  	v2 =	vld [tilespmem:s11+$0x0];
	_ =	sdelay $0x4  }
0x2ae: {  	v3 =	vadd.s32 v0, v2  }
0x2af: {  	v5 =	vadd.s32 v1, v2;
	v4 =	vshll.u32 v3, $0x3  }
0x2b0: {  	v3 =	vand.u32 $0x7F, v3;
	v5 =	vshll.u32 v5, $0x3;
	v4 =	vand.u32 $0xFFFFFC00, v4  }
0x2b1: {  	v2 =	vand.u32 $0x7F, v2;
	v19 =	vor.u32 v3, v4;
	v3 =	vand.u32 $0xFFFFFC00, v5  }
0x2b2: {  	v17 =	vor.u32 v2, v3;
	_ =	sdelay $0x3  }
0x2b3: {  	v2 =	vld.idx.msk [tilespmem:v19+s4+$0x0], $0xffff  }
0x2b4: {  	s12 =	simm.s32 $0xE010;
	v4 =	vld.idx.msk [tilespmem:v17+s4+$0x0], $0xffff  }
0x2b5: {  	s13 =	simm.s32 $0xF800;
	v3 =	vld [tilespmem:s12+$0x0]  }
0x2b6: {  	v27 =	vld [tilespmem:s13+$0x0];
	_ =	sdelay $0x2  }
0x2b7: {  	v10 =	vor.u32 $0x80, v19;
	v2 =	vsub.f32 v2, v4  }
0x2b8: {  	v9 =	vor.u32 $0x80, v17;
	v5 =	vadd.s32 v1, v3;
	v6 =	vadd.s32 v0, v3  }
0x2b9: {  	v3 =	vand.u32 $0x7F, v3;
	v7 =	vshll.u32 v6, $0x3;
	v2 =	vmul.f32 v2, v27  }
0x2ba: {  	s8 =	simm.s32 $0x0;
	s14 =	simm.s32 $0x0;
	v5 =	vshll.u32 v5, $0x3;
	v6 =	vand.u32 $0x7F, v6;
	v7 =	vand.u32 $0xFFFFFC00, v7  }
0x2bb: {  	s1 =	sand.u32 $0x7C00, s8;
	s0 =	sand.u32 $0x70, s14;
	v5 =	vand.u32 $0xFFFFFC00, v5;
	v8 =	vor.u32 v6, v7;
	v2 =	vadd.f32 v2, v4  }
0x2bc: {  	s0 =	sor.u32 s0, s1;
	v18 =	vor.u32 v3, v5  }
0x2bd: {  	[tilespmem:s0+$0x11000] =	vst v2  }
0x2be: {  	v3 =	vld.idx.msk [tilespmem:v9+s4+$0x0], $0xffff  }
0x2bf: {  	v4 =	vld.idx.msk [tilespmem:v10+s4+$0x0], $0xffff  }
0x2c0: {  	v5 =	vld.idx.msk [tilespmem:v8+s4+$0x0], $0xffff  }
0x2c1: {  	s15 =	simm.s32 $0xE020;
	v6 =	vld.idx.msk [tilespmem:v18+s4+$0x0], $0xffff  }
0x2c2: {  	s2 =	simm.s32 $0xF810;
	v7 =	vld [tilespmem:s15+$0x0]  }
0x2c3: {  	v2 =	vld [tilespmem:s2+$0x0]  }
0x2c4: {  	v4 =	vsub.f32 v4, v3;
	_ =	sdelay $0x1  }
0x2c5: {  	v9 =	vor.u32 $0x100, v17;
	v5 =	vsub.f32 v5, v6;
	v4 =	vmul.f32 v4, v27  }
0x2c6: {  	v12 =	vor.u32 $0x100, v19;
	v14 =	vor.u32 $0x80, v8;
	v11 =	vadd.s32 v0, v7  }
0x2c7: {  	v10 =	vadd.s32 v1, v7;
	v5 =	vmul.f32 v5, v2;
	v3 =	vadd.f32 v4, v3  }
0x2c8: {  	s16 =	simm.s32 $0x10;
	s18 =	simm.s32 $0x80;
	s11 =	sadd.s32 $0x11000, s0;
	v13 =	vor.u32 $0x80, v18;
	v4 =	vshll.u32 v10, $0x3;
	v10 =	vshll.u32 v11, $0x3  }
0x2c9: {  	s19 =	sand.u32 $0x70, s16;
	s20 =	sand.u32 $0x7C00, s18;
	v5 =	vadd.f32 v5, v6;
	v11 =	vand.u32 $0x7F, v11;
	v10 =	vand.u32 $0xFFFFFC00, v10;
	[tilespmem:s11+$0x80] =	vst v3  }
0x2ca: {  	s0 =	sor.u32 s19, s20;
	v4 =	vand.u32 $0xFFFFFC00, v4;
	v3 =	vand.u32 $0x7F, v7;
	v6 =	vor.u32 v11, v10;
	v7 =	vld.idx.msk [tilespmem:v9+s4+$0x0], $0xffff  }
0x2cb: {  	[tilespmem:s0+$0x11000] =	vst v5;
	v30 =	vor.u32 v3, v4;
	v3 =	vld.idx.msk [tilespmem:v12+s4+$0x0], $0xffff  }
0x2cc: {  	v5 =	vld.idx.msk [tilespmem:v14+s4+$0x0], $0xffff  }
0x2cd: {  	v4 =	vld.idx.msk [tilespmem:v13+s4+$0x0], $0xffff;
	_ =	sdelay $0x1  }
0x2ce: {  	v9 =	vld.idx.msk [tilespmem:v6+s4+$0x0], $0xffff  }
0x2cf: {  	s21 =	simm.s32 $0xE030;
	v10 =	vld.idx.msk [tilespmem:v30+s4+$0x0], $0xffff;
	v11 =	vsub.f32 v3, v7  }
0x2d0: {  	s22 =	simm.s32 $0xF820;
	v12 =	vld [tilespmem:s21+$0x0]  }
0x2d1: {  	v13 =	vor.u32 $0x180, v17;
	v3 =	vld [tilespmem:s22+$0x0];
	v5 =	vsub.f32 v5, v4;
	v11 =	vmul.f32 v11, v27  }
0x2d2: {  	v14 =	vor.u32 $0x180, v19  }
0x2d3: {  	v5 =	vmul.f32 v5, v2;
	v7 =	vadd.f32 v11, v7;
	v11 =	vor.u32 $0x100, v18  }
0x2d4: {  	v15 =	vor.u32 $0x100, v8;
	v9 =	vsub.f32 v9, v10  }
0x2d5: {  	v16 =	vadd.s32 v1, v12;
	v4 =	vadd.f32 v5, v4;
	[tilespmem:s11+$0x100] =	vst v7  }
0x2d6: {  	s20 =	sadd.s32 $0x11000, s0;
	v5 =	vadd.s32 v0, v12;
	v13 =	vld.idx.msk [tilespmem:v13+s4+$0x0], $0xffff;
	v7 =	vmul.f32 v9, v3;
	v9 =	vor.u32 $0x80, v30  }
0x2d7: {  	s23 =	simm.s32 $0x20;
	s24 =	simm.s32 $0x100;
	v21 =	vor.u32 $0x80, v6;
	v16 =	vshll.u32 v16, $0x3;
	v20 =	vshll.u32 v5, $0x3;
	[tilespmem:s20+$0x80] =	vst v4;
	v14 =	vld.idx.msk [tilespmem:v14+s4+$0x0], $0xffff  }
0x2d8: {  	s1 =	sand.u32 $0x7C00, s24;
	s0 =	sand.u32 $0x70, s23;
	v5 =	vand.u32 $0x7F, v5;
	v4 =	vand.u32 $0xFFFFFC00, v20;
	v10 =	vadd.f32 v7, v10;
	v20 =	vld.idx.msk [tilespmem:v11+s4+$0x0], $0xffff  }
0x2d9: {  	s0 =	sor.u32 s0, s1;
	v11 =	vand.u32 $0x7F, v12;
	v12 =	vand.u32 $0xFFFFFC00, v16;
	v7 =	vor.u32 v5, v4;
	v4 =	vld.idx.msk [tilespmem:v15+s4+$0x0], $0xffff  }
0x2da: {  	v11 =	vor.u32 v11, v12;
	[tilespmem:s0+$0x11000] =	vst v10  }
0x2db: {  	v5 =	vld.idx.msk [tilespmem:v9+s4+$0x0], $0xffff  }
0x2dc: {  	v9 =	vsub.f32 v14, v13;
	v10 =	vld.idx.msk [tilespmem:v21+s4+$0x0], $0xffff;
	_ =	sdelay $0x1  }
0x2dd: {  	v14 =	vor.u32 $0x200, v17;
	v12 =	vld.idx.msk [tilespmem:v7+s4+$0x0], $0xffff;
	v9 =	vmul.f32 v9, v27;
	v4 =	vsub.f32 v4, v20  }
0x2de: {  	s25 =	simm.s32 $0xE040;
	v15 =	vor.u32 $0x200, v19;
	v16 =	vld.idx.msk [tilespmem:v11+s4+$0x0], $0xffff  }
0x2df: {  	s26 =	simm.s32 $0xF830;
	v22 =	vor.u32 $0x180, v18;
	v21 =	vld [tilespmem:s25+$0x0];
	v9 =	vadd.f32 v9, v13;
	v13 =	vmul.f32 v4, v2  }
0x2e0: {  	v23 =	vor.u32 $0x180, v8;
	v4 =	vld [tilespmem:s26+$0x0];
	v10 =	vsub.f32 v10, v5  }
0x2e1: {  	[tilespmem:s11+$0x180] =	vst v9;
	v9 =	vadd.f32 v13, v20  }
0x2e2: {  	v13 =	vld.idx.msk [tilespmem:v14+s4+$0x0], $0xffff;
	v14 =	vor.u32 $0x100, v30;
	v10 =	vmul.f32 v10, v3  }
0x2e3: {  	v15 =	vld.idx.msk [tilespmem:v15+s4+$0x0], $0xffff;
	[tilespmem:s20+$0x100] =	vst v9;
	v9 =	vsub.f32 v12, v16;
	v12 =	vor.u32 $0x100, v6  }
0x2e4: {  	v24 =	vor.u32 $0x80, v11;
	v22 =	vld.idx.msk [tilespmem:v22+s4+$0x0], $0xffff;
	v5 =	vadd.f32 v10, v5  }
0x2e5: {  	s18 =	sadd.s32 $0x11000, s0;
	v20 =	vadd.s32 v1, v21;
	v10 =	vadd.s32 v0, v21;
	v23 =	vld.idx.msk [tilespmem:v23+s4+$0x0], $0xffff;
	v9 =	vmul.f32 v9, v4  }
0x2e6: {  	s3 =	simm.s32 $0x30;
	s12 =	simm.s32 $0x180;
	v26 =	vor.u32 $0x80, v7;
	v20 =	vshll.u32 v20, $0x3;
	v25 =	vshll.u32 v10, $0x3;
	[tilespmem:s18+$0x80] =	vst v5  }
0x2e7: {  	s1 =	sand.u32 $0x7C00, s12;
	s0 =	sand.u32 $0x70, s3;
	v10 =	vand.u32 $0x7F, v10;
	v5 =	vand.u32 $0xFFFFFC00, v25;
	v9 =	vadd.f32 v9, v16;
	v16 =	vld.idx.msk [tilespmem:v14+s4+$0x0], $0xffff  }
0x2e8: {  	s0 =	sor.u32 s0, s1;
	v20 =	vand.u32 $0xFFFFFC00, v20;
	v14 =	vand.u32 $0x7F, v21;
	v10 =	vor.u32 v10, v5;
	v12 =	vld.idx.msk [tilespmem:v12+s4+$0x0], $0xffff  }
0x2e9: {  	v5 =	vsub.f32 v15, v13;
	v14 =	vor.u32 v14, v20;
	[tilespmem:s0+$0x11000] =	vst v9  }
0x2ea: {  	v15 =	vsub.f32 v23, v22;
	v9 =	vld.idx.msk [tilespmem:v24+s4+$0x0], $0xffff  }
0x2eb: {  	s14 =	simm.s32 $0xE050;
	v21 =	vor.u32 $0x280, v17;
	v20 =	vmul.f32 v5, v27;
	v23 =	vld.idx.msk [tilespmem:v26+s4+$0x0], $0xffff  }
0x2ec: {  	v28 =	vld [tilespmem:s14+$0x0];
	v24 =	vor.u32 $0x200, v18;
	v15 =	vmul.f32 v15, v2  }
0x2ed: {  	v25 =	vor.u32 $0x200, v8;
	v13 =	vadd.f32 v20, v13;
	v20 =	vld.idx.msk [tilespmem:v10+s4+$0x0], $0xffff;
	v12 =	vsub.f32 v12, v16  }
0x2ee: {  	s13 =	simm.s32 $0xF840;
	v26 =	vld.idx.msk [tilespmem:v14+s4+$0x0], $0xffff;
	v15 =	vadd.f32 v15, v22;
	v22 =	vor.u32 $0x280, v19  }
0x2ef: {  	v5 =	vld [tilespmem:s13+$0x0];
	[tilespmem:s11+$0x200] =	vst v13;
	v13 =	vor.u32 $0x180, v30;
	v12 =	vmul.f32 v12, v3  }
0x2f0: {  	v29 =	vor.u32 $0x180, v6;
	v21 =	vld.idx.msk [tilespmem:v21+s4+$0x0], $0xffff;
	[tilespmem:s20+$0x180] =	vst v15;
	v15 =	vsub.f32 v23, v9  }
0x2f1: {  	v23 =	vld.idx.msk [tilespmem:v24+s4+$0x0], $0xffff;
	v12 =	vadd.f32 v12, v16  }
0x2f2: {  	v24 =	vor.u32 $0x100, v11;
	v16 =	vld.idx.msk [tilespmem:v25+s4+$0x0], $0xffff;
	v15 =	vmul.f32 v15, v4  }
0x2f3: {  	v22 =	vld.idx.msk [tilespmem:v22+s4+$0x0], $0xffff;
	[tilespmem:s18+$0x100] =	vst v12;
	v12 =	vsub.f32 v20, v26;
	v20 =	vor.u32 $0x100, v7  }
0x2f4: {  	v31 =	vadd.s32 v0, v28;
	v33 =	vor.u32 $0x80, v14;
	v9 =	vadd.f32 v15, v9;
	v13 =	vld.idx.msk [tilespmem:v13+s4+$0x0], $0xffff  }
0x2f5: {  	s19 =	sadd.s32 $0x11000, s0;
	v25 =	vadd.s32 v1, v28;
	v15 =	vshll.u32 v31, $0x3;
	v29 =	vld.idx.msk [tilespmem:v29+s4+$0x0], $0xffff;
	v32 =	vmul.f32 v12, v5  }
0x2f6: {  	s16 =	simm.s32 $0x200;
	s15 =	simm.s32 $0x40;
	v12 =	vand.u32 $0xFFFFFC00, v15;
	v15 =	vand.u32 $0x7F, v31;
	v31 =	vor.u32 $0x80, v10;
	[tilespmem:s19+$0x80] =	vst v9  }
0x2f7: {  	s1 =	sand.u32 $0x7C00, s16;
	s0 =	sand.u32 $0x70, s15;
	v9 =	vshll.u32 v25, $0x3;
	v12 =	vor.u32 v15, v12;
	v24 =	vld.idx.msk [tilespmem:v24+s4+$0x0], $0xffff;
	v25 =	vadd.f32 v32, v26  }
0x2f8: {  	s21 =	simm.s32 $0xF850;
	s0 =	sor.u32 s0, s1;
	v15 =	vand.u32 $0x7F, v28;
	v9 =	vand.u32 $0xFFFFFC00, v9;
	v16 =	vsub.f32 v16, v23;
	v20 =	vld.idx.msk [tilespmem:v20+s4+$0x0], $0xffff  }
0x2f9: {  	v15 =	vor.u32 v15, v9;
	v22 =	vsub.f32 v22, v21;
	v9 =	vld [tilespmem:s21+$0x0];
	[tilespmem:s0+$0x11000] =	vst v25  }
0x2fa: {  	v16 =	vmul.f32 v16, v2;
	v25 =	vor.u32 $0x280, v18;
	v28 =	vsub.f32 v29, v13;
	v26 =	vld.idx.msk [tilespmem:v33+s4+$0x0], $0xffff  }
0x2fb: {  	v22 =	vmul.f32 v22, v27;
	v29 =	vld.idx.msk [tilespmem:v31+s4+$0x0], $0xffff;
	v31 =	vor.u32 $0x300, v17  }
0x2fc: {  	v56 =	vor.u32 $0x200, v30;
	s22 =	simm.s32 $0xE060;
	v16 =	vadd.f32 v16, v23;
	v23 =	vld.idx.msk [tilespmem:v12+s4+$0x0], $0xffff;
	v28 =	vmul.f32 v28, v3  }
0x2fd: {  	v57 =	vor.u32 $0x200, v6;
	v21 =	vadd.f32 v22, v21;
	v22 =	vld [tilespmem:s22+$0x0];
	v20 =	vsub.f32 v20, v24  }
0x2fe: {  	[tilespmem:s20+$0x200] =	vst v16;
	v34 =	vld.idx.msk [tilespmem:v15+s4+$0x0], $0xffff;
	v16 =	vor.u32 $0x280, v8;
	v13 =	vadd.f32 v28, v13  }
0x2ff: {  	[tilespmem:s11+$0x280] =	vst v21;
	v21 =	vld.idx.msk [tilespmem:v25+s4+$0x0], $0xffff;
	v25 =	vor.u32 $0x180, v11;
	v20 =	vmul.f32 v20, v4  }
0x300: {  	v28 =	vor.u32 $0x180, v7;
	[tilespmem:s18+$0x180] =	vst v13;
	v31 =	vld.idx.msk [tilespmem:v31+s4+$0x0], $0xffff  }
0x301: {  	v13 =	vor.u32 $0x300, v19;
	v29 =	vsub.f32 v29, v26;
	v32 =	vld.idx.msk [tilespmem:v56+s4+$0x0], $0xffff;
	v20 =	vadd.f32 v20, v24  }
0x302: {  	v37 =	vor.u32 $0x100, v10;
	v33 =	vld.idx.msk [tilespmem:v57+s4+$0x0], $0xffff  }
0x303: {  	v36 =	vor.u32 $0x100, v14;
	v35 =	vld.idx.msk [tilespmem:v16+s4+$0x0], $0xffff;
	v16 =	vsub.f32 v23, v34;
	[tilespmem:s19+$0x100] =	vst v20;
	v20 =	vmul.f32 v29, v5  }
0x304: {  	v39 =	vor.u32 $0x80, v15;
	v24 =	vadd.s32 v0, v22;
	v23 =	vadd.s32 v1, v22;
	v25 =	vld.idx.msk [tilespmem:v25+s4+$0x0], $0xffff  }
0x305: {  	s24 =	simm.s32 $0x280;
	v29 =	vshll.u32 v24, $0x3;
	v38 =	vmul.f32 v16, v9;
	v28 =	vld.idx.msk [tilespmem:v28+s4+$0x0], $0xffff;
	v20 =	vadd.f32 v20, v26  }
0x306: {  	s23 =	simm.s32 $0x50;
	s3 =	simm.s32 $0xF860;
	s21 =	sadd.s32 $0x11000, s0;
	v24 =	vand.u32 $0x7F, v24;
	v16 =	vand.u32 $0xFFFFFC00, v29;
	v29 =	vor.u32 $0x80, v12;
	v26 =	vld.idx.msk [tilespmem:v13+s4+$0x0], $0xffff  }
0x307: {  	s25 =	sand.u32 $0x70, s23;
	s26 =	sand.u32 $0x7C00, s24;
	v23 =	vshll.u32 v23, $0x3;
	v16 =	vor.u32 v24, v16;
	v13 =	vld [tilespmem:s3+$0x0];
	v24 =	vadd.f32 v38, v34;
	[tilespmem:s21+$0x80] =	vst v20  }
0x308: {  	s0 =	sor.u32 s25, s26;
	v20 =	vand.u32 $0x7F, v22;
	v22 =	vand.u32 $0xFFFFFC00, v23;
	v23 =	vsub.f32 v33, v32;
	v58 =	vld.idx.msk [tilespmem:v36+s4+$0x0], $0xffff  }
0x309: {  	v61 =	vor.u32 $0x380, v17;
	[tilespmem:s0+$0x11000] =	vst v24;
	v20 =	vor.u32 v20, v22;
	v22 =	vsub.f32 v35, v21;
	v24 =	vld.idx.msk [tilespmem:v37+s4+$0x0], $0xffff  }
0x30a: {  	v59 =	vor.u32 $0x280, v30;
	v60 =	vld.idx.msk [tilespmem:v39+s4+$0x0], $0xffff;
	v23 =	vmul.f32 v23, v3;
	v28 =	vsub.f32 v28, v25  }
0x30b: {  	v62 =	vor.u32 $0x300, v18;
	v47 =	vor.u32 $0x200, v11;
	v17 =	vmul.f32 v22, v2;
	v22 =	vld.idx.msk [tilespmem:v29+s4+$0x0], $0xffff  }
0x30c: {  	s2 =	simm.s32 $0xE070;
	v63 =	vld.idx.msk [tilespmem:v16+s4+$0x0], $0xffff;
	v26 =	vsub.f32 v26, v31;
	v23 =	vadd.f32 v23, v32;
	v28 =	vmul.f32 v28, v4  }
0x30d: {  	v48 =	vor.u32 $0x200, v7;
	v17 =	vadd.f32 v17, v21;
	v21 =	vld [tilespmem:s2+$0x0]  }
0x30e: {  	v26 =	vmul.f32 v26, v27;
	[tilespmem:s18+$0x200] =	vst v23;
	v40 =	vld.idx.msk [tilespmem:v20+s4+$0x0], $0xffff;
	v25 =	vadd.f32 v28, v25  }
0x30f: {  	v28 =	vor.u32 $0x280, v6;
	v24 =	vsub.f32 v24, v58;
	[tilespmem:s20+$0x280] =	vst v17;
	v34 =	vld.idx.msk [tilespmem:v59+s4+$0x0], $0xffff  }
0x310: {  	v26 =	vadd.f32 v26, v31;
	[tilespmem:s19+$0x180] =	vst v25;
	v41 =	vld.idx.msk [tilespmem:v62+s4+$0x0], $0xffff;
	v25 =	vor.u32 $0x300, v8  }
0x311: {  	v50 =	vor.u32 $0x180, v10;
	v31 =	vor.u32 $0x180, v14;
	v24 =	vmul.f32 v24, v5;
	v49 =	vld.idx.msk [tilespmem:v47+s4+$0x0], $0xffff  }
0x312: {  	v54 =	vor.u32 $0x100, v12;
	v53 =	vor.u32 $0x100, v15;
	v56 =	vor.u32 $0x80, v16;
	v39 =	vld.idx.msk [tilespmem:v48+s4+$0x0], $0xffff;
	[tilespmem:s11+$0x300] =	vst v26  }
0x313: {  	v22 =	vsub.f32 v22, v60;
	v26 =	vor.u32 $0x380, v19;
	v24 =	vadd.f32 v24, v58;
	v19 =	vld.idx.msk [tilespmem:v61+s4+$0x0], $0xffff  }
0x314: {  	s28 =	simm.s32 $0xF870;
	v35 =	vor.u32 $0x280, v11;
	v37 =	vor.u32 $0x200, v14;
	v42 =	vadd.s32 v1, v21;
	v28 =	vld.idx.msk [tilespmem:v28+s4+$0x0], $0xffff  }
0x315: {  	s16 =	simm.s32 $0x60;
	s24 =	simm.s32 $0x4;
	s13 =	simm.s32 $0x2;
	v55 =	vor.u32 $0x80, v20;
	v22 =	vmul.f32 v22, v9;
	[tilespmem:s21+$0x100] =	vst v24;
	v24 =	vsub.f32 v63, v40;
	v44 =	vld.idx.msk [tilespmem:v25+s4+$0x0], $0xffff  }
0x316: {  	s15 =	simm.s32 $0x3;
	s14 =	sand.u32 $0x7, s13;
	s26 =	simm.s32 $0x300;
	v43 =	vadd.s32 v0, v21;
	v51 =	vand.u32 $0x7F, v21;
	v21 =	vshll.u32 v42, $0x3;
	v45 =	vld.idx.msk [tilespmem:v31+s4+$0x0], $0xffff  }
0x317: {  	s25 =	sand.u32 $0x7C00, s26;
	s3 =	sand.u32 $0x7, s8;
	s8 =	simm.s32 $0x1;
	v52 =	vshll.u32 v43, $0x3;
	v38 =	vld.idx.msk [tilespmem:v50+s4+$0x0], $0xffff;
	v31 =	vadd.f32 v22, v60;
	v24 =	vmul.f32 v24, v13  }
0x318: {  	s1 =	sshll.u32 s3, $0x4;
	s3 =	sand.u32 $0x70, s16;
	s11 =	sadd.s32 $0x11000, s0;
	v25 =	vand.u32 $0xFFFFFC00, v21;
	v21 =	vand.u32 $0xFFFFFC00, v52;
	v22 =	vand.u32 $0x7F, v43;
	v46 =	vld.idx.msk [tilespmem:v26+s4+$0x0], $0xffff  }
0x319: {  	s22 =	sadd.s32 $0x0, s1;
	s1 =	sshll.u32 s14, $0x4;
	v36 =	vor.u32 $0x200, v10;
	s2 =	sand.u32 $0x7, s8;
	v21 =	vor.u32 v22, v21;
	v22 =	vld [tilespmem:s28+$0x0];
	[tilespmem:s11+$0x80] =	vst v31;
	v58 =	vadd.f32 v24, v40  }
0x31a: {  	s3 =	sor.u32 s3, s25;
	v29 =	vor.u32 $0x380, v18;
	s12 =	sshll.u32 s2, $0x4;
	s2 =	sand.u32 $0x7, s15;
	v57 =	vsub.f32 v39, v49;
	v26 =	vsub.f32 v28, v34;
	v31 =	vld.idx.msk [tilespmem:v53+s4+$0x0], $0xffff  }
0x31b: {  	s25 =	sadd.s32 $0x100, s1;
	v18 =	vor.u32 $0x380, v11;
	v23 =	vor.u32 $0x380, v30;
	s2 =	sshll.u32 s2, $0x4;
	s0 =	sand.u32 $0x7, s24;
	v28 =	vor.u32 v51, v25;
	v39 =	vld.idx.msk [tilespmem:v54+s4+$0x0], $0xffff;
	[tilespmem:s3+$0x11000] =	vst v58  }
0x31c: {  	v17 =	vor.u32 $0x380, v14;
	s24 =	sadd.s32 $0x180, s2;
	s2 =	simm.s32 $0x5;
	s0 =	sshll.u32 s0, $0x4;
	v59 =	vmul.f32 v57, v4;
	v60 =	vmul.f32 v26, v3;
	v33 =	vld.idx.msk [tilespmem:v55+s4+$0x0], $0xffff  }
0x31d: {  	s23 =	sadd.s32 $0x80, s12;
	s16 =	sadd.s32 $0x200, s0;
	s0 =	sand.u32 $0x7, s2;
	v24 =	vor.u32 $0x380, v15;
	v44 =	vsub.f32 v44, v41;
	v61 =	vsub.f32 v38, v45;
	v43 =	vld.idx.msk [tilespmem:v56+s4+$0x0], $0xffff  }
0x31e: {  	s12 =	simm.s32 $0x6;
	s13 =	sshll.u32 s0, $0x4;
	s0 =	simm.s32 $0xE080;
	v47 =	vadd.f32 v59, v49;
	v42 =	vld.idx.msk [tilespmem:v21+s4+$0x0], $0xffff;
	v62 =	vadd.f32 v60, v34;
	v34 =	vor.u32 $0x300, v30  }
0x31f: {  	s1 =	simm.s32 $0x80;
	s8 =	simm.s32 $0x70;
	s14 =	sand.u32 $0x7, s12;
	v46 =	vsub.f32 v46, v19;
	v63 =	vmul.f32 v44, v2;
	v30 =	vmul.f32 v61, v5;
	v44 =	vld [tilespmem:s0+$0x0]  }
0x320: {  	s31 =	sand.u32 $0x70, s1;
	s29 =	sand.u32 $0x70, s8;
	s15 =	sshll.u32 s14, $0x4;
	v25 =	vor.u32 $0x380, v20;
	v26 =	vor.u32 $0x380, v28;
	v38 =	vor.u32 $0x280, v7;
	[tilespmem:s19+$0x200] =	vst v47;
	v40 =	vld.idx.msk [tilespmem:v28+s4+$0x0], $0xffff  }
0x321: {  	s14 =	sadd.s32 $0x300, s15;
	s15 =	simm.s32 $0x7;
	s8 =	sadd.s32 $0x280, s13;
	v27 =	vmul.f32 v46, v27;
	[tilespmem:s18+$0x280] =	vst v62;
	v32 =	vadd.f32 v63, v41;
	v41 =	vadd.f32 v30, v45  }
.LBB2_8:
0x322: {  	s1 =	sadd.s32 $0x10, s1;
	s12 =	sand.u32 $0x7, s15;
	s26 =	sadd.s32 $0x80, s26;
	v39 =	vsub.f32 v39, v31;
	v45 =	vld.idx.msk [tilespmem:v35+s4+$0x0], $0xffff;
	v30 =	vmovc v3;
	v3 =	vmovc v4;
	v4 =	vmov v5;
	v5 =	vmov v9  }
0x323: {  	v35 =	vor.u32 $0x180, v12;
	v9 =	vmovc v13;
	s2 =	sand.u32 $0x70, s1;
	p0 =	slt.u32 s1, $0xBF0;
	s12 =	sshll.u32 s12, $0x4;
	[tilespmem:s21+$0x180] =	vst v41;
	v41 =	vld.idx.msk [tilespmem:v34+s4+$0x0], $0xffff;
	v34 =	vor.u32 $0x300, v6;
	v19 =	vadd.f32 v27, v19  }
0x324: {  	s13 =	sor.u32 $0x380, s22;
	v13 =	vmovc v22;
	s22 =	smov.u32 s23;
	v27 =	vsub.f32 v43, v33;
	v43 =	vor.u32 $0x180, v15;
	s12 =	sadd.s32 s12, s26;
	v39 =	vmul.f32 v39, v5;
	v37 =	vld.idx.msk [tilespmem:v37+s4+$0x0], $0xffff  }
0x325: {  	s23 =	smov.u32 s25;
	s25 =	smov.u32 s24;
	s24 =	smov.u32 s16;
	v22 =	vadd.s32 v1, v44;
	v46 =	vadd.s32 v0, v44;
	v44 =	vand.u32 $0x7F, v44;
	v36 =	vld.idx.msk [tilespmem:v36+s4+$0x0], $0xffff;
	[tilespmem:s13+$0x11000] =	vst v19  }
0x326: {  	s16 =	smov.u32 s8;
	s8 =	smov.u32 s14;
	s14 =	smov.u32 s12;
	v19 =	vshll.u32 v22, $0x3;
	v22 =	vshll.u32 v46, $0x3;
	v31 =	vadd.f32 v39, v31;
	v38 =	vld.idx.msk [tilespmem:v38+s4+$0x0], $0xffff;
	[tilespmem:s20+$0x300] =	vst v32  }
0x327: {  	v39 =	vor.u32 $0x380, v8;
	v8 =	vmovc v6;
	v6 =	vmovc v7;
	s20 =	smov.u32 s18;
	s18 =	smov.u32 s19;
	s19 =	smov.u32 s21;
	v32 =	vand.u32 $0xFFFFFC00, v19;
	v22 =	vand.u32 $0xFFFFFC00, v22;
	v19 =	vld.idx.msk [tilespmem:v29+s4+$0x0], $0xffff  }
0x328: {  	v7 =	vmovc v10;
	s21 =	smov.u32 s11;
	v29 =	vand.u32 $0x7F, v46;
	v47 =	vor.u32 v44, v32;
	v32 =	vor.u32 $0x100, v20;
	[tilespmem:s11+$0x100] =	vst v31;
	v34 =	vld.idx.msk [tilespmem:v34+s4+$0x0], $0xffff  }
0x329: {  	v27 =	vmul.f32 v27, v9;
	v49 =	vsub.f32 v42, v40;
	v22 =	vor.u32 v29, v22;
	v46 =	vld.idx.msk [tilespmem:v43+s4+$0x0], $0xffff  }
0x32a: {  	v10 =	vmovc v12;
	v12 =	vmovc v16;
	v42 =	vor.u32 $0x380, v47;
	v43 =	vor.u32 $0x100, v16;
	v16 =	vmov v21;
	v44 =	vld.idx.msk [tilespmem:v35+s4+$0x0], $0xffff  }
0x32b: {  	v48 =	vor.u32 $0x80, v28;
	v27 =	vadd.f32 v27, v33;
	v31 =	vmul.f32 v49, v13;
	v21 =	vmovc v22;
	v29 =	vmovc v23  }
0x32c: {  	s28 =	sadd.s32 $0x10, s28;
	s11 =	sadd.s32 $0x11000, s3;
	v49 =	vor.u32 $0x80, v16;
	v33 =	vsub.f32 v36, v37;
	v23 =	vmovc v18;
	v35 =	vsub.f32 v38, v45;
	v36 =	vld.idx.msk [tilespmem:v39+s4+$0x0], $0xffff  }
0x32d: {  	s3 =	sand.u32 $0x7C00, s26;
	v18 =	vmovc v17;
	v17 =	vmovc v24;
	v24 =	vmov v25;
	v25 =	vmov v26;
	v38 =	vadd.f32 v31, v40;
	v22 =	vld [tilespmem:s28+$0x0];
	[tilespmem:s11+$0x80] =	vst v27  }
0x32e: {  	s3 =	sor.u32 s29, s3;
	s29 =	smov.u32 s31;
	s31 =	smov.u32 s2;
	v27 =	vmul.f32 v33, v4;
	v34 =	vsub.f32 v34, v41;
	v31 =	vld.idx.msk [tilespmem:v32+s4+$0x0], $0xffff;
	v32 =	vmul.f32 v35, v3  }
0x32f: {  	v26 =	vmov v42;
	v35 =	vor.u32 $0x280, v14;
	[tilespmem:s3+$0x11000] =	vst v38;
	v39 =	vld.idx.msk [tilespmem:v43+s4+$0x0], $0xffff  }
.Ltmp5:
0x330: {  	v38 =	vsub.f32 v44, v46;
	v40 =	vmul.f32 v34, v30;
	v33 =	vld.idx.msk [tilespmem:v48+s4+$0x0], $0xffff;
	v32 =	vadd.f32 v32, v45;
	(pc) =	sbr.rel @p0 .LBB2_8-.Ltmp5, $4  }
0x331: {  	v27 =	vadd.f32 v27, v37;
	v34 =	vor.u32 $0x300, v11;
	v11 =	vmovc v14;
	v14 =	vmovc v15;
	v15 =	vmov v20;
	v43 =	vld.idx.msk [tilespmem:v49+s4+$0x0], $0xffff  }
0x332: {  	s0 =	sadd.s32 $0x10, s0;
	v37 =	vor.u32 $0x200, v14;
	v38 =	vmul.f32 v38, v5;
	v45 =	vsub.f32 v36, v19;
	v42 =	vld.idx.msk [tilespmem:v21+s4+$0x0], $0xffff;
	[tilespmem:s18+$0x280] =	vst v32  }
0x333: {  	v20 =	vmovc v28;
	v28 =	vmov v47;
	v36 =	vor.u32 $0x200, v10;
	v32 =	vadd.f32 v40, v41;
	v44 =	vld [tilespmem:s0+$0x0];
	[tilespmem:s19+$0x200] =	vst v27  }
0x334: {  	s15 =	sadd.s32 $0x1, s15;
	v41 =	vadd.f32 v38, v46;
	v38 =	vor.u32 $0x280, v7;
	v27 =	vmul.f32 v45, v2;
	v2 =	vmovc v30;
	v40 =	vld.idx.msk [tilespmem:v47+s4+$0x0], $0xffff  }
0x335: {  	_ =	sdelay $0x2  }
0x336: {  	v0 =	vadd.s32 v0, v44  }
0x337: {  	v1 =	vadd.s32 v1, v44;
	v30 =	vshll.u32 v0, $0x3  }
0x338: {  	v1 =	vshll.u32 v1, $0x3;
	v0 =	vand.u32 $0x7F, v0;
	v30 =	vand.u32 $0xFFFFFC00, v30  }
0x339: {  	v56 =	vand.u32 $0x7F, v44;
	v45 =	vand.u32 $0xFFFFFC00, v1;
	v1 =	vor.u32 v0, v30  }
0x33a: {  	v30 =	vor.u32 v56, v45;
	_ =	sdelay $0x3  }
0x33b: {  	v57 =	vld.idx.msk [tilespmem:v1+s4+$0x0], $0xffff  }
0x33c: {  	v45 =	vld.idx.msk [tilespmem:v30+s4+$0x0], $0xffff  }
0x33d: {  	s0 =	sadd.s32 $0x10, s28  }
0x33e: {  	v0 =	vld [tilespmem:s0+$0x0]  }
0x33f: {  	v42 =	vsub.f32 v42, v40;
	_ =	sdelay $0x1  }
0x340: {  	v46 =	vor.u32 $0x80, v28;
	v42 =	vmul.f32 v42, v22;
	v44 =	vsub.f32 v57, v45  }
0x341: {  	s26 =	sadd.s32 $0x80, s26;
	v47 =	vor.u32 $0x80, v21  }
0x342: {  	s1 =	sand.u32 $0x7C00, s26;
	v60 =	vor.u32 $0x80, v30;
	v58 =	vadd.f32 v42, v40;
	v59 =	vmul.f32 v44, v0  }
0x343: {  	s28 =	sadd.s32 $0x80, s26;
	s0 =	sor.u32 s29, s1;
	v48 =	vor.u32 $0x80, v1  }
0x344: {  	s1 =	sand.u32 $0x7C00, s28;
	[tilespmem:s0+$0x11000] =	vst v58;
	v61 =	vadd.f32 v59, v45  }
0x345: {  	s1 =	sor.u32 s31, s1;
	v62 =	vld.idx.msk [tilespmem:v46+s4+$0x0], $0xffff  }
0x346: {  	v63 =	vld.idx.msk [tilespmem:v47+s4+$0x0], $0xffff;
	[tilespmem:s1+$0x11000] =	vst v61  }
0x347: {  	v40 =	vld.idx.msk [tilespmem:v60+s4+$0x0], $0xffff  }
0x348: {  	v43 =	vsub.f32 v43, v33;
	v48 =	vld.idx.msk [tilespmem:v48+s4+$0x0], $0xffff;
	_ =	sdelay $0x1  }
0x349: {  	v49 =	vor.u32 $0x100, v20;
	v43 =	vmul.f32 v43, v13  }
0x34a: {  	v50 =	vor.u32 $0x100, v16;
	v45 =	vsub.f32 v63, v62  }
0x34b: {  	v51 =	vadd.f32 v43, v33  }
0x34c: {  	s2 =	sadd.s32 $0x11000, s3;
	v52 =	vor.u32 $0x100, v28;
	v45 =	vmul.f32 v45, v22;
	v44 =	vsub.f32 v48, v40  }
0x34d: {  	v53 =	vor.u32 $0x100, v21;
	[tilespmem:s2+$0x80] =	vst v51  }
0x34e: {  	v54 =	vor.u32 $0x100, v30;
	v46 =	vld.idx.msk [tilespmem:v49+s4+$0x0], $0xffff;
	v42 =	vadd.f32 v45, v62;
	v44 =	vmul.f32 v44, v0  }
0x34f: {  	s3 =	sadd.s32 $0x11000, s0;
	v55 =	vor.u32 $0x100, v1;
	v47 =	vld.idx.msk [tilespmem:v50+s4+$0x0], $0xffff  }
0x350: {  	[tilespmem:s3+$0x80] =	vst v42;
	v40 =	vadd.f32 v44, v40  }
0x351: {  	s12 =	sadd.s32 $0x11000, s1;
	v42 =	vld.idx.msk [tilespmem:v52+s4+$0x0], $0xffff  }
0x352: {  	v39 =	vsub.f32 v39, v31;
	v33 =	vld.idx.msk [tilespmem:v53+s4+$0x0], $0xffff;
	[tilespmem:s12+$0x80] =	vst v40  }
0x353: {  	v40 =	vld.idx.msk [tilespmem:v54+s4+$0x0], $0xffff  }
0x354: {  	v39 =	vmul.f32 v39, v9;
	v56 =	vor.u32 $0x180, v15;
	v57 =	vsub.f32 v47, v46;
	v58 =	vld.idx.msk [tilespmem:v55+s4+$0x0], $0xffff  }
0x355: {  	v59 =	vor.u32 $0x180, v12  }
0x356: {  	v63 =	vor.u32 $0x180, v16;
	v61 =	vmul.f32 v57, v13;
	v60 =	vadd.f32 v39, v31  }
0x357: {  	v62 =	vor.u32 $0x180, v20;
	v33 =	vsub.f32 v33, v42  }
0x358: {  	v51 =	vadd.f32 v61, v46;
	[tilespmem:s11+$0x100] =	vst v60  }
0x359: {  	v39 =	vld.idx.msk [tilespmem:v56+s4+$0x0], $0xffff;
	v52 =	vor.u32 $0x180, v28;
	v33 =	vmul.f32 v33, v22;
	v45 =	vsub.f32 v58, v40  }
0x35a: {  	[tilespmem:s2+$0x100] =	vst v51;
	v53 =	vld.idx.msk [tilespmem:v59+s4+$0x0], $0xffff;
	v54 =	vor.u32 $0x180, v21  }
0x35b: {  	v56 =	vor.u32 $0x180, v30;
	v57 =	vld.idx.msk [tilespmem:v63+s4+$0x0], $0xffff;
	v33 =	vadd.f32 v33, v42;
	v55 =	vmul.f32 v45, v0  }
0x35c: {  	v44 =	vld.idx.msk [tilespmem:v62+s4+$0x0], $0xffff;
	v58 =	vor.u32 $0x180, v1  }
0x35d: {  	[tilespmem:s3+$0x100] =	vst v33;
	v33 =	vld.idx.msk [tilespmem:v35+s4+$0x0], $0xffff;
	v59 =	vadd.f32 v55, v40  }
0x35e: {  	v60 =	vld.idx.msk [tilespmem:v52+s4+$0x0], $0xffff  }
0x35f: {  	v61 =	vsub.f32 v53, v39;
	v31 =	vld.idx.msk [tilespmem:v54+s4+$0x0], $0xffff;
	[tilespmem:s12+$0x100] =	vst v59  }
0x360: {  	v35 =	vld.idx.msk [tilespmem:v56+s4+$0x0], $0xffff  }
0x361: {  	v62 =	vor.u32 $0x200, v15;
	v42 =	vmul.f32 v61, v9;
	v63 =	vsub.f32 v57, v44;
	v49 =	vld.idx.msk [tilespmem:v58+s4+$0x0], $0xffff  }
0x362: {  	[tilespmem:s21+$0x180] =	vst v41;
	v50 =	vor.u32 $0x200, v12  }
0x363: {  	v37 =	vld.idx.msk [tilespmem:v37+s4+$0x0], $0xffff;
	v39 =	vadd.f32 v42, v39;
	v51 =	vmul.f32 v63, v13;
	v52 =	vor.u32 $0x200, v20  }
0x364: {  	v36 =	vld.idx.msk [tilespmem:v36+s4+$0x0], $0xffff;
	v53 =	vor.u32 $0x200, v16;
	v31 =	vsub.f32 v31, v60  }
0x365: {  	v34 =	vld.idx.msk [tilespmem:v34+s4+$0x0], $0xffff;
	[tilespmem:s11+$0x180] =	vst v39;
	v54 =	vadd.f32 v51, v44  }
0x366: {  	v42 =	vld.idx.msk [tilespmem:v62+s4+$0x0], $0xffff;
	v55 =	vor.u32 $0x200, v28;
	v31 =	vmul.f32 v31, v22;
	v56 =	vsub.f32 v49, v35  }
0x367: {  	v57 =	vor.u32 $0x200, v21;
	v41 =	vld.idx.msk [tilespmem:v50+s4+$0x0], $0xffff;
	[tilespmem:s2+$0x180] =	vst v54  }
0x368: {  	v45 =	vld.idx.msk [tilespmem:v52+s4+$0x0], $0xffff;
	v59 =	vor.u32 $0x200, v30;
	v31 =	vadd.f32 v31, v60;
	v58 =	vmul.f32 v56, v0  }
0x369: {  	v62 =	vor.u32 $0x200, v1;
	v61 =	vld.idx.msk [tilespmem:v53+s4+$0x0], $0xffff;
	v60 =	vsub.f32 v36, v37  }
0x36a: {  	v38 =	vld.idx.msk [tilespmem:v38+s4+$0x0], $0xffff;
	[tilespmem:s3+$0x180] =	vst v31;
	v48 =	vadd.f32 v58, v35  }
0x36b: {  	[tilespmem:s20+$0x300] =	vst v32;
	v50 =	vor.u32 $0x280, v14;
	v32 =	vmul.f32 v60, v5;
	v49 =	vld.idx.msk [tilespmem:v55+s4+$0x0], $0xffff  }
0x36c: {  	v52 =	vor.u32 $0x280, v10;
	v41 =	vsub.f32 v41, v42;
	v39 =	vld.idx.msk [tilespmem:v57+s4+$0x0], $0xffff;
	[tilespmem:s12+$0x180] =	vst v48  }
0x36d: {  	v63 =	vor.u32 $0x300, v6;
	v51 =	vadd.f32 v32, v37;
	v37 =	vld.idx.msk [tilespmem:v59+s4+$0x0], $0xffff  }
0x36e: {  	v53 =	vor.u32 $0x280, v15;
	v41 =	vmul.f32 v41, v9;
	v36 =	vsub.f32 v61, v45;
	v54 =	vld.idx.msk [tilespmem:v62+s4+$0x0], $0xffff  }
0x36f: {  	v29 =	vld.idx.msk [tilespmem:v29+s4+$0x0], $0xffff;
	v56 =	vor.u32 $0x280, v12;
	[tilespmem:s21+$0x200] =	vst v51  }
0x370: {  	v36 =	vmul.f32 v36, v13;
	v57 =	vadd.f32 v41, v42;
	v58 =	vor.u32 $0x280, v20;
	v40 =	vld.idx.msk [tilespmem:v50+s4+$0x0], $0xffff  }
0x371: {  	v38 =	vsub.f32 v38, v33;
	v32 =	vld.idx.msk [tilespmem:v52+s4+$0x0], $0xffff;
	v39 =	vsub.f32 v39, v49;
	v59 =	vor.u32 $0x280, v16  }
0x372: {  	v8 =	vor.u32 $0x380, v8;
	v61 =	vor.u32 $0x280, v28;
	v55 =	vld.idx.msk [tilespmem:v63+s4+$0x0], $0xffff;
	v36 =	vadd.f32 v36, v45;
	[tilespmem:s11+$0x200] =	vst v57  }
0x373: {  	v60 =	vmul.f32 v38, v4;
	v38 =	vld.idx.msk [tilespmem:v53+s4+$0x0], $0xffff;
	v39 =	vmul.f32 v39, v22;
	v44 =	vsub.f32 v54, v37  }
0x374: {  	v63 =	vor.u32 $0x280, v21;
	[tilespmem:s2+$0x200] =	vst v36;
	v62 =	vld.idx.msk [tilespmem:v56+s4+$0x0], $0xffff  }
0x375: {  	v41 =	vld.idx.msk [tilespmem:v58+s4+$0x0], $0xffff;
	v35 =	vadd.f32 v39, v49;
	v49 =	vor.u32 $0x280, v30;
	v48 =	vmul.f32 v44, v0  }
0x376: {  	v52 =	vor.u32 $0x280, v1;
	v32 =	vsub.f32 v32, v40;
	v51 =	vld.idx.msk [tilespmem:v59+s4+$0x0], $0xffff  }
0x377: {  	v11 =	vor.u32 $0x300, v11;
	v8 =	vld.idx.msk [tilespmem:v8+s4+$0x0], $0xffff;
	[tilespmem:s3+$0x200] =	vst v35;
	v53 =	vadd.f32 v48, v37  }
0x378: {  	v56 =	vor.u32 $0x300, v14;
	v32 =	vmul.f32 v32, v5;
	v43 =	vld.idx.msk [tilespmem:v61+s4+$0x0], $0xffff  }
0x379: {  	v31 =	vadd.f32 v60, v33;
	v57 =	vor.u32 $0x300, v10;
	v36 =	vld.idx.msk [tilespmem:v63+s4+$0x0], $0xffff;
	v33 =	vsub.f32 v62, v38;
	[tilespmem:s12+$0x200] =	vst v53  }
0x37a: {  	v54 =	vor.u32 $0x300, v7;
	v32 =	vadd.f32 v32, v40;
	v58 =	vld.idx.msk [tilespmem:v49+s4+$0x0], $0xffff  }
0x37b: {  	[tilespmem:s19+$0x280] =	vst v31;
	v62 =	vor.u32 $0x300, v15;
	v33 =	vmul.f32 v33, v9;
	v31 =	vsub.f32 v51, v41;
	v60 =	vld.idx.msk [tilespmem:v52+s4+$0x0], $0xffff  }
0x37c: {  	v42 =	vor.u32 $0x300, v20;
	v11 =	vld.idx.msk [tilespmem:v11+s4+$0x0], $0xffff;
	v63 =	vor.u32 $0x300, v12;
	[tilespmem:s21+$0x280] =	vst v32  }
0x37d: {  	v50 =	vsub.f32 v55, v34;
	v14 =	vld.idx.msk [tilespmem:v56+s4+$0x0], $0xffff;
	v33 =	vadd.f32 v33, v38;
	v31 =	vmul.f32 v31, v13  }
0x37e: {  	v44 =	vor.u32 $0x300, v16;
	v35 =	vld.idx.msk [tilespmem:v57+s4+$0x0], $0xffff;
	v36 =	vsub.f32 v36, v43  }
0x37f: {  	v55 =	vmul.f32 v50, v3;
	v59 =	vor.u32 $0x380, v6;
	v61 =	vld.idx.msk [tilespmem:v54+s4+$0x0], $0xffff;
	[tilespmem:s11+$0x280] =	vst v33;
	v31 =	vadd.f32 v31, v41  }
0x380: {  	v46 =	vor.u32 $0x300, v28;
	v45 =	vmul.f32 v36, v22;
	v15 =	vld.idx.msk [tilespmem:v62+s4+$0x0], $0xffff;
	v47 =	vsub.f32 v60, v58  }
0x381: {  	v34 =	vadd.f32 v55, v34;
	v48 =	vor.u32 $0x300, v21;
	v32 =	vld.idx.msk [tilespmem:v63+s4+$0x0], $0xffff;
	[tilespmem:s2+$0x280] =	vst v31  }
0x382: {  	v51 =	vor.u32 $0x300, v30;
	v49 =	vadd.f32 v45, v43;
	v20 =	vld.idx.msk [tilespmem:v42+s4+$0x0], $0xffff;
	v50 =	vmul.f32 v47, v0  }
0x383: {  	[tilespmem:s18+$0x300] =	vst v34;
	v52 =	vor.u32 $0x300, v1;
	v35 =	vsub.f32 v35, v14;
	v37 =	vld.idx.msk [tilespmem:v44+s4+$0x0], $0xffff  }
0x384: {  	v6 =	vld.idx.msk [tilespmem:v59+s4+$0x0], $0xffff;
	[tilespmem:s3+$0x280] =	vst v49;
	v53 =	vadd.f32 v50, v58  }
0x385: {  	v34 =	vsub.f32 v61, v11;
	v55 =	vmul.f32 v35, v5;
	v28 =	vld.idx.msk [tilespmem:v46+s4+$0x0], $0xffff  }
0x386: {  	v57 =	vor.u32 $0x380, v10;
	v56 =	vld.idx.msk [tilespmem:v48+s4+$0x0], $0xffff;
	[tilespmem:s12+$0x280] =	vst v53  }
0x387: {  	p0 =	slt.s32 s17, $0x24;
	s0 =	smov.u32 s17;
	v34 =	vmul.f32 v34, v4;
	v60 =	vadd.f32 v55, v14;
	v58 =	vsub.f32 v32, v15;
	v59 =	vld.idx.msk [tilespmem:v51+s4+$0x0], $0xffff  }
0x388: {  	s0 =	simm.s32 @!p0 $0x24;
	v54 =	vor.u32 $0x380, v7;
	v62 =	vsub.f32 v37, v20;
	v61 =	vld.idx.msk [tilespmem:v52+s4+$0x0], $0xffff  }
0x389: {  	s0 =	sadd.s32 $0x2, s0;
	v23 =	vld.idx.msk [tilespmem:v23+s4+$0x0], $0xffff;
	v11 =	vadd.f32 v34, v11;
	[tilespmem:s21+$0x300] =	vst v60;
	v31 =	vmul.f32 v58, v9  }
0x38a: {  	s13 =	smul.u32 $0x1F32C00, s0;
	v63 =	vor.u32 $0x380, v12;
	v35 =	vld.idx.msk [tilespmem:v17+s4+$0x0], $0xffff;
	v36 =	vmul.f32 v62, v13  }
0x38b: {  	[tilespmem:s19+$0x300] =	vst v11;
	v10 =	vld.idx.msk [tilespmem:v57+s4+$0x0], $0xffff;
	v37 =	vsub.f32 v56, v28;
	v15 =	vadd.f32 v31, v15  }
0x38c: {  	s18 =	sshra.s32 s13, $0x1F;
	v38 =	vor.u32 $0x380, v16;
	v18 =	vld.idx.msk [tilespmem:v18+s4+$0x0], $0xffff;
	v39 =	vadd.f32 v36, v20  }
0x38d: {  	v7 =	vld.idx.msk [tilespmem:v54+s4+$0x0], $0xffff;
	v40 =	vmul.f32 v37, v22;
	[tilespmem:s11+$0x300] =	vst v15;
	s11 =	smul.u32 $0x22D47E01, s18;
	v14 =	vsub.f32 v61, v59  }
0x38e: {  	v42 =	vor.u32 $0x380, v21;
	v41 =	vld.idx.msk [tilespmem:v24+s4+$0x0], $0xffff;
	[tilespmem:s2+$0x300] =	vst v39;
	s2 =	smulhi.u32 $0x22D47E01, s13  }
0x38f: {  	v43 =	vor.u32 $0x380, v30;
	v44 =	vadd.f32 v40, v28;
	v11 =	vld.idx.msk [tilespmem:v63+s4+$0x0], $0xffff;
	v14 =	vmul.f32 v14, v0  }
0x390: {  	v1 =	vor.u32 $0x380, v1;
	v45 =	vld.idx.msk [tilespmem:v25+s4+$0x0], $0xffff;
	s2 =	sadd.s32 s11, s2  }
0x391: {  	[tilespmem:s3+$0x300] =	vst v44;
	v46 =	vld.idx.msk [tilespmem:v38+s4+$0x0], $0xffff;
	s19 =	sshrl.u32 s2, $0x1F;
	s2 =	sshra.s32 s2, $0xE;
	v14 =	vadd.f32 v14, v59  }
0x392: {  	s20 =	sor.u32 $0x380, s22;
	s22 =	sand.u32 $0x7, s15;
	v47 =	vld.idx.msk [tilespmem:v26+s4+$0x0], $0xffff;
	s2 =	sadd.s32 s19, s2  }
0x393: {  	s25 =	sor.u32 $0x380, s25;
	s29 =	sor.u32 $0x380, s24;
	v8 =	vsub.f32 v8, v29;
	v21 =	vld.idx.msk [tilespmem:v42+s4+$0x0], $0xffff;
	s3 =	smul.u32 $0xFFFE299A, s2;
	[tilespmem:s12+$0x300] =	vst v14  }
0x394: {  	s31 =	sor.u32 $0x380, s16;
	p1 =	slt.s32 s13, $0x1;
	v6 =	vsub.f32 v6, v23;
	s12 =	ssub.s32 $0x0, s13;
	v14 =	vld.idx.msk [tilespmem:v43+s4+$0x0], $0xffff  }
0x395: {  	v2 =	vmul.f32 v8, v2;
	s21 =	sor.u32 $0x380, s23;
	v50 =	vsub.f32 v10, v35;
	v1 =	vld.idx.msk [tilespmem:v1+s4+$0x0], $0xffff;
	p4 =	sne.s32 s3, s12;
	s3 =	sshll.u32 s22, $0x4  }
0x396: {  	v48 =	vadd.f32 v27, v19;
	v49 =	vmul.f32 v6, v3;
	s23 =	sadd.s32 $0x1, s15;
	v7 =	vsub.f32 v7, v18;
	s3 =	sadd.s32 s3, s26;
	p0 =	por !p1, !p4  }
0x397: {  	v2 =	vadd.f32 v2, v29;
	v53 =	vmul.f32 v50, v5;
	v52 =	vsub.f32 v11, v41;
	s16 =	sor.u32 $0x380, s3;
	p0 =	por !p0, !p0;
	s3 =	simm.s32 $0x1  }
0x398: {  	s0 =	smul.u32 $0xC00, s0;
	[tilespmem:s20+$0x11000] =	vst v48;
	v3 =	vadd.f32 v49, v23;
	v51 =	vmul.f32 v7, v4;
	s11 =	sand.u32 $0x7, s23;
	v54 =	vsub.f32 v46, v45;
	s3 =	simm.s32 @!p0 $0x0  }
0x399: {  	s15 =	sor.u32 $0x380, s14;
	[tilespmem:s21+$0x11000] =	vst v2;
	v58 =	vadd.f32 v53, v35;
	s11 =	sshll.u32 s11, $0x4;
	v57 =	vsub.f32 v21, v47;
	v56 =	vmul.f32 v52, v9;
	s20 =	ssub.s32 s2, s3  }
0x39a: {  	[tilespmem:s25+$0x11000] =	vst v3;
	v55 =	vadd.f32 v51, v18;
	s19 =	sshrl.u32 s0, $0x3;
	v59 =	vmul.f32 v54, v13;
	v1 =	vsub.f32 v1, v14;
	s0 =	sadd.s32 s0, s20;
	s1 =	sand.u32 $0x7F, s20  }
0x39b: {  	[tilespmem:s31+$0x11000] =	vst v58;
	v61 =	vmul.f32 v57, v22;
	v60 =	vadd.f32 v56, v41;
	p5 =	sne.s32 s1, $0x0;
	s23 =	sshra.s32 s0, $0x1F;
	p6 =	slt.s32 s0, $0x1  }
0x39c: {  	[tilespmem:s29+$0x11000] =	vst v55;
	s13 =	sor.u32 $0x380, s8;
	v62 =	vadd.f32 v59, v45;
	v0 =	vmul.f32 v1, v0;
	s1 =	sshrl.u32 s23, $0x19;
	p0 =	por !p6, !p5  }
0x39d: {  	v63 =	vadd.f32 v61, v47;
	[tilespmem:s13+$0x11000] =	vst v60;
	s0 =	sadd.s32 s1, s0;
	p0 =	por !p0, !p0;
	s1 =	simm.s32 $0x1  }
0x39e: {  	s11 =	sadd.s32 s11, s28;
	[tilespmem:s15+$0x11000] =	vst v62;
	v0 =	vadd.f32 v0, v14;
	s0 =	sshrl.u32 s0, $0x7;
	s1 =	simm.s32 @!p0 $0x0  }
0x39f: {  	s21 =	rddreg [dreg:$0x1];
	s18 =	sor.u32 $0x380, s11;
	[tilespmem:s16+$0x11000] =	vst v63;
	s0 =	ssub.s32 s0, s1  }
0x3a0: {  	s22 =	simm.s32 $0xE000;
	s2 =	sadd.s32 s21, s19;
	[tilespmem:s18+$0x11000] =	vst v0;
	s0 =	sshll.u32 s0, $0xA  }
0x3a1: {  	[tilespmem:s22], [sflag:$0x1] =	stream.linear.gather [hbm4b:s2+s4], $0xC00, $0x38;
	[tilespmem:$0x1D000] =	vst v63  }
0x3a2: {  	s25 =	simm.s32 $0xF800;
	s28 =	smul.u32 $0x6000, s17;
	s0 =	sadd.s32 s7, s0  }
0x3a3: {  	s24 =	sadd.s32 s5, s19;
	s26 =	rddreg [dreg:$0x0];
	s0 =	sshrl.u32 s0, $0x3  }
0x3a4: {  	[tilespmem:s25], [sflag:$0x1] =	stream.linear.gather [hbm4b:s24+s4], $0xC00, $0x38;
	[tilespmem:$0x1D000] =	vst v63  }
.Ltmp6:
0x3a5: {  	s29 =	sadd.s32 s9, s28;
	s0 =	sadd.s32 s26, s0;
	(pc) =	sbr.rel .LBB2_13-.Ltmp6, $4  }
0x3a6: {  	[tilespmem:s4], [sflag:$0x1] =	stream.linear.gather [hbm4b:s0+s4], $0x7000, $0x38;
	[tilespmem:$0x1D000] =	vst v63  }
0x3a7: {  	s0 =	sshrl.u32 s29, $0x3  }
0x3a8: {  	s31 =	simm.s32 $0x11000;
	s0 =	sadd.s32 s6, s0  }
0x3a9: {  	[hbm4b:s0+s4] =	stream.linear.scatter [tilespmem:s31], [sflag:$0x3], $0x6000, $0x38;
	[tilespmem:$0x1D000] =	vst v63  }
.LBB2_10:
0x3aa: {  	s0 =	simm.s32 $0x4  }
0x3ab: {  	_ =	swait.ge [sflag:s0], $0x6000  }
0x3ac: {  	[sflag:s0] =	ssyncset.done $0x0  }
0x3ad: {  	[sflag:s0] =	ssyncadd.s32 $0xFFFFA000  }
0x3ae: {  	_ =	swait.ge [sflag:s10], $0xC00  }
0x3af: {  	[sflag:s10] =	ssyncset.done $0x0  }
0x3b0: {  	[sflag:s10] =	ssyncadd.s32 $0xFFFFF400  }
0x3b1: {  	_ =	swait.ge [sflag:s10], $0xC00  }
0x3b2: {  	[sflag:s10] =	ssyncset.done $0x0  }
0x3b3: {  	[sflag:s10] =	ssyncadd.s32 $0xFFFFF400  }
0x3b4: {  	_ =	swait.ge [sflag:s10], $0x7000  }
0x3b5: {  	s23 =	simm.s32 $0x0;
	[sflag:s10] =	ssyncset.done $0x0  }
0x3b6: {  	s1 =	sand.u32 $0xFF0, s23;
	[sflag:s10] =	ssyncadd.s32 $0xFFFF9000  }
0x3b7: {  	v2 =	vld [tilespmem:s1+$0xEC00];
	_ =	sdelay $0x4  }
0x3b8: {  	v3 =	vadd.s32 v1, v2  }
0x3b9: {  	v4 =	vadd.s32 v0, v2;
	v3 =	vshll.u32 v3, $0x3  }
0x3ba: {  	v2 =	vand.u32 $0x7F, v2;
	v5 =	vshll.u32 v4, $0x3;
	v3 =	vand.u32 $0xFFFFFC00, v3  }
0x3bb: {  	v22 =	vor.u32 v2, v3;
	v2 =	vand.u32 $0x7F, v4;
	v3 =	vand.u32 $0xFFFFFC00, v5  }
0x3bc: {  	v4 =	vadd.s32 $0x7000, v22;
	v20 =	vor.u32 v2, v3  }
0x3bd: {  	v2 =	vadd.s32 $0x7000, v20;
	_ =	sdelay $0x3  }
0x3be: {  	v3 =	vld.idx.msk [tilespmem:v4+s4+$0x0], $0xffff  }
0x3bf: {  	s2 =	simm.s32 $0x10;
	v2 =	vld.idx.msk [tilespmem:v2+s4+$0x0], $0xffff  }
0x3c0: {  	s3 =	sand.u32 $0xFF0, s2;
	v21 =	vld [tilespmem:s1+$0x10400]  }
0x3c1: {  	v4 =	vld [tilespmem:s3+$0xEC00];
	_ =	sdelay $0x2  }
0x3c2: {  	v2 =	vsub.f32 v2, v3  }
0x3c3: {  	v6 =	vadd.s32 $0x7080, v22  }
0x3c4: {  	v8 =	vadd.s32 $0x7080, v20;
	v5 =	vadd.s32 v1, v4;
	v2 =	vmul.f32 v2, v21  }
0x3c5: {  	s24 =	simm.s32 $0x0;
	v7 =	vand.u32 $0x7F, v4;
	v4 =	vadd.s32 v0, v4;
	v5 =	vshll.u32 v5, $0x3  }
0x3c6: {  	s0 =	sand.u32 $0x70, s23;
	s1 =	sand.u32 $0x7C00, s24;
	v9 =	vshll.u32 v4, $0x3;
	v5 =	vand.u32 $0xFFFFFC00, v5;
	v2 =	vadd.f32 v2, v3  }
0x3c7: {  	s18 =	sor.u32 s0, s1;
	v15 =	vor.u32 v7, v5;
	v3 =	vand.u32 $0x7F, v4;
	v4 =	vand.u32 $0xFFFFFC00, v9  }
0x3c8: {  	v7 =	vadd.s32 $0x7000, v15;
	v5 =	vor.u32 v3, v4;
	[tilespmem:s18+$0x17000] =	vst v2  }
0x3c9: {  	v2 =	vadd.s32 $0x7000, v5;
	v3 =	vld.idx.msk [tilespmem:v6+s4+$0x0], $0xffff  }
0x3ca: {  	v4 =	vld.idx.msk [tilespmem:v8+s4+$0x0], $0xffff;
	_ =	sdelay $0x2  }
0x3cb: {  	s25 =	simm.s32 $0x20;
	v6 =	vld.idx.msk [tilespmem:v7+s4+$0x0], $0xffff  }
0x3cc: {  	s11 =	sand.u32 $0xFF0, s25;
	v7 =	vld.idx.msk [tilespmem:v2+s4+$0x0], $0xffff  }
0x3cd: {  	v8 =	vld [tilespmem:s11+$0xEC00];
	v4 =	vsub.f32 v4, v3  }
0x3ce: {  	v2 =	vld [tilespmem:s3+$0x10400]  }
0x3cf: {  	v9 =	vadd.s32 $0x7100, v22;
	v4 =	vmul.f32 v4, v21  }
0x3d0: {  	v10 =	vadd.s32 $0x7100, v20  }
0x3d1: {  	v7 =	vsub.f32 v7, v6;
	v3 =	vadd.f32 v4, v3  }
0x3d2: {  	v11 =	vadd.s32 $0x7080, v15  }
0x3d3: {  	v12 =	vadd.s32 $0x7080, v5;
	v4 =	vadd.s32 v1, v8;
	v7 =	vmul.f32 v7, v2;
	[tilespmem:s18+$0x17080] =	vst v3  }
0x3d4: {  	s26 =	simm.s32 $0x30;
	s28 =	simm.s32 $0x80;
	v4 =	vshll.u32 v4, $0x3;
	v3 =	vand.u32 $0x7F, v8;
	v8 =	vadd.s32 v0, v8;
	v9 =	vld.idx.msk [tilespmem:v9+s4+$0x0], $0xffff  }
0x3d5: {  	s8 =	sand.u32 $0xFF0, s26;
	s2 =	sand.u32 $0x70, s2;
	s1 =	sand.u32 $0x7C00, s28;
	v4 =	vand.u32 $0xFFFFFC00, v4;
	v13 =	vshll.u32 v8, $0x3;
	v10 =	vld.idx.msk [tilespmem:v10+s4+$0x0], $0xffff;
	v6 =	vadd.f32 v7, v6  }
0x3d6: {  	v14 =	vld [tilespmem:s8+$0xEC00];
	s19 =	sor.u32 s2, s1;
	v7 =	vor.u32 v3, v4;
	v3 =	vand.u32 $0x7F, v8;
	v4 =	vand.u32 $0xFFFFFC00, v13  }
0x3d7: {  	v13 =	vadd.s32 $0x7000, v7;
	v8 =	vor.u32 v3, v4;
	[tilespmem:s19+$0x17000] =	vst v6  }
0x3d8: {  	v3 =	vadd.s32 $0x7000, v8;
	v4 =	vld.idx.msk [tilespmem:v11+s4+$0x0], $0xffff  }
0x3d9: {  	v11 =	vld.idx.msk [tilespmem:v12+s4+$0x0], $0xffff  }
0x3da: {  	v6 =	vsub.f32 v10, v9  }
0x3db: {  	v10 =	vadd.s32 v1, v14  }
0x3dc: {  	v10 =	vshll.u32 v10, $0x3;
	v12 =	vld.idx.msk [tilespmem:v13+s4+$0x0], $0xffff;
	v13 =	vadd.s32 $0x7180, v22;
	v16 =	vmul.f32 v6, v21  }
0x3dd: {  	v6 =	vand.u32 $0xFFFFFC00, v10;
	v10 =	vadd.s32 $0x7180, v20;
	v17 =	vld.idx.msk [tilespmem:v3+s4+$0x0], $0xffff  }
0x3de: {  	v3 =	vand.u32 $0x7F, v14;
	v11 =	vsub.f32 v11, v4;
	v9 =	vadd.f32 v16, v9  }
0x3df: {  	v23 =	vadd.s32 $0x7100, v15;
	v14 =	vadd.s32 v0, v14;
	v6 =	vor.u32 v3, v6;
	v3 =	vld [tilespmem:s11+$0x10400]  }
0x3e0: {  	v19 =	vshll.u32 v14, $0x3;
	v16 =	vadd.s32 $0x7000, v6;
	v11 =	vmul.f32 v11, v2;
	[tilespmem:s18+$0x17100] =	vst v9  }
0x3e1: {  	s29 =	simm.s32 $0x40;
	v9 =	vand.u32 $0x7F, v14;
	v14 =	vand.u32 $0xFFFFFC00, v19;
	v19 =	vadd.s32 $0x7100, v5;
	v13 =	vld.idx.msk [tilespmem:v13+s4+$0x0], $0xffff  }
0x3e2: {  	s31 =	sand.u32 $0xFF0, s29;
	v9 =	vor.u32 v9, v14;
	v10 =	vld.idx.msk [tilespmem:v10+s4+$0x0], $0xffff;
	v14 =	vsub.f32 v17, v12;
	v4 =	vadd.f32 v11, v4  }
0x3e3: {  	v18 =	vld [tilespmem:s31+$0xEC00];
	v11 =	vadd.s32 $0x7000, v9  }
0x3e4: {  	v17 =	vadd.s32 $0x7080, v7;
	v14 =	vmul.f32 v14, v3;
	[tilespmem:s19+$0x17080] =	vst v4  }
0x3e5: {  	s12 =	simm.s32 $0x100;
	v4 =	vadd.s32 $0x7080, v8;
	v23 =	vld.idx.msk [tilespmem:v23+s4+$0x0], $0xffff  }
0x3e6: {  	s0 =	sand.u32 $0x70, s25;
	s11 =	sand.u32 $0x7C00, s12;
	v12 =	vadd.f32 v14, v12;
	v14 =	vld.idx.msk [tilespmem:v19+s4+$0x0], $0xffff  }
0x3e7: {  	s20 =	sor.u32 s0, s11;
	v16 =	vld.idx.msk [tilespmem:v16+s4+$0x0], $0xffff;
	v10 =	vsub.f32 v10, v13  }
0x3e8: {  	v26 =	vadd.s32 $0x7200, v20;
	v19 =	vadd.s32 v1, v18;
	v24 =	vld.idx.msk [tilespmem:v11+s4+$0x0], $0xffff;
	[tilespmem:s20+$0x17000] =	vst v12  }
0x3e9: {  	v11 =	vshll.u32 v19, $0x3;
	v19 =	vadd.s32 $0x7200, v22;
	v10 =	vmul.f32 v10, v21;
	v12 =	vld.idx.msk [tilespmem:v17+s4+$0x0], $0xffff  }
0x3ea: {  	s13 =	simm.s32 $0x50;
	v11 =	vand.u32 $0xFFFFFC00, v11;
	v17 =	vand.u32 $0x7F, v18;
	v18 =	vadd.s32 v0, v18;
	v25 =	vld.idx.msk [tilespmem:v4+s4+$0x0], $0xffff  }
0x3eb: {  	s14 =	sand.u32 $0xFF0, s13;
	v4 =	vld [tilespmem:s8+$0x10400];
	v11 =	vor.u32 v17, v11;
	v10 =	vadd.f32 v10, v13;
	v14 =	vsub.f32 v14, v23  }
0x3ec: {  	v17 =	vld [tilespmem:s14+$0xEC00];
	v13 =	vand.u32 $0x7F, v18;
	v18 =	vshll.u32 v18, $0x3;
	v27 =	vadd.s32 $0x7000, v11  }
0x3ed: {  	v28 =	vadd.s32 $0x7180, v15;
	v18 =	vand.u32 $0xFFFFFC00, v18;
	[tilespmem:s18+$0x17180] =	vst v10;
	v14 =	vmul.f32 v14, v2  }
0x3ee: {  	v13 =	vor.u32 v13, v18;
	v10 =	vsub.f32 v24, v16;
	v18 =	vadd.s32 $0x7180, v5;
	v19 =	vld.idx.msk [tilespmem:v19+s4+$0x0], $0xffff  }
0x3ef: {  	v24 =	vadd.s32 $0x7000, v13;
	v25 =	vsub.f32 v25, v12;
	v14 =	vadd.f32 v14, v23;
	v23 =	vld.idx.msk [tilespmem:v26+s4+$0x0], $0xffff  }
0x3f0: {  	v10 =	vmul.f32 v10, v4  }
0x3f1: {  	s15 =	simm.s32 $0x180;
	v29 =	vadd.s32 $0x7100, v7;
	v26 =	vld.idx.msk [tilespmem:v27+s4+$0x0], $0xffff;
	v27 =	vadd.s32 v1, v17;
	v25 =	vmul.f32 v25, v3;
	[tilespmem:s19+$0x17100] =	vst v14  }
0x3f2: {  	s3 =	sand.u32 $0x70, s26;
	s8 =	sand.u32 $0x7C00, s15;
	v16 =	vadd.f32 v10, v16;
	v14 =	vshll.u32 v27, $0x3;
	v27 =	vadd.s32 $0x7100, v8;
	v28 =	vld.idx.msk [tilespmem:v28+s4+$0x0], $0xffff  }
0x3f3: {  	v30 =	vadd.s32 $0x7080, v6;
	s21 =	sor.u32 s3, s8;
	v31 =	vand.u32 $0x7F, v17;
	v12 =	vadd.f32 v25, v12;
	v18 =	vld.idx.msk [tilespmem:v18+s4+$0x0], $0xffff  }
0x3f4: {  	v17 =	vadd.s32 v0, v17;
	v24 =	vld.idx.msk [tilespmem:v24+s4+$0x0], $0xffff;
	v25 =	vadd.s32 $0x7080, v9;
	[tilespmem:s21+$0x17000] =	vst v16;
	v23 =	vsub.f32 v23, v19  }
0x3f5: {  	v32 =	vadd.s32 $0x7280, v22;
	v10 =	vld [tilespmem:s31+$0x10400];
	v14 =	vand.u32 $0xFFFFFC00, v14;
	v16 =	vand.u32 $0x7F, v17;
	[tilespmem:s20+$0x17080] =	vst v12  }
0x3f6: {  	v14 =	vor.u32 v31, v14;
	v31 =	vshll.u32 v17, $0x3;
	v29 =	vld.idx.msk [tilespmem:v29+s4+$0x0], $0xffff;
	v23 =	vmul.f32 v23, v21  }
0x3f7: {  	v12 =	vadd.s32 $0x7000, v14;
	v17 =	vand.u32 $0xFFFFFC00, v31;
	v31 =	vadd.s32 $0x7280, v20;
	v27 =	vld.idx.msk [tilespmem:v27+s4+$0x0], $0xffff  }
0x3f8: {  	s16 =	simm.s32 $0x60;
	v30 =	vld.idx.msk [tilespmem:v30+s4+$0x0], $0xffff;
	v16 =	vor.u32 v16, v17;
	v17 =	vsub.f32 v18, v28;
	v18 =	vadd.f32 v23, v19  }
0x3f9: {  	s24 =	sand.u32 $0xFF0, s16;
	v24 =	vsub.f32 v24, v26;
	v25 =	vld.idx.msk [tilespmem:v25+s4+$0x0], $0xffff;
	v23 =	vadd.s32 $0x7000, v16  }
0x3fa: {  	v33 =	vadd.s32 $0x7200, v15;
	v19 =	vld [tilespmem:s24+$0xEC00];
	v17 =	vmul.f32 v17, v2;
	[tilespmem:s18+$0x17200] =	vst v18  }
0x3fb: {  	v24 =	vmul.f32 v24, v10;
	v18 =	vadd.s32 $0x7200, v5;
	v32 =	vld.idx.msk [tilespmem:v32+s4+$0x0], $0xffff  }
0x3fc: {  	v27 =	vsub.f32 v27, v29;
	v17 =	vadd.f32 v17, v28;
	v28 =	vld.idx.msk [tilespmem:v31+s4+$0x0], $0xffff  }
0x3fd: {  	v34 =	vadd.s32 $0x7080, v11;
	v31 =	vld.idx.msk [tilespmem:v12+s4+$0x0], $0xffff;
	v24 =	vadd.f32 v24, v26  }
0x3fe: {  	s25 =	simm.s32 $0x200;
	v26 =	vadd.s32 $0x7180, v7;
	v25 =	vsub.f32 v25, v30;
	v23 =	vld.idx.msk [tilespmem:v23+s4+$0x0], $0xffff;
	v12 =	vmul.f32 v27, v3;
	[tilespmem:s19+$0x17180] =	vst v17  }
0x3ff: {  	s1 =	sand.u32 $0x70, s29;
	v36 =	vadd.s32 $0x7300, v22;
	v42 =	vadd.s32 $0x7100, v9;
	s3 =	sand.u32 $0x7C00, s25;
	v27 =	vadd.s32 $0x7180, v8;
	v33 =	vld.idx.msk [tilespmem:v33+s4+$0x0], $0xffff  }
0x400: {  	s22 =	sor.u32 s1, s3;
	v17 =	vadd.s32 v1, v19;
	v29 =	vadd.f32 v12, v29;
	v35 =	vld.idx.msk [tilespmem:v18+s4+$0x0], $0xffff;
	v18 =	vmul.f32 v25, v4  }
0x401: {  	[tilespmem:s22+$0x17000] =	vst v24;
	v24 =	vadd.s32 $0x7100, v6;
	v17 =	vshll.u32 v17, $0x3;
	v12 =	vld [tilespmem:s14+$0x10400];
	v25 =	vsub.f32 v28, v32  }
0x402: {  	v17 =	vand.u32 $0xFFFFFC00, v17;
	v28 =	vld.idx.msk [tilespmem:v34+s4+$0x0], $0xffff;
	[tilespmem:s20+$0x17100] =	vst v29;
	v29 =	vand.u32 $0x7F, v19;
	v30 =	vadd.f32 v18, v30  }
0x403: {  	s11 =	simm.s32 $0x70;
	v19 =	vadd.s32 v0, v19;
	v26 =	vld.idx.msk [tilespmem:v26+s4+$0x0], $0xffff;
	v25 =	vmul.f32 v25, v21;
	v18 =	vor.u32 v29, v17  }
0x404: {  	s26 =	sand.u32 $0xFF0, s11;
	v27 =	vld.idx.msk [tilespmem:v27+s4+$0x0], $0xffff;
	v17 =	vadd.s32 $0x7300, v20;
	v44 =	vand.u32 $0x7F, v19;
	v19 =	vshll.u32 v19, $0x3  }
0x405: {  	v37 =	vadd.s32 $0x7080, v13;
	v29 =	vld [tilespmem:s26+$0xEC00];
	[tilespmem:s21+$0x17080] =	vst v30;
	v19 =	vand.u32 $0xFFFFFC00, v19;
	v25 =	vadd.f32 v25, v32  }
0x406: {  	v43 =	vadd.s32 $0x7000, v18;
	v30 =	vsub.f32 v35, v33;
	v24 =	vld.idx.msk [tilespmem:v24+s4+$0x0], $0xffff;
	v19 =	vor.u32 v44, v19  }
0x407: {  	v34 =	vld.idx.msk [tilespmem:v42+s4+$0x0], $0xffff;
	v46 =	vadd.s32 $0x7000, v19;
	[tilespmem:s18+$0x17280] =	vst v25  }
0x408: {  	v38 =	vadd.s32 $0x7280, v15;
	v30 =	vmul.f32 v30, v2;
	v45 =	vld.idx.msk [tilespmem:v36+s4+$0x0], $0xffff  }
0x409: {  	v25 =	vadd.s32 $0x7280, v5;
	v27 =	vsub.f32 v27, v26;
	v47 =	vld.idx.msk [tilespmem:v17+s4+$0x0], $0xffff  }
0x40a: {  	v17 =	vsub.f32 v23, v31;
	v23 =	vld.idx.msk [tilespmem:v37+s4+$0x0], $0xffff;
	v30 =	vadd.f32 v30, v33  }
0x40b: {  	v32 =	vld.idx.msk [tilespmem:v43+s4+$0x0], $0xffff  }
0x40c: {  	v48 =	vadd.s32 $0x7200, v7;
	v27 =	vmul.f32 v27, v3;
	v34 =	vsub.f32 v34, v24;
	[tilespmem:s19+$0x17200] =	vst v30;
	v36 =	vld.idx.msk [tilespmem:v46+s4+$0x0], $0xffff  }
0x40d: {  	s28 =	simm.s32 $0x280;
	v17 =	vmul.f32 v17, v12;
	v30 =	vadd.s32 $0x7200, v8;
	v38 =	vld.idx.msk [tilespmem:v38+s4+$0x0], $0xffff  }
0x40e: {  	s0 =	sand.u32 $0x70, s13;
	s3 =	sand.u32 $0x7C00, s28;
	v39 =	vadd.s32 $0x7080, v14;
	s14 =	simm.s32 $0x80;
	v26 =	vadd.f32 v27, v26;
	v25 =	vld.idx.msk [tilespmem:v25+s4+$0x0], $0xffff;
	v34 =	vmul.f32 v34, v4  }
0x40f: {  	v41 =	vadd.s32 $0x7380, v22;
	s23 =	sor.u32 s0, s3;
	v55 =	vadd.s32 $0x7080, v16;
	s3 =	sand.u32 $0xFF0, s14;
	v27 =	vadd.f32 v17, v31;
	v17 =	vld [tilespmem:s24+$0x10400]  }
0x410: {  	v31 =	vadd.s32 $0x7180, v6;
	v23 =	vsub.f32 v23, v28;
	[tilespmem:s20+$0x17180] =	vst v26;
	v34 =	vadd.f32 v34, v24;
	v24 =	vld [tilespmem:s3+$0xEC00]  }
0x411: {  	v40 =	vadd.s32 $0x7180, v9;
	v52 =	vadd.s32 $0x7100, v13;
	v26 =	vsub.f32 v47, v45;
	v37 =	vld.idx.msk [tilespmem:v48+s4+$0x0], $0xffff  }
0x412: {  	v20 =	vadd.s32 $0x7380, v20;
	v49 =	vadd.s32 v1, v29;
	[tilespmem:s23+$0x17000] =	vst v27;
	v23 =	vmul.f32 v23, v10;
	v30 =	vld.idx.msk [tilespmem:v30+s4+$0x0], $0xffff  }
0x413: {  	v51 =	vand.u32 $0x7F, v29;
	v22 =	vshll.u32 v49, $0x3;
	v27 =	vld.idx.msk [tilespmem:v39+s4+$0x0], $0xffff;
	v26 =	vmul.f32 v26, v21  }
0x414: {  	v22 =	vand.u32 $0xFFFFFC00, v22;
	v44 =	vld.idx.msk [tilespmem:v55+s4+$0x0], $0xffff;
	[tilespmem:s21+$0x17100] =	vst v34;
	v25 =	vsub.f32 v25, v38;
	v23 =	vadd.f32 v23, v28  }
0x415: {  	v50 =	vadd.s32 $0x7100, v11;
	v22 =	vor.u32 v51, v22;
	v53 =	vld.idx.msk [tilespmem:v31+s4+$0x0], $0xffff;
	v26 =	vadd.f32 v26, v45  }
0x416: {  	v57 =	vadd.s32 $0x7000, v22;
	v28 =	vld.idx.msk [tilespmem:v40+s4+$0x0], $0xffff;
	v31 =	vadd.s32 $0x7300, v15;
	v25 =	vmul.f32 v25, v2;
	[tilespmem:s22+$0x17080] =	vst v23  }
0x417: {  	[tilespmem:s18+$0x17300] =	vst v26;
	v26 =	vadd.s32 v0, v29;
	v29 =	vadd.s32 $0x7300, v5;
	v58 =	vld.idx.msk [tilespmem:v52+s4+$0x0], $0xffff;
	v23 =	vsub.f32 v30, v37  }
0x418: {  	v25 =	vadd.f32 v25, v38;
	v56 =	vld.idx.msk [tilespmem:v20+s4+$0x0], $0xffff;
	v20 =	vand.u32 $0x7F, v26;
	v26 =	vshll.u32 v26, $0x3  }
0x419: {  	v59 =	vadd.s32 $0x7280, v7;
	v54 =	vld.idx.msk [tilespmem:v41+s4+$0x0], $0xffff;
	v26 =	vand.u32 $0xFFFFFC00, v26;
	v23 =	vmul.f32 v23, v3  }
0x41a: {  	v42 =	vadd.s32 $0x7280, v8;
	v30 =	vld.idx.msk [tilespmem:v50+s4+$0x0], $0xffff;
	[tilespmem:s19+$0x17280] =	vst v25;
	v20 =	vor.u32 v20, v26  }
0x41b: {  	v25 =	vsub.f32 v28, v53;
	v26 =	vld.idx.msk [tilespmem:v31+s4+$0x0], $0xffff;
	v43 =	vadd.s32 $0x7000, v20;
	v23 =	vadd.f32 v23, v37  }
0x41c: {  	v28 =	vsub.f32 v36, v32;
	v29 =	vld.idx.msk [tilespmem:v29+s4+$0x0], $0xffff  }
0x41d: {  	v61 =	vadd.s32 $0x7200, v6;
	v31 =	vld.idx.msk [tilespmem:v57+s4+$0x0], $0xffff;
	v60 =	vmul.f32 v25, v4;
	[tilespmem:s20+$0x17200] =	vst v23  }
0x41e: {  	v35 =	vadd.s32 $0x7180, v13;
	v36 =	vmul.f32 v28, v17;
	v23 =	vsub.f32 v56, v54;
	v25 =	vld.idx.msk [tilespmem:v59+s4+$0x0], $0xffff  }
0x41f: {  	s15 =	simm.s32 $0x300;
	v34 =	vadd.s32 $0x7200, v9;
	v62 =	vsub.f32 v58, v30;
	v39 =	vadd.f32 v60, v53;
	v28 =	vld.idx.msk [tilespmem:v42+s4+$0x0], $0xffff  }
0x420: {  	s29 =	sand.u32 $0x70, s16;
	s31 =	sand.u32 $0x7C00, s15;
	v37 =	vadd.s32 $0x7080, v18;
	v63 =	vadd.f32 v36, v32;
	v23 =	vmul.f32 v23, v21;
	v33 =	vld.idx.msk [tilespmem:v43+s4+$0x0], $0xffff  }
0x421: {  	s8 =	sor.u32 s29, s31;
	v40 =	vadd.s32 v1, v24;
	v38 =	vmul.f32 v62, v10;
	v21 =	vld [tilespmem:s26+$0x10400];
	[tilespmem:s21+$0x17180] =	vst v39;
	v36 =	vsub.f32 v29, v26  }
0x422: {  	s0 =	simm.s32 $0x80;
	v32 =	vadd.s32 $0x7180, v11;
	[tilespmem:s8+$0x17000] =	vst v63;
	v39 =	vsub.f32 v44, v27;
	v29 =	vld.idx.msk [tilespmem:v61+s4+$0x0], $0xffff;
	v23 =	vadd.f32 v23, v54  }
.LBB2_11:
0x423: {  	s14 =	sadd.s32 $0x10, s14;
	v30 =	vadd.f32 v38, v30;
	v36 =	vmul.f32 v36, v2;
	v38 =	vadd.s32 $0x7380, v15  }
0x424: {  	v34 =	vld.idx.msk [tilespmem:v34+s4+$0x0], $0xffff;
	[tilespmem:s18+$0x17380] =	vst v23;
	v15 =	vmovc v7;
	v7 =	vmovc v6;
	v6 =	vmov v11;
	v11 =	vmov v14;
	v14 =	vmov v18;
	s18 =	smov.u32 s19;
	s19 =	smov.u32 s20;
	s20 =	smov.u32 s21  }
0x425: {  	v23 =	vshll.u32 v40, $0x3;
	v41 =	vadd.s32 $0x7380, v5;
	v18 =	vmovc v22;
	v5 =	vmovc v8;
	s21 =	smov.u32 s22;
	s1 =	sand.u32 $0xFF0, s14;
	p0 =	slt.u32 s14, $0xBF0;
	v37 =	vld.idx.msk [tilespmem:v37+s4+$0x0], $0xffff;
	v40 =	vadd.s32 $0x7100, v11  }
0x426: {  	v22 =	vmul.f32 v39, v12;
	v28 =	vsub.f32 v28, v25;
	s22 =	smov.u32 s23;
	s23 =	smov.u32 s8;
	v42 =	vld [tilespmem:s1+$0xEC00];
	[tilespmem:s21+$0x17100] =	vst v30;
	v26 =	vadd.f32 v36, v26  }
0x427: {  	v8 =	vmovc v9;
	v9 =	vmovc v13;
	v23 =	vand.u32 $0xFFFFFC00, v23;
	v30 =	vand.u32 $0x7F, v24;
	v36 =	vadd.s32 $0x7100, v16;
	v32 =	vld.idx.msk [tilespmem:v32+s4+$0x0], $0xffff  }
0x428: {  	v39 =	vadd.s32 $0x7300, v15;
	v44 =	vadd.f32 v22, v27;
	v28 =	vmul.f32 v28, v3;
	v35 =	vld.idx.msk [tilespmem:v35+s4+$0x0], $0xffff;
	[tilespmem:s18+$0x17300] =	vst v26  }
0x429: {  	v45 =	vadd.s32 v0, v24;
	v13 =	vmovc v16;
	v22 =	vor.u32 v30, v23;
	v23 =	vadd.s32 $0x7300, v5;
	v43 =	vld.idx.msk [tilespmem:v38+s4+$0x0], $0xffff  }
0x42a: {  	v25 =	vadd.f32 v28, v25;
	v38 =	vadd.s32 $0x7080, v19;
	[tilespmem:s22+$0x17080] =	vst v44;
	v44 =	vsub.f32 v34, v29;
	v28 =	vld.idx.msk [tilespmem:v41+s4+$0x0], $0xffff  }
0x42b: {  	v46 =	vand.u32 $0x7F, v45;
	v26 =	vshll.u32 v45, $0x3;
	v34 =	vadd.s32 $0x7000, v22;
	v27 =	vmovc v37;
	v30 =	vld.idx.msk [tilespmem:v40+s4+$0x0], $0xffff;
	v24 =	vmovc v42  }
0x42c: {  	v16 =	vmovc v19;
	v37 =	vand.u32 $0xFFFFFC00, v26;
	v42 =	vadd.s32 $0x7280, v7;
	v36 =	vld.idx.msk [tilespmem:v36+s4+$0x0], $0xffff;
	v40 =	vmul.f32 v44, v4;
	[tilespmem:s19+$0x17280] =	vst v25  }
0x42d: {  	v19 =	vmovc v20;
	v41 =	vmovc v10;
	v20 =	vor.u32 v46, v37;
	v44 =	vadd.s32 $0x7280, v8;
	v26 =	vld.idx.msk [tilespmem:v39+s4+$0x0], $0xffff;
	v39 =	vmov v31  }
0x42e: {  	v10 =	vmovc v12;
	v45 =	vadd.s32 $0x7000, v20;
	v25 =	vsub.f32 v35, v32;
	v29 =	vadd.f32 v40, v29;
	v23 =	vld.idx.msk [tilespmem:v23+s4+$0x0], $0xffff  }
0x42f: {  	v12 =	vmov v17;
	v17 =	vmov v21;
	v33 =	vsub.f32 v33, v39;
	v35 =	vld.idx.msk [tilespmem:v38+s4+$0x0], $0xffff  }
0x430: {  	v46 =	vadd.s32 $0x7200, v6;
	v21 =	vmul.f32 v25, v41;
	v31 =	vld.idx.msk [tilespmem:v34+s4+$0x0], $0xffff;
	[tilespmem:s20+$0x17200] =	vst v29;
	v29 =	vsub.f32 v28, v43  }
.Ltmp7:
0x431: {  	v37 =	vadd.s32 $0x7080, v18;
	v38 =	vmul.f32 v33, v17;
	v34 =	vadd.s32 $0x7200, v9;
	v25 =	vld.idx.msk [tilespmem:v42+s4+$0x0], $0xffff;
	(pc) =	sbr.rel @p0 .LBB2_11-.Ltmp7, $4  }
0x432: {  	s15 =	sadd.s32 $0x80, s15;
	v36 =	vsub.f32 v36, v30;
	v40 =	vadd.f32 v21, v32;
	v28 =	vld.idx.msk [tilespmem:v44+s4+$0x0], $0xffff;
	v29 =	vmul.f32 v29, v2  }
0x433: {  	s2 =	sand.u32 $0x70, s11;
	s11 =	smov.u32 s0;
	s8 =	sand.u32 $0x7C00, s15;
	v32 =	vadd.s32 $0x7180, v11;
	v39 =	vadd.f32 v38, v39;
	v2 =	vmovc v3;
	v3 =	vmovc v4;
	v4 =	vmov v41;
	v33 =	vld.idx.msk [tilespmem:v45+s4+$0x0], $0xffff  }
0x434: {  	s0 =	smov.u32 s14;
	s8 =	sor.u32 s2, s8;
	v38 =	vmul.f32 v36, v10;
	v36 =	vsub.f32 v23, v26;
	v21 =	vld [tilespmem:s3+$0x10400];
	[tilespmem:s21+$0x17180] =	vst v40;
	v23 =	vadd.f32 v29, v43;
	s3 =	smov.u32 s1  }
0x435: {  	v40 =	vadd.s32 v1, v24;
	[tilespmem:s8+$0x17000] =	vst v39;
	v39 =	vsub.f32 v35, v27;
	v35 =	vadd.s32 $0x7180, v13;
	v29 =	vld.idx.msk [tilespmem:v46+s4+$0x0], $0xffff  }
.Ltmp8:
0x436: {  	_ = 	snop;
	(pc) =	sbr.rel .LBB2_12-.Ltmp8, $1  }
0x437: {  	_ =	sdelay $0x3  }
.LBB2_14:
0x438: {  	s0 =	simm.s32 $0x4  }
0x439: {  	_ =	swait.ge [sflag:s0], $0x6000  }
0x43a: {  	[sflag:s0] =	ssyncset.done $0x0  }
0x43b: {  	s16 =	simm.s32 $0x3;
	[sflag:s0] =	ssyncadd.s32 $0xFFFFA000  }
0x43c: {  	_ =	swait.ge [sflag:s16], $0x6000  }
0x43d: {  	[sflag:s16] =	ssyncset.done $0x0  }
0x43e: {  	[sflag:s16] =	ssyncadd.s32 $0xFFFFA000  }
0x43f: {  	_ =	swait.ge [sflag:s10], $0xC00  }
0x440: {  	[sflag:s10] =	ssyncset.done $0x0  }
0x441: {  	[sflag:s10] =	ssyncadd.s32 $0xFFFFF400  }
0x442: {  	_ =	swait.ge [sflag:s10], $0xC00  }
0x443: {  	[sflag:s10] =	ssyncset.done $0x0  }
0x444: {  	[sflag:s10] =	ssyncadd.s32 $0xFFFFF400  }
0x445: {  	_ =	swait.ge [sflag:s10], $0x7000  }
0x446: {  	[sflag:s10] =	ssyncset.done $0x0  }
0x447: {  	[sflag:s10] =	ssyncadd.s32 $0xFFFF9000  }
0x448: {  	_ =	swait.ge [sflag:s30], $0xC00  }
0x449: {  	[sflag:s30] =	ssyncset.done $0x0  }
0x44a: {  	[sflag:s30] =	ssyncadd.s32 $0xFFFFF400  }
0x44b: {  	_ =	swait.ge [sflag:s30], $0xC00  }
0x44c: {  	[sflag:s30] =	ssyncset.done $0x0  }
0x44d: {  	[sflag:s30] =	ssyncadd.s32 $0xFFFFF400  }
0x44e: {  	_ =	swait.ge [sflag:s30], $0x7000  }
0x44f: {  	s8 =	simm.s32 $0x0;
	s17 =	simm.s32 $0xE000;
	[sflag:s30] =	ssyncset.done $0x0  }
0x450: {  	s3 =	simm.s32 $0x5;
	s1 =	rddreg [dreg:$0x10];
	[sflag:s30] =	ssyncadd.s32 $0xFFFF9000  }
0x451: {  	[tilespmem:s17], [sflag:$0x5] =	stream.linear.gather [hbm4b:s1+s8], $0x280, $0x38;
	[tilespmem:$0x1D000] =	vst v63  }
0x452: {  	_ =	swait.ge [sflag:s3], $0x280  }
0x453: {  	[sflag:s3] =	ssyncset.done $0x0  }
0x454: {  	s18 =	simm.s32 $0xF800;
	s2 =	rddreg [dreg:$0x11];
	[sflag:s3] =	ssyncadd.s32 $0xFFFFFD80  }
0x455: {  	[tilespmem:s18], [sflag:$0x5] =	stream.linear.gather [hbm4b:s2+s8], $0x280, $0x38;
	[tilespmem:$0x1D000] =	vst v63  }
0x456: {  	_ =	swait.ge [sflag:s3], $0x280  }
0x457: {  	[sflag:s3] =	ssyncset.done $0x0  }
0x458: {  	s19 =	rddreg [dreg:$0x12];
	[sflag:s3] =	ssyncadd.s32 $0xFFFFFD80  }
0x459: {  	[tilespmem:s8], [sflag:$0x5] =	stream.linear.gather [hbm4b:s19+s8], $0x1800, $0x38;
	[tilespmem:$0x1D000] =	vst v63  }
0x45a: {  	_ =	swait.ge [sflag:s3], $0x1800  }
0x45b: {  	[sflag:s3] =	ssyncset.done $0x0  }
0x45c: {  	[sflag:s3] =	ssyncadd.s32 $0xFFFFE800  }
0x45d: {  	v0 =	vld [tilespmem:s17+$0x0];
	_ =	sdelay $0x4  }
0x45e: {  	v1 =	vadd.s32 $0xFFFE0301, v0  }
0x45f: {  	v2 =	vshll.u32 v0, $0x3;
	vm0 =	vlt.s32 v1, $0x2FF  }
0x460: {  	v0 =	vand.u32 $0x7F, v0;
	v2 =	vand.u32 $0xFFFFFC00, v2;
	v1 =	vnsel vm0, $0x2FF, v1  }
0x461: {  	v18 =	vor.u32 v0, v2;
	v3 =	vshll.u32 v1, $0x3  }
0x462: {  	v1 =	vand.u32 $0x7F, v1;
	v0 =	vadd.s32 $0xFFF01800, v18;
	v3 =	vand.u32 $0xFFFFFC00, v3  }
0x463: {  	v19 =	vor.u32 v1, v3;
	_ =	sdelay $0x1  }
0x464: {  	s20 =	simm.s32 $0xE010  }
0x465: {  	v1 =	vld [tilespmem:s20+$0x0]  }
0x466: {  	v3 =	vld.idx.msk [tilespmem:v0+s4+$0x0], $0xffff  }
0x467: {  	v2 =	vld.idx.msk [tilespmem:v19+s4+$0x0], $0xffff;
	_ =	sdelay $0x1  }
0x468: {  	v0 =	vld [tilespmem:s18+$0x0];
	_ =	sdelay $0x2  }
0x469: {  	v4 =	vadd.s32 $0xFFFE0301, v1;
	v2 =	vsub.f32 v2, v3  }
0x46a: {  	v6 =	vadd.s32 $0xFFF01880, v18;
	v8 =	vor.u32 $0x80, v19;
	vm9 =	vlt.s32 v4, $0x2FF  }
0x46b: {  	v5 =	vshll.u32 v1, $0x3;
	v4 =	vnsel vm9, $0x2FF, v4;
	v2 =	vmul.f32 v2, v0  }
0x46c: {  	s11 =	simm.s32 $0x0;
	v1 =	vand.u32 $0x7F, v1;
	v5 =	vand.u32 $0xFFFFFC00, v5;
	v7 =	vshll.u32 v4, $0x3  }
0x46d: {  	s21 =	sand.u32 $0x70, s11;
	s22 =	sand.u32 $0x1C00, s8;
	v9 =	vand.u32 $0x7F, v4;
	v4 =	vor.u32 v1, v5;
	v3 =	vadd.f32 v2, v3  }
0x46e: {  	s0 =	sor.u32 s21, s22;
	v7 =	vand.u32 $0xFFFFFC00, v7;
	v1 =	vadd.s32 $0xFFF01800, v4  }
0x46f: {  	v2 =	vor.u32 v9, v7;
	[tilespmem:s0+$0x11000] =	vst v3  }
0x470: {  	v3 =	vld.idx.msk [tilespmem:v6+s4+$0x0], $0xffff  }
0x471: {  	s23 =	simm.s32 $0xE020;
	v5 =	vld.idx.msk [tilespmem:v8+s4+$0x0], $0xffff  }
0x472: {  	v6 =	vld [tilespmem:s23+$0x0]  }
0x473: {  	v8 =	vld.idx.msk [tilespmem:v1+s4+$0x0], $0xffff  }
0x474: {  	v7 =	vld.idx.msk [tilespmem:v2+s4+$0x0], $0xffff  }
0x475: {  	s24 =	simm.s32 $0xF810  }
0x476: {  	v1 =	vld [tilespmem:s24+$0x0];
	v5 =	vsub.f32 v5, v3  }
0x477: {  	v11 =	vadd.s32 $0xFFF01900, v18;
	v12 =	vor.u32 $0x100, v19  }
0x478: {  	v13 =	vadd.s32 $0xFFF01880, v4;
	v9 =	vadd.s32 $0xFFFE0301, v6;
	v5 =	vmul.f32 v5, v0  }
0x479: {  	v10 =	vshll.u32 v6, $0x3;
	vm10 =	vlt.s32 v9, $0x2FF;
	v7 =	vsub.f32 v7, v8  }
0x47a: {  	v6 =	vand.u32 $0x7F, v6;
	v9 =	vnsel vm10, $0x2FF, v9;
	v3 =	vadd.f32 v5, v3  }
0x47b: {  	s15 =	sadd.s32 $0x11000, s0;
	v10 =	vand.u32 $0xFFFFFC00, v10;
	v5 =	vshll.u32 v9, $0x3;
	v7 =	vmul.f32 v7, v1  }
0x47c: {  	s14 =	simm.s32 $0x10;
	s16 =	simm.s32 $0x80;
	v14 =	vand.u32 $0x7F, v9;
	v5 =	vand.u32 $0xFFFFFC00, v5;
	[tilespmem:s15+$0x80] =	vst v3;
	v3 =	vor.u32 $0x80, v2  }
0x47d: {  	s25 =	sand.u32 $0x70, s14;
	s26 =	sand.u32 $0x1C00, s16;
	v9 =	vor.u32 v6, v10;
	v5 =	vor.u32 v14, v5;
	v6 =	vadd.f32 v7, v8;
	v7 =	vld.idx.msk [tilespmem:v11+s4+$0x0], $0xffff  }
0x47e: {  	s31 =	simm.s32 $0xE030;
	s0 =	sor.u32 s25, s26;
	v8 =	vadd.s32 $0xFFF01800, v9;
	v10 =	vld.idx.msk [tilespmem:v12+s4+$0x0], $0xffff  }
0x47f: {  	v11 =	vld [tilespmem:s31+$0x0];
	[tilespmem:s0+$0x11000] =	vst v6  }
0x480: {  	v6 =	vld.idx.msk [tilespmem:v13+s4+$0x0], $0xffff  }
0x481: {  	v12 =	vld.idx.msk [tilespmem:v3+s4+$0x0], $0xffff  }
0x482: {  	v13 =	vld.idx.msk [tilespmem:v5+s4+$0x0], $0xffff  }
0x483: {  	v8 =	vld.idx.msk [tilespmem:v8+s4+$0x0], $0xffff;
	v10 =	vsub.f32 v10, v7  }
0x484: {  	s3 =	simm.s32 $0xF820  }
0x485: {  	v16 =	vadd.s32 $0xFFF01980, v18;
	v3 =	vld [tilespmem:s3+$0x0];
	v10 =	vmul.f32 v10, v0  }
0x486: {  	v17 =	vor.u32 $0x180, v19;
	v14 =	vadd.s32 $0xFFFE0301, v11;
	v12 =	vsub.f32 v12, v6  }
0x487: {  	v20 =	vor.u32 $0x100, v2;
	vm11 =	vlt.s32 v14, $0x2FF;
	v7 =	vadd.f32 v10, v7  }
0x488: {  	v10 =	vmul.f32 v12, v1;
	v12 =	vsub.f32 v13, v8;
	v13 =	vadd.s32 $0xFFF01900, v4  }
0x489: {  	s12 =	simm.s32 $0xE040;
	v22 =	vor.u32 $0x80, v5;
	v15 =	vshll.u32 v11, $0x3;
	v14 =	vnsel vm11, $0x2FF, v14  }
0x48a: {  	v21 =	vld [tilespmem:s12+$0x0];
	[tilespmem:s15+$0x100] =	vst v7;
	v6 =	vadd.f32 v10, v6;
	v7 =	vmul.f32 v12, v3;
	v10 =	vadd.s32 $0xFFF01880, v9  }
0x48b: {  	s20 =	simm.s32 $0x100;
	s17 =	sadd.s32 $0x11000, s0;
	s3 =	simm.s32 $0x20;
	v11 =	vand.u32 $0x7F, v11;
	v16 =	vld.idx.msk [tilespmem:v16+s4+$0x0], $0xffff;
	v12 =	vand.u32 $0xFFFFFC00, v15;
	v15 =	vshll.u32 v14, $0x3  }
0x48c: {  	s18 =	sand.u32 $0x1C00, s20;
	s13 =	sand.u32 $0x70, s3;
	v17 =	vld.idx.msk [tilespmem:v17+s4+$0x0], $0xffff;
	v14 =	vand.u32 $0x7F, v14;
	v15 =	vand.u32 $0xFFFFFC00, v15;
	[tilespmem:s17+$0x80] =	vst v6;
	v6 =	vadd.f32 v7, v8  }
0x48d: {  	s0 =	sor.u32 s13, s18;
	v8 =	vor.u32 v11, v12;
	v7 =	vor.u32 v14, v15;
	v11 =	vld.idx.msk [tilespmem:v13+s4+$0x0], $0xffff  }
0x48e: {  	v12 =	vadd.s32 $0xFFF01800, v8;
	v13 =	vld.idx.msk [tilespmem:v20+s4+$0x0], $0xffff;
	[tilespmem:s0+$0x11000] =	vst v6  }
0x48f: {  	v10 =	vld.idx.msk [tilespmem:v10+s4+$0x0], $0xffff  }
0x490: {  	v14 =	vld.idx.msk [tilespmem:v22+s4+$0x0], $0xffff;
	_ =	sdelay $0x1  }
0x491: {  	v6 =	vsub.f32 v17, v16;
	v15 =	vld.idx.msk [tilespmem:v7+s4+$0x0], $0xffff  }
0x492: {  	v23 =	vshll.u32 v21, $0x3;
	v12 =	vld.idx.msk [tilespmem:v12+s4+$0x0], $0xffff  }
0x493: {  	s19 =	simm.s32 $0xF830;
	v20 =	vadd.s32 $0xFFF01A00, v18;
	v22 =	vmul.f32 v6, v0;
	v13 =	vsub.f32 v13, v11  }
0x494: {  	v24 =	vor.u32 $0x200, v19;
	v25 =	vadd.s32 $0xFFF01980, v4;
	v6 =	vld [tilespmem:s19+$0x0];
	v14 =	vsub.f32 v14, v10  }
0x495: {  	v17 =	vadd.s32 $0xFFFE0301, v21;
	v16 =	vadd.f32 v22, v16;
	v13 =	vmul.f32 v13, v1  }
0x496: {  	s21 =	simm.s32 $0xE050;
	vm12 =	vlt.s32 v17, $0x2FF;
	v22 =	vadd.s32 $0xFFF01900, v9;
	v14 =	vmul.f32 v14, v3  }
0x497: {  	v26 =	vld [tilespmem:s21+$0x0];
	[tilespmem:s15+$0x180] =	vst v16;
	v11 =	vadd.f32 v13, v11;
	v13 =	vsub.f32 v15, v12;
	v15 =	vor.u32 $0x100, v5  }
0x498: {  	v16 =	vand.u32 $0x7F, v21;
	v21 =	vor.u32 $0x180, v2;
	v10 =	vadd.f32 v14, v10;
	v14 =	vld.idx.msk [tilespmem:v20+s4+$0x0], $0xffff  }
0x499: {  	s18 =	sadd.s32 $0x11000, s0;
	v17 =	vnsel vm12, $0x2FF, v17;
	[tilespmem:s17+$0x100] =	vst v11;
	v20 =	vld.idx.msk [tilespmem:v24+s4+$0x0], $0xffff;
	v11 =	vmul.f32 v13, v6;
	v13 =	vadd.s32 $0xFFF01880, v8  }
0x49a: {  	s1 =	simm.s32 $0x180;
	v23 =	vand.u32 $0xFFFFFC00, v23;
	s0 =	simm.s32 $0x30;
	v24 =	vshll.u32 v17, $0x3;
	v25 =	vld.idx.msk [tilespmem:v25+s4+$0x0], $0xffff;
	[tilespmem:s18+$0x80] =	vst v10;
	v10 =	vor.u32 $0x80, v7  }
0x49b: {  	s12 =	sand.u32 $0x1C00, s1;
	s22 =	sand.u32 $0x70, s0;
	v17 =	vand.u32 $0x7F, v17;
	v24 =	vand.u32 $0xFFFFFC00, v24;
	v27 =	vadd.f32 v11, v12;
	v22 =	vld.idx.msk [tilespmem:v22+s4+$0x0], $0xffff  }
0x49c: {  	s2 =	sor.u32 s22, s12;
	v12 =	vor.u32 v16, v23;
	v11 =	vor.u32 v17, v24;
	v15 =	vld.idx.msk [tilespmem:v15+s4+$0x0], $0xffff  }
0x49d: {  	v16 =	vadd.s32 $0xFFFE0301, v26;
	v17 =	vld.idx.msk [tilespmem:v21+s4+$0x0], $0xffff;
	v21 =	vadd.s32 $0xFFF01800, v12;
	[tilespmem:s2+$0x11000] =	vst v27  }
0x49e: {  	vm13 =	vlt.s32 v16, $0x2FF;
	v23 =	vld.idx.msk [tilespmem:v13+s4+$0x0], $0xffff  }
0x49f: {  	v16 =	vnsel vm13, $0x2FF, v16;
	v13 =	vsub.f32 v20, v14;
	v24 =	vld.idx.msk [tilespmem:v10+s4+$0x0], $0xffff  }
0x4a0: {  	v20 =	vand.u32 $0x7F, v16;
	v10 =	vshll.u32 v16, $0x3;
	v16 =	vadd.s32 $0xFFF01A80, v18  }
0x4a1: {  	v27 =	vmul.f32 v13, v0;
	v28 =	vld.idx.msk [tilespmem:v11+s4+$0x0], $0xffff;
	v10 =	vand.u32 $0xFFFFFC00, v10;
	v15 =	vsub.f32 v15, v22  }
0x4a2: {  	v29 =	vor.u32 $0x280, v19;
	s23 =	simm.s32 $0xF840;
	v17 =	vsub.f32 v17, v25;
	v13 =	vor.u32 v20, v10;
	v20 =	vld.idx.msk [tilespmem:v21+s4+$0x0], $0xffff  }
0x4a3: {  	s24 =	simm.s32 $0xE060;
	v10 =	vld [tilespmem:s23+$0x0];
	v21 =	vadd.s32 $0xFFF01980, v9;
	v14 =	vadd.f32 v27, v14;
	v15 =	vmul.f32 v15, v3  }
0x4a4: {  	v30 =	vadd.s32 $0xFFF01A00, v4;
	v27 =	vld [tilespmem:s24+$0x0];
	v17 =	vmul.f32 v17, v1;
	s24 =	simm.s32 $0xE070;
	v24 =	vsub.f32 v24, v23  }
0x4a5: {  	v36 =	vld [tilespmem:s24+$0x0];
	[tilespmem:s15+$0x200] =	vst v14;
	v14 =	vadd.f32 v15, v22;
	v22 =	vor.u32 $0x200, v2  }
0x4a6: {  	v17 =	vadd.f32 v17, v25;
	v16 =	vld.idx.msk [tilespmem:v16+s4+$0x0], $0xffff;
	v15 =	vmul.f32 v24, v6;
	v24 =	vadd.s32 $0xFFF01900, v8  }
0x4a7: {  	v25 =	vld.idx.msk [tilespmem:v29+s4+$0x0], $0xffff;
	v28 =	vsub.f32 v28, v20;
	[tilespmem:s18+$0x100] =	vst v14;
	v14 =	vor.u32 $0x100, v7  }
0x4a8: {  	v32 =	vor.u32 $0x180, v5;
	v29 =	vshll.u32 v26, $0x3;
	[tilespmem:s17+$0x180] =	vst v17;
	v23 =	vadd.f32 v15, v23;
	v21 =	vld.idx.msk [tilespmem:v21+s4+$0x0], $0xffff  }
0x4a9: {  	s19 =	sadd.s32 $0x11000, s2;
	v15 =	vand.u32 $0xFFFFFC00, v29;
	v17 =	vmul.f32 v28, v10;
	v28 =	vadd.s32 $0xFFF01880, v12;
	v29 =	vld.idx.msk [tilespmem:v30+s4+$0x0], $0xffff  }
0x4aa: {  	s21 =	simm.s32 $0x200;
	s25 =	simm.s32 $0x40;
	[tilespmem:s19+$0x80] =	vst v23;
	v23 =	vor.u32 $0x80, v11;
	v22 =	vld.idx.msk [tilespmem:v22+s4+$0x0], $0xffff  }
0x4ab: {  	s26 =	sand.u32 $0x70, s25;
	s13 =	sand.u32 $0x1C00, s21;
	v26 =	vand.u32 $0x7F, v26;
	v17 =	vadd.f32 v17, v20;
	v20 =	vadd.s32 $0xFFFE0301, v27;
	v24 =	vld.idx.msk [tilespmem:v24+s4+$0x0], $0xffff  }
0x4ac: {  	s22 =	sor.u32 s26, s13;
	v15 =	vor.u32 v26, v15;
	v25 =	vsub.f32 v25, v16;
	vm14 =	vlt.s32 v20, $0x2FF;
	v30 =	vld.idx.msk [tilespmem:v14+s4+$0x0], $0xffff  }
0x4ad: {  	v33 =	vadd.s32 $0xFFF01B00, v18;
	v32 =	vld.idx.msk [tilespmem:v32+s4+$0x0], $0xffff;
	v26 =	vadd.s32 $0xFFF01800, v15;
	v14 =	vnsel vm14, $0x2FF, v20;
	[tilespmem:s22+$0x11000] =	vst v17  }
0x4ae: {  	v17 =	vmul.f32 v25, v0;
	v25 =	vand.u32 $0x7F, v14;
	v14 =	vshll.u32 v14, $0x3;
	v28 =	vld.idx.msk [tilespmem:v28+s4+$0x0], $0xffff  }
0x4af: {  	v20 =	vor.u32 $0x300, v19;
	v34 =	vand.u32 $0xFFFFFC00, v14;
	v23 =	vld.idx.msk [tilespmem:v23+s4+$0x0], $0xffff;
	v22 =	vsub.f32 v22, v29  }
0x4b0: {  	v55 =	vor.u32 $0x280, v2;
	s31 =	simm.s32 $0xF850;
	v31 =	vld.idx.msk [tilespmem:v13+s4+$0x0], $0xffff;
	v17 =	vadd.f32 v17, v16;
	v16 =	vor.u32 v25, v34  }
0x4b1: {  	v14 =	vld [tilespmem:s31+$0x0];
	v25 =	vadd.s32 $0xFFF01A80, v4;
	v30 =	vsub.f32 v30, v24;
	v22 =	vmul.f32 v22, v1  }
0x4b2: {  	v56 =	vadd.s32 $0xFFF01980, v8;
	v35 =	vshll.u32 v27, $0x3;
	v26 =	vld.idx.msk [tilespmem:v26+s4+$0x0], $0xffff;
	[tilespmem:s15+$0x280] =	vst v17;
	v17 =	vand.u32 $0x7F, v27  }
0x4b3: {  	v27 =	vsub.f32 v32, v21;
	v33 =	vld.idx.msk [tilespmem:v33+s4+$0x0], $0xffff;
	v30 =	vmul.f32 v30, v6;
	v22 =	vadd.f32 v22, v29  }
0x4b4: {  	v38 =	vadd.s32 $0xFFF01A00, v9;
	v37 =	vor.u32 $0x180, v7;
	v20 =	vld.idx.msk [tilespmem:v20+s4+$0x0], $0xffff;
	v23 =	vsub.f32 v23, v28  }
0x4b5: {  	v57 =	vadd.s32 $0xFFF01900, v12;
	v27 =	vmul.f32 v27, v3;
	v29 =	vld.idx.msk [tilespmem:v16+s4+$0x0], $0xffff;
	v24 =	vadd.f32 v30, v24;
	[tilespmem:s17+$0x200] =	vst v22  }
0x4b6: {  	v39 =	vor.u32 $0x100, v11;
	v30 =	vor.u32 $0x200, v5;
	v22 =	vmul.f32 v23, v10;
	v23 =	vld.idx.msk [tilespmem:v25+s4+$0x0], $0xffff  }
0x4b7: {  	v58 =	vor.u32 $0x80, v13;
	v41 =	vshll.u32 v36, $0x3;
	v21 =	vadd.f32 v27, v21;
	v32 =	vld.idx.msk [tilespmem:v55+s4+$0x0], $0xffff;
	[tilespmem:s19+$0x100] =	vst v24  }
0x4b8: {  	v35 =	vand.u32 $0xFFFFFC00, v35;
	v61 =	vand.u32 $0xFFFFFC00, v41;
	v25 =	vsub.f32 v31, v26;
	v24 =	vld.idx.msk [tilespmem:v56+s4+$0x0], $0xffff  }
0x4b9: {  	s11 =	sor.u32 s8, s11;
	v19 =	vor.u32 $0x380, v19;
	v27 =	vadd.s32 $0xFFF01B80, v18;
	[tilespmem:s18+$0x180] =	vst v21;
	v31 =	vadd.f32 v22, v28;
	v40 =	vld.idx.msk [tilespmem:v37+s4+$0x0], $0xffff  }
0x4ba: {  	s8 =	sor.u32 s1, s0;
	s1 =	simm.s32 $0x50;
	s22 =	sadd.s32 $0x11000, s22;
	v20 =	vsub.f32 v20, v33;
	v21 =	vadd.s32 $0xFFF01880, v15;
	v18 =	vmul.f32 v25, v14;
	v28 =	vld.idx.msk [tilespmem:v38+s4+$0x0], $0xffff  }
0x4bb: {  	s12 =	sor.u32 s16, s14;
	s14 =	sor.u32 s20, s3;
	s20 =	simm.s32 $0x280;
	v17 =	vor.u32 v17, v35;
	v25 =	vadd.s32 $0xFFF01B00, v4;
	v22 =	vor.u32 $0x300, v2;
	[tilespmem:s22+$0x80] =	vst v31;
	v31 =	vld.idx.msk [tilespmem:v30+s4+$0x0], $0xffff  }
0x4bc: {  	s0 =	simm.s32 $0x70;
	s26 =	sand.u32 $0x70, s1;
	s31 =	sand.u32 $0x1C00, s20;
	v59 =	vmul.f32 v20, v0;
	v26 =	vadd.f32 v18, v26;
	v18 =	vadd.s32 $0xFFFE0301, v36;
	v30 =	vld.idx.msk [tilespmem:v57+s4+$0x0], $0xffff  }
0x4bd: {  	s16 =	sor.u32 s21, s25;
	s3 =	simm.s32 $0xF860;
	s28 =	sor.u32 s26, s31;
	v20 =	vadd.s32 $0xFFF01800, v17;
	vm15 =	vlt.s32 v18, $0x2FF;
	v34 =	vld.idx.msk [tilespmem:v39+s4+$0x0], $0xffff;
	v32 =	vsub.f32 v32, v23  }
0x4be: {  	s21 =	sor.u32 $0x380, s11;
	s29 =	sand.u32 $0x70, s0;
	s23 =	simm.s32 $0x60;
	v36 =	vand.u32 $0x7F, v36;
	v62 =	vadd.f32 v59, v33;
	v60 =	vnsel vm15, $0x2FF, v18;
	v18 =	vld [tilespmem:s3+$0x0];
	[tilespmem:s28+$0x11000] =	vst v26  }
0x4bf: {  	s11 =	sor.u32 $0x380, s12;
	s25 =	sand.u32 $0x70, s23;
	s26 =	simm.s32 $0x300;
	v26 =	vand.u32 $0x7F, v60;
	v63 =	vshll.u32 v60, $0x3;
	v35 =	vld.idx.msk [tilespmem:v21+s4+$0x0], $0xffff;
	v32 =	vmul.f32 v32, v1  }
0x4c0: {  	s20 =	sor.u32 s20, s1;
	s23 =	sor.u32 s26, s23;
	[tilespmem:s15+$0x300] =	vst v62;
	s15 =	simm.s32 $0x70;
	v21 =	vor.u32 v36, v61;
	v36 =	vld.idx.msk [tilespmem:v58+s4+$0x0], $0xffff;
	v33 =	vsub.f32 v40, v24;
	v37 =	vand.u32 $0xFFFFFC00, v63  }
.LBB2_15:
0x4c1: {  	s0 =	sadd.s32 $0x10, s0;
	v26 =	vor.u32 v26, v37;
	v31 =	vsub.f32 v31, v28;
	v23 =	vadd.f32 v32, v23;
	v32 =	vld.idx.msk [tilespmem:v27+s4+$0x0], $0xffff;
	s1 =	smov.u32 s19;
	s19 =	smov.u32 s22  }
0x4c2: {  	v27 =	vadd.s32 $0xFFF01A80, v9;
	v38 =	vmov v17;
	v17 =	vmov v21;
	s31 =	smov.u32 s14;
	s2 =	sand.u32 $0x70, s0;
	p0 =	slt.u32 s0, $0x270;
	v37 =	vld.idx.msk [tilespmem:v19+s4+$0x0], $0xffff  }
0x4c3: {  	s14 =	smov.u32 s8;
	s8 =	smov.u32 s16;
	s16 =	smov.u32 s20;
	v21 =	vsub.f32 v34, v30;
	v34 =	vor.u32 $0x280, v5;
	v20 =	vld.idx.msk [tilespmem:v20+s4+$0x0], $0xffff;
	v31 =	vmul.f32 v31, v3;
	[tilespmem:s17+$0x280] =	vst v23  }
0x4c4: {  	s20 =	smov.u32 s23;
	v19 =	vor.u32 $0x380, v2;
	v2 =	vmovc v5;
	v5 =	vmovc v7;
	v7 =	vmov v11;
	v11 =	vmov v13;
	v39 =	vld.idx.msk [tilespmem:v25+s4+$0x0], $0xffff  }
0x4c5: {  	s24 =	sadd.s32 $0x10, s24;
	v13 =	vmovc v16;
	v21 =	vmul.f32 v21, v10;
	v25 =	vadd.s32 $0xFFF01980, v12;
	v23 =	vadd.f32 v31, v28;
	v22 =	vld.idx.msk [tilespmem:v22+s4+$0x0], $0xffff  }
0x4c6: {  	v16 =	vmovc v26;
	v28 =	vsub.f32 v36, v35;
	v31 =	vor.u32 $0x180, v7;
	v36 =	vadd.s32 $0xFFF01A00, v8;
	v40 =	vld [tilespmem:s24+$0x0]  }
0x4c7: {  	v21 =	vadd.f32 v21, v30;
	v30 =	vmul.f32 v33, v6;
	v33 =	vor.u32 $0x200, v5;
	v26 =	vld.idx.msk [tilespmem:v26+s4+$0x0], $0xffff;
	[tilespmem:s18+$0x200] =	vst v23  }
0x4c8: {  	s3 =	sadd.s32 $0x10, s3;
	v28 =	vmul.f32 v28, v14;
	v37 =	vsub.f32 v37, v32;
	v23 =	vld.idx.msk [tilespmem:v27+s4+$0x0], $0xffff;
	v27 =	vadd.s32 $0xFFF01B80, v4;
	v4 =	vmovc v9  }
0x4c9: {  	v41 =	vadd.s32 $0xFFF01900, v15;
	v9 =	vsub.f32 v29, v20;
	[tilespmem:s19+$0x100] =	vst v21;
	v21 =	vadd.f32 v30, v24;
	v42 =	vld.idx.msk [tilespmem:v34+s4+$0x0], $0xffff  }
0x4ca: {  	v28 =	vadd.f32 v28, v35;
	v34 =	vor.u32 $0x100, v11;
	v30 =	vmul.f32 v37, v0;
	v0 =	vmovc v1;
	v24 =	vld.idx.msk [tilespmem:v25+s4+$0x0], $0xffff  }
0x4cb: {  	s22 =	sadd.s32 $0x11000, s28;
	v9 =	vmul.f32 v9, v18;
	v25 =	vadd.s32 $0xFFF01B00, v4;
	v43 =	vld.idx.msk [tilespmem:v31+s4+$0x0], $0xffff;
	[tilespmem:s1+$0x180] =	vst v21;
	v21 =	vsub.f32 v22, v39  }
0x4cc: {  	v35 =	vadd.s32 $0xFFF01880, v38;
	v1 =	vmovc v3;
	v22 =	vor.u32 $0x300, v2;
	v32 =	vadd.f32 v30, v32;
	[tilespmem:s22+$0x80] =	vst v28;
	v28 =	vld.idx.msk [tilespmem:v36+s4+$0x0], $0xffff  }
0x4cd: {  	v44 =	vadd.f32 v9, v20;
	v36 =	vor.u32 $0x80, v13;
	v29 =	vmovc v26;
	v31 =	vld.idx.msk [tilespmem:v33+s4+$0x0], $0xffff;
	v21 =	vmul.f32 v21, v0  }
.Ltmp9:
0x4ce: {  	s12 =	sand.u32 $0x1C00, s26;
	v3 =	vmovc v6;
	v6 =	vmovc v10;
	v26 =	vadd.s32 $0xFFFE0301, v40;
	v20 =	vadd.s32 $0xFFF01800, v17;
	v33 =	vshll.u32 v40, $0x3;
	v30 =	vld.idx.msk [tilespmem:v41+s4+$0x0], $0xffff;
	[tilespmem:s21+$0x11000] =	vst v32;
	s21 =	smov.u32 s11;
	(pc) =	sbr.rel @p0 .LBB2_15-.Ltmp9, $4  }
0x4cf: {  	s26 =	sadd.s32 $0x80, s26;
	s28 =	sor.u32 s25, s12;
	s25 =	smov.u32 s29;
	v10 =	vmovc v14;
	v14 =	vmovc v18;
	v37 =	vand.u32 $0x7F, v40;
	vm0 =	vlt.s32 v26, $0x2FF;
	v32 =	vsub.f32 v42, v23;
	v34 =	vld.idx.msk [tilespmem:v34+s4+$0x0], $0xffff  }
0x4d0: {  	s23 =	sor.u32 s26, s15;
	s15 =	smov.u32 s0;
	s29 =	smov.u32 s2;
	v40 =	vnsel vm0, $0x2FF, v26;
	v33 =	vand.u32 $0xFFFFFC00, v33;
	v9 =	vmovc v8;
	v8 =	vmovc v12;
	v39 =	vadd.f32 v21, v39;
	v18 =	vld [tilespmem:s3+$0x0];
	[tilespmem:s28+$0x11000] =	vst v44  }
0x4d1: {  	v12 =	vmovc v15;
	v15 =	vmovc v38;
	v26 =	vand.u32 $0x7F, v40;
	v40 =	vshll.u32 v40, $0x3;
	v32 =	vmul.f32 v32, v1;
	v35 =	vld.idx.msk [tilespmem:v35+s4+$0x0], $0xffff  }
0x4d2: {  	s11 =	sor.u32 $0x380, s31;
	v21 =	vor.u32 v37, v33;
	v37 =	vand.u32 $0xFFFFFC00, v40;
	v33 =	vsub.f32 v43, v24;
	v36 =	vld.idx.msk [tilespmem:v36+s4+$0x0], $0xffff;
	[tilespmem:s17+$0x300] =	vst v39;
	s17 =	smov.u32 s18;
	s18 =	smov.u32 s1  }
0x4d3: {  	v26 =	vor.u32 v26, v37  }
0x4d4: {  	v45 =	vadd.s32 $0xFFF01800, v21;
	_ =	sdelay $0x2  }
0x4d5: {  	v38 =	vld.idx.msk [tilespmem:v20+s4+$0x0], $0xffff  }
0x4d6: {  	v39 =	vld.idx.msk [tilespmem:v26+s4+$0x0], $0xffff  }
0x4d7: {  	v37 =	vld.idx.msk [tilespmem:v45+s4+$0x0], $0xffff  }
0x4d8: {  	s0 =	sadd.s32 $0x10, s3  }
0x4d9: {  	v20 =	vld [tilespmem:s0+$0x0]  }
0x4da: {  	v29 =	vsub.f32 v29, v38;
	_ =	sdelay $0x1  }
0x4db: {  	v40 =	vadd.s32 $0xFFF01880, v17;
	v29 =	vmul.f32 v29, v18;
	v39 =	vsub.f32 v39, v37  }
0x4dc: {  	v41 =	vor.u32 $0x80, v16  }
0x4dd: {  	s2 =	sand.u32 $0x1C00, s26;
	v47 =	vadd.s32 $0xFFF01880, v21;
	v29 =	vadd.f32 v29, v38;
	v46 =	vmul.f32 v39, v20  }
0x4de: {  	s24 =	sadd.s32 $0x80, s26;
	s0 =	sor.u32 s25, s2;
	v42 =	vor.u32 $0x80, v26  }
0x4df: {  	s1 =	sand.u32 $0x1C00, s24;
	[tilespmem:s0+$0x11000] =	vst v29;
	v48 =	vadd.f32 v46, v37  }
0x4e0: {  	s1 =	sor.u32 s29, s1;
	v49 =	vld.idx.msk [tilespmem:v40+s4+$0x0], $0xffff  }
0x4e1: {  	v50 =	vld.idx.msk [tilespmem:v41+s4+$0x0], $0xffff;
	[tilespmem:s1+$0x11000] =	vst v48  }
0x4e2: {  	v36 =	vsub.f32 v36, v35;
	v29 =	vld.idx.msk [tilespmem:v47+s4+$0x0], $0xffff  }
0x4e3: {  	v51 =	vld.idx.msk [tilespmem:v42+s4+$0x0], $0xffff  }
0x4e4: {  	v52 =	vadd.s32 $0xFFF01900, v15;
	v36 =	vmul.f32 v36, v14  }
0x4e5: {  	v53 =	vor.u32 $0x100, v13  }
0x4e6: {  	v54 =	vadd.f32 v36, v35;
	v38 =	vsub.f32 v50, v49  }
0x4e7: {  	s3 =	sadd.s32 $0x11000, s28  }
0x4e8: {  	v56 =	vadd.s32 $0xFFF01900, v17;
	[tilespmem:s3+$0x80] =	vst v54;
	v55 =	vmul.f32 v38, v18;
	v39 =	vsub.f32 v51, v29  }
0x4e9: {  	v57 =	vor.u32 $0x100, v16;
	v40 =	vld.idx.msk [tilespmem:v52+s4+$0x0], $0xffff  }
0x4ea: {  	v59 =	vadd.s32 $0xFFF01900, v21;
	v41 =	vld.idx.msk [tilespmem:v53+s4+$0x0], $0xffff;
	v36 =	vadd.f32 v55, v49;
	v58 =	vmul.f32 v39, v20  }
0x4eb: {  	v60 =	vor.u32 $0x100, v26;
	s12 =	sadd.s32 $0x11000, s0  }
0x4ec: {  	[tilespmem:s12+$0x80] =	vst v36;
	v29 =	vadd.f32 v58, v29  }
0x4ed: {  	v34 =	vsub.f32 v34, v30;
	s13 =	sadd.s32 $0x11000, s1;
	v36 =	vld.idx.msk [tilespmem:v56+s4+$0x0], $0xffff  }
0x4ee: {  	v35 =	vld.idx.msk [tilespmem:v57+s4+$0x0], $0xffff;
	[tilespmem:s13+$0x80] =	vst v29  }
0x4ef: {  	v34 =	vmul.f32 v34, v10;
	v45 =	vor.u32 $0x180, v11;
	v62 =	vsub.f32 v41, v40;
	v29 =	vld.idx.msk [tilespmem:v59+s4+$0x0], $0xffff  }
0x4f0: {  	v61 =	vadd.s32 $0xFFF01980, v12;
	v63 =	vld.idx.msk [tilespmem:v60+s4+$0x0], $0xffff  }
0x4f1: {  	v46 =	vadd.f32 v34, v30;
	v48 =	vadd.s32 $0xFFF01980, v15;
	v47 =	vmul.f32 v62, v14  }
0x4f2: {  	v49 =	vor.u32 $0x180, v13  }
0x4f3: {  	[tilespmem:s22+$0x100] =	vst v46;
	v50 =	vadd.f32 v47, v40;
	v35 =	vsub.f32 v35, v36  }
0x4f4: {  	v53 =	vld.idx.msk [tilespmem:v45+s4+$0x0], $0xffff  }
0x4f5: {  	v52 =	vadd.s32 $0xFFF01980, v17;
	v51 =	vld.idx.msk [tilespmem:v61+s4+$0x0], $0xffff;
	[tilespmem:s3+$0x100] =	vst v50;
	v35 =	vmul.f32 v35, v18;
	v39 =	vsub.f32 v63, v29  }
0x4f6: {  	v23 =	vadd.f32 v32, v23;
	v33 =	vmul.f32 v33, v6;
	v54 =	vor.u32 $0x180, v16;
	v38 =	vld.idx.msk [tilespmem:v48+s4+$0x0], $0xffff  }
0x4f7: {  	v56 =	vadd.s32 $0xFFF01980, v21;
	v57 =	vld.idx.msk [tilespmem:v49+s4+$0x0], $0xffff;
	v35 =	vadd.f32 v35, v36;
	v55 =	vmul.f32 v39, v20  }
0x4f8: {  	[tilespmem:s17+$0x280] =	vst v23;
	v33 =	vadd.f32 v33, v24;
	v24 =	vld.idx.msk [tilespmem:v27+s4+$0x0], $0xffff;
	v58 =	vor.u32 $0x180, v26  }
0x4f9: {  	v25 =	vld.idx.msk [tilespmem:v25+s4+$0x0], $0xffff;
	[tilespmem:s12+$0x100] =	vst v35;
	v29 =	vadd.f32 v55, v29  }
0x4fa: {  	v61 =	vor.u32 $0x200, v7;
	v40 =	vsub.f32 v53, v51;
	v60 =	vld.idx.msk [tilespmem:v52+s4+$0x0], $0xffff  }
0x4fb: {  	v59 =	vadd.s32 $0xFFF01A00, v8;
	v30 =	vld.idx.msk [tilespmem:v54+s4+$0x0], $0xffff;
	[tilespmem:s13+$0x100] =	vst v29  }
0x4fc: {  	v43 =	vadd.s32 $0xFFF01A00, v12;
	v40 =	vmul.f32 v40, v10;
	v41 =	vsub.f32 v57, v38;
	v39 =	vld.idx.msk [tilespmem:v56+s4+$0x0], $0xffff  }
0x4fd: {  	v31 =	vsub.f32 v31, v28;
	v44 =	vor.u32 $0x200, v11;
	v42 =	vld.idx.msk [tilespmem:v58+s4+$0x0], $0xffff  }
0x4fe: {  	v22 =	vld.idx.msk [tilespmem:v22+s4+$0x0], $0xffff;
	[tilespmem:s19+$0x180] =	vst v33;
	v47 =	vadd.s32 $0xFFF01A00, v15;
	v46 =	vadd.f32 v40, v51;
	v48 =	vmul.f32 v41, v14  }
0x4ff: {  	v31 =	vmul.f32 v31, v3;
	v50 =	vor.u32 $0x200, v13;
	v49 =	vld.idx.msk [tilespmem:v61+s4+$0x0], $0xffff  }
0x500: {  	v51 =	vor.u32 $0x280, v5;
	[tilespmem:s22+$0x180] =	vst v46;
	v45 =	vld.idx.msk [tilespmem:v59+s4+$0x0], $0xffff;
	v52 =	vadd.f32 v48, v38;
	v30 =	vsub.f32 v30, v60  }
0x501: {  	v62 =	vadd.s32 $0xFFF01A80, v9;
	v63 =	vadd.f32 v31, v28;
	v53 =	vld.idx.msk [tilespmem:v43+s4+$0x0], $0xffff  }
0x502: {  	v28 =	vld.idx.msk [tilespmem:v44+s4+$0x0], $0xffff;
	v54 =	vadd.s32 $0xFFF01A00, v17;
	[tilespmem:s3+$0x180] =	vst v52;
	v30 =	vmul.f32 v30, v18;
	v55 =	vsub.f32 v42, v39  }
0x503: {  	v34 =	vld.idx.msk [tilespmem:v47+s4+$0x0], $0xffff;
	v56 =	vor.u32 $0x200, v16  }
0x504: {  	v57 =	vadd.s32 $0xFFF01A00, v21;
	[tilespmem:s18+$0x200] =	vst v63;
	v37 =	vld.idx.msk [tilespmem:v50+s4+$0x0], $0xffff;
	v30 =	vadd.f32 v30, v60;
	v41 =	vmul.f32 v55, v20  }
0x505: {  	v22 =	vsub.f32 v22, v25;
	v59 =	vld.idx.msk [tilespmem:v51+s4+$0x0], $0xffff;
	v58 =	vor.u32 $0x200, v26  }
0x506: {  	v27 =	vsub.f32 v49, v45;
	v29 =	vld.idx.msk [tilespmem:v62+s4+$0x0], $0xffff;
	[tilespmem:s12+$0x180] =	vst v30;
	v39 =	vadd.f32 v41, v39  }
0x507: {  	v4 =	vadd.s32 $0xFFF01B80, v4;
	v22 =	vmul.f32 v22, v1;
	v38 =	vld.idx.msk [tilespmem:v54+s4+$0x0], $0xffff  }
0x508: {  	v61 =	vor.u32 $0x280, v7;
	v28 =	vsub.f32 v28, v53;
	v27 =	vmul.f32 v27, v6;
	v33 =	vld.idx.msk [tilespmem:v56+s4+$0x0], $0xffff;
	[tilespmem:s13+$0x180] =	vst v39  }
0x509: {  	v22 =	vadd.f32 v22, v25;
	v44 =	vsub.f32 v37, v34;
	v60 =	vadd.s32 $0xFFF01A80, v8;
	v62 =	vld.idx.msk [tilespmem:v57+s4+$0x0], $0xffff  }
0x50a: {  	v63 =	vadd.s32 $0xFFF01A80, v12;
	v28 =	vmul.f32 v28, v10;
	v27 =	vadd.f32 v27, v45;
	v45 =	vld.idx.msk [tilespmem:v58+s4+$0x0], $0xffff  }
0x50b: {  	v19 =	vld.idx.msk [tilespmem:v19+s4+$0x0], $0xffff;
	[tilespmem:s17+$0x300] =	vst v22;
	v48 =	vadd.s32 $0xFFF01A80, v15;
	v36 =	vmul.f32 v44, v14  }
0x50c: {  	v4 =	vld.idx.msk [tilespmem:v4+s4+$0x0], $0xffff;
	v49 =	vor.u32 $0x280, v13;
	v28 =	vadd.f32 v28, v53;
	[tilespmem:s19+$0x200] =	vst v27;
	v30 =	vsub.f32 v59, v29  }
0x50d: {  	v46 =	vor.u32 $0x280, v11;
	v32 =	vld.idx.msk [tilespmem:v61+s4+$0x0], $0xffff;
	v34 =	vadd.f32 v36, v34;
	v33 =	vsub.f32 v33, v38  }
0x50e: {  	v50 =	vadd.s32 $0xFFF01B00, v9;
	[tilespmem:s22+$0x200] =	vst v28;
	v30 =	vmul.f32 v30, v3;
	v47 =	vld.idx.msk [tilespmem:v60+s4+$0x0], $0xffff  }
0x50f: {  	v51 =	vadd.s32 $0xFFF01A80, v17;
	v23 =	vld.idx.msk [tilespmem:v63+s4+$0x0], $0xffff;
	[tilespmem:s3+$0x200] =	vst v34;
	v33 =	vmul.f32 v33, v18;
	v37 =	vsub.f32 v45, v62  }
0x510: {  	v52 =	vor.u32 $0x280, v16;
	v29 =	vadd.f32 v30, v29;
	v34 =	vld.idx.msk [tilespmem:v48+s4+$0x0], $0xffff  }
0x511: {  	v53 =	vadd.s32 $0xFFF01A80, v21;
	v55 =	vld.idx.msk [tilespmem:v49+s4+$0x0], $0xffff;
	v33 =	vadd.f32 v33, v38;
	v37 =	vmul.f32 v37, v20  }
0x512: {  	v27 =	vld.idx.msk [tilespmem:v46+s4+$0x0], $0xffff;
	v56 =	vor.u32 $0x280, v26;
	[tilespmem:s18+$0x280] =	vst v29  }
0x513: {  	v57 =	vor.u32 $0x300, v5;
	v28 =	vld.idx.msk [tilespmem:v50+s4+$0x0], $0xffff;
	v54 =	vsub.f32 v32, v47;
	[tilespmem:s12+$0x200] =	vst v33;
	v31 =	vadd.f32 v37, v62  }
0x514: {  	v2 =	vor.u32 $0x380, v2;
	v33 =	vld.idx.msk [tilespmem:v51+s4+$0x0], $0xffff  }
0x515: {  	v58 =	vadd.s32 $0xFFF01B00, v8;
	v29 =	vmul.f32 v54, v6;
	v30 =	vld.idx.msk [tilespmem:v52+s4+$0x0], $0xffff;
	[tilespmem:s13+$0x200] =	vst v31  }
0x516: {  	v59 =	vor.u32 $0x300, v7;
	v32 =	vsub.f32 v55, v34;
	v35 =	vld.idx.msk [tilespmem:v53+s4+$0x0], $0xffff  }
0x517: {  	v29 =	vadd.f32 v29, v47;
	v38 =	vld.idx.msk [tilespmem:v56+s4+$0x0], $0xffff  }
0x518: {  	v63 =	vadd.s32 $0xFFF01B00, v15;
	v27 =	vsub.f32 v27, v23;
	v61 =	vld.idx.msk [tilespmem:v57+s4+$0x0], $0xffff;
	v41 =	vmul.f32 v32, v14  }
0x519: {  	v2 =	vld.idx.msk [tilespmem:v2+s4+$0x0], $0xffff;
	v43 =	vor.u32 $0x300, v13;
	v60 =	vadd.s32 $0xFFF01B00, v12;
	[tilespmem:s19+$0x280] =	vst v29  }
0x51a: {  	v27 =	vmul.f32 v27, v10;
	v29 =	vadd.f32 v41, v34;
	v42 =	vld.idx.msk [tilespmem:v58+s4+$0x0], $0xffff;
	v30 =	vsub.f32 v30, v33  }
0x51b: {  	v46 =	vadd.s32 $0xFFF01B00, v17;
	v62 =	vor.u32 $0x300, v11;
	v44 =	vld.idx.msk [tilespmem:v59+s4+$0x0], $0xffff  }
0x51c: {  	v23 =	vadd.f32 v27, v23;
	[tilespmem:s3+$0x280] =	vst v29;
	v30 =	vmul.f32 v30, v18;
	v47 =	vsub.f32 v38, v35  }
0x51d: {  	v50 =	vor.u32 $0x300, v16;
	v48 =	vsub.f32 v61, v28;
	v27 =	vld.idx.msk [tilespmem:v63+s4+$0x0], $0xffff  }
0x51e: {  	[tilespmem:s22+$0x280] =	vst v23;
	v51 =	vadd.s32 $0xFFF01B00, v21;
	v52 =	vld.idx.msk [tilespmem:v43+s4+$0x0], $0xffff;
	v30 =	vadd.f32 v30, v33;
	v37 =	vmul.f32 v47, v20  }
0x51f: {  	v45 =	vld.idx.msk [tilespmem:v60+s4+$0x0], $0xffff;
	v53 =	vor.u32 $0x300, v26;
	v25 =	vmul.f32 v48, v3  }
0x520: {  	v55 =	vadd.s32 $0xFFF01B80, v9;
	v49 =	vld.idx.msk [tilespmem:v62+s4+$0x0], $0xffff;
	v23 =	vsub.f32 v44, v42;
	[tilespmem:s12+$0x280] =	vst v30;
	v54 =	vadd.f32 v37, v35  }
0x521: {  	v56 =	vor.u32 $0x380, v5;
	v34 =	vld.idx.msk [tilespmem:v46+s4+$0x0], $0xffff  }
0x522: {  	v58 =	vadd.s32 $0xFFF01B80, v8;
	v25 =	vadd.f32 v25, v28;
	v23 =	vmul.f32 v23, v6;
	v57 =	vld.idx.msk [tilespmem:v50+s4+$0x0], $0xffff;
	[tilespmem:s13+$0x280] =	vst v54  }
0x523: {  	v60 =	vor.u32 $0x380, v7;
	v22 =	vsub.f32 v52, v27;
	v30 =	vld.idx.msk [tilespmem:v51+s4+$0x0], $0xffff  }
0x524: {  	[tilespmem:s18+$0x300] =	vst v25;
	v23 =	vadd.f32 v23, v42;
	v61 =	vld.idx.msk [tilespmem:v53+s4+$0x0], $0xffff  }
0x525: {  	v32 =	vadd.s32 $0xFFF01B80, v15;
	v9 =	vld.idx.msk [tilespmem:v55+s4+$0x0], $0xffff;
	v22 =	vmul.f32 v22, v14;
	v59 =	vsub.f32 v49, v45  }
0x526: {  	v36 =	vor.u32 $0x380, v13;
	v62 =	vadd.s32 $0xFFF01B80, v12;
	v5 =	vld.idx.msk [tilespmem:v56+s4+$0x0], $0xffff;
	[tilespmem:s19+$0x300] =	vst v23  }
0x527: {  	v22 =	vadd.f32 v22, v27;
	v63 =	vmul.f32 v59, v10;
	v8 =	vld.idx.msk [tilespmem:v58+s4+$0x0], $0xffff;
	v35 =	vsub.f32 v57, v34  }
0x528: {  	v29 =	vor.u32 $0x380, v11;
	v7 =	vld.idx.msk [tilespmem:v60+s4+$0x0], $0xffff;
	v37 =	vadd.s32 $0xFFF01B80, v17  }
0x529: {  	[tilespmem:s3+$0x300] =	vst v22;
	v31 =	vadd.f32 v63, v45;
	v38 =	vmul.f32 v35, v18;
	v39 =	vsub.f32 v61, v30  }
0x52a: {  	v40 =	vor.u32 $0x380, v16;
	v15 =	vld.idx.msk [tilespmem:v32+s4+$0x0], $0xffff  }
0x52b: {  	v42 =	vadd.s32 $0xFFF01B80, v21;
	v13 =	vld.idx.msk [tilespmem:v36+s4+$0x0], $0xffff;
	[tilespmem:s22+$0x300] =	vst v31;
	v41 =	vadd.f32 v38, v34;
	v43 =	vmul.f32 v39, v20  }
0x52c: {  	v44 =	vor.u32 $0x380, v26;
	v12 =	vld.idx.msk [tilespmem:v62+s4+$0x0], $0xffff  }
0x52d: {  	v11 =	vld.idx.msk [tilespmem:v29+s4+$0x0], $0xffff;
	[tilespmem:s12+$0x300] =	vst v41;
	v45 =	vadd.f32 v43, v30  }
0x52e: {  	v17 =	vld.idx.msk [tilespmem:v37+s4+$0x0], $0xffff  }
0x52f: {  	v19 =	vsub.f32 v19, v24;
	v16 =	vld.idx.msk [tilespmem:v40+s4+$0x0], $0xffff;
	[tilespmem:s13+$0x300] =	vst v45  }
0x530: {  	v2 =	vsub.f32 v2, v4;
	v21 =	vld.idx.msk [tilespmem:v42+s4+$0x0], $0xffff  }
0x531: {  	v0 =	vmul.f32 v19, v0;
	v5 =	vsub.f32 v5, v9;
	v46 =	vld.idx.msk [tilespmem:v44+s4+$0x0], $0xffff  }
0x532: {  	v47 =	vmul.f32 v2, v1;
	v48 =	vsub.f32 v7, v8  }
0x533: {  	v0 =	vadd.f32 v0, v24;
	v49 =	vmul.f32 v5, v3;
	v51 =	vsub.f32 v13, v15  }
0x534: {  	v1 =	vadd.f32 v47, v4;
	v2 =	vmul.f32 v48, v6;
	v50 =	vsub.f32 v11, v12  }
0x535: {  	[tilespmem:s21+$0x11000] =	vst v0;
	v52 =	vadd.f32 v49, v9;
	v56 =	vmul.f32 v51, v14;
	v54 =	vsub.f32 v16, v17  }
0x536: {  	s18 =	sor.u32 $0x380, s14;
	[tilespmem:s11+$0x11000] =	vst v1;
	v55 =	vadd.f32 v2, v8;
	v53 =	vmul.f32 v50, v10;
	v57 =	vsub.f32 v46, v21  }
0x537: {  	s19 =	sor.u32 $0x380, s8;
	[tilespmem:s18+$0x11000] =	vst v52;
	v60 =	vadd.f32 v56, v15;
	v59 =	vmul.f32 v54, v18  }
0x538: {  	s22 =	sor.u32 $0x380, s20;
	[tilespmem:s19+$0x11000] =	vst v55;
	v58 =	vadd.f32 v53, v12;
	v61 =	vmul.f32 v57, v20  }
0x539: {  	s21 =	sor.u32 $0x380, s16;
	[tilespmem:s22+$0x11000] =	vst v60;
	v62 =	vadd.f32 v59, v17  }
0x53a: {  	s25 =	sor.u32 s24, s15;
	s2 =	sor.u32 $0x380, s23;
	[tilespmem:s21+$0x11000] =	vst v58;
	v63 =	vadd.f32 v61, v21  }
0x53b: {  	s0 =	sor.u32 $0x380, s25;
	[tilespmem:s2+$0x11000] =	vst v62  }
0x53c: {  	[tilespmem:s0+$0x11000] =	vst v63  }
0x53d: {  	s26 =	simm.s32 $0x11000;
	s28 =	simm.s32 $0x5;
	s0 =	rddreg [dreg:$0x13]  }
0x53e: {  	[hbm4b:s0+s4] =	stream.linear.scatter [tilespmem:s26], [sflag:$0x5], $0x1400, $0x38;
	[tilespmem:$0x1D000] =	vst v63  }
0x53f: {  	_ =	swait.ge [sflag:s28], $0x1400  }
0x540: {  	s29 =	rddreg [dreg:$0x15]  }
0x541: {  	s31 =	rddreg [dreg:$0x14];
	s2 =	sadd.s32 $0x1, s29  }
0x542: {  	p0 =	sne.s32 s2, s31  }
.Ltmp10:
0x543: {  	_ = 	snop;
	(pc) =	sbr.rel @p0 .LBB2_1-.Ltmp10, $3  }
0x544: {  	_ =	sdelay $0x1  }
0x545: {  	[sflag:s28] =	ssyncset.done $0x0  }
0x546: {  	[sflag:s28] =	ssyncadd.s32 $0xFFFFEC00  }
0x547: {  	_ =	sfence.sel $0x180000  }
0x548: {  	[bflag:$0x0] =	sbarrier.arrive $0xFFFF  }
0x549: {  	_ =	strace $0x90000047  }
0x54a: {  	s0 =	stileid.u32;
	[bflag:$0x2] =	sbarrier.arrive $0xFFFF  }
0x54b: {  	p0 =	sne.s32 s0, $0x0;
	s0 =	rddreg [dreg:$0x3]  }
0x54c: {  	s0 =	sadd.s32 @!p0 $0x100000, s0  }
0x54d: {  	[sflag:s0] =	ssyncadd.tile.s32 @!p0 $0x1;
	_ =	shalt  }
.Lfunc_end2:
_tile_overlayer_lowered:
.L_overlay_start_2:
0x54e: {  	(tag) =	ssettag $0x2  }
0x54f: {  	s0 =	rddreg [dreg:$0x0];
	s2 =	stileid.u32  }
0x550: {  	s1 =	rddreg [dreg:$0x1];
	p0 =	sne.s32 s2, $0x0  }
0x551: {  	s3 =	rddreg [dreg:$0x2];
	[bflag:$0x3] =	sbarrier.arrive $0xFFFF;
	s2 =	simm.s32 @!p0 $0x1C05  }
0x552: {  	[timem:s3], [sflag:s2] =	dma.local @!p0 [hbm:s0], s1  }
0x553: {  	s0 =	simm.s32 @!p0 $0x5  }
0x554: {  	_ =	swait.ge @!p0 [sflag:s0], s1  }
0x555: {  	s1 =	ssub.s32 @!p0 $0x0, s1;
	[sflag:s0] =	ssyncset.done @!p0 $0x0  }
0x556: {  	[sflag:s0] =	ssyncadd.s32 @!p0 s1  }
0x557: {  	[bflag:$0x3] =	sbarrier.arrive $0xFFFF  }
0x558: {  	_ =	shalt  }

// kernel: sparse-core-data-format-call.cloned.1.call-start
scs
called_computation_lowered:
.L_overlay_start_0:
0x0: {  	s2 =	sld [smem:$0x3FD9]  }
0x1: {  	s3 =	sld [smem:$0x3FFE];
	_ =	sdelay $0x1  }
0x2: {  	s1 =	srdreg.scid  }
0x3: {  	s0 =	sand.u32 $0x1, s1  }
0x4: {  	s18 =	sshll.u32 s0, $0xA;
	s2 =	sadd.s32 s3, s2  }
0x5: {  	s2 =	sadd.s32 s2, s18  }
0x6: {  	[smem:$0x3FC5] =	sst s2  }
0x7: {  	_ = 	snop  }
0x8: {  	s2 =	sld [smem:$0x3FD0];
	(tm) =	ssettm $0x1  }
0x9: {  	s19 =	sld [smem:$0x3FFB];
	_ =	sdelay $0x3  }
0xa: {  	_ =	strace s19  }
0xb: {  	s3 =	sld [smem:$0x3FFC];
	_ =	sdelay $0x3  }
0xc: {  	_ =	strace s3  }
0xd: {  	s3 =	sld [smem:$0x3FFD];
	_ =	sdelay $0x3  }
0xe: {  	_ =	strace s3  }
0xf: {  	_ =	strace $0x8FFFFFFF  }
0x10: {  	s20 =	sld [smem:$0x3FDB];
	_ =	sdelay $0x1  }
0x11: {  	s4 =	simm.s32 $_scs_section_size  }
0x12: {  	s5 =	simm.s32 $_size__tile_overlayer_lowered;
	s6 =	simm.s32 $_tile_overlayer_lowered  }
0x13: {  	s23 =	simm.s32 $0x1BFF;
	s22 =	sshll.u32 s6, $0x1;
	s3 =	sadd.s32 s4, s20  }
0x14: {  	s7 =	simm.s32 $0x0;
	s21 =	sshll.u32 s5, $0x1;
	s5 =	sadd.s32 s22, s3  }
0x15: {  	[timem:s7], [sflag:s23] =	dma.local [hbm:s5], s21  }
0x16: {  	_ =	swait.ge [sflag:s23], s21  }
0x17: {  	s4 =	ssub.s32 $0x0, s21;
	[sflag:s23] =	ssyncset.done $0x0  }
0x18: {  	[sflag:s23] =	ssyncadd.s32 s4;
	_ =	sdelay $0x1  }
0x19: {  	s24 =	simm.s32 $0x1B8B  }
0x1a: {  	_ =	swait.ge [sflag:s24], $0x1  }
0x1b: {  	[sflag:s24] =	ssyncset.done $0x0  }
0x1c: {  	s26 =	simm.s32 $0x1B8E;
	s25 =	sld [smem:$0x3FFE];
	[sflag:s24] =	ssyncadd.s32 $0xFFFFFFFF  }
0x1d: {  	s27 =	simm.s32 $execute0_lowered;
	[smem:$0x3FD2] =	sst s26  }
0x1e: {  	s5 =	sshll.u32 s27, $0x1;
	_ =	strace $0x80000049;
	[dreg:$0x1] =	wrdreg $0xFFFFFFFF  }
0x1f: {  	s28 =	simm.s32 $_size_execute0_lowered;
	s3 =	sadd.s32 s3, s5;
	[dreg:$0x0] =	wrdreg $0x0  }
0x20: {  	s5 =	sshll.u32 s28, $0x1;
	[dreg:$0x2] =	wrdreg s3  }
0x21: {  	[dreg:$0x3] =	wrdreg s5  }
0x22: {  	[dreg:$0x4] =	wrdreg $0xC0  }
0x23: {  	_ =	task [dreg:s7], $0x5FFFF  }
0x24: {  	[dreg:$0x1] =	wrdreg $0xFFFFFFFF  }
0x25: {  	[dreg:$0x0] =	wrdreg $0x60  }
0x26: {  	[dreg:$0x2] =	wrdreg s25  }
0x27: {  	[dreg:$0x3] =	wrdreg s2  }
0x28: {  	[dreg:$0x4] =	wrdreg $0x9  }
0x29: {  	_ =	task.clear_ibuf [dreg:s7], $0x5FFFF;
	_ =	strace $0x90000049  }
0x2a: {  	s29 =	simm.s32 $0x9;
	_ =	strace $0x8000004B  }
0x2b: {  	_ =	swait.ge [sflag:s29], $0x1  }
0x2c: {  	[sflag:s29] =	ssyncadd.s32 $0xFFFFFFFF  }
0x2d: {  	_ =	strace $0x9000004B  }
0x2e: {  	_ =	sfence  }
0x2f: {  	s30 =	sld [smem:$0x0];
	_ =	sdelay $0x2  }
0x30: {  	s31 =	sshll.u32 s1, $0xD;
	s1 =	sshrl.u32 s1, $0x2  }
0x31: {  	s3 =	sand.u32 $0x4000, s31;
	s1 =	sadd.s32 s1, s30  }
0x32: {  	s0 =	sor.u32 s3, s0;
	s1 =	sshll.u32 s1, $0x11  }
0x33: {  	s0 =	sor.u32 s1, s0  }
0x34: {  	s0 =	sadd.s32 $0x8F2B, s0  }
0x35: {  	[sflag:s0] =	ssyncadd.remote.s32 $0x1  }
0x36: {  	_ =	sfence.sel $0xFFFF  }
0x37: {  	[dreg:$0x0] =	wrdreg $0xFFFFFFFF;
	(pc) =	sbr.abs _section_cstart, $3  }
0x38: {  	[dreg:$0x1] =	wrdreg $0xFFFFFFFF  }
0x39: {  	_ =	task.clear_ibuf [dreg:s7], $0x2FFFF;
	_ =	strace $0x9FFFFFFF  }
0x3a: {  	(tm) =	ssettm $0x7FFFFFFF  }
0x3b: {  	_ =	shalt  }
tec
execute0_lowered:
.L_overlay_start_1:
0x0: {  	(tag) =	ssettag $0x1  }
0x1: {  	s0 =	stileid.u32  }
0x2: {  	s1 =	srdreg.scid;
	s7 =	rddreg [dreg:$0x0];
	s31 =	simm.s32 $0x2  }
0x3: {  	s16 =	simm.s32 $0x0;
	p0 =	por $0x0, $0x0;
	s9 =	simm.s32 $0x800  }
0x4: {  	s15 =	simm.s32 $0x0;
	s10 =	simm.s32 $0x0;
	s11 =	simm.s32 $0x0  }
0x5: {  	s2 =	sshll.u32 s0, $0x7;
	s3 =	sshll.u32 s0, $0x6;
	s4 =	sshll.u32 s1, $0xA  }
0x6: {  	s14 =	simm.s32 $0x0;
	s1 =	sand.u32 $0x80, s2;
	s29 =	sor.u32 s3, s4  }
0x7: {  	s4 =	rddreg [dreg:$0x1];
	s3 =	sand.u32 $0x780, s29;
	s30 =	ssub.s32 $0x100, s1  }
0x8: {  	s5 =	sshrl.u32 s30, $0x7;
	s6 =	ssub.s32 $0x1D600, s3;
	s8 =	sshrl.u32 s30, $0x8  }
.Ltmp0:
0x9: {  	s5 =	sand.u32 $0x1, s5;
	s6 =	sshrl.u32 s6, $0xB;
	(pc) =	sbr.rel .LBB1_1-.Ltmp0, $4  }
0xa: {  	s2 =	rddreg [dreg:$0x2];
	s8 =	sadd.s32 s8, s5;
	s6 =	sadd.s32 $0x1, s6  }
0xb: {  	_ =	strace $0x8000004A;
	s5 =	simm.s32 $0x1;
	s6 =	smul.u32 s8, s6  }
0xc: {  	s7 =	sadd.s32 $0x4400, s7;
	s13 =	smov.u32 s1;
	[sflag:s5] =	ssyncpa.u1 $0x0  }
0xd: {  	s12 =	smov.u32 s3;
	[sflag:s31] =	ssyncpa.u1 $0x0;
	s8 =	sadd.s32 $0x1, s6  }
.LBB1_4:
0xe: {  	s21 =	sshra.s32 s21, $0x2;
	s22 =	sshll.u32 s10, $0x8  }
0xf: {  	s23 =	sshll.u32 s11, $0x3;
	s24 =	sshll.u32 s10, $0x7;
	s27 =	sand.u32 $0x78, s11  }
0x10: {  	p1 =	sgt.s32 s10, $0x1D5E8;
	s22 =	sand.u32 $0xFFFFF800, s22;
	s23 =	sand.u32 $0xFFFFFC00, s23  }
0x11: {  	s20 =	sadd.s32 s21, s20;
	s26 =	sand.u32 $0x300, s24;
	s28 =	sand.u32 $0x80, s24  }
0x12: {  	v5 =	vld [tilespmem:s18+$0xFFFFFFD0];
	[tilespmem:s19+$0x2040 ss:$0x81] =	vst.msk $0xffff, v4;
	s25 =	sadd.s32 s23, s22;
	s22 =	sor.u32 s27, s28;
	s23 =	smov.u32 s10  }
0x13: {  	v58 =	vld [tilespmem:s18+$0xFFFFFFE0];
	[tilespmem:s19+$0x2850 ss:$0x81] =	vst.msk $0xffff, v3;
	s21 =	sor.u32 s26, s25;
	s23 =	simm.s32 @!p1 $0x1D5E8;
	s25 =	sshra.s32 s10, $0x1F  }
0x14: {  	v59 =	vld [tilespmem:s18+$0xFFFFFFF0];
	[tilespmem:s19+$0x3060 ss:$0x81] =	vst.msk $0xffff, v2;
	p1 =	sgt.s32 s11, $0x80;
	s26 =	sshra.s32 s11, $0x1F;
	s21 =	sshrl.u32 s21, $0x8  }
0x15: {  	v60 =	vld [tilespmem:s18+$0x0];
	[tilespmem:s19+$0x0 ss:$0x81] =	vst.msk $0xffff, v1;
	s30 =	sand.u32 s25, s10;
	s25 =	smov.u32 s11;
	s31 =	sand.u32 s26, s11  }
0x16: {  	v61 =	vld [tilespmem:s18+$0x10];
	[tilespmem:s20+$0x3870 ss:$0x81] =	vst.msk $0xffff, v0;
	s29 =	smulhi.u32 $0x116A2C1, s21;
	s19 =	ssub.s32 s23, s30;
	s25 =	simm.s32 @!p1 $0x80  }
0x17: {  	v62 =	vld [tilespmem:s18+$0x20];
	[tilespmem:s20+$0x810 ss:$0x81] =	vst.msk $0xffff, v5;
	s23 =	ssub.s32 s25, s31;
	s26 =	sadd.s32 $0xFFFE2A18, s19;
	s19 =	ssub.s32 $0x1D668, s19  }
0x18: {  	v63 =	vld [tilespmem:s18+$0xFFFFFFC0];
	[tilespmem:s20+$0x1020 ss:$0x81] =	vst.msk $0xffff, v58;
	s24 =	sshrl.u32 s29, $0x9;
	p1 =	sgt.s32 s26, $0x7F;
	s28 =	sadd.s32 $0xFFFFFF80, s23  }
0x19: {  	[tilespmem:s20+$0x1830 ss:$0x81] =	vst.msk $0xffff, v59;
	s23 =	ssub.s32 $0x100, s23;
	s27 =	smul.u32 $0x1D668, s24;
	p2 =	sgt.s32 s28, $0x7F  }
0x1a: {  	[tilespmem:s20+$0x2040 ss:$0x81] =	vst.msk $0xffff, v60;
	s30 =	sand.u32 $0x7, s11;
	s19 =	simm.s32 @p1 $0x0;
	s23 =	simm.s32 @p2 $0x0  }
0x1b: {  	[tilespmem:s20+$0x2850 ss:$0x81] =	vst.msk $0xffff, v61;
	s29 =	sshrl.u32 s22, $0x3;
	s18 =	ssub.s32 s21, s27;
	s19 =	smul.u32 s23, s19  }
0x1c: {  	[tilespmem:s20+$0x3060 ss:$0x81] =	vst.msk $0xffff, v62;
	s22 =	sshll.u32 s30, $0x12;
	s21 =	sadd.s32 s4, s29;
	s18 =	sshll.u32 s18, $0x5  }
0x1d: {  	[tilespmem:s20+$0x0 ss:$0x81] =	vst.msk $0xffff, v63;
	s31 =	sor.u32 $0x400, s22;
	s19 =	sand.u32 $0x3FFFFFFF, s19;
	s18 =	sadd.s32 s18, s21  }
0x1e: {  	[hbm4b:s18+s31] =	stream.strided.scatter [tilespmem:s17], [sflag:$0x2], s19, s9, s31, $0x20;
	[tilespmem:$0x10100] =	vst v63  }
.LBB1_5:
0x1f: {  	p1 =	slt.u32 s14, $0x2  }
0x20: {  	s18 =	smov.u32 s16;
	p2 =	sgt.s32 @!p1 s16, $0x1D5E8;
	s17 =	sshra.s32 @!p1 s16, $0x1F  }
0x21: {  	p3 =	sgt.s32 @!p1 s15, $0x80;
	s19 =	sshra.s32 @!p1 s15, $0x1F;
	p2 =	por !p2, p1  }
0x22: {  	s16 =	sand.u32 @!p1 s17, s16;
	p3 =	por !p3, p1;
	s17 =	smov.u32 s15  }
0x23: {  	s15 =	sand.u32 @!p1 s19, s15;
	s18 =	simm.s32 @p2 $0x1D5E8;
	s17 =	simm.s32 @p3 $0x80  }
0x24: {  	s16 =	ssub.s32 @!p1 s18, s16;
	s15 =	ssub.s32 @!p1 s17, s15  }
0x25: {  	s19 =	smov.u32 s13;
	s17 =	sadd.s32 @!p1 $0xFFFE2A18, s16;
	s18 =	sadd.s32 @!p1 $0xFFFFFF80, s15  }
0x26: {  	s16 =	ssub.s32 @!p1 $0x1D668, s16;
	p2 =	sgt.s32 @!p1 s17, $0x7F;
	p3 =	sgt.s32 @!p1 s18, $0x7F  }
0x27: {  	s15 =	ssub.s32 @!p1 $0x100, s15;
	p2 =	por !p2, p1;
	p3 =	por !p3, p1  }
0x28: {  	s17 =	sadd.s32 $0x800, s12;
	s16 =	simm.s32 @!p2 $0x0;
	s15 =	simm.s32 @!p3 $0x0  }
0x29: {  	p2 =	sgt.s32 s17, $0x1D666;
	s15 =	smul.u32 @!p1 s15, s16;
	s16 =	sadd.s32 $0x100, s13  }
0x2a: {  	s19 =	smov.u32 @p2 s16  }
0x2b: {  	s17 =	smov.u32 @p2 s3;
	p2 =	sgt.s32 s19, $0xFF  }
0x2c: {  	s19 =	smov.u32 @p2 s1;
	p2 =	sne.s32 s14, s8  }
.Ltmp1:
0x2d: {  	p0 =	por !p0, !p0;
	s18 =	simm.s32 @!p1 $0x2;
	(pc) =	sbr.rel @!p2 .LBB1_6-.Ltmp1, $4  }
0x2e: {  	s16 =	smov.u32 s10;
	s10 =	smov.u32 s12;
	s15 =	sand.u32 @!p1 $0x3FFFFFFF, s15  }
0x2f: {  	s12 =	smov.u32 s17;
	_ =	swait.ge @!p1 [sflag:s18], s15;
	s20 =	ssub.s32 @!p1 $0x0, s15  }
0x30: {  	s15 =	smov.u32 s11;
	s14 =	sadd.s32 $0x1, s14;
	[sflag:s18] =	ssyncset.done @!p1 $0x0  }
0x31: {  	s11 =	smov.u32 s13;
	s13 =	smov.u32 s19;
	[sflag:s18] =	ssyncadd.s32 @!p1 s20  }
.LBB1_1:
0x32: {  	p1 =	sge.u32 s14, s6  }
0x33: {  	s17 =	sshrl.u32 @!p1 s13, $0x3  }
0x34: {  	s18 =	sshll.u32 @!p1 s12, $0x3;
	s17 =	smul.u32 @!p1 $0xEB400, s17  }
0x35: {  	s19 =	sshll.u32 @!p1 s13, $0x7;
	s18 =	sand.u32 @!p1 $0xFFFFFC00, s18  }
0x36: {  	s17 =	sadd.s32 @!p1 s17, s18;
	s18 =	sand.u32 @!p1 $0x380, s19  }
0x37: {  	s19 =	sand.u32 @!p1 $0x7F, s12;
	s17 =	sor.u32 @!p1 s18, s17  }
0x38: {  	s18 =	sor.u32 @!p1 s19, s17  }
0x39: {  	s19 =	smulhi.u32 @!p1 $0x45A5228D, s18;
	_ =	sdelay $0x1  }
0x3a: {  	s17 =	smulhi.u32 @!p1 $0x45A5228D, s17;
	s19 =	sshrl.u32 @!p1 s19, $0xF  }
0x3b: {  	s19 =	smul.u32 @!p1 $0x1D680, s19  }
0x3c: {  	s31 =	sadd.s32 $0xFFFFFFFF, s14;
	s20 =	sxor.u32 @!p1 $0xFFFFFFFF, s14;
	s17 =	sshrl.u32 @!p1 s17, $0xF  }
0x3d: {  	s20 =	sshll.u32 @!p1 s20, $0xE;
	s17 =	sand.u32 @!p1 $0xFF, s17;
	s18 =	ssub.s32 @!p1 s18, s19  }
0x3e: {  	s17 =	smul.u32 @!p1 $0x3AD0, s17;
	s19 =	sshrl.u32 @!p1 s18, $0x3;
	s18 =	sand.u32 @!p1 $0x7, s18  }
0x3f: {  	s20 =	sand.u32 @!p1 $0x4000, s20;
	s19 =	sadd.s32 @!p1 s7, s19;
	s18 =	sshll.u32 @!p1 s18, $0x12  }
0x40: {  	s17 =	sadd.s32 @!p1 s17, s19;
	s18 =	sor.u32 @!p1 $0x400, s18;
	s19 =	simm.s32 @!p1 $0xEB400  }
0x41: {  	[tilespmem:s20], [sflag:$0x1] =	stream.strided.gather @!p1 [hbm4b:s17+s18], $0x4000, s19, s18, $0x38;
	[tilespmem:$0x10100] =	vst v63  }
0x42: {  	p1 =	sge.u32 s31, s6  }
.Ltmp2:
0x43: {  	_ = 	snop;
	(pc) =	sbr.rel @p1 .LBB1_5-.Ltmp2, $1  }
0x44: {  	_ =	sdelay $0x3  }
0x45: {  	s17 =	simm.s32 $0x1  }
0x46: {  	_ =	swait.ge [sflag:s5], $0x4000;
	s17 =	simm.s32 @!p0 $0x0  }
0x47: {  	[sflag:s5] =	ssyncset.done $0x0;
	s18 =	sshll.u32 s17, $0xE  }
0x48: {  	[sflag:s5] =	ssyncadd.s32 $0xFFFFC000;
	s18 =	sor.u32 $0x40, s18  }
0x49: {  	s17 =	smul.u32 $0x10200, s17;
	v0 =	vld [tilespmem:s18+$0x30]  }
0x4a: {  	v1 =	vld [tilespmem:s18+$0xFFFFFFD0]  }
0x4b: {  	s17 =	sshrl.u32 s17, $0x2;
	v5 =	vld [tilespmem:s18+$0xFFFFFFE0]  }
0x4c: {  	v6 =	vld [tilespmem:s18+$0xFFFFFFF0];
	s20 =	sor.u32 $0x8000, s17  }
0x4d: {  	s31 =	sand.u32 $0x1, s14;
	v4 =	vld [tilespmem:s18+$0x0];
	s19 =	sadd.s32 $0x0, s20  }
0x4e: {  	v3 =	vld [tilespmem:s18+$0x10];
	s17 =	smul.u32 $0x10200, s31;
	[tilespmem:s19+$0x3870 ss:$0x81] =	vst.msk $0xffff, v0  }
0x4f: {  	v2 =	vld [tilespmem:s18+$0x20];
	[tilespmem:s19+$0x810 ss:$0x81] =	vst.msk $0xffff, v1  }
0x50: {  	s17 =	sshrl.u32 s17, $0x2;
	v1 =	vld [tilespmem:s18+$0xFFFFFFC0];
	[tilespmem:s19+$0x1020 ss:$0x81] =	vst.msk $0xffff, v5;
	s18 =	sadd.s32 $0x80, s18  }
0x51: {  	s21 =	simm.s32 $0x4;
	s22 =	simm.s32 $0x8;
	s17 =	sor.u32 $0x8000, s17;
	[tilespmem:s19+$0x1830 ss:$0x81] =	vst.msk $0xffff, v6;
	v0 =	vld [tilespmem:s18+$0x30]  }
.LBB1_3:
0x52: {  	p1 =	sne.s32 s22, $0x1FC;
	v5 =	vld [tilespmem:s18+$0xFFFFFFD0];
	[tilespmem:s19+$0x2040 ss:$0x81] =	vst.msk $0xffff, v4  }
0x53: {  	v6 =	vld [tilespmem:s18+$0xFFFFFFE0];
	[tilespmem:s19+$0x2850 ss:$0x81] =	vst.msk $0xffff, v3  }
0x54: {  	s23 =	sshra.s32 s21, $0x2;
	s21 =	smov.u32 s22;
	v7 =	vld [tilespmem:s18+$0xFFFFFFF0];
	[tilespmem:s19+$0x3060 ss:$0x81] =	vst.msk $0xffff, v2  }
.Ltmp3:
0x55: {  	v4 =	vld [tilespmem:s18+$0x0];
	[tilespmem:s19+$0x0 ss:$0x81] =	vst.msk $0xffff, v1;
	s19 =	sadd.s32 s23, s20;
	(pc) =	sbr.rel @p1 .LBB1_3-.Ltmp3, $4  }
0x56: {  	v3 =	vld [tilespmem:s18+$0x10];
	[tilespmem:s19+$0x3870 ss:$0x81] =	vst.msk $0xffff, v0  }
0x57: {  	[tilespmem:s19+$0x810 ss:$0x81] =	vst.msk $0xffff, v5;
	v2 =	vld [tilespmem:s18+$0x20]  }
0x58: {  	v1 =	vld [tilespmem:s18+$0xFFFFFFC0];
	[tilespmem:s19+$0x1020 ss:$0x81] =	vst.msk $0xffff, v6;
	s18 =	sadd.s32 $0x80, s18  }
0x59: {  	s22 =	sadd.s32 $0x4, s22;
	v0 =	vld [tilespmem:s18+$0x30];
	[tilespmem:s19+$0x1830 ss:$0x81] =	vst.msk $0xffff, v7  }
.Ltmp4:
0x5a: {  	_ = 	snop;
	(pc) =	sbr.rel .LBB1_4-.Ltmp4, $1  }
0x5b: {  	_ =	sdelay $0x3  }
.LBB1_6:
0x5c: {  	_ =	sfence.sel $0x180000  }
0x5d: {  	s1 =	simm.s32 $0x1;
	[bflag:$0x0] =	sbarrier.arrive $0xFFFF  }
0x5e: {  	s31 =	simm.s32 $0x2;
	[sflag:s1] =	ssyncpa.u1 $0x1  }
0x5f: {  	[sflag:s31] =	ssyncpa.u1 $0x1  }
0x60: {  	p0 =	sne.s32 s0, $0x0;
	_ =	strace $0x9000004A  }
0x61: {  	s0 =	sadd.s32 @!p0 $0x100000, s2;
	[bflag:$0x2] =	sbarrier.arrive $0xFFFF  }
0x62: {  	[sflag:s0] =	ssyncadd.tile.s32 @!p0 $0x1;
	_ =	shalt  }
.Lfunc_end1:
_tile_overlayer_lowered:
.L_overlay_start_2:
0x63: {  	(tag) =	ssettag $0x2  }
0x64: {  	s0 =	rddreg [dreg:$0x0];
	s2 =	stileid.u32  }
0x65: {  	s1 =	rddreg [dreg:$0x1];
	p0 =	sne.s32 s2, $0x0  }
0x66: {  	s3 =	rddreg [dreg:$0x2];
	[bflag:$0x3] =	sbarrier.arrive $0xFFFF;
	s2 =	simm.s32 @!p0 $0x1C01  }
0x67: {  	[timem:s3], [sflag:s2] =	dma.local @!p0 [hbm:s0], s1  }
0x68: {  	s0 =	simm.s32 @!p0 $0x1  }
0x69: {  	_ =	swait.ge @!p0 [sflag:s0], s1  }
0x6a: {  	s1 =	ssub.s32 @!p0 $0x0, s1;
	[sflag:s0] =	ssyncset.done @!p0 $0x0  }
0x6b: {  	[sflag:s0] =	ssyncadd.s32 @!p0 s1  }
0x6c: {  	[bflag:$0x3] =	sbarrier.arrive $0xFFFF  }
0x6d: {  	_ =	shalt  }

</sc_bundles>
